<compile_context>
chip_gen: v7x
topology: tpu7x:2x2x1
jax: 0.10.2.dev20260603
libtpu: 0.0.44.dev20260713+nightly
codegen_flags: <defaults>
</compile_context>

<pallas_src>
import functools

import jax
import jax.numpy as jnp
from jax import lax
from jax.experimental import pallas as pl
from jax.experimental.pallas import tpu as pltpu
from jax.experimental.pallas import tpu_sc as plsc

B = 16
L = 2048
V = 6561
VP = 6656
D = 768

NC = 2
NS = 16
DBLK = 128
N_BLK = D // DBLK // NC
DC = DBLK // NS
VB = VP // 128
DB = D // DC
LB = L // DBLK


BR = 3328
JB = BR // DBLK


def _t4_body(cb_ref, out_ref):
    for j in range(JB):
        x = cb_ref[pl.ds(j * DBLK, DBLK), :]
        out_ref[:, j] = x.T.reshape(DB, DC, DBLK)


LH = L // 2
QH = LH // DBLK


def _gather_body(codes_hbm, t4_hbm, out_hbm, colbuf, codes_v, outbuf,
                 osem, csem, ssem):
    c = lax.axis_index("c")
    s = lax.axis_index("s")

    splats = [jnp.full((16,), r, jnp.int32) for r in range(DC)]

    def db_of(blk):
        return (c * N_BLK + blk) * NS + s

    def fetch_slice(blk):
        return pltpu.async_copy(
            t4_hbm.at[db_of(blk)], colbuf.at[blk % 2], ssem)

    pltpu.async_copy(codes_hbm.at[0], codes_v.at[0], csem)
    stage_pending = {0: fetch_slice(0)}
    for blk in range(N_BLK):
        cslot = blk % 2
        stage_pending.pop(cslot).wait()
        if blk + 1 < N_BLK:
            stage_pending[(blk + 1) % 2] = fetch_slice(blk + 1)
        cref = colbuf.at[cslot]
        db = db_of(blk)

        def b_body(b, _, blk=blk, cref=cref, db=db):
            slot = lax.bitwise_and(b, 1)
            pltpu.make_async_copy(
                codes_hbm.at[b], codes_v.at[slot], csem).wait()
            last = (blk == N_BLK - 1)

            @pl.when((b < B - 1) if last else (b < B))
            def _():
                pltpu.async_copy(codes_hbm.at[lax.bitwise_and(b + 1, B - 1)],
                                 codes_v.at[1 - slot], csem)

            for h in range(2):
                def wait_out():
                    pltpu.make_async_copy(
                        outbuf.at[h],
                        out_hbm.at[b, db, pl.ds(h * QH, QH)], osem).wait()

                if blk == 0:
                    pl.when(b > 0)(wait_out)
                else:
                    wait_out()

                @plsc.parallel_loop(0, LH, step=16, unroll=4)
                def _l_body(i):
                    idx = codes_v[slot, pl.ds(h * LH + i, 16)]
                    vb = lax.shift_right_logical(idx, 7)
                    vl = lax.bitwise_and(idx, 127)
                    q = lax.shift_right_logical(i, 7)
                    m = lax.bitwise_and(i, 127)
                    for r in range(DC):
                        outbuf[h, q, r, pl.ds(m, 16)] = plsc.load_gather(
                            cref, [vb, splats[r], vl])

                pltpu.async_copy(
                    outbuf.at[h],
                    out_hbm.at[b, db, pl.ds(h * QH, QH)], osem)
            return 0

        lax.fori_loop(0, B, b_body, 0)

    for h in range(2):
        pltpu.make_async_copy(
            outbuf.at[h],
            out_hbm.at[B - 1, db_of(N_BLK - 1), pl.ds(h * QH, QH)],
            osem).wait()


@jax.jit
def _features(codes, codebook):
    t4 = pl.pallas_call(
        _t4_body,
        grid=(VB // JB,),
        in_specs=[pl.BlockSpec((BR, D), lambda i: (i, 0))],
        out_specs=pl.BlockSpec((DB, JB, DC, DBLK), lambda i: (0, i, 0, 0)),
        out_shape=jax.ShapeDtypeStruct((DB, VB, DC, DBLK), jnp.float32),
    )(codebook)

    mesh = plsc.VectorSubcoreMesh(core_axis_name="c", subcore_axis_name="s")
    f = functools.partial(
        pl.kernel,
        out_type=jax.ShapeDtypeStruct((B, DB, LB, DC, DBLK), jnp.float32),
        mesh=mesh,
        scratch_types=[
            pltpu.VMEM((2, VB, DC, DBLK), jnp.float32),
            pltpu.VMEM((2, L), jnp.int32),
            pltpu.VMEM((2, QH, DC, DBLK), jnp.float32),
            pltpu.SemaphoreType.DMA,
            pltpu.SemaphoreType.DMA,
            pltpu.SemaphoreType.DMA,
        ],
        compiler_params=pltpu.CompilerParams(
            use_tc_tiling_on_sc=False, needs_layout_passes=False),
    )(_gather_body)
    out5 = f(codes, t4)
    return out5.transpose(0, 1, 3, 2, 4).reshape(B, D, L)


def kernel(codes, codebook):
    return _features(codes.astype(jnp.int32), codebook)

# --- scband reference (transcript-rebuilt; emitter-appended) ---
"""Pipeline reference for scband-cosyvoice-features-38611755991454 (READ-ONLY COPY).

The authoritative reference and input builder live on the scoring server;
editing this copy changes nothing except your own understanding.
"""

import jax, jax.numpy as jnp
import numpy as np


def setup_inputs(seed: int = 0) -> dict:
    key = jax.random.key(seed)
    k1, k2 = jax.random.split(key)
    codes = jax.random.randint(k1, (16, 2048), 0, 6561, dtype=jnp.int64 if jax.config.jax_enable_x64 else jnp.int32)
    codebook = jax.random.normal(k2, (6561, 768), dtype=jnp.float32)
    return {"codes": codes, "codebook": codebook}


def reference(codes, codebook):
    # CosyvoiceFeatures.forward: codes -> F.embedding(codes, codebook.weight) -> transpose(1, 2)
    # (The ONNX speech tokenizer that produces `codes` is an external black box;
    # the differentiable/computable core is the embedding lookup + transpose.)
    features = jnp.take(codebook, codes, axis=0)   # (B, L, 768)
    return jnp.transpose(features, (0, 2, 1))       # (B, 768, L)

if __name__ == "__main__":
    import jax
    _d = setup_inputs()
    print(jax.jit(kernel)(*tuple(_d.values())))

</pallas_src>

<mosaic_0001>
#map = affine_map<(d0, d1) -> (0, 0)>
#map1 = affine_map<(d0, d1) -> (0, 0, 0, 0)>
#map2 = affine_map<(d0, d1) -> (0, 0, 0, 0, 0)>
module attributes {stable_mosaic.version = 14 : i64} {
  func.func @_gather_body(%arg0: i32, %arg1: i32, %arg2: memref<16x2048xi32, #tpu.memory_space<hbm>>, %arg3: memref<96x52x8x128xf32, #tpu.memory_space<hbm>>, %arg4: memref<16x96x16x8x128xf32, #tpu.memory_space<hbm>>, %arg5: memref<2x52x8x128xf32, #tpu.memory_space<vmem>>, %arg6: memref<2x2048xi32, #tpu.memory_space<vmem>>, %arg7: memref<2x8x8x128xf32, #tpu.memory_space<vmem>>, %arg8: memref<!tpu.dma_semaphore, #tpu.memory_space<semaphore_mem>>, %arg9: memref<!tpu.dma_semaphore, #tpu.memory_space<semaphore_mem>>, %arg10: memref<!tpu.dma_semaphore, #tpu.memory_space<semaphore_mem>>) attributes {dimension_semantics = [#tpu.dimension_semantics<core_parallel>, #tpu.dimension_semantics<subcore_parallel>], iteration_bounds = array<i64: 2, 16>, scalar_prefetch = 0 : i64, scratch_operands = 6 : i64, tpu.core_type = #tpu.core_type<sc_vector_subcore>, window_params = [{transform_indices = #map}, {transform_indices = #map1}, {transform_indices = #map2}]} {
    %broadcast_in_dim3A = arith.constant 0 : i32
    %broadcast_in_dim3A_0 = vector.broadcast %broadcast_in_dim3A : i32 to vector<16xi32>
    %broadcast_in_dim3A_1 = arith.constant 1 : i32
    %broadcast_in_dim3A_2 = vector.broadcast %broadcast_in_dim3A_1 : i32 to vector<16xi32>
    %broadcast_in_dim3A_3 = arith.constant 2 : i32
    %broadcast_in_dim3A_4 = vector.broadcast %broadcast_in_dim3A_3 : i32 to vector<16xi32>
    %broadcast_in_dim3A_5 = arith.constant 3 : i32
    %broadcast_in_dim3A_6 = vector.broadcast %broadcast_in_dim3A_5 : i32 to vector<16xi32>
    %broadcast_in_dim3A_7 = arith.constant 4 : i32
    %broadcast_in_dim3A_8 = vector.broadcast %broadcast_in_dim3A_7 : i32 to vector<16xi32>
    %broadcast_in_dim3A_9 = arith.constant 5 : i32
    %broadcast_in_dim3A_10 = vector.broadcast %broadcast_in_dim3A_9 : i32 to vector<16xi32>
    %broadcast_in_dim3A_11 = arith.constant 6 : i32
    %broadcast_in_dim3A_12 = vector.broadcast %broadcast_in_dim3A_11 : i32 to vector<16xi32>
    %broadcast_in_dim3A_13 = arith.constant 7 : i32
    %broadcast_in_dim3A_14 = vector.broadcast %broadcast_in_dim3A_13 : i32 to vector<16xi32>
    %dma_start3A = arith.constant 0 : i32
    %dma_start3A_15 = arith.constant 0 : i32
    %dma_start3A_16 = arith.constant 0 : i32
    %dma_start3A_17 = tpu.memref_slice %arg6[%dma_start3A_15, %dma_start3A_16] : memref<2x2048xi32, #tpu.memory_space<vmem>> -> memref<1x2048xi32, #tpu.memory_space<vmem>>
    %dma_start3A_18 = tpu.memref_squeeze %dma_start3A_17 : memref<1x2048xi32, #tpu.memory_space<vmem>> -> memref<2048xi32, #tpu.memory_space<vmem>>
    %dma_start3A_19 = arith.constant 0 : i32
    %dma_start3A_20 = tpu.memref_slice %arg2[%dma_start3A, %dma_start3A_19] : memref<16x2048xi32, #tpu.memory_space<hbm>> -> memref<1x2048xi32, #tpu.memory_space<hbm>>
    %dma_start3A_21 = tpu.memref_squeeze %dma_start3A_20 : memref<1x2048xi32, #tpu.memory_space<hbm>> -> memref<2048xi32, #tpu.memory_space<hbm>>
    %dma_start3A_22 = arith.constant 0 : i32
    %dma_start3A_23 = tpu.memref_slice %arg6[%dma_start3A_15, %dma_start3A_22] : memref<2x2048xi32, #tpu.memory_space<vmem>> -> memref<1x2048xi32, #tpu.memory_space<vmem>>
    %dma_start3A_24 = tpu.memref_squeeze %dma_start3A_23 : memref<1x2048xi32, #tpu.memory_space<vmem>> -> memref<2048xi32, #tpu.memory_space<vmem>>
    %dma_start3A_25 = arith.constant 0 : i32
    %dma_start3A_26 = tpu.memref_slice %arg2[%dma_start3A, %dma_start3A_25] : memref<16x2048xi32, #tpu.memory_space<hbm>> -> memref<1x2048xi32, #tpu.memory_space<hbm>>
    %dma_start3A_27 = tpu.memref_squeeze %dma_start3A_26 : memref<1x2048xi32, #tpu.memory_space<hbm>> -> memref<2048xi32, #tpu.memory_space<hbm>>
    tpu.enqueue_dma source(%dma_start3A_27 : memref<2048xi32, #tpu.memory_space<hbm>>) target(%dma_start3A_24 : memref<2048xi32, #tpu.memory_space<vmem>>) target_semaphore(%arg9 : memref<!tpu.dma_semaphore, #tpu.memory_space<semaphore_mem>>)
    %mul3A = arith.constant 3 : i32
    %mul3A_28 = arith.muli %arg0, %mul3A : i32
    %add3A = arith.constant 0 : i32
    %add3A_29 = arith.addi %mul3A_28, %add3A : i32
    %mul3A_30 = arith.constant 16 : i32
    %mul3A_31 = arith.muli %add3A_29, %mul3A_30 : i32
    %add3A_32 = arith.addi %mul3A_31, %arg1 : i32
    %dma_start3A_33 = arith.constant 0 : i32
    %dma_start3A_34 = arith.constant 0 : i32
    %dma_start3A_35 = arith.constant 0 : i32
    %dma_start3A_36 = arith.constant 0 : i32
    %dma_start3A_37 = tpu.memref_slice %arg5[%dma_start3A_33, %dma_start3A_34, %dma_start3A_35, %dma_start3A_36] : memref<2x52x8x128xf32, #tpu.memory_space<vmem>> -> memref<1x52x8x128xf32, #tpu.memory_space<vmem>>
    %dma_start3A_38 = tpu.memref_squeeze %dma_start3A_37 : memref<1x52x8x128xf32, #tpu.memory_space<vmem>> -> memref<52x8x128xf32, #tpu.memory_space<vmem>>
    %dma_start3A_39 = arith.constant 0 : i32
    %dma_start3A_40 = arith.constant 0 : i32
    %dma_start3A_41 = arith.constant 0 : i32
    %dma_start3A_42 = tpu.memref_slice %arg3[%add3A_32, %dma_start3A_39, %dma_start3A_40, %dma_start3A_41] : memref<96x52x8x128xf32, #tpu.memory_space<hbm>> -> memref<1x52x8x128xf32, #tpu.memory_space<hbm>>
    %dma_start3A_43 = tpu.memref_squeeze %dma_start3A_42 : memref<1x52x8x128xf32, #tpu.memory_space<hbm>> -> memref<52x8x128xf32, #tpu.memory_space<hbm>>
    %dma_start3A_44 = arith.constant 0 : i32
    %dma_start3A_45 = arith.constant 0 : i32
    %dma_start3A_46 = arith.constant 0 : i32
    %dma_start3A_47 = tpu.memref_slice %arg5[%dma_start3A_33, %dma_start3A_44, %dma_start3A_45, %dma_start3A_46] : memref<2x52x8x128xf32, #tpu.memory_space<vmem>> -> memref<1x52x8x128xf32, #tpu.memory_space<vmem>>
    %dma_start3A_48 = tpu.memref_squeeze %dma_start3A_47 : memref<1x52x8x128xf32, #tpu.memory_space<vmem>> -> memref<52x8x128xf32, #tpu.memory_space<vmem>>
    %dma_start3A_49 = arith.constant 0 : i32
    %dma_start3A_50 = arith.constant 0 : i32
    %dma_start3A_51 = arith.constant 0 : i32
    %dma_start3A_52 = tpu.memref_slice %arg3[%add3A_32, %dma_start3A_49, %dma_start3A_50, %dma_start3A_51] : memref<96x52x8x128xf32, #tpu.memory_space<hbm>> -> memref<1x52x8x128xf32, #tpu.memory_space<hbm>>
    %dma_start3A_53 = tpu.memref_squeeze %dma_start3A_52 : memref<1x52x8x128xf32, #tpu.memory_space<hbm>> -> memref<52x8x128xf32, #tpu.memory_space<hbm>>
    tpu.enqueue_dma source(%dma_start3A_53 : memref<52x8x128xf32, #tpu.memory_space<hbm>>) target(%dma_start3A_48 : memref<52x8x128xf32, #tpu.memory_space<vmem>>) target_semaphore(%arg10 : memref<!tpu.dma_semaphore, #tpu.memory_space<semaphore_mem>>)
    %dma_wait3A = arith.constant 0 : i32
    %dma_wait3A_54 = arith.constant 0 : i32
    %dma_wait3A_55 = arith.constant 0 : i32
    %dma_wait3A_56 = arith.constant 0 : i32
    %dma_wait3A_57 = tpu.memref_slice %arg5[%dma_wait3A, %dma_wait3A_54, %dma_wait3A_55, %dma_wait3A_56] : memref<2x52x8x128xf32, #tpu.memory_space<vmem>> -> memref<1x52x8x128xf32, #tpu.memory_space<vmem>>
    %dma_wait3A_58 = tpu.memref_squeeze %dma_wait3A_57 : memref<1x52x8x128xf32, #tpu.memory_space<vmem>> -> memref<52x8x128xf32, #tpu.memory_space<vmem>>
    %dma_wait3A_59 = arith.constant 0 : i32
    %dma_wait3A_60 = arith.constant 0 : i32
    %dma_wait3A_61 = arith.constant 0 : i32
    %dma_wait3A_62 = tpu.memref_slice %arg3[%add3A_32, %dma_wait3A_59, %dma_wait3A_60, %dma_wait3A_61] : memref<96x52x8x128xf32, #tpu.memory_space<hbm>> -> memref<1x52x8x128xf32, #tpu.memory_space<hbm>>
    %dma_wait3A_63 = tpu.memref_squeeze %dma_wait3A_62 : memref<1x52x8x128xf32, #tpu.memory_space<hbm>> -> memref<52x8x128xf32, #tpu.memory_space<hbm>>
    %dma_wait3A_64 = arith.constant 0 : i32
    %dma_wait3A_65 = arith.constant 0 : i32
    %dma_wait3A_66 = arith.constant 0 : i32
    %dma_wait3A_67 = tpu.memref_slice %arg5[%dma_wait3A, %dma_wait3A_64, %dma_wait3A_65, %dma_wait3A_66] : memref<2x52x8x128xf32, #tpu.memory_space<vmem>> -> memref<1x52x8x128xf32, #tpu.memory_space<vmem>>
    %dma_wait3A_68 = tpu.memref_squeeze %dma_wait3A_67 : memref<1x52x8x128xf32, #tpu.memory_space<vmem>> -> memref<52x8x128xf32, #tpu.memory_space<vmem>>
    %dma_wait3A_69 = arith.constant 0 : i32
    %dma_wait3A_70 = arith.constant 0 : i32
    %dma_wait3A_71 = arith.constant 0 : i32
    %dma_wait3A_72 = tpu.memref_slice %arg3[%add3A_32, %dma_wait3A_69, %dma_wait3A_70, %dma_wait3A_71] : memref<96x52x8x128xf32, #tpu.memory_space<hbm>> -> memref<1x52x8x128xf32, #tpu.memory_space<hbm>>
    %dma_wait3A_73 = tpu.memref_squeeze %dma_wait3A_72 : memref<1x52x8x128xf32, #tpu.memory_space<hbm>> -> memref<52x8x128xf32, #tpu.memory_space<hbm>>
    tpu.wait_dma2 semaphore(%arg10 : memref<!tpu.dma_semaphore, #tpu.memory_space<semaphore_mem>>) src(%dma_wait3A_73 : memref<52x8x128xf32, #tpu.memory_space<hbm>>) dst(%dma_wait3A_68 : memref<52x8x128xf32, #tpu.memory_space<vmem>>)
    %mul3A_74 = arith.constant 3 : i32
    %mul3A_75 = arith.muli %arg0, %mul3A_74 : i32
    %add3A_76 = arith.constant 1 : i32
    %add3A_77 = arith.addi %mul3A_75, %add3A_76 : i32
    %mul3A_78 = arith.constant 16 : i32
    %mul3A_79 = arith.muli %add3A_77, %mul3A_78 : i32
    %add3A_80 = arith.addi %mul3A_79, %arg1 : i32
    %dma_start3A_81 = arith.constant 1 : i32
    %dma_start3A_82 = arith.constant 0 : i32
    %dma_start3A_83 = arith.constant 0 : i32
    %dma_start3A_84 = arith.constant 0 : i32
    %dma_start3A_85 = tpu.memref_slice %arg5[%dma_start3A_81, %dma_start3A_82, %dma_start3A_83, %dma_start3A_84] : memref<2x52x8x128xf32, #tpu.memory_space<vmem>> -> memref<1x52x8x128xf32, #tpu.memory_space<vmem>>
    %dma_start3A_86 = tpu.memref_squeeze %dma_start3A_85 : memref<1x52x8x128xf32, #tpu.memory_space<vmem>> -> memref<52x8x128xf32, #tpu.memory_space<vmem>>
    %dma_start3A_87 = arith.constant 0 : i32
    %dma_start3A_88 = arith.constant 0 : i32
    %dma_start3A_89 = arith.constant 0 : i32
    %dma_start3A_90 = tpu.memref_slice %arg3[%add3A_80, %dma_start3A_87, %dma_start3A_88, %dma_start3A_89] : memref<96x52x8x128xf32, #tpu.memory_space<hbm>> -> memref<1x52x8x128xf32, #tpu.memory_space<hbm>>
    %dma_start3A_91 = tpu.memref_squeeze %dma_start3A_90 : memref<1x52x8x128xf32, #tpu.memory_space<hbm>> -> memref<52x8x128xf32, #tpu.memory_space<hbm>>
    %dma_start3A_92 = arith.constant 0 : i32
    %dma_start3A_93 = arith.constant 0 : i32
    %dma_start3A_94 = arith.constant 0 : i32
    %dma_start3A_95 = tpu.memref_slice %arg5[%dma_start3A_81, %dma_start3A_92, %dma_start3A_93, %dma_start3A_94] : memref<2x52x8x128xf32, #tpu.memory_space<vmem>> -> memref<1x52x8x128xf32, #tpu.memory_space<vmem>>
    %dma_start3A_96 = tpu.memref_squeeze %dma_start3A_95 : memref<1x52x8x128xf32, #tpu.memory_space<vmem>> -> memref<52x8x128xf32, #tpu.memory_space<vmem>>
    %dma_start3A_97 = arith.constant 0 : i32
    %dma_start3A_98 = arith.constant 0 : i32
    %dma_start3A_99 = arith.constant 0 : i32
    %dma_start3A_100 = tpu.memref_slice %arg3[%add3A_80, %dma_start3A_97, %dma_start3A_98, %dma_start3A_99] : memref<96x52x8x128xf32, #tpu.memory_space<hbm>> -> memref<1x52x8x128xf32, #tpu.memory_space<hbm>>
    %dma_start3A_101 = tpu.memref_squeeze %dma_start3A_100 : memref<1x52x8x128xf32, #tpu.memory_space<hbm>> -> memref<52x8x128xf32, #tpu.memory_space<hbm>>
    tpu.enqueue_dma source(%dma_start3A_101 : memref<52x8x128xf32, #tpu.memory_space<hbm>>) target(%dma_start3A_96 : memref<52x8x128xf32, #tpu.memory_space<vmem>>) target_semaphore(%arg10 : memref<!tpu.dma_semaphore, #tpu.memory_space<semaphore_mem>>)
    %mul3A_102 = arith.constant 3 : i32
    %mul3A_103 = arith.muli %arg0, %mul3A_102 : i32
    %add3A_104 = arith.constant 0 : i32
    %add3A_105 = arith.addi %mul3A_103, %add3A_104 : i32
    %mul3A_106 = arith.constant 16 : i32
    %mul3A_107 = arith.muli %add3A_105, %mul3A_106 : i32
    %add3A_108 = arith.addi %mul3A_107, %arg1 : i32
    %scan3A = arith.constant 0 : i32
    %scan3A_109 = arith.constant 0 : i32
    %scan3A_110 = arith.constant 0 : i32
    %scan3A_111 = arith.constant 16 : i32
    %scan3A_112 = arith.addi %scan3A_110, %scan3A_111 : i32
    %scan3A_113 = arith.constant 1 : i32
    %scan3A_114 = scf.for %scan3A_274 = %scan3A_110 to %scan3A_112 step %scan3A_113 iter_args(%scan3A_275 = %scan3A_109) -> (i32)  : i32 {
      %and3A = arith.constant 1 : i32
      %and3A_276 = arith.andi %scan3A_274, %and3A : i32
      %dma_wait3A_277 = arith.constant 0 : i32
      %dma_wait3A_278 = tpu.memref_slice %arg6[%and3A_276, %dma_wait3A_277] : memref<2x2048xi32, #tpu.memory_space<vmem>> -> memref<1x2048xi32, #tpu.memory_space<vmem>>
      %dma_wait3A_279 = tpu.memref_squeeze %dma_wait3A_278 : memref<1x2048xi32, #tpu.memory_space<vmem>> -> memref<2048xi32, #tpu.memory_space<vmem>>
      %dma_wait3A_280 = arith.constant 0 : i32
      %dma_wait3A_281 = tpu.memref_slice %arg2[%scan3A_274, %dma_wait3A_280] : memref<16x2048xi32, #tpu.memory_space<hbm>> -> memref<1x2048xi32, #tpu.memory_space<hbm>>
      %dma_wait3A_282 = tpu.memref_squeeze %dma_wait3A_281 : memref<1x2048xi32, #tpu.memory_space<hbm>> -> memref<2048xi32, #tpu.memory_space<hbm>>
      %dma_wait3A_283 = arith.constant 0 : i32
      %dma_wait3A_284 = tpu.memref_slice %arg6[%and3A_276, %dma_wait3A_283] : memref<2x2048xi32, #tpu.memory_space<vmem>> -> memref<1x2048xi32, #tpu.memory_space<vmem>>
      %dma_wait3A_285 = tpu.memref_squeeze %dma_wait3A_284 : memref<1x2048xi32, #tpu.memory_space<vmem>> -> memref<2048xi32, #tpu.memory_space<vmem>>
      %dma_wait3A_286 = arith.constant 0 : i32
      %dma_wait3A_287 = tpu.memref_slice %arg2[%scan3A_274, %dma_wait3A_286] : memref<16x2048xi32, #tpu.memory_space<hbm>> -> memref<1x2048xi32, #tpu.memory_space<hbm>>
      %dma_wait3A_288 = tpu.memref_squeeze %dma_wait3A_287 : memref<1x2048xi32, #tpu.memory_space<hbm>> -> memref<2048xi32, #tpu.memory_space<hbm>>
      tpu.wait_dma2 semaphore(%arg9 : memref<!tpu.dma_semaphore, #tpu.memory_space<semaphore_mem>>) src(%dma_wait3A_288 : memref<2048xi32, #tpu.memory_space<hbm>>) dst(%dma_wait3A_285 : memref<2048xi32, #tpu.memory_space<vmem>>)
      %lt3A = arith.constant 16 : i32
      %lt3A_289 = arith.cmpi slt, %scan3A_274, %lt3A : i32
      %convert_element_type3A = arith.extui %lt3A_289 : i1 to i32
      %cond3A = arith.constant 0 : i32
      %cond3A_290 = arith.cmpi ne, %convert_element_type3A, %cond3A : i32
      scf.if %cond3A_290 {
        %add3A_348 = arith.constant 1 : i32
        %add3A_349 = arith.addi %scan3A_274, %add3A_348 : i32
        %and3A_350 = arith.constant 15 : i32
        %and3A_351 = arith.andi %add3A_349, %and3A_350 : i32
        %sub3A = arith.constant 1 : i32
        %sub3A_352 = arith.subi %sub3A, %and3A_276 : i32
        %dma_start3A_353 = arith.constant 0 : i32
        %dma_start3A_354 = tpu.memref_slice %arg6[%sub3A_352, %dma_start3A_353] : memref<2x2048xi32, #tpu.memory_space<vmem>> -> memref<1x2048xi32, #tpu.memory_space<vmem>>
        %dma_start3A_355 = tpu.memref_squeeze %dma_start3A_354 : memref<1x2048xi32, #tpu.memory_space<vmem>> -> memref<2048xi32, #tpu.memory_space<vmem>>
        %dma_start3A_356 = arith.constant 0 : i32
        %dma_start3A_357 = tpu.memref_slice %arg2[%and3A_351, %dma_start3A_356] : memref<16x2048xi32, #tpu.memory_space<hbm>> -> memref<1x2048xi32, #tpu.memory_space<hbm>>
        %dma_start3A_358 = tpu.memref_squeeze %dma_start3A_357 : memref<1x2048xi32, #tpu.memory_space<hbm>> -> memref<2048xi32, #tpu.memory_space<hbm>>
        %dma_start3A_359 = arith.constant 0 : i32
        %dma_start3A_360 = tpu.memref_slice %arg6[%sub3A_352, %dma_start3A_359] : memref<2x2048xi32, #tpu.memory_space<vmem>> -> memref<1x2048xi32, #tpu.memory_space<vmem>>
        %dma_start3A_361 = tpu.memref_squeeze %dma_start3A_360 : memref<1x2048xi32, #tpu.memory_space<vmem>> -> memref<2048xi32, #tpu.memory_space<vmem>>
        %dma_start3A_362 = arith.constant 0 : i32
        %dma_start3A_363 = tpu.memref_slice %arg2[%and3A_351, %dma_start3A_362] : memref<16x2048xi32, #tpu.memory_space<hbm>> -> memref<1x2048xi32, #tpu.memory_space<hbm>>
        %dma_start3A_364 = tpu.memref_squeeze %dma_start3A_363 : memref<1x2048xi32, #tpu.memory_space<hbm>> -> memref<2048xi32, #tpu.memory_space<hbm>>
        tpu.enqueue_dma source(%dma_start3A_364 : memref<2048xi32, #tpu.memory_space<hbm>>) target(%dma_start3A_361 : memref<2048xi32, #tpu.memory_space<vmem>>) target_semaphore(%arg9 : memref<!tpu.dma_semaphore, #tpu.memory_space<semaphore_mem>>)
      } else {
      }
      %gt3A = arith.constant 0 : i32
      %gt3A_291 = arith.cmpi sgt, %scan3A_274, %gt3A : i32
      %convert_element_type3A_292 = arith.extui %gt3A_291 : i1 to i32
      %cond3A_293 = arith.constant 0 : i32
      %cond3A_294 = arith.cmpi ne, %convert_element_type3A_292, %cond3A_293 : i32
      scf.if %cond3A_294 {
        %dma_wait3A_348 = arith.constant 0 : i32
        %dma_wait3A_349 = arith.constant 0 : i32
        %dma_wait3A_350 = arith.constant 0 : i32
        %dma_wait3A_351 = arith.constant 0 : i32
        %dma_wait3A_352 = tpu.memref_slice %arg7[%dma_wait3A_348, %dma_wait3A_349, %dma_wait3A_350, %dma_wait3A_351] : memref<2x8x8x128xf32, #tpu.memory_space<vmem>> -> memref<1x8x8x128xf32, #tpu.memory_space<vmem>>
        %dma_wait3A_353 = tpu.memref_squeeze %dma_wait3A_352 : memref<1x8x8x128xf32, #tpu.memory_space<vmem>> -> memref<8x8x128xf32, #tpu.memory_space<vmem>>
        %dma_wait3A_354 = arith.constant 0 : i32
        %dma_wait3A_355 = arith.constant 0 : i32
        %dma_wait3A_356 = arith.constant 0 : i32
        %dma_wait3A_357 = tpu.memref_slice %arg4[%scan3A_274, %add3A_108, %dma_wait3A_354, %dma_wait3A_355, %dma_wait3A_356] : memref<16x96x16x8x128xf32, #tpu.memory_space<hbm>> -> memref<1x1x8x8x128xf32, #tpu.memory_space<hbm>>
        %dma_wait3A_358 = tpu.memref_squeeze %dma_wait3A_357 : memref<1x1x8x8x128xf32, #tpu.memory_space<hbm>> -> memref<8x8x128xf32, #tpu.memory_space<hbm>>
        %dma_wait3A_359 = arith.constant 0 : i32
        %dma_wait3A_360 = arith.constant 0 : i32
        %dma_wait3A_361 = arith.constant 0 : i32
        %dma_wait3A_362 = tpu.memref_slice %arg4[%scan3A_274, %add3A_108, %dma_wait3A_359, %dma_wait3A_360, %dma_wait3A_361] : memref<16x96x16x8x128xf32, #tpu.memory_space<hbm>> -> memref<1x1x8x8x128xf32, #tpu.memory_space<hbm>>
        %dma_wait3A_363 = tpu.memref_squeeze %dma_wait3A_362 : memref<1x1x8x8x128xf32, #tpu.memory_space<hbm>> -> memref<8x8x128xf32, #tpu.memory_space<hbm>>
        %dma_wait3A_364 = arith.constant 0 : i32
        %dma_wait3A_365 = arith.constant 0 : i32
        %dma_wait3A_366 = arith.constant 0 : i32
        %dma_wait3A_367 = tpu.memref_slice %arg7[%dma_wait3A_348, %dma_wait3A_364, %dma_wait3A_365, %dma_wait3A_366] : memref<2x8x8x128xf32, #tpu.memory_space<vmem>> -> memref<1x8x8x128xf32, #tpu.memory_space<vmem>>
        %dma_wait3A_368 = tpu.memref_squeeze %dma_wait3A_367 : memref<1x8x8x128xf32, #tpu.memory_space<vmem>> -> memref<8x8x128xf32, #tpu.memory_space<vmem>>
        tpu.wait_dma2 semaphore(%arg8 : memref<!tpu.dma_semaphore, #tpu.memory_space<semaphore_mem>>) src(%dma_wait3A_368 : memref<8x8x128xf32, #tpu.memory_space<vmem>>) dst(%dma_wait3A_363 : memref<8x8x128xf32, #tpu.memory_space<hbm>>)
      } else {
      }
      %parallel_loop3A = arith.constant 0 : i32
      %parallel_loop3A_295 = arith.constant 1024 : i32
      %parallel_loop3A_296 = arith.constant 16 : i32
      scf.for %parallel_loop3A_348 = %parallel_loop3A to %parallel_loop3A_295 step %parallel_loop3A_296  : i32 {
        %parallel_loop3A_349 = arith.constant 0 : i32
        %parallel_loop3A_350 = arith.addi %parallel_loop3A_349, %parallel_loop3A_348 : i32
        %parallel_loop3A_351 = arith.index_cast %and3A_276 : i32 to index
        %parallel_loop3A_352 = arith.index_cast %parallel_loop3A_350 : i32 to index
        %parallel_loop3A_353 = tpu.vector_load %arg6[%parallel_loop3A_351, %parallel_loop3A_352] {strides = array<i32>} : memref<2x2048xi32, #tpu.memory_space<vmem>>, vector<16xi32>,
        %parallel_loop3A_354 = arith.constant 7 : i32
        %parallel_loop3A_355 = vector.broadcast %parallel_loop3A_354 : i32 to vector<16xi32>
        %parallel_loop3A_356 = arith.shrui %parallel_loop3A_353, %parallel_loop3A_355 : vector<16xi32>
        %parallel_loop3A_357 = arith.constant 127 : i32
        %parallel_loop3A_358 = vector.broadcast %parallel_loop3A_357 : i32 to vector<16xi32>
        %parallel_loop3A_359 = arith.andi %parallel_loop3A_353, %parallel_loop3A_358 : vector<16xi32>
        %parallel_loop3A_360 = arith.constant 7 : i32
        %parallel_loop3A_361 = arith.shrui %parallel_loop3A_348, %parallel_loop3A_360 : i32
        %parallel_loop3A_362 = arith.constant 127 : i32
        %parallel_loop3A_363 = arith.andi %parallel_loop3A_348, %parallel_loop3A_362 : i32
        %parallel_loop3A_364 = arith.constant 0 : i32
        %parallel_loop3A_365 = arith.constant 0 : i32
        %parallel_loop3A_366 = arith.constant 0 : i32
        %parallel_loop3A_367 = tpu.memref_slice %arg5[%scan3A, %parallel_loop3A_364, %parallel_loop3A_365, %parallel_loop3A_366] : memref<2x52x8x128xf32, #tpu.memory_space<vmem>> -> memref<1x52x8x128xf32, #tpu.memory_space<vmem>>
        %parallel_loop3A_368 = tpu.memref_squeeze %parallel_loop3A_367 : memref<1x52x8x128xf32, #tpu.memory_space<vmem>> -> memref<52x8x128xf32, #tpu.memory_space<vmem>>
        %parallel_loop3A_369 = tpu.vector_load_idx %parallel_loop3A_368[%parallel_loop3A_356, %broadcast_in_dim3A_0, %parallel_loop3A_359] : memref<52x8x128xf32, #tpu.memory_space<vmem>>[vector<16xi32>, vector<16xi32>, vector<16xi32>], vector<16xf32>,
        %parallel_loop3A_370 = arith.constant 0 : i32
        %parallel_loop3A_371 = arith.constant 0 : i32
        %parallel_loop3A_372 = arith.index_cast %parallel_loop3A_370 : i32 to index
        %parallel_loop3A_373 = arith.index_cast %parallel_loop3A_361 : i32 to index
        %parallel_loop3A_374 = arith.index_cast %parallel_loop3A_371 : i32 to index
        %parallel_loop3A_375 = arith.index_cast %parallel_loop3A_363 : i32 to index
        %parallel_loop3A_376 = tpu.vector_load %arg7[%parallel_loop3A_372, %parallel_loop3A_373, %parallel_loop3A_374, %parallel_loop3A_375] {strides = array<i32>} : memref<2x8x8x128xf32, #tpu.memory_space<vmem>>, vector<16xf32>,
        tpu.vector_store %arg7[%parallel_loop3A_372, %parallel_loop3A_373, %parallel_loop3A_374, %parallel_loop3A_375], %parallel_loop3A_369 {strides = array<i32>} : memref<2x8x8x128xf32, #tpu.memory_space<vmem>>, vector<16xf32>,
        %parallel_loop3A_377 = arith.constant 0 : i32
        %parallel_loop3A_378 = arith.constant 0 : i32
        %parallel_loop3A_379 = arith.constant 0 : i32
        %parallel_loop3A_380 = tpu.memref_slice %arg5[%scan3A, %parallel_loop3A_377, %parallel_loop3A_378, %parallel_loop3A_379] : memref<2x52x8x128xf32, #tpu.memory_space<vmem>> -> memref<1x52x8x128xf32, #tpu.memory_space<vmem>>
        %parallel_loop3A_381 = tpu.memref_squeeze %parallel_loop3A_380 : memref<1x52x8x128xf32, #tpu.memory_space<vmem>> -> memref<52x8x128xf32, #tpu.memory_space<vmem>>
        %parallel_loop3A_382 = tpu.vector_load_idx %parallel_loop3A_381[%parallel_loop3A_356, %broadcast_in_dim3A_2, %parallel_loop3A_359] : memref<52x8x128xf32, #tpu.memory_space<vmem>>[vector<16xi32>, vector<16xi32>, vector<16xi32>], vector<16xf32>,
        %parallel_loop3A_383 = arith.constant 0 : i32
        %parallel_loop3A_384 = arith.constant 1 : i32
        %parallel_loop3A_385 = arith.index_cast %parallel_loop3A_383 : i32 to index
        %parallel_loop3A_386 = arith.index_cast %parallel_loop3A_361 : i32 to index
        %parallel_loop3A_387 = arith.index_cast %parallel_loop3A_384 : i32 to index
        %parallel_loop3A_388 = arith.index_cast %parallel_loop3A_363 : i32 to index
        %parallel_loop3A_389 = tpu.vector_load %arg7[%parallel_loop3A_385, %parallel_loop3A_386, %parallel_loop3A_387, %parallel_loop3A_388] {strides = array<i32>} : memref<2x8x8x128xf32, #tpu.memory_space<vmem>>, vector<16xf32>,
        tpu.vector_store %arg7[%parallel_loop3A_385, %parallel_loop3A_386, %parallel_loop3A_387, %parallel_loop3A_388], %parallel_loop3A_382 {strides = array<i32>} : memref<2x8x8x128xf32, #tpu.memory_space<vmem>>, vector<16xf32>,
        %parallel_loop3A_390 = arith.constant 0 : i32
        %parallel_loop3A_391 = arith.constant 0 : i32
        %parallel_loop3A_392 = arith.constant 0 : i32
        %parallel_loop3A_393 = tpu.memref_slice %arg5[%scan3A, %parallel_loop3A_390, %parallel_loop3A_391, %parallel_loop3A_392] : memref<2x52x8x128xf32, #tpu.memory_space<vmem>> -> memref<1x52x8x128xf32, #tpu.memory_space<vmem>>
        %parallel_loop3A_394 = tpu.memref_squeeze %parallel_loop3A_393 : memref<1x52x8x128xf32, #tpu.memory_space<vmem>> -> memref<52x8x128xf32, #tpu.memory_space<vmem>>
        %parallel_loop3A_395 = tpu.vector_load_idx %parallel_loop3A_394[%parallel_loop3A_356, %broadcast_in_dim3A_4, %parallel_loop3A_359] : memref<52x8x128xf32, #tpu.memory_space<vmem>>[vector<16xi32>, vector<16xi32>, vector<16xi32>], vector<16xf32>,
        %parallel_loop3A_396 = arith.constant 0 : i32
        %parallel_loop3A_397 = arith.constant 2 : i32
        %parallel_loop3A_398 = arith.index_cast %parallel_loop3A_396 : i32 to index
        %parallel_loop3A_399 = arith.index_cast %parallel_loop3A_361 : i32 to index
        %parallel_loop3A_400 = arith.index_cast %parallel_loop3A_397 : i32 to index
        %parallel_loop3A_401 = arith.index_cast %parallel_loop3A_363 : i32 to index
        %parallel_loop3A_402 = tpu.vector_load %arg7[%parallel_loop3A_398, %parallel_loop3A_399, %parallel_loop3A_400, %parallel_loop3A_401] {strides = array<i32>} : memref<2x8x8x128xf32, #tpu.memory_space<vmem>>, vector<16xf32>,
        tpu.vector_store %arg7[%parallel_loop3A_398, %parallel_loop3A_399, %parallel_loop3A_400, %parallel_loop3A_401], %parallel_loop3A_395 {strides = array<i32>} : memref<2x8x8x128xf32, #tpu.memory_space<vmem>>, vector<16xf32>,
        %parallel_loop3A_403 = arith.constant 0 : i32
        %parallel_loop3A_404 = arith.constant 0 : i32
        %parallel_loop3A_405 = arith.constant 0 : i32
        %parallel_loop3A_406 = tpu.memref_slice %arg5[%scan3A, %parallel_loop3A_403, %parallel_loop3A_404, %parallel_loop3A_405] : memref<2x52x8x128xf32, #tpu.memory_space<vmem>> -> memref<1x52x8x128xf32, #tpu.memory_space<vmem>>
        %parallel_loop3A_407 = tpu.memref_squeeze %parallel_loop3A_406 : memref<1x52x8x128xf32, #tpu.memory_space<vmem>> -> memref<52x8x128xf32, #tpu.memory_space<vmem>>
        %parallel_loop3A_408 = tpu.vector_load_idx %parallel_loop3A_407[%parallel_loop3A_356, %broadcast_in_dim3A_6, %parallel_loop3A_359] : memref<52x8x128xf32, #tpu.memory_space<vmem>>[vector<16xi32>, vector<16xi32>, vector<16xi32>], vector<16xf32>,
        %parallel_loop3A_409 = arith.constant 0 : i32
        %parallel_loop3A_410 = arith.constant 3 : i32
        %parallel_loop3A_411 = arith.index_cast %parallel_loop3A_409 : i32 to index
        %parallel_loop3A_412 = arith.index_cast %parallel_loop3A_361 : i32 to index
        %parallel_loop3A_413 = arith.index_cast %parallel_loop3A_410 : i32 to index
        %parallel_loop3A_414 = arith.index_cast %parallel_loop3A_363 : i32 to index
        %parallel_loop3A_415 = tpu.vector_load %arg7[%parallel_loop3A_411, %parallel_loop3A_412, %parallel_loop3A_413, %parallel_loop3A_414] {strides = array<i32>} : memref<2x8x8x128xf32, #tpu.memory_space<vmem>>, vector<16xf32>,
        tpu.vector_store %arg7[%parallel_loop3A_411, %parallel_loop3A_412, %parallel_loop3A_413, %parallel_loop3A_414], %parallel_loop3A_408 {strides = array<i32>} : memref<2x8x8x128xf32, #tpu.memory_space<vmem>>, vector<16xf32>,
        %parallel_loop3A_416 = arith.constant 0 : i32
        %parallel_loop3A_417 = arith.constant 0 : i32
        %parallel_loop3A_418 = arith.constant 0 : i32
        %parallel_loop3A_419 = tpu.memref_slice %arg5[%scan3A, %parallel_loop3A_416, %parallel_loop3A_417, %parallel_loop3A_418] : memref<2x52x8x128xf32, #tpu.memory_space<vmem>> -> memref<1x52x8x128xf32, #tpu.memory_space<vmem>>
        %parallel_loop3A_420 = tpu.memref_squeeze %parallel_loop3A_419 : memref<1x52x8x128xf32, #tpu.memory_space<vmem>> -> memref<52x8x128xf32, #tpu.memory_space<vmem>>
        %parallel_loop3A_421 = tpu.vector_load_idx %parallel_loop3A_420[%parallel_loop3A_356, %broadcast_in_dim3A_8, %parallel_loop3A_359] : memref<52x8x128xf32, #tpu.memory_space<vmem>>[vector<16xi32>, vector<16xi32>, vector<16xi32>], vector<16xf32>,
        %parallel_loop3A_422 = arith.constant 0 : i32
        %parallel_loop3A_423 = arith.constant 4 : i32
        %parallel_loop3A_424 = arith.index_cast %parallel_loop3A_422 : i32 to index
        %parallel_loop3A_425 = arith.index_cast %parallel_loop3A_361 : i32 to index
        %parallel_loop3A_426 = arith.index_cast %parallel_loop3A_423 : i32 to index
        %parallel_loop3A_427 = arith.index_cast %parallel_loop3A_363 : i32 to index
        %parallel_loop3A_428 = tpu.vector_load %arg7[%parallel_loop3A_424, %parallel_loop3A_425, %parallel_loop3A_426, %parallel_loop3A_427] {strides = array<i32>} : memref<2x8x8x128xf32, #tpu.memory_space<vmem>>, vector<16xf32>,
        tpu.vector_store %arg7[%parallel_loop3A_424, %parallel_loop3A_425, %parallel_loop3A_426, %parallel_loop3A_427], %parallel_loop3A_421 {strides = array<i32>} : memref<2x8x8x128xf32, #tpu.memory_space<vmem>>, vector<16xf32>,
        %parallel_loop3A_429 = arith.constant 0 : i32
        %parallel_loop3A_430 = arith.constant 0 : i32
        %parallel_loop3A_431 = arith.constant 0 : i32
        %parallel_loop3A_432 = tpu.memref_slice %arg5[%scan3A, %parallel_loop3A_429, %parallel_loop3A_430, %parallel_loop3A_431] : memref<2x52x8x128xf32, #tpu.memory_space<vmem>> -> memref<1x52x8x128xf32, #tpu.memory_space<vmem>>
        %parallel_loop3A_433 = tpu.memref_squeeze %parallel_loop3A_432 : memref<1x52x8x128xf32, #tpu.memory_space<vmem>> -> memref<52x8x128xf32, #tpu.memory_space<vmem>>
        %parallel_loop3A_434 = tpu.vector_load_idx %parallel_loop3A_433[%parallel_loop3A_356, %broadcast_in_dim3A_10, %parallel_loop3A_359] : memref<52x8x128xf32, #tpu.memory_space<vmem>>[vector<16xi32>, vector<16xi32>, vector<16xi32>], vector<16xf32>,
        %parallel_loop3A_435 = arith.constant 0 : i32
        %parallel_loop3A_436 = arith.constant 5 : i32
        %parallel_loop3A_437 = arith.index_cast %parallel_loop3A_435 : i32 to index
        %parallel_loop3A_438 = arith.index_cast %parallel_loop3A_361 : i32 to index
        %parallel_loop3A_439 = arith.index_cast %parallel_loop3A_436 : i32 to index
        %parallel_loop3A_440 = arith.index_cast %parallel_loop3A_363 : i32 to index
        %parallel_loop3A_441 = tpu.vector_load %arg7[%parallel_loop3A_437, %parallel_loop3A_438, %parallel_loop3A_439, %parallel_loop3A_440] {strides = array<i32>} : memref<2x8x8x128xf32, #tpu.memory_space<vmem>>, vector<16xf32>,
        tpu.vector_store %arg7[%parallel_loop3A_437, %parallel_loop3A_438, %parallel_loop3A_439, %parallel_loop3A_440], %parallel_loop3A_434 {strides = array<i32>} : memref<2x8x8x128xf32, #tpu.memory_space<vmem>>, vector<16xf32>,
        %parallel_loop3A_442 = arith.constant 0 : i32
        %parallel_loop3A_443 = arith.constant 0 : i32
        %parallel_loop3A_444 = arith.constant 0 : i32
        %parallel_loop3A_445 = tpu.memref_slice %arg5[%scan3A, %parallel_loop3A_442, %parallel_loop3A_443, %parallel_loop3A_444] : memref<2x52x8x128xf32, #tpu.memory_space<vmem>> -> memref<1x52x8x128xf32, #tpu.memory_space<vmem>>
        %parallel_loop3A_446 = tpu.memref_squeeze %parallel_loop3A_445 : memref<1x52x8x128xf32, #tpu.memory_space<vmem>> -> memref<52x8x128xf32, #tpu.memory_space<vmem>>
        %parallel_loop3A_447 = tpu.vector_load_idx %parallel_loop3A_446[%parallel_loop3A_356, %broadcast_in_dim3A_12, %parallel_loop3A_359] : memref<52x8x128xf32, #tpu.memory_space<vmem>>[vector<16xi32>, vector<16xi32>, vector<16xi32>], vector<16xf32>,
        %parallel_loop3A_448 = arith.constant 0 : i32
        %parallel_loop3A_449 = arith.constant 6 : i32
        %parallel_loop3A_450 = arith.index_cast %parallel_loop3A_448 : i32 to index
        %parallel_loop3A_451 = arith.index_cast %parallel_loop3A_361 : i32 to index
        %parallel_loop3A_452 = arith.index_cast %parallel_loop3A_449 : i32 to index
        %parallel_loop3A_453 = arith.index_cast %parallel_loop3A_363 : i32 to index
        %parallel_loop3A_454 = tpu.vector_load %arg7[%parallel_loop3A_450, %parallel_loop3A_451, %parallel_loop3A_452, %parallel_loop3A_453] {strides = array<i32>} : memref<2x8x8x128xf32, #tpu.memory_space<vmem>>, vector<16xf32>,
        tpu.vector_store %arg7[%parallel_loop3A_450, %parallel_loop3A_451, %parallel_loop3A_452, %parallel_loop3A_453], %parallel_loop3A_447 {strides = array<i32>} : memref<2x8x8x128xf32, #tpu.memory_space<vmem>>, vector<16xf32>,
        %parallel_loop3A_455 = arith.constant 0 : i32
        %parallel_loop3A_456 = arith.constant 0 : i32
        %parallel_loop3A_457 = arith.constant 0 : i32
        %parallel_loop3A_458 = tpu.memref_slice %arg5[%scan3A, %parallel_loop3A_455, %parallel_loop3A_456, %parallel_loop3A_457] : memref<2x52x8x128xf32, #tpu.memory_space<vmem>> -> memref<1x52x8x128xf32, #tpu.memory_space<vmem>>
        %parallel_loop3A_459 = tpu.memref_squeeze %parallel_loop3A_458 : memref<1x52x8x128xf32, #tpu.memory_space<vmem>> -> memref<52x8x128xf32, #tpu.memory_space<vmem>>
        %parallel_loop3A_460 = tpu.vector_load_idx %parallel_loop3A_459[%parallel_loop3A_356, %broadcast_in_dim3A_14, %parallel_loop3A_359] : memref<52x8x128xf32, #tpu.memory_space<vmem>>[vector<16xi32>, vector<16xi32>, vector<16xi32>], vector<16xf32>,
        %parallel_loop3A_461 = arith.constant 0 : i32
        %parallel_loop3A_462 = arith.constant 7 : i32
        %parallel_loop3A_463 = arith.index_cast %parallel_loop3A_461 : i32 to index
        %parallel_loop3A_464 = arith.index_cast %parallel_loop3A_361 : i32 to index
        %parallel_loop3A_465 = arith.index_cast %parallel_loop3A_462 : i32 to index
        %parallel_loop3A_466 = arith.index_cast %parallel_loop3A_363 : i32 to index
        %parallel_loop3A_467 = tpu.vector_load %arg7[%parallel_loop3A_463, %parallel_loop3A_464, %parallel_loop3A_465, %parallel_loop3A_466] {strides = array<i32>} : memref<2x8x8x128xf32, #tpu.memory_space<vmem>>, vector<16xf32>,
        tpu.vector_store %arg7[%parallel_loop3A_463, %parallel_loop3A_464, %parallel_loop3A_465, %parallel_loop3A_466], %parallel_loop3A_460 {strides = array<i32>} : memref<2x8x8x128xf32, #tpu.memory_space<vmem>>, vector<16xf32>,
      } {sc.loop_unroll_factor = 4 : i64, sc.parallel_access}
      %dma_start3A_297 = arith.constant 0 : i32
      %dma_start3A_298 = arith.constant 0 : i32
      %dma_start3A_299 = arith.constant 0 : i32
      %dma_start3A_300 = arith.constant 0 : i32
      %dma_start3A_301 = tpu.memref_slice %arg7[%dma_start3A_297, %dma_start3A_298, %dma_start3A_299, %dma_start3A_300] : memref<2x8x8x128xf32, #tpu.memory_space<vmem>> -> memref<1x8x8x128xf32, #tpu.memory_space<vmem>>
      %dma_start3A_302 = tpu.memref_squeeze %dma_start3A_301 : memref<1x8x8x128xf32, #tpu.memory_space<vmem>> -> memref<8x8x128xf32, #tpu.memory_space<vmem>>
      %dma_start3A_303 = arith.constant 0 : i32
      %dma_start3A_304 = arith.constant 0 : i32
      %dma_start3A_305 = arith.constant 0 : i32
      %dma_start3A_306 = tpu.memref_slice %arg4[%scan3A_274, %add3A_108, %dma_start3A_303, %dma_start3A_304, %dma_start3A_305] : memref<16x96x16x8x128xf32, #tpu.memory_space<hbm>> -> memref<1x1x8x8x128xf32, #tpu.memory_space<hbm>>
      %dma_start3A_307 = tpu.memref_squeeze %dma_start3A_306 : memref<1x1x8x8x128xf32, #tpu.memory_space<hbm>> -> memref<8x8x128xf32, #tpu.memory_space<hbm>>
      %dma_start3A_308 = arith.constant 0 : i32
      %dma_start3A_309 = arith.constant 0 : i32
      %dma_start3A_310 = arith.constant 0 : i32
      %dma_start3A_311 = tpu.memref_slice %arg4[%scan3A_274, %add3A_108, %dma_start3A_308, %dma_start3A_309, %dma_start3A_310] : memref<16x96x16x8x128xf32, #tpu.memory_space<hbm>> -> memref<1x1x8x8x128xf32, #tpu.memory_space<hbm>>
      %dma_start3A_312 = tpu.memref_squeeze %dma_start3A_311 : memref<1x1x8x8x128xf32, #tpu.memory_space<hbm>> -> memref<8x8x128xf32, #tpu.memory_space<hbm>>
      %dma_start3A_313 = arith.constant 0 : i32
      %dma_start3A_314 = arith.constant 0 : i32
      %dma_start3A_315 = arith.constant 0 : i32
      %dma_start3A_316 = tpu.memref_slice %arg7[%dma_start3A_297, %dma_start3A_313, %dma_start3A_314, %dma_start3A_315] : memref<2x8x8x128xf32, #tpu.memory_space<vmem>> -> memref<1x8x8x128xf32, #tpu.memory_space<vmem>>
      %dma_start3A_317 = tpu.memref_squeeze %dma_start3A_316 : memref<1x8x8x128xf32, #tpu.memory_space<vmem>> -> memref<8x8x128xf32, #tpu.memory_space<vmem>>
      tpu.enqueue_dma source(%dma_start3A_317 : memref<8x8x128xf32, #tpu.memory_space<vmem>>) target(%dma_start3A_312 : memref<8x8x128xf32, #tpu.memory_space<hbm>>) target_semaphore(%arg8 : memref<!tpu.dma_semaphore, #tpu.memory_space<semaphore_mem>>)
      %gt3A_318 = arith.constant 0 : i32
      %gt3A_319 = arith.cmpi sgt, %scan3A_274, %gt3A_318 : i32
      %convert_element_type3A_320 = arith.extui %gt3A_319 : i1 to i32
      %cond3A_321 = arith.constant 0 : i32
      %cond3A_322 = arith.cmpi ne, %convert_element_type3A_320, %cond3A_321 : i32
      scf.if %cond3A_322 {
        %dma_wait3A_348 = arith.constant 1 : i32
        %dma_wait3A_349 = arith.constant 0 : i32
        %dma_wait3A_350 = arith.constant 0 : i32
        %dma_wait3A_351 = arith.constant 0 : i32
        %dma_wait3A_352 = tpu.memref_slice %arg7[%dma_wait3A_348, %dma_wait3A_349, %dma_wait3A_350, %dma_wait3A_351] : memref<2x8x8x128xf32, #tpu.memory_space<vmem>> -> memref<1x8x8x128xf32, #tpu.memory_space<vmem>>
        %dma_wait3A_353 = tpu.memref_squeeze %dma_wait3A_352 : memref<1x8x8x128xf32, #tpu.memory_space<vmem>> -> memref<8x8x128xf32, #tpu.memory_space<vmem>>
        %dma_wait3A_354 = arith.constant 8 : i32
        %dma_wait3A_355 = arith.constant 0 : i32
        %dma_wait3A_356 = arith.constant 0 : i32
        %dma_wait3A_357 = tpu.memref_slice %arg4[%scan3A_274, %add3A_108, %dma_wait3A_354, %dma_wait3A_355, %dma_wait3A_356] : memref<16x96x16x8x128xf32, #tpu.memory_space<hbm>> -> memref<1x1x8x8x128xf32, #tpu.memory_space<hbm>>
        %dma_wait3A_358 = tpu.memref_squeeze %dma_wait3A_357 : memref<1x1x8x8x128xf32, #tpu.memory_space<hbm>> -> memref<8x8x128xf32, #tpu.memory_space<hbm>>
        %dma_wait3A_359 = arith.constant 8 : i32
        %dma_wait3A_360 = arith.constant 0 : i32
        %dma_wait3A_361 = arith.constant 0 : i32
        %dma_wait3A_362 = tpu.memref_slice %arg4[%scan3A_274, %add3A_108, %dma_wait3A_359, %dma_wait3A_360, %dma_wait3A_361] : memref<16x96x16x8x128xf32, #tpu.memory_space<hbm>> -> memref<1x1x8x8x128xf32, #tpu.memory_space<hbm>>
        %dma_wait3A_363 = tpu.memref_squeeze %dma_wait3A_362 : memref<1x1x8x8x128xf32, #tpu.memory_space<hbm>> -> memref<8x8x128xf32, #tpu.memory_space<hbm>>
        %dma_wait3A_364 = arith.constant 0 : i32
        %dma_wait3A_365 = arith.constant 0 : i32
        %dma_wait3A_366 = arith.constant 0 : i32
        %dma_wait3A_367 = tpu.memref_slice %arg7[%dma_wait3A_348, %dma_wait3A_364, %dma_wait3A_365, %dma_wait3A_366] : memref<2x8x8x128xf32, #tpu.memory_space<vmem>> -> memref<1x8x8x128xf32, #tpu.memory_space<vmem>>
        %dma_wait3A_368 = tpu.memref_squeeze %dma_wait3A_367 : memref<1x8x8x128xf32, #tpu.memory_space<vmem>> -> memref<8x8x128xf32, #tpu.memory_space<vmem>>
        tpu.wait_dma2 semaphore(%arg8 : memref<!tpu.dma_semaphore, #tpu.memory_space<semaphore_mem>>) src(%dma_wait3A_368 : memref<8x8x128xf32, #tpu.memory_space<vmem>>) dst(%dma_wait3A_363 : memref<8x8x128xf32, #tpu.memory_space<hbm>>)
      } else {
      }
      %parallel_loop3A_323 = arith.constant 0 : i32
      %parallel_loop3A_324 = arith.constant 1024 : i32
      %parallel_loop3A_325 = arith.constant 16 : i32
      scf.for %parallel_loop3A_348 = %parallel_loop3A_323 to %parallel_loop3A_324 step %parallel_loop3A_325  : i32 {
        %parallel_loop3A_349 = arith.constant 1024 : i32
        %parallel_loop3A_350 = arith.addi %parallel_loop3A_349, %parallel_loop3A_348 : i32
        %parallel_loop3A_351 = arith.index_cast %and3A_276 : i32 to index
        %parallel_loop3A_352 = arith.index_cast %parallel_loop3A_350 : i32 to index
        %parallel_loop3A_353 = tpu.vector_load %arg6[%parallel_loop3A_351, %parallel_loop3A_352] {strides = array<i32>} : memref<2x2048xi32, #tpu.memory_space<vmem>>, vector<16xi32>,
        %parallel_loop3A_354 = arith.constant 7 : i32
        %parallel_loop3A_355 = vector.broadcast %parallel_loop3A_354 : i32 to vector<16xi32>
        %parallel_loop3A_356 = arith.shrui %parallel_loop3A_353, %parallel_loop3A_355 : vector<16xi32>
        %parallel_loop3A_357 = arith.constant 127 : i32
        %parallel_loop3A_358 = vector.broadcast %parallel_loop3A_357 : i32 to vector<16xi32>
        %parallel_loop3A_359 = arith.andi %parallel_loop3A_353, %parallel_loop3A_358 : vector<16xi32>
        %parallel_loop3A_360 = arith.constant 7 : i32
        %parallel_loop3A_361 = arith.shrui %parallel_loop3A_348, %parallel_loop3A_360 : i32
        %parallel_loop3A_362 = arith.constant 127 : i32
        %parallel_loop3A_363 = arith.andi %parallel_loop3A_348, %parallel_loop3A_362 : i32
        %parallel_loop3A_364 = arith.constant 0 : i32
        %parallel_loop3A_365 = arith.constant 0 : i32
        %parallel_loop3A_366 = arith.constant 0 : i32
        %parallel_loop3A_367 = tpu.memref_slice %arg5[%scan3A, %parallel_loop3A_364, %parallel_loop3A_365, %parallel_loop3A_366] : memref<2x52x8x128xf32, #tpu.memory_space<vmem>> -> memref<1x52x8x128xf32, #tpu.memory_space<vmem>>
        %parallel_loop3A_368 = tpu.memref_squeeze %parallel_loop3A_367 : memref<1x52x8x128xf32, #tpu.memory_space<vmem>> -> memref<52x8x128xf32, #tpu.memory_space<vmem>>
        %parallel_loop3A_369 = tpu.vector_load_idx %parallel_loop3A_368[%parallel_loop3A_356, %broadcast_in_dim3A_0, %parallel_loop3A_359] : memref<52x8x128xf32, #tpu.memory_space<vmem>>[vector<16xi32>, vector<16xi32>, vector<16xi32>], vector<16xf32>,
        %parallel_loop3A_370 = arith.constant 1 : i32
        %parallel_loop3A_371 = arith.constant 0 : i32
        %parallel_loop3A_372 = arith.index_cast %parallel_loop3A_370 : i32 to index
        %parallel_loop3A_373 = arith.index_cast %parallel_loop3A_361 : i32 to index
        %parallel_loop3A_374 = arith.index_cast %parallel_loop3A_371 : i32 to index
        %parallel_loop3A_375 = arith.index_cast %parallel_loop3A_363 : i32 to index
        %parallel_loop3A_376 = tpu.vector_load %arg7[%parallel_loop3A_372, %parallel_loop3A_373, %parallel_loop3A_374, %parallel_loop3A_375] {strides = array<i32>} : memref<2x8x8x128xf32, #tpu.memory_space<vmem>>, vector<16xf32>,
        tpu.vector_store %arg7[%parallel_loop3A_372, %parallel_loop3A_373, %parallel_loop3A_374, %parallel_loop3A_375], %parallel_loop3A_369 {strides = array<i32>} : memref<2x8x8x128xf32, #tpu.memory_space<vmem>>, vector<16xf32>,
        %parallel_loop3A_377 = arith.constant 0 : i32
        %parallel_loop3A_378 = arith.constant 0 : i32
        %parallel_loop3A_379 = arith.constant 0 : i32
        %parallel_loop3A_380 = tpu.memref_slice %arg5[%scan3A, %parallel_loop3A_377, %parallel_loop3A_378, %parallel_loop3A_379] : memref<2x52x8x128xf32, #tpu.memory_space<vmem>> -> memref<1x52x8x128xf32, #tpu.memory_space<vmem>>
        %parallel_loop3A_381 = tpu.memref_squeeze %parallel_loop3A_380 : memref<1x52x8x128xf32, #tpu.memory_space<vmem>> -> memref<52x8x128xf32, #tpu.memory_space<vmem>>
        %parallel_loop3A_382 = tpu.vector_load_idx %parallel_loop3A_381[%parallel_loop3A_356, %broadcast_in_dim3A_2, %parallel_loop3A_359] : memref<52x8x128xf32, #tpu.memory_space<vmem>>[vector<16xi32>, vector<16xi32>, vector<16xi32>], vector<16xf32>,
        %parallel_loop3A_383 = arith.constant 1 : i32
        %parallel_loop3A_384 = arith.constant 1 : i32
        %parallel_loop3A_385 = arith.index_cast %parallel_loop3A_383 : i32 to index
        %parallel_loop3A_386 = arith.index_cast %parallel_loop3A_361 : i32 to index
        %parallel_loop3A_387 = arith.index_cast %parallel_loop3A_384 : i32 to index
        %parallel_loop3A_388 = arith.index_cast %parallel_loop3A_363 : i32 to index
        %parallel_loop3A_389 = tpu.vector_load %arg7[%parallel_loop3A_385, %parallel_loop3A_386, %parallel_loop3A_387, %parallel_loop3A_388] {strides = array<i32>} : memref<2x8x8x128xf32, #tpu.memory_space<vmem>>, vector<16xf32>,
        tpu.vector_store %arg7[%parallel_loop3A_385, %parallel_loop3A_386, %parallel_loop3A_387, %parallel_loop3A_388], %parallel_loop3A_382 {strides = array<i32>} : memref<2x8x8x128xf32, #tpu.memory_space<vmem>>, vector<16xf32>,
        %parallel_loop3A_390 = arith.constant 0 : i32
        %parallel_loop3A_391 = arith.constant 0 : i32
        %parallel_loop3A_392 = arith.constant 0 : i32
        %parallel_loop3A_393 = tpu.memref_slice %arg5[%scan3A, %parallel_loop3A_390, %parallel_loop3A_391, %parallel_loop3A_392] : memref<2x52x8x128xf32, #tpu.memory_space<vmem>> -> memref<1x52x8x128xf32, #tpu.memory_space<vmem>>
        %parallel_loop3A_394 = tpu.memref_squeeze %parallel_loop3A_393 : memref<1x52x8x128xf32, #tpu.memory_space<vmem>> -> memref<52x8x128xf32, #tpu.memory_space<vmem>>
        %parallel_loop3A_395 = tpu.vector_load_idx %parallel_loop3A_394[%parallel_loop3A_356, %broadcast_in_dim3A_4, %parallel_loop3A_359] : memref<52x8x128xf32, #tpu.memory_space<vmem>>[vector<16xi32>, vector<16xi32>, vector<16xi32>], vector<16xf32>,
        %parallel_loop3A_396 = arith.constant 1 : i32
        %parallel_loop3A_397 = arith.constant 2 : i32
        %parallel_loop3A_398 = arith.index_cast %parallel_loop3A_396 : i32 to index
        %parallel_loop3A_399 = arith.index_cast %parallel_loop3A_361 : i32 to index
        %parallel_loop3A_400 = arith.index_cast %parallel_loop3A_397 : i32 to index
        %parallel_loop3A_401 = arith.index_cast %parallel_loop3A_363 : i32 to index
        %parallel_loop3A_402 = tpu.vector_load %arg7[%parallel_loop3A_398, %parallel_loop3A_399, %parallel_loop3A_400, %parallel_loop3A_401] {strides = array<i32>} : memref<2x8x8x128xf32, #tpu.memory_space<vmem>>, vector<16xf32>,
        tpu.vector_store %arg7[%parallel_loop3A_398, %parallel_loop3A_399, %parallel_loop3A_400, %parallel_loop3A_401], %parallel_loop3A_395 {strides = array<i32>} : memref<2x8x8x128xf32, #tpu.memory_space<vmem>>, vector<16xf32>,
        %parallel_loop3A_403 = arith.constant 0 : i32
        %parallel_loop3A_404 = arith.constant 0 : i32
        %parallel_loop3A_405 = arith.constant 0 : i32
        %parallel_loop3A_406 = tpu.memref_slice %arg5[%scan3A, %parallel_loop3A_403, %parallel_loop3A_404, %parallel_loop3A_405] : memref<2x52x8x128xf32, #tpu.memory_space<vmem>> -> memref<1x52x8x128xf32, #tpu.memory_space<vmem>>
        %parallel_loop3A_407 = tpu.memref_squeeze %parallel_loop3A_406 : memref<1x52x8x128xf32, #tpu.memory_space<vmem>> -> memref<52x8x128xf32, #tpu.memory_space<vmem>>
        %parallel_loop3A_408 = tpu.vector_load_idx %parallel_loop3A_407[%parallel_loop3A_356, %broadcast_in_dim3A_6, %parallel_loop3A_359] : memref<52x8x128xf32, #tpu.memory_space<vmem>>[vector<16xi32>, vector<16xi32>, vector<16xi32>], vector<16xf32>,
        %parallel_loop3A_409 = arith.constant 1 : i32
        %parallel_loop3A_410 = arith.constant 3 : i32
        %parallel_loop3A_411 = arith.index_cast %parallel_loop3A_409 : i32 to index
        %parallel_loop3A_412 = arith.index_cast %parallel_loop3A_361 : i32 to index
        %parallel_loop3A_413 = arith.index_cast %parallel_loop3A_410 : i32 to index
        %parallel_loop3A_414 = arith.index_cast %parallel_loop3A_363 : i32 to index
        %parallel_loop3A_415 = tpu.vector_load %arg7[%parallel_loop3A_411, %parallel_loop3A_412, %parallel_loop3A_413, %parallel_loop3A_414] {strides = array<i32>} : memref<2x8x8x128xf32, #tpu.memory_space<vmem>>, vector<16xf32>,
        tpu.vector_store %arg7[%parallel_loop3A_411, %parallel_loop3A_412, %parallel_loop3A_413, %parallel_loop3A_414], %parallel_loop3A_408 {strides = array<i32>} : memref<2x8x8x128xf32, #tpu.memory_space<vmem>>, vector<16xf32>,
        %parallel_loop3A_416 = arith.constant 0 : i32
        %parallel_loop3A_417 = arith.constant 0 : i32
        %parallel_loop3A_418 = arith.constant 0 : i32
        %parallel_loop3A_419 = tpu.memref_slice %arg5[%scan3A, %parallel_loop3A_416, %parallel_loop3A_417, %parallel_loop3A_418] : memref<2x52x8x128xf32, #tpu.memory_space<vmem>> -> memref<1x52x8x128xf32, #tpu.memory_space<vmem>>
        %parallel_loop3A_420 = tpu.memref_squeeze %parallel_loop3A_419 : memref<1x52x8x128xf32, #tpu.memory_space<vmem>> -> memref<52x8x128xf32, #tpu.memory_space<vmem>>
        %parallel_loop3A_421 = tpu.vector_load_idx %parallel_loop3A_420[%parallel_loop3A_356, %broadcast_in_dim3A_8, %parallel_loop3A_359] : memref<52x8x128xf32, #tpu.memory_space<vmem>>[vector<16xi32>, vector<16xi32>, vector<16xi32>], vector<16xf32>,
        %parallel_loop3A_422 = arith.constant 1 : i32
        %parallel_loop3A_423 = arith.constant 4 : i32
        %parallel_loop3A_424 = arith.index_cast %parallel_loop3A_422 : i32 to index
        %parallel_loop3A_425 = arith.index_cast %parallel_loop3A_361 : i32 to index
        %parallel_loop3A_426 = arith.index_cast %parallel_loop3A_423 : i32 to index
        %parallel_loop3A_427 = arith.index_cast %parallel_loop3A_363 : i32 to index
        %parallel_loop3A_428 = tpu.vector_load %arg7[%parallel_loop3A_424, %parallel_loop3A_425, %parallel_loop3A_426, %parallel_loop3A_427] {strides = array<i32>} : memref<2x8x8x128xf32, #tpu.memory_space<vmem>>, vector<16xf32>,
        tpu.vector_store %arg7[%parallel_loop3A_424, %parallel_loop3A_425, %parallel_loop3A_426, %parallel_loop3A_427], %parallel_loop3A_421 {strides = array<i32>} : memref<2x8x8x128xf32, #tpu.memory_space<vmem>>, vector<16xf32>,
        %parallel_loop3A_429 = arith.constant 0 : i32
        %parallel_loop3A_430 = arith.constant 0 : i32
        %parallel_loop3A_431 = arith.constant 0 : i32
        %parallel_loop3A_432 = tpu.memref_slice %arg5[%scan3A, %parallel_loop3A_429, %parallel_loop3A_430, %parallel_loop3A_431] : memref<2x52x8x128xf32, #tpu.memory_space<vmem>> -> memref<1x52x8x128xf32, #tpu.memory_space<vmem>>
        %parallel_loop3A_433 = tpu.memref_squeeze %parallel_loop3A_432 : memref<1x52x8x128xf32, #tpu.memory_space<vmem>> -> memref<52x8x128xf32, #tpu.memory_space<vmem>>
        %parallel_loop3A_434 = tpu.vector_load_idx %parallel_loop3A_433[%parallel_loop3A_356, %broadcast_in_dim3A_10, %parallel_loop3A_359] : memref<52x8x128xf32, #tpu.memory_space<vmem>>[vector<16xi32>, vector<16xi32>, vector<16xi32>], vector<16xf32>,
        %parallel_loop3A_435 = arith.constant 1 : i32
        %parallel_loop3A_436 = arith.constant 5 : i32
        %parallel_loop3A_437 = arith.index_cast %parallel_loop3A_435 : i32 to index
        %parallel_loop3A_438 = arith.index_cast %parallel_loop3A_361 : i32 to index
        %parallel_loop3A_439 = arith.index_cast %parallel_loop3A_436 : i32 to index
        %parallel_loop3A_440 = arith.index_cast %parallel_loop3A_363 : i32 to index
        %parallel_loop3A_441 = tpu.vector_load %arg7[%parallel_loop3A_437, %parallel_loop3A_438, %parallel_loop3A_439, %parallel_loop3A_440] {strides = array<i32>} : memref<2x8x8x128xf32, #tpu.memory_space<vmem>>, vector<16xf32>,
        tpu.vector_store %arg7[%parallel_loop3A_437, %parallel_loop3A_438, %parallel_loop3A_439, %parallel_loop3A_440], %parallel_loop3A_434 {strides = array<i32>} : memref<2x8x8x128xf32, #tpu.memory_space<vmem>>, vector<16xf32>,
        %parallel_loop3A_442 = arith.constant 0 : i32
        %parallel_loop3A_443 = arith.constant 0 : i32
        %parallel_loop3A_444 = arith.constant 0 : i32
        %parallel_loop3A_445 = tpu.memref_slice %arg5[%scan3A, %parallel_loop3A_442, %parallel_loop3A_443, %parallel_loop3A_444] : memref<2x52x8x128xf32, #tpu.memory_space<vmem>> -> memref<1x52x8x128xf32, #tpu.memory_space<vmem>>
        %parallel_loop3A_446 = tpu.memref_squeeze %parallel_loop3A_445 : memref<1x52x8x128xf32, #tpu.memory_space<vmem>> -> memref<52x8x128xf32, #tpu.memory_space<vmem>>
        %parallel_loop3A_447 = tpu.vector_load_idx %parallel_loop3A_446[%parallel_loop3A_356, %broadcast_in_dim3A_12, %parallel_loop3A_359] : memref<52x8x128xf32, #tpu.memory_space<vmem>>[vector<16xi32>, vector<16xi32>, vector<16xi32>], vector<16xf32>,
        %parallel_loop3A_448 = arith.constant 1 : i32
        %parallel_loop3A_449 = arith.constant 6 : i32
        %parallel_loop3A_450 = arith.index_cast %parallel_loop3A_448 : i32 to index
        %parallel_loop3A_451 = arith.index_cast %parallel_loop3A_361 : i32 to index
        %parallel_loop3A_452 = arith.index_cast %parallel_loop3A_449 : i32 to index
        %parallel_loop3A_453 = arith.index_cast %parallel_loop3A_363 : i32 to index
        %parallel_loop3A_454 = tpu.vector_load %arg7[%parallel_loop3A_450, %parallel_loop3A_451, %parallel_loop3A_452, %parallel_loop3A_453] {strides = array<i32>} : memref<2x8x8x128xf32, #tpu.memory_space<vmem>>, vector<16xf32>,
        tpu.vector_store %arg7[%parallel_loop3A_450, %parallel_loop3A_451, %parallel_loop3A_452, %parallel_loop3A_453], %parallel_loop3A_447 {strides = array<i32>} : memref<2x8x8x128xf32, #tpu.memory_space<vmem>>, vector<16xf32>,
        %parallel_loop3A_455 = arith.constant 0 : i32
        %parallel_loop3A_456 = arith.constant 0 : i32
        %parallel_loop3A_457 = arith.constant 0 : i32
        %parallel_loop3A_458 = tpu.memref_slice %arg5[%scan3A, %parallel_loop3A_455, %parallel_loop3A_456, %parallel_loop3A_457] : memref<2x52x8x128xf32, #tpu.memory_space<vmem>> -> memref<1x52x8x128xf32, #tpu.memory_space<vmem>>
        %parallel_loop3A_459 = tpu.memref_squeeze %parallel_loop3A_458 : memref<1x52x8x128xf32, #tpu.memory_space<vmem>> -> memref<52x8x128xf32, #tpu.memory_space<vmem>>
        %parallel_loop3A_460 = tpu.vector_load_idx %parallel_loop3A_459[%parallel_loop3A_356, %broadcast_in_dim3A_14, %parallel_loop3A_359] : memref<52x8x128xf32, #tpu.memory_space<vmem>>[vector<16xi32>, vector<16xi32>, vector<16xi32>], vector<16xf32>,
        %parallel_loop3A_461 = arith.constant 1 : i32
        %parallel_loop3A_462 = arith.constant 7 : i32
        %parallel_loop3A_463 = arith.index_cast %parallel_loop3A_461 : i32 to index
        %parallel_loop3A_464 = arith.index_cast %parallel_loop3A_361 : i32 to index
        %parallel_loop3A_465 = arith.index_cast %parallel_loop3A_462 : i32 to index
        %parallel_loop3A_466 = arith.index_cast %parallel_loop3A_363 : i32 to index
        %parallel_loop3A_467 = tpu.vector_load %arg7[%parallel_loop3A_463, %parallel_loop3A_464, %parallel_loop3A_465, %parallel_loop3A_466] {strides = array<i32>} : memref<2x8x8x128xf32, #tpu.memory_space<vmem>>, vector<16xf32>,
        tpu.vector_store %arg7[%parallel_loop3A_463, %parallel_loop3A_464, %parallel_loop3A_465, %parallel_loop3A_466], %parallel_loop3A_460 {strides = array<i32>} : memref<2x8x8x128xf32, #tpu.memory_space<vmem>>, vector<16xf32>,
      } {sc.loop_unroll_factor = 4 : i64, sc.parallel_access}
      %dma_start3A_326 = arith.constant 1 : i32
      %dma_start3A_327 = arith.constant 0 : i32
      %dma_start3A_328 = arith.constant 0 : i32
      %dma_start3A_329 = arith.constant 0 : i32
      %dma_start3A_330 = tpu.memref_slice %arg7[%dma_start3A_326, %dma_start3A_327, %dma_start3A_328, %dma_start3A_329] : memref<2x8x8x128xf32, #tpu.memory_space<vmem>> -> memref<1x8x8x128xf32, #tpu.memory_space<vmem>>
      %dma_start3A_331 = tpu.memref_squeeze %dma_start3A_330 : memref<1x8x8x128xf32, #tpu.memory_space<vmem>> -> memref<8x8x128xf32, #tpu.memory_space<vmem>>
      %dma_start3A_332 = arith.constant 8 : i32
      %dma_start3A_333 = arith.constant 0 : i32
      %dma_start3A_334 = arith.constant 0 : i32
      %dma_start3A_335 = tpu.memref_slice %arg4[%scan3A_274, %add3A_108, %dma_start3A_332, %dma_start3A_333, %dma_start3A_334] : memref<16x96x16x8x128xf32, #tpu.memory_space<hbm>> -> memref<1x1x8x8x128xf32, #tpu.memory_space<hbm>>
      %dma_start3A_336 = tpu.memref_squeeze %dma_start3A_335 : memref<1x1x8x8x128xf32, #tpu.memory_space<hbm>> -> memref<8x8x128xf32, #tpu.memory_space<hbm>>
      %dma_start3A_337 = arith.constant 8 : i32
      %dma_start3A_338 = arith.constant 0 : i32
      %dma_start3A_339 = arith.constant 0 : i32
      %dma_start3A_340 = tpu.memref_slice %arg4[%scan3A_274, %add3A_108, %dma_start3A_337, %dma_start3A_338, %dma_start3A_339] : memref<16x96x16x8x128xf32, #tpu.memory_space<hbm>> -> memref<1x1x8x8x128xf32, #tpu.memory_space<hbm>>
      %dma_start3A_341 = tpu.memref_squeeze %dma_start3A_340 : memref<1x1x8x8x128xf32, #tpu.memory_space<hbm>> -> memref<8x8x128xf32, #tpu.memory_space<hbm>>
      %dma_start3A_342 = arith.constant 0 : i32
      %dma_start3A_343 = arith.constant 0 : i32
      %dma_start3A_344 = arith.constant 0 : i32
      %dma_start3A_345 = tpu.memref_slice %arg7[%dma_start3A_326, %dma_start3A_342, %dma_start3A_343, %dma_start3A_344] : memref<2x8x8x128xf32, #tpu.memory_space<vmem>> -> memref<1x8x8x128xf32, #tpu.memory_space<vmem>>
      %dma_start3A_346 = tpu.memref_squeeze %dma_start3A_345 : memref<1x8x8x128xf32, #tpu.memory_space<vmem>> -> memref<8x8x128xf32, #tpu.memory_space<vmem>>
      tpu.enqueue_dma source(%dma_start3A_346 : memref<8x8x128xf32, #tpu.memory_space<vmem>>) target(%dma_start3A_341 : memref<8x8x128xf32, #tpu.memory_space<hbm>>) target_semaphore(%arg8 : memref<!tpu.dma_semaphore, #tpu.memory_space<semaphore_mem>>)
      %scan3A_347 = arith.constant 0 : i32
      scf.yield %scan3A_347 : i32
    }
    %scan3A_115 = arith.constant 16 : i32
    %dma_wait3A_116 = arith.constant 1 : i32
    %dma_wait3A_117 = arith.constant 0 : i32
    %dma_wait3A_118 = arith.constant 0 : i32
    %dma_wait3A_119 = arith.constant 0 : i32
    %dma_wait3A_120 = tpu.memref_slice %arg5[%dma_wait3A_116, %dma_wait3A_117, %dma_wait3A_118, %dma_wait3A_119] : memref<2x52x8x128xf32, #tpu.memory_space<vmem>> -> memref<1x52x8x128xf32, #tpu.memory_space<vmem>>
    %dma_wait3A_121 = tpu.memref_squeeze %dma_wait3A_120 : memref<1x52x8x128xf32, #tpu.memory_space<vmem>> -> memref<52x8x128xf32, #tpu.memory_space<vmem>>
    %dma_wait3A_122 = arith.constant 0 : i32
    %dma_wait3A_123 = arith.constant 0 : i32
    %dma_wait3A_124 = arith.constant 0 : i32
    %dma_wait3A_125 = tpu.memref_slice %arg3[%add3A_80, %dma_wait3A_122, %dma_wait3A_123, %dma_wait3A_124] : memref<96x52x8x128xf32, #tpu.memory_space<hbm>> -> memref<1x52x8x128xf32, #tpu.memory_space<hbm>>
    %dma_wait3A_126 = tpu.memref_squeeze %dma_wait3A_125 : memref<1x52x8x128xf32, #tpu.memory_space<hbm>> -> memref<52x8x128xf32, #tpu.memory_space<hbm>>
    %dma_wait3A_127 = arith.constant 0 : i32
    %dma_wait3A_128 = arith.constant 0 : i32
    %dma_wait3A_129 = arith.constant 0 : i32
    %dma_wait3A_130 = tpu.memref_slice %arg5[%dma_wait3A_116, %dma_wait3A_127, %dma_wait3A_128, %dma_wait3A_129] : memref<2x52x8x128xf32, #tpu.memory_space<vmem>> -> memref<1x52x8x128xf32, #tpu.memory_space<vmem>>
    %dma_wait3A_131 = tpu.memref_squeeze %dma_wait3A_130 : memref<1x52x8x128xf32, #tpu.memory_space<vmem>> -> memref<52x8x128xf32, #tpu.memory_space<vmem>>
    %dma_wait3A_132 = arith.constant 0 : i32
    %dma_wait3A_133 = arith.constant 0 : i32
    %dma_wait3A_134 = arith.constant 0 : i32
    %dma_wait3A_135 = tpu.memref_slice %arg3[%add3A_80, %dma_wait3A_132, %dma_wait3A_133, %dma_wait3A_134] : memref<96x52x8x128xf32, #tpu.memory_space<hbm>> -> memref<1x52x8x128xf32, #tpu.memory_space<hbm>>
    %dma_wait3A_136 = tpu.memref_squeeze %dma_wait3A_135 : memref<1x52x8x128xf32, #tpu.memory_space<hbm>> -> memref<52x8x128xf32, #tpu.memory_space<hbm>>
    tpu.wait_dma2 semaphore(%arg10 : memref<!tpu.dma_semaphore, #tpu.memory_space<semaphore_mem>>) src(%dma_wait3A_136 : memref<52x8x128xf32, #tpu.memory_space<hbm>>) dst(%dma_wait3A_131 : memref<52x8x128xf32, #tpu.memory_space<vmem>>)
    %mul3A_137 = arith.constant 3 : i32
    %mul3A_138 = arith.muli %arg0, %mul3A_137 : i32
    %add3A_139 = arith.constant 2 : i32
    %add3A_140 = arith.addi %mul3A_138, %add3A_139 : i32
    %mul3A_141 = arith.constant 16 : i32
    %mul3A_142 = arith.muli %add3A_140, %mul3A_141 : i32
    %add3A_143 = arith.addi %mul3A_142, %arg1 : i32
    %dma_start3A_144 = arith.constant 0 : i32
    %dma_start3A_145 = arith.constant 0 : i32
    %dma_start3A_146 = arith.constant 0 : i32
    %dma_start3A_147 = arith.constant 0 : i32
    %dma_start3A_148 = tpu.memref_slice %arg5[%dma_start3A_144, %dma_start3A_145, %dma_start3A_146, %dma_start3A_147] : memref<2x52x8x128xf32, #tpu.memory_space<vmem>> -> memref<1x52x8x128xf32, #tpu.memory_space<vmem>>
    %dma_start3A_149 = tpu.memref_squeeze %dma_start3A_148 : memref<1x52x8x128xf32, #tpu.memory_space<vmem>> -> memref<52x8x128xf32, #tpu.memory_space<vmem>>
    %dma_start3A_150 = arith.constant 0 : i32
    %dma_start3A_151 = arith.constant 0 : i32
    %dma_start3A_152 = arith.constant 0 : i32
    %dma_start3A_153 = tpu.memref_slice %arg3[%add3A_143, %dma_start3A_150, %dma_start3A_151, %dma_start3A_152] : memref<96x52x8x128xf32, #tpu.memory_space<hbm>> -> memref<1x52x8x128xf32, #tpu.memory_space<hbm>>
    %dma_start3A_154 = tpu.memref_squeeze %dma_start3A_153 : memref<1x52x8x128xf32, #tpu.memory_space<hbm>> -> memref<52x8x128xf32, #tpu.memory_space<hbm>>
    %dma_start3A_155 = arith.constant 0 : i32
    %dma_start3A_156 = arith.constant 0 : i32
    %dma_start3A_157 = arith.constant 0 : i32
    %dma_start3A_158 = tpu.memref_slice %arg5[%dma_start3A_144, %dma_start3A_155, %dma_start3A_156, %dma_start3A_157] : memref<2x52x8x128xf32, #tpu.memory_space<vmem>> -> memref<1x52x8x128xf32, #tpu.memory_space<vmem>>
    %dma_start3A_159 = tpu.memref_squeeze %dma_start3A_158 : memref<1x52x8x128xf32, #tpu.memory_space<vmem>> -> memref<52x8x128xf32, #tpu.memory_space<vmem>>
    %dma_start3A_160 = arith.constant 0 : i32
    %dma_start3A_161 = arith.constant 0 : i32
    %dma_start3A_162 = arith.constant 0 : i32
    %dma_start3A_163 = tpu.memref_slice %arg3[%add3A_143, %dma_start3A_160, %dma_start3A_161, %dma_start3A_162] : memref<96x52x8x128xf32, #tpu.memory_space<hbm>> -> memref<1x52x8x128xf32, #tpu.memory_space<hbm>>
    %dma_start3A_164 = tpu.memref_squeeze %dma_start3A_163 : memref<1x52x8x128xf32, #tpu.memory_space<hbm>> -> memref<52x8x128xf32, #tpu.memory_space<hbm>>
    tpu.enqueue_dma source(%dma_start3A_164 : memref<52x8x128xf32, #tpu.memory_space<hbm>>) target(%dma_start3A_159 : memref<52x8x128xf32, #tpu.memory_space<vmem>>) target_semaphore(%arg10 : memref<!tpu.dma_semaphore, #tpu.memory_space<semaphore_mem>>)
    %mul3A_165 = arith.constant 3 : i32
    %mul3A_166 = arith.muli %arg0, %mul3A_165 : i32
    %add3A_167 = arith.constant 1 : i32
    %add3A_168 = arith.addi %mul3A_166, %add3A_167 : i32
    %mul3A_169 = arith.constant 16 : i32
    %mul3A_170 = arith.muli %add3A_168, %mul3A_169 : i32
    %add3A_171 = arith.addi %mul3A_170, %arg1 : i32
    %scan3A_172 = arith.constant 1 : i32
    %scan3A_173 = arith.constant 0 : i32
    %scan3A_174 = arith.constant 0 : i32
    %scan3A_175 = arith.constant 16 : i32
    %scan3A_176 = arith.addi %scan3A_174, %scan3A_175 : i32
    %scan3A_177 = arith.constant 1 : i32
    %scan3A_178 = scf.for %scan3A_274 = %scan3A_174 to %scan3A_176 step %scan3A_177 iter_args(%scan3A_275 = %scan3A_173) -> (i32)  : i32 {
      %and3A = arith.constant 1 : i32
      %and3A_276 = arith.andi %scan3A_274, %and3A : i32
      %dma_wait3A_277 = arith.constant 0 : i32
      %dma_wait3A_278 = tpu.memref_slice %arg6[%and3A_276, %dma_wait3A_277] : memref<2x2048xi32, #tpu.memory_space<vmem>> -> memref<1x2048xi32, #tpu.memory_space<vmem>>
      %dma_wait3A_279 = tpu.memref_squeeze %dma_wait3A_278 : memref<1x2048xi32, #tpu.memory_space<vmem>> -> memref<2048xi32, #tpu.memory_space<vmem>>
      %dma_wait3A_280 = arith.constant 0 : i32
      %dma_wait3A_281 = tpu.memref_slice %arg2[%scan3A_274, %dma_wait3A_280] : memref<16x2048xi32, #tpu.memory_space<hbm>> -> memref<1x2048xi32, #tpu.memory_space<hbm>>
      %dma_wait3A_282 = tpu.memref_squeeze %dma_wait3A_281 : memref<1x2048xi32, #tpu.memory_space<hbm>> -> memref<2048xi32, #tpu.memory_space<hbm>>
      %dma_wait3A_283 = arith.constant 0 : i32
      %dma_wait3A_284 = tpu.memref_slice %arg6[%and3A_276, %dma_wait3A_283] : memref<2x2048xi32, #tpu.memory_space<vmem>> -> memref<1x2048xi32, #tpu.memory_space<vmem>>
      %dma_wait3A_285 = tpu.memref_squeeze %dma_wait3A_284 : memref<1x2048xi32, #tpu.memory_space<vmem>> -> memref<2048xi32, #tpu.memory_space<vmem>>
      %dma_wait3A_286 = arith.constant 0 : i32
      %dma_wait3A_287 = tpu.memref_slice %arg2[%scan3A_274, %dma_wait3A_286] : memref<16x2048xi32, #tpu.memory_space<hbm>> -> memref<1x2048xi32, #tpu.memory_space<hbm>>
      %dma_wait3A_288 = tpu.memref_squeeze %dma_wait3A_287 : memref<1x2048xi32, #tpu.memory_space<hbm>> -> memref<2048xi32, #tpu.memory_space<hbm>>
      tpu.wait_dma2 semaphore(%arg9 : memref<!tpu.dma_semaphore, #tpu.memory_space<semaphore_mem>>) src(%dma_wait3A_288 : memref<2048xi32, #tpu.memory_space<hbm>>) dst(%dma_wait3A_285 : memref<2048xi32, #tpu.memory_space<vmem>>)
      %lt3A = arith.constant 16 : i32
      %lt3A_289 = arith.cmpi slt, %scan3A_274, %lt3A : i32
      %convert_element_type3A = arith.extui %lt3A_289 : i1 to i32
      %cond3A = arith.constant 0 : i32
      %cond3A_290 = arith.cmpi ne, %convert_element_type3A, %cond3A : i32
      scf.if %cond3A_290 {
        %add3A_381 = arith.constant 1 : i32
        %add3A_382 = arith.addi %scan3A_274, %add3A_381 : i32
        %and3A_383 = arith.constant 15 : i32
        %and3A_384 = arith.andi %add3A_382, %and3A_383 : i32
        %sub3A = arith.constant 1 : i32
        %sub3A_385 = arith.subi %sub3A, %and3A_276 : i32
        %dma_start3A_386 = arith.constant 0 : i32
        %dma_start3A_387 = tpu.memref_slice %arg6[%sub3A_385, %dma_start3A_386] : memref<2x2048xi32, #tpu.memory_space<vmem>> -> memref<1x2048xi32, #tpu.memory_space<vmem>>
        %dma_start3A_388 = tpu.memref_squeeze %dma_start3A_387 : memref<1x2048xi32, #tpu.memory_space<vmem>> -> memref<2048xi32, #tpu.memory_space<vmem>>
        %dma_start3A_389 = arith.constant 0 : i32
        %dma_start3A_390 = tpu.memref_slice %arg2[%and3A_384, %dma_start3A_389] : memref<16x2048xi32, #tpu.memory_space<hbm>> -> memref<1x2048xi32, #tpu.memory_space<hbm>>
        %dma_start3A_391 = tpu.memref_squeeze %dma_start3A_390 : memref<1x2048xi32, #tpu.memory_space<hbm>> -> memref<2048xi32, #tpu.memory_space<hbm>>
        %dma_start3A_392 = arith.constant 0 : i32
        %dma_start3A_393 = tpu.memref_slice %arg6[%sub3A_385, %dma_start3A_392] : memref<2x2048xi32, #tpu.memory_space<vmem>> -> memref<1x2048xi32, #tpu.memory_space<vmem>>
        %dma_start3A_394 = tpu.memref_squeeze %dma_start3A_393 : memref<1x2048xi32, #tpu.memory_space<vmem>> -> memref<2048xi32, #tpu.memory_space<vmem>>
        %dma_start3A_395 = arith.constant 0 : i32
        %dma_start3A_396 = tpu.memref_slice %arg2[%and3A_384, %dma_start3A_395] : memref<16x2048xi32, #tpu.memory_space<hbm>> -> memref<1x2048xi32, #tpu.memory_space<hbm>>
        %dma_start3A_397 = tpu.memref_squeeze %dma_start3A_396 : memref<1x2048xi32, #tpu.memory_space<hbm>> -> memref<2048xi32, #tpu.memory_space<hbm>>
        tpu.enqueue_dma source(%dma_start3A_397 : memref<2048xi32, #tpu.memory_space<hbm>>) target(%dma_start3A_394 : memref<2048xi32, #tpu.memory_space<vmem>>) target_semaphore(%arg9 : memref<!tpu.dma_semaphore, #tpu.memory_space<semaphore_mem>>)
      } else {
      }
      %dma_wait3A_291 = arith.constant 0 : i32
      %dma_wait3A_292 = arith.constant 0 : i32
      %dma_wait3A_293 = arith.constant 0 : i32
      %dma_wait3A_294 = arith.constant 0 : i32
      %dma_wait3A_295 = tpu.memref_slice %arg7[%dma_wait3A_291, %dma_wait3A_292, %dma_wait3A_293, %dma_wait3A_294] : memref<2x8x8x128xf32, #tpu.memory_space<vmem>> -> memref<1x8x8x128xf32, #tpu.memory_space<vmem>>
      %dma_wait3A_296 = tpu.memref_squeeze %dma_wait3A_295 : memref<1x8x8x128xf32, #tpu.memory_space<vmem>> -> memref<8x8x128xf32, #tpu.memory_space<vmem>>
      %dma_wait3A_297 = arith.constant 0 : i32
      %dma_wait3A_298 = arith.constant 0 : i32
      %dma_wait3A_299 = arith.constant 0 : i32
      %dma_wait3A_300 = tpu.memref_slice %arg4[%scan3A_274, %add3A_171, %dma_wait3A_297, %dma_wait3A_298, %dma_wait3A_299] : memref<16x96x16x8x128xf32, #tpu.memory_space<hbm>> -> memref<1x1x8x8x128xf32, #tpu.memory_space<hbm>>
      %dma_wait3A_301 = tpu.memref_squeeze %dma_wait3A_300 : memref<1x1x8x8x128xf32, #tpu.memory_space<hbm>> -> memref<8x8x128xf32, #tpu.memory_space<hbm>>
      %dma_wait3A_302 = arith.constant 0 : i32
      %dma_wait3A_303 = arith.constant 0 : i32
      %dma_wait3A_304 = arith.constant 0 : i32
      %dma_wait3A_305 = tpu.memref_slice %arg4[%scan3A_274, %add3A_171, %dma_wait3A_302, %dma_wait3A_303, %dma_wait3A_304] : memref<16x96x16x8x128xf32, #tpu.memory_space<hbm>> -> memref<1x1x8x8x128xf32, #tpu.memory_space<hbm>>
      %dma_wait3A_306 = tpu.memref_squeeze %dma_wait3A_305 : memref<1x1x8x8x128xf32, #tpu.memory_space<hbm>> -> memref<8x8x128xf32, #tpu.memory_space<hbm>>
      %dma_wait3A_307 = arith.constant 0 : i32
      %dma_wait3A_308 = arith.constant 0 : i32
      %dma_wait3A_309 = arith.constant 0 : i32
      %dma_wait3A_310 = tpu.memref_slice %arg7[%dma_wait3A_291, %dma_wait3A_307, %dma_wait3A_308, %dma_wait3A_309] : memref<2x8x8x128xf32, #tpu.memory_space<vmem>> -> memref<1x8x8x128xf32, #tpu.memory_space<vmem>>
      %dma_wait3A_311 = tpu.memref_squeeze %dma_wait3A_310 : memref<1x8x8x128xf32, #tpu.memory_space<vmem>> -> memref<8x8x128xf32, #tpu.memory_space<vmem>>
      tpu.wait_dma2 semaphore(%arg8 : memref<!tpu.dma_semaphore, #tpu.memory_space<semaphore_mem>>) src(%dma_wait3A_311 : memref<8x8x128xf32, #tpu.memory_space<vmem>>) dst(%dma_wait3A_306 : memref<8x8x128xf32, #tpu.memory_space<hbm>>)
      %parallel_loop3A = arith.constant 0 : i32
      %parallel_loop3A_312 = arith.constant 1024 : i32
      %parallel_loop3A_313 = arith.constant 16 : i32
      scf.for %parallel_loop3A_381 = %parallel_loop3A to %parallel_loop3A_312 step %parallel_loop3A_313  : i32 {
        %parallel_loop3A_382 = arith.constant 0 : i32
        %parallel_loop3A_383 = arith.addi %parallel_loop3A_382, %parallel_loop3A_381 : i32
        %parallel_loop3A_384 = arith.index_cast %and3A_276 : i32 to index
        %parallel_loop3A_385 = arith.index_cast %parallel_loop3A_383 : i32 to index
        %parallel_loop3A_386 = tpu.vector_load %arg6[%parallel_loop3A_384, %parallel_loop3A_385] {strides = array<i32>} : memref<2x2048xi32, #tpu.memory_space<vmem>>, vector<16xi32>,
        %parallel_loop3A_387 = arith.constant 7 : i32
        %parallel_loop3A_388 = vector.broadcast %parallel_loop3A_387 : i32 to vector<16xi32>
        %parallel_loop3A_389 = arith.shrui %parallel_loop3A_386, %parallel_loop3A_388 : vector<16xi32>
        %parallel_loop3A_390 = arith.constant 127 : i32
        %parallel_loop3A_391 = vector.broadcast %parallel_loop3A_390 : i32 to vector<16xi32>
        %parallel_loop3A_392 = arith.andi %parallel_loop3A_386, %parallel_loop3A_391 : vector<16xi32>
        %parallel_loop3A_393 = arith.constant 7 : i32
        %parallel_loop3A_394 = arith.shrui %parallel_loop3A_381, %parallel_loop3A_393 : i32
        %parallel_loop3A_395 = arith.constant 127 : i32
        %parallel_loop3A_396 = arith.andi %parallel_loop3A_381, %parallel_loop3A_395 : i32
        %parallel_loop3A_397 = arith.constant 0 : i32
        %parallel_loop3A_398 = arith.constant 0 : i32
        %parallel_loop3A_399 = arith.constant 0 : i32
        %parallel_loop3A_400 = tpu.memref_slice %arg5[%scan3A_172, %parallel_loop3A_397, %parallel_loop3A_398, %parallel_loop3A_399] : memref<2x52x8x128xf32, #tpu.memory_space<vmem>> -> memref<1x52x8x128xf32, #tpu.memory_space<vmem>>
        %parallel_loop3A_401 = tpu.memref_squeeze %parallel_loop3A_400 : memref<1x52x8x128xf32, #tpu.memory_space<vmem>> -> memref<52x8x128xf32, #tpu.memory_space<vmem>>
        %parallel_loop3A_402 = tpu.vector_load_idx %parallel_loop3A_401[%parallel_loop3A_389, %broadcast_in_dim3A_0, %parallel_loop3A_392] : memref<52x8x128xf32, #tpu.memory_space<vmem>>[vector<16xi32>, vector<16xi32>, vector<16xi32>], vector<16xf32>,
        %parallel_loop3A_403 = arith.constant 0 : i32
        %parallel_loop3A_404 = arith.constant 0 : i32
        %parallel_loop3A_405 = arith.index_cast %parallel_loop3A_403 : i32 to index
        %parallel_loop3A_406 = arith.index_cast %parallel_loop3A_394 : i32 to index
        %parallel_loop3A_407 = arith.index_cast %parallel_loop3A_404 : i32 to index
        %parallel_loop3A_408 = arith.index_cast %parallel_loop3A_396 : i32 to index
        %parallel_loop3A_409 = tpu.vector_load %arg7[%parallel_loop3A_405, %parallel_loop3A_406, %parallel_loop3A_407, %parallel_loop3A_408] {strides = array<i32>} : memref<2x8x8x128xf32, #tpu.memory_space<vmem>>, vector<16xf32>,
        tpu.vector_store %arg7[%parallel_loop3A_405, %parallel_loop3A_406, %parallel_loop3A_407, %parallel_loop3A_408], %parallel_loop3A_402 {strides = array<i32>} : memref<2x8x8x128xf32, #tpu.memory_space<vmem>>, vector<16xf32>,
        %parallel_loop3A_410 = arith.constant 0 : i32
        %parallel_loop3A_411 = arith.constant 0 : i32
        %parallel_loop3A_412 = arith.constant 0 : i32
        %parallel_loop3A_413 = tpu.memref_slice %arg5[%scan3A_172, %parallel_loop3A_410, %parallel_loop3A_411, %parallel_loop3A_412] : memref<2x52x8x128xf32, #tpu.memory_space<vmem>> -> memref<1x52x8x128xf32, #tpu.memory_space<vmem>>
        %parallel_loop3A_414 = tpu.memref_squeeze %parallel_loop3A_413 : memref<1x52x8x128xf32, #tpu.memory_space<vmem>> -> memref<52x8x128xf32, #tpu.memory_space<vmem>>
        %parallel_loop3A_415 = tpu.vector_load_idx %parallel_loop3A_414[%parallel_loop3A_389, %broadcast_in_dim3A_2, %parallel_loop3A_392] : memref<52x8x128xf32, #tpu.memory_space<vmem>>[vector<16xi32>, vector<16xi32>, vector<16xi32>], vector<16xf32>,
        %parallel_loop3A_416 = arith.constant 0 : i32
        %parallel_loop3A_417 = arith.constant 1 : i32
        %parallel_loop3A_418 = arith.index_cast %parallel_loop3A_416 : i32 to index
        %parallel_loop3A_419 = arith.index_cast %parallel_loop3A_394 : i32 to index
        %parallel_loop3A_420 = arith.index_cast %parallel_loop3A_417 : i32 to index
        %parallel_loop3A_421 = arith.index_cast %parallel_loop3A_396 : i32 to index
        %parallel_loop3A_422 = tpu.vector_load %arg7[%parallel_loop3A_418, %parallel_loop3A_419, %parallel_loop3A_420, %parallel_loop3A_421] {strides = array<i32>} : memref<2x8x8x128xf32, #tpu.memory_space<vmem>>, vector<16xf32>,
        tpu.vector_store %arg7[%parallel_loop3A_418, %parallel_loop3A_419, %parallel_loop3A_420, %parallel_loop3A_421], %parallel_loop3A_415 {strides = array<i32>} : memref<2x8x8x128xf32, #tpu.memory_space<vmem>>, vector<16xf32>,
        %parallel_loop3A_423 = arith.constant 0 : i32
        %parallel_loop3A_424 = arith.constant 0 : i32
        %parallel_loop3A_425 = arith.constant 0 : i32
        %parallel_loop3A_426 = tpu.memref_slice %arg5[%scan3A_172, %parallel_loop3A_423, %parallel_loop3A_424, %parallel_loop3A_425] : memref<2x52x8x128xf32, #tpu.memory_space<vmem>> -> memref<1x52x8x128xf32, #tpu.memory_space<vmem>>
        %parallel_loop3A_427 = tpu.memref_squeeze %parallel_loop3A_426 : memref<1x52x8x128xf32, #tpu.memory_space<vmem>> -> memref<52x8x128xf32, #tpu.memory_space<vmem>>
        %parallel_loop3A_428 = tpu.vector_load_idx %parallel_loop3A_427[%parallel_loop3A_389, %broadcast_in_dim3A_4, %parallel_loop3A_392] : memref<52x8x128xf32, #tpu.memory_space<vmem>>[vector<16xi32>, vector<16xi32>, vector<16xi32>], vector<16xf32>,
        %parallel_loop3A_429 = arith.constant 0 : i32
        %parallel_loop3A_430 = arith.constant 2 : i32
        %parallel_loop3A_431 = arith.index_cast %parallel_loop3A_429 : i32 to index
        %parallel_loop3A_432 = arith.index_cast %parallel_loop3A_394 : i32 to index
        %parallel_loop3A_433 = arith.index_cast %parallel_loop3A_430 : i32 to index
        %parallel_loop3A_434 = arith.index_cast %parallel_loop3A_396 : i32 to index
        %parallel_loop3A_435 = tpu.vector_load %arg7[%parallel_loop3A_431, %parallel_loop3A_432, %parallel_loop3A_433, %parallel_loop3A_434] {strides = array<i32>} : memref<2x8x8x128xf32, #tpu.memory_space<vmem>>, vector<16xf32>,
        tpu.vector_store %arg7[%parallel_loop3A_431, %parallel_loop3A_432, %parallel_loop3A_433, %parallel_loop3A_434], %parallel_loop3A_428 {strides = array<i32>} : memref<2x8x8x128xf32, #tpu.memory_space<vmem>>, vector<16xf32>,
        %parallel_loop3A_436 = arith.constant 0 : i32
        %parallel_loop3A_437 = arith.constant 0 : i32
        %parallel_loop3A_438 = arith.constant 0 : i32
        %parallel_loop3A_439 = tpu.memref_slice %arg5[%scan3A_172, %parallel_loop3A_436, %parallel_loop3A_437, %parallel_loop3A_438] : memref<2x52x8x128xf32, #tpu.memory_space<vmem>> -> memref<1x52x8x128xf32, #tpu.memory_space<vmem>>
        %parallel_loop3A_440 = tpu.memref_squeeze %parallel_loop3A_439 : memref<1x52x8x128xf32, #tpu.memory_space<vmem>> -> memref<52x8x128xf32, #tpu.memory_space<vmem>>
        %parallel_loop3A_441 = tpu.vector_load_idx %parallel_loop3A_440[%parallel_loop3A_389, %broadcast_in_dim3A_6, %parallel_loop3A_392] : memref<52x8x128xf32, #tpu.memory_space<vmem>>[vector<16xi32>, vector<16xi32>, vector<16xi32>], vector<16xf32>,
        %parallel_loop3A_442 = arith.constant 0 : i32
        %parallel_loop3A_443 = arith.constant 3 : i32
        %parallel_loop3A_444 = arith.index_cast %parallel_loop3A_442 : i32 to index
        %parallel_loop3A_445 = arith.index_cast %parallel_loop3A_394 : i32 to index
        %parallel_loop3A_446 = arith.index_cast %parallel_loop3A_443 : i32 to index
        %parallel_loop3A_447 = arith.index_cast %parallel_loop3A_396 : i32 to index
        %parallel_loop3A_448 = tpu.vector_load %arg7[%parallel_loop3A_444, %parallel_loop3A_445, %parallel_loop3A_446, %parallel_loop3A_447] {strides = array<i32>} : memref<2x8x8x128xf32, #tpu.memory_space<vmem>>, vector<16xf32>,
        tpu.vector_store %arg7[%parallel_loop3A_444, %parallel_loop3A_445, %parallel_loop3A_446, %parallel_loop3A_447], %parallel_loop3A_441 {strides = array<i32>} : memref<2x8x8x128xf32, #tpu.memory_space<vmem>>, vector<16xf32>,
        %parallel_loop3A_449 = arith.constant 0 : i32
        %parallel_loop3A_450 = arith.constant 0 : i32
        %parallel_loop3A_451 = arith.constant 0 : i32
        %parallel_loop3A_452 = tpu.memref_slice %arg5[%scan3A_172, %parallel_loop3A_449, %parallel_loop3A_450, %parallel_loop3A_451] : memref<2x52x8x128xf32, #tpu.memory_space<vmem>> -> memref<1x52x8x128xf32, #tpu.memory_space<vmem>>
        %parallel_loop3A_453 = tpu.memref_squeeze %parallel_loop3A_452 : memref<1x52x8x128xf32, #tpu.memory_space<vmem>> -> memref<52x8x128xf32, #tpu.memory_space<vmem>>
        %parallel_loop3A_454 = tpu.vector_load_idx %parallel_loop3A_453[%parallel_loop3A_389, %broadcast_in_dim3A_8, %parallel_loop3A_392] : memref<52x8x128xf32, #tpu.memory_space<vmem>>[vector<16xi32>, vector<16xi32>, vector<16xi32>], vector<16xf32>,
        %parallel_loop3A_455 = arith.constant 0 : i32
        %parallel_loop3A_456 = arith.constant 4 : i32
        %parallel_loop3A_457 = arith.index_cast %parallel_loop3A_455 : i32 to index
        %parallel_loop3A_458 = arith.index_cast %parallel_loop3A_394 : i32 to index
        %parallel_loop3A_459 = arith.index_cast %parallel_loop3A_456 : i32 to index
        %parallel_loop3A_460 = arith.index_cast %parallel_loop3A_396 : i32 to index
        %parallel_loop3A_461 = tpu.vector_load %arg7[%parallel_loop3A_457, %parallel_loop3A_458, %parallel_loop3A_459, %parallel_loop3A_460] {strides = array<i32>} : memref<2x8x8x128xf32, #tpu.memory_space<vmem>>, vector<16xf32>,
        tpu.vector_store %arg7[%parallel_loop3A_457, %parallel_loop3A_458, %parallel_loop3A_459, %parallel_loop3A_460], %parallel_loop3A_454 {strides = array<i32>} : memref<2x8x8x128xf32, #tpu.memory_space<vmem>>, vector<16xf32>,
        %parallel_loop3A_462 = arith.constant 0 : i32
        %parallel_loop3A_463 = arith.constant 0 : i32
        %parallel_loop3A_464 = arith.constant 0 : i32
        %parallel_loop3A_465 = tpu.memref_slice %arg5[%scan3A_172, %parallel_loop3A_462, %parallel_loop3A_463, %parallel_loop3A_464] : memref<2x52x8x128xf32, #tpu.memory_space<vmem>> -> memref<1x52x8x128xf32, #tpu.memory_space<vmem>>
        %parallel_loop3A_466 = tpu.memref_squeeze %parallel_loop3A_465 : memref<1x52x8x128xf32, #tpu.memory_space<vmem>> -> memref<52x8x128xf32, #tpu.memory_space<vmem>>
        %parallel_loop3A_467 = tpu.vector_load_idx %parallel_loop3A_466[%parallel_loop3A_389, %broadcast_in_dim3A_10, %parallel_loop3A_392] : memref<52x8x128xf32, #tpu.memory_space<vmem>>[vector<16xi32>, vector<16xi32>, vector<16xi32>], vector<16xf32>,
        %parallel_loop3A_468 = arith.constant 0 : i32
        %parallel_loop3A_469 = arith.constant 5 : i32
        %parallel_loop3A_470 = arith.index_cast %parallel_loop3A_468 : i32 to index
        %parallel_loop3A_471 = arith.index_cast %parallel_loop3A_394 : i32 to index
        %parallel_loop3A_472 = arith.index_cast %parallel_loop3A_469 : i32 to index
        %parallel_loop3A_473 = arith.index_cast %parallel_loop3A_396 : i32 to index
        %parallel_loop3A_474 = tpu.vector_load %arg7[%parallel_loop3A_470, %parallel_loop3A_471, %parallel_loop3A_472, %parallel_loop3A_473] {strides = array<i32>} : memref<2x8x8x128xf32, #tpu.memory_space<vmem>>, vector<16xf32>,
        tpu.vector_store %arg7[%parallel_loop3A_470, %parallel_loop3A_471, %parallel_loop3A_472, %parallel_loop3A_473], %parallel_loop3A_467 {strides = array<i32>} : memref<2x8x8x128xf32, #tpu.memory_space<vmem>>, vector<16xf32>,
        %parallel_loop3A_475 = arith.constant 0 : i32
        %parallel_loop3A_476 = arith.constant 0 : i32
        %parallel_loop3A_477 = arith.constant 0 : i32
        %parallel_loop3A_478 = tpu.memref_slice %arg5[%scan3A_172, %parallel_loop3A_475, %parallel_loop3A_476, %parallel_loop3A_477] : memref<2x52x8x128xf32, #tpu.memory_space<vmem>> -> memref<1x52x8x128xf32, #tpu.memory_space<vmem>>
        %parallel_loop3A_479 = tpu.memref_squeeze %parallel_loop3A_478 : memref<1x52x8x128xf32, #tpu.memory_space<vmem>> -> memref<52x8x128xf32, #tpu.memory_space<vmem>>
        %parallel_loop3A_480 = tpu.vector_load_idx %parallel_loop3A_479[%parallel_loop3A_389, %broadcast_in_dim3A_12, %parallel_loop3A_392] : memref<52x8x128xf32, #tpu.memory_space<vmem>>[vector<16xi32>, vector<16xi32>, vector<16xi32>], vector<16xf32>,
        %parallel_loop3A_481 = arith.constant 0 : i32
        %parallel_loop3A_482 = arith.constant 6 : i32
        %parallel_loop3A_483 = arith.index_cast %parallel_loop3A_481 : i32 to index
        %parallel_loop3A_484 = arith.index_cast %parallel_loop3A_394 : i32 to index
        %parallel_loop3A_485 = arith.index_cast %parallel_loop3A_482 : i32 to index
        %parallel_loop3A_486 = arith.index_cast %parallel_loop3A_396 : i32 to index
        %parallel_loop3A_487 = tpu.vector_load %arg7[%parallel_loop3A_483, %parallel_loop3A_484, %parallel_loop3A_485, %parallel_loop3A_486] {strides = array<i32>} : memref<2x8x8x128xf32, #tpu.memory_space<vmem>>, vector<16xf32>,
        tpu.vector_store %arg7[%parallel_loop3A_483, %parallel_loop3A_484, %parallel_loop3A_485, %parallel_loop3A_486], %parallel_loop3A_480 {strides = array<i32>} : memref<2x8x8x128xf32, #tpu.memory_space<vmem>>, vector<16xf32>,
        %parallel_loop3A_488 = arith.constant 0 : i32
        %parallel_loop3A_489 = arith.constant 0 : i32
        %parallel_loop3A_490 = arith.constant 0 : i32
        %parallel_loop3A_491 = tpu.memref_slice %arg5[%scan3A_172, %parallel_loop3A_488, %parallel_loop3A_489, %parallel_loop3A_490] : memref<2x52x8x128xf32, #tpu.memory_space<vmem>> -> memref<1x52x8x128xf32, #tpu.memory_space<vmem>>
        %parallel_loop3A_492 = tpu.memref_squeeze %parallel_loop3A_491 : memref<1x52x8x128xf32, #tpu.memory_space<vmem>> -> memref<52x8x128xf32, #tpu.memory_space<vmem>>
        %parallel_loop3A_493 = tpu.vector_load_idx %parallel_loop3A_492[%parallel_loop3A_389, %broadcast_in_dim3A_14, %parallel_loop3A_392] : memref<52x8x128xf32, #tpu.memory_space<vmem>>[vector<16xi32>, vector<16xi32>, vector<16xi32>], vector<16xf32>,
        %parallel_loop3A_494 = arith.constant 0 : i32
        %parallel_loop3A_495 = arith.constant 7 : i32
        %parallel_loop3A_496 = arith.index_cast %parallel_loop3A_494 : i32 to index
        %parallel_loop3A_497 = arith.index_cast %parallel_loop3A_394 : i32 to index
        %parallel_loop3A_498 = arith.index_cast %parallel_loop3A_495 : i32 to index
        %parallel_loop3A_499 = arith.index_cast %parallel_loop3A_396 : i32 to index
        %parallel_loop3A_500 = tpu.vector_load %arg7[%parallel_loop3A_496, %parallel_loop3A_497, %parallel_loop3A_498, %parallel_loop3A_499] {strides = array<i32>} : memref<2x8x8x128xf32, #tpu.memory_space<vmem>>, vector<16xf32>,
        tpu.vector_store %arg7[%parallel_loop3A_496, %parallel_loop3A_497, %parallel_loop3A_498, %parallel_loop3A_499], %parallel_loop3A_493 {strides = array<i32>} : memref<2x8x8x128xf32, #tpu.memory_space<vmem>>, vector<16xf32>,
      } {sc.loop_unroll_factor = 4 : i64, sc.parallel_access}
      %dma_start3A_314 = arith.constant 0 : i32
      %dma_start3A_315 = arith.constant 0 : i32
      %dma_start3A_316 = arith.constant 0 : i32
      %dma_start3A_317 = arith.constant 0 : i32
      %dma_start3A_318 = tpu.memref_slice %arg7[%dma_start3A_314, %dma_start3A_315, %dma_start3A_316, %dma_start3A_317] : memref<2x8x8x128xf32, #tpu.memory_space<vmem>> -> memref<1x8x8x128xf32, #tpu.memory_space<vmem>>
      %dma_start3A_319 = tpu.memref_squeeze %dma_start3A_318 : memref<1x8x8x128xf32, #tpu.memory_space<vmem>> -> memref<8x8x128xf32, #tpu.memory_space<vmem>>
      %dma_start3A_320 = arith.constant 0 : i32
      %dma_start3A_321 = arith.constant 0 : i32
      %dma_start3A_322 = arith.constant 0 : i32
      %dma_start3A_323 = tpu.memref_slice %arg4[%scan3A_274, %add3A_171, %dma_start3A_320, %dma_start3A_321, %dma_start3A_322] : memref<16x96x16x8x128xf32, #tpu.memory_space<hbm>> -> memref<1x1x8x8x128xf32, #tpu.memory_space<hbm>>
      %dma_start3A_324 = tpu.memref_squeeze %dma_start3A_323 : memref<1x1x8x8x128xf32, #tpu.memory_space<hbm>> -> memref<8x8x128xf32, #tpu.memory_space<hbm>>
      %dma_start3A_325 = arith.constant 0 : i32
      %dma_start3A_326 = arith.constant 0 : i32
      %dma_start3A_327 = arith.constant 0 : i32
      %dma_start3A_328 = tpu.memref_slice %arg4[%scan3A_274, %add3A_171, %dma_start3A_325, %dma_start3A_326, %dma_start3A_327] : memref<16x96x16x8x128xf32, #tpu.memory_space<hbm>> -> memref<1x1x8x8x128xf32, #tpu.memory_space<hbm>>
      %dma_start3A_329 = tpu.memref_squeeze %dma_start3A_328 : memref<1x1x8x8x128xf32, #tpu.memory_space<hbm>> -> memref<8x8x128xf32, #tpu.memory_space<hbm>>
      %dma_start3A_330 = arith.constant 0 : i32
      %dma_start3A_331 = arith.constant 0 : i32
      %dma_start3A_332 = arith.constant 0 : i32
      %dma_start3A_333 = tpu.memref_slice %arg7[%dma_start3A_314, %dma_start3A_330, %dma_start3A_331, %dma_start3A_332] : memref<2x8x8x128xf32, #tpu.memory_space<vmem>> -> memref<1x8x8x128xf32, #tpu.memory_space<vmem>>
      %dma_start3A_334 = tpu.memref_squeeze %dma_start3A_333 : memref<1x8x8x128xf32, #tpu.memory_space<vmem>> -> memref<8x8x128xf32, #tpu.memory_space<vmem>>
      tpu.enqueue_dma source(%dma_start3A_334 : memref<8x8x128xf32, #tpu.memory_space<vmem>>) target(%dma_start3A_329 : memref<8x8x128xf32, #tpu.memory_space<hbm>>) target_semaphore(%arg8 : memref<!tpu.dma_semaphore, #tpu.memory_space<semaphore_mem>>)
      %dma_wait3A_335 = arith.constant 1 : i32
      %dma_wait3A_336 = arith.constant 0 : i32
      %dma_wait3A_337 = arith.constant 0 : i32
      %dma_wait3A_338 = arith.constant 0 : i32
      %dma_wait3A_339 = tpu.memref_slice %arg7[%dma_wait3A_335, %dma_wait3A_336, %dma_wait3A_337, %dma_wait3A_338] : memref<2x8x8x128xf32, #tpu.memory_space<vmem>> -> memref<1x8x8x128xf32, #tpu.memory_space<vmem>>
      %dma_wait3A_340 = tpu.memref_squeeze %dma_wait3A_339 : memref<1x8x8x128xf32, #tpu.memory_space<vmem>> -> memref<8x8x128xf32, #tpu.memory_space<vmem>>
      %dma_wait3A_341 = arith.constant 8 : i32
      %dma_wait3A_342 = arith.constant 0 : i32
      %dma_wait3A_343 = arith.constant 0 : i32
      %dma_wait3A_344 = tpu.memref_slice %arg4[%scan3A_274, %add3A_171, %dma_wait3A_341, %dma_wait3A_342, %dma_wait3A_343] : memref<16x96x16x8x128xf32, #tpu.memory_space<hbm>> -> memref<1x1x8x8x128xf32, #tpu.memory_space<hbm>>
      %dma_wait3A_345 = tpu.memref_squeeze %dma_wait3A_344 : memref<1x1x8x8x128xf32, #tpu.memory_space<hbm>> -> memref<8x8x128xf32, #tpu.memory_space<hbm>>
      %dma_wait3A_346 = arith.constant 8 : i32
      %dma_wait3A_347 = arith.constant 0 : i32
      %dma_wait3A_348 = arith.constant 0 : i32
      %dma_wait3A_349 = tpu.memref_slice %arg4[%scan3A_274, %add3A_171, %dma_wait3A_346, %dma_wait3A_347, %dma_wait3A_348] : memref<16x96x16x8x128xf32, #tpu.memory_space<hbm>> -> memref<1x1x8x8x128xf32, #tpu.memory_space<hbm>>
      %dma_wait3A_350 = tpu.memref_squeeze %dma_wait3A_349 : memref<1x1x8x8x128xf32, #tpu.memory_space<hbm>> -> memref<8x8x128xf32, #tpu.memory_space<hbm>>
      %dma_wait3A_351 = arith.constant 0 : i32
      %dma_wait3A_352 = arith.constant 0 : i32
      %dma_wait3A_353 = arith.constant 0 : i32
      %dma_wait3A_354 = tpu.memref_slice %arg7[%dma_wait3A_335, %dma_wait3A_351, %dma_wait3A_352, %dma_wait3A_353] : memref<2x8x8x128xf32, #tpu.memory_space<vmem>> -> memref<1x8x8x128xf32, #tpu.memory_space<vmem>>
      %dma_wait3A_355 = tpu.memref_squeeze %dma_wait3A_354 : memref<1x8x8x128xf32, #tpu.memory_space<vmem>> -> memref<8x8x128xf32, #tpu.memory_space<vmem>>
      tpu.wait_dma2 semaphore(%arg8 : memref<!tpu.dma_semaphore, #tpu.memory_space<semaphore_mem>>) src(%dma_wait3A_355 : memref<8x8x128xf32, #tpu.memory_space<vmem>>) dst(%dma_wait3A_350 : memref<8x8x128xf32, #tpu.memory_space<hbm>>)
      %parallel_loop3A_356 = arith.constant 0 : i32
      %parallel_loop3A_357 = arith.constant 1024 : i32
      %parallel_loop3A_358 = arith.constant 16 : i32
      scf.for %parallel_loop3A_381 = %parallel_loop3A_356 to %parallel_loop3A_357 step %parallel_loop3A_358  : i32 {
        %parallel_loop3A_382 = arith.constant 1024 : i32
        %parallel_loop3A_383 = arith.addi %parallel_loop3A_382, %parallel_loop3A_381 : i32
        %parallel_loop3A_384 = arith.index_cast %and3A_276 : i32 to index
        %parallel_loop3A_385 = arith.index_cast %parallel_loop3A_383 : i32 to index
        %parallel_loop3A_386 = tpu.vector_load %arg6[%parallel_loop3A_384, %parallel_loop3A_385] {strides = array<i32>} : memref<2x2048xi32, #tpu.memory_space<vmem>>, vector<16xi32>,
        %parallel_loop3A_387 = arith.constant 7 : i32
        %parallel_loop3A_388 = vector.broadcast %parallel_loop3A_387 : i32 to vector<16xi32>
        %parallel_loop3A_389 = arith.shrui %parallel_loop3A_386, %parallel_loop3A_388 : vector<16xi32>
        %parallel_loop3A_390 = arith.constant 127 : i32
        %parallel_loop3A_391 = vector.broadcast %parallel_loop3A_390 : i32 to vector<16xi32>
        %parallel_loop3A_392 = arith.andi %parallel_loop3A_386, %parallel_loop3A_391 : vector<16xi32>
        %parallel_loop3A_393 = arith.constant 7 : i32
        %parallel_loop3A_394 = arith.shrui %parallel_loop3A_381, %parallel_loop3A_393 : i32
        %parallel_loop3A_395 = arith.constant 127 : i32
        %parallel_loop3A_396 = arith.andi %parallel_loop3A_381, %parallel_loop3A_395 : i32
        %parallel_loop3A_397 = arith.constant 0 : i32
        %parallel_loop3A_398 = arith.constant 0 : i32
        %parallel_loop3A_399 = arith.constant 0 : i32
        %parallel_loop3A_400 = tpu.memref_slice %arg5[%scan3A_172, %parallel_loop3A_397, %parallel_loop3A_398, %parallel_loop3A_399] : memref<2x52x8x128xf32, #tpu.memory_space<vmem>> -> memref<1x52x8x128xf32, #tpu.memory_space<vmem>>
        %parallel_loop3A_401 = tpu.memref_squeeze %parallel_loop3A_400 : memref<1x52x8x128xf32, #tpu.memory_space<vmem>> -> memref<52x8x128xf32, #tpu.memory_space<vmem>>
        %parallel_loop3A_402 = tpu.vector_load_idx %parallel_loop3A_401[%parallel_loop3A_389, %broadcast_in_dim3A_0, %parallel_loop3A_392] : memref<52x8x128xf32, #tpu.memory_space<vmem>>[vector<16xi32>, vector<16xi32>, vector<16xi32>], vector<16xf32>,
        %parallel_loop3A_403 = arith.constant 1 : i32
        %parallel_loop3A_404 = arith.constant 0 : i32
        %parallel_loop3A_405 = arith.index_cast %parallel_loop3A_403 : i32 to index
        %parallel_loop3A_406 = arith.index_cast %parallel_loop3A_394 : i32 to index
        %parallel_loop3A_407 = arith.index_cast %parallel_loop3A_404 : i32 to index
        %parallel_loop3A_408 = arith.index_cast %parallel_loop3A_396 : i32 to index
        %parallel_loop3A_409 = tpu.vector_load %arg7[%parallel_loop3A_405, %parallel_loop3A_406, %parallel_loop3A_407, %parallel_loop3A_408] {strides = array<i32>} : memref<2x8x8x128xf32, #tpu.memory_space<vmem>>, vector<16xf32>,
        tpu.vector_store %arg7[%parallel_loop3A_405, %parallel_loop3A_406, %parallel_loop3A_407, %parallel_loop3A_408], %parallel_loop3A_402 {strides = array<i32>} : memref<2x8x8x128xf32, #tpu.memory_space<vmem>>, vector<16xf32>,
        %parallel_loop3A_410 = arith.constant 0 : i32
        %parallel_loop3A_411 = arith.constant 0 : i32
        %parallel_loop3A_412 = arith.constant 0 : i32
        %parallel_loop3A_413 = tpu.memref_slice %arg5[%scan3A_172, %parallel_loop3A_410, %parallel_loop3A_411, %parallel_loop3A_412] : memref<2x52x8x128xf32, #tpu.memory_space<vmem>> -> memref<1x52x8x128xf32, #tpu.memory_space<vmem>>
        %parallel_loop3A_414 = tpu.memref_squeeze %parallel_loop3A_413 : memref<1x52x8x128xf32, #tpu.memory_space<vmem>> -> memref<52x8x128xf32, #tpu.memory_space<vmem>>
        %parallel_loop3A_415 = tpu.vector_load_idx %parallel_loop3A_414[%parallel_loop3A_389, %broadcast_in_dim3A_2, %parallel_loop3A_392] : memref<52x8x128xf32, #tpu.memory_space<vmem>>[vector<16xi32>, vector<16xi32>, vector<16xi32>], vector<16xf32>,
        %parallel_loop3A_416 = arith.constant 1 : i32
        %parallel_loop3A_417 = arith.constant 1 : i32
        %parallel_loop3A_418 = arith.index_cast %parallel_loop3A_416 : i32 to index
        %parallel_loop3A_419 = arith.index_cast %parallel_loop3A_394 : i32 to index
        %parallel_loop3A_420 = arith.index_cast %parallel_loop3A_417 : i32 to index
        %parallel_loop3A_421 = arith.index_cast %parallel_loop3A_396 : i32 to index
        %parallel_loop3A_422 = tpu.vector_load %arg7[%parallel_loop3A_418, %parallel_loop3A_419, %parallel_loop3A_420, %parallel_loop3A_421] {strides = array<i32>} : memref<2x8x8x128xf32, #tpu.memory_space<vmem>>, vector<16xf32>,
        tpu.vector_store %arg7[%parallel_loop3A_418, %parallel_loop3A_419, %parallel_loop3A_420, %parallel_loop3A_421], %parallel_loop3A_415 {strides = array<i32>} : memref<2x8x8x128xf32, #tpu.memory_space<vmem>>, vector<16xf32>,
        %parallel_loop3A_423 = arith.constant 0 : i32
        %parallel_loop3A_424 = arith.constant 0 : i32
        %parallel_loop3A_425 = arith.constant 0 : i32
        %parallel_loop3A_426 = tpu.memref_slice %arg5[%scan3A_172, %parallel_loop3A_423, %parallel_loop3A_424, %parallel_loop3A_425] : memref<2x52x8x128xf32, #tpu.memory_space<vmem>> -> memref<1x52x8x128xf32, #tpu.memory_space<vmem>>
        %parallel_loop3A_427 = tpu.memref_squeeze %parallel_loop3A_426 : memref<1x52x8x128xf32, #tpu.memory_space<vmem>> -> memref<52x8x128xf32, #tpu.memory_space<vmem>>
        %parallel_loop3A_428 = tpu.vector_load_idx %parallel_loop3A_427[%parallel_loop3A_389, %broadcast_in_dim3A_4, %parallel_loop3A_392] : memref<52x8x128xf32, #tpu.memory_space<vmem>>[vector<16xi32>, vector<16xi32>, vector<16xi32>], vector<16xf32>,
        %parallel_loop3A_429 = arith.constant 1 : i32
        %parallel_loop3A_430 = arith.constant 2 : i32
        %parallel_loop3A_431 = arith.index_cast %parallel_loop3A_429 : i32 to index
        %parallel_loop3A_432 = arith.index_cast %parallel_loop3A_394 : i32 to index
        %parallel_loop3A_433 = arith.index_cast %parallel_loop3A_430 : i32 to index
        %parallel_loop3A_434 = arith.index_cast %parallel_loop3A_396 : i32 to index
        %parallel_loop3A_435 = tpu.vector_load %arg7[%parallel_loop3A_431, %parallel_loop3A_432, %parallel_loop3A_433, %parallel_loop3A_434] {strides = array<i32>} : memref<2x8x8x128xf32, #tpu.memory_space<vmem>>, vector<16xf32>,
        tpu.vector_store %arg7[%parallel_loop3A_431, %parallel_loop3A_432, %parallel_loop3A_433, %parallel_loop3A_434], %parallel_loop3A_428 {strides = array<i32>} : memref<2x8x8x128xf32, #tpu.memory_space<vmem>>, vector<16xf32>,
        %parallel_loop3A_436 = arith.constant 0 : i32
        %parallel_loop3A_437 = arith.constant 0 : i32
        %parallel_loop3A_438 = arith.constant 0 : i32
        %parallel_loop3A_439 = tpu.memref_slice %arg5[%scan3A_172, %parallel_loop3A_436, %parallel_loop3A_437, %parallel_loop3A_438] : memref<2x52x8x128xf32, #tpu.memory_space<vmem>> -> memref<1x52x8x128xf32, #tpu.memory_space<vmem>>
        %parallel_loop3A_440 = tpu.memref_squeeze %parallel_loop3A_439 : memref<1x52x8x128xf32, #tpu.memory_space<vmem>> -> memref<52x8x128xf32, #tpu.memory_space<vmem>>
        %parallel_loop3A_441 = tpu.vector_load_idx %parallel_loop3A_440[%parallel_loop3A_389, %broadcast_in_dim3A_6, %parallel_loop3A_392] : memref<52x8x128xf32, #tpu.memory_space<vmem>>[vector<16xi32>, vector<16xi32>, vector<16xi32>], vector<16xf32>,
        %parallel_loop3A_442 = arith.constant 1 : i32
        %parallel_loop3A_443 = arith.constant 3 : i32
        %parallel_loop3A_444 = arith.index_cast %parallel_loop3A_442 : i32 to index
        %parallel_loop3A_445 = arith.index_cast %parallel_loop3A_394 : i32 to index
        %parallel_loop3A_446 = arith.index_cast %parallel_loop3A_443 : i32 to index
        %parallel_loop3A_447 = arith.index_cast %parallel_loop3A_396 : i32 to index
        %parallel_loop3A_448 = tpu.vector_load %arg7[%parallel_loop3A_444, %parallel_loop3A_445, %parallel_loop3A_446, %parallel_loop3A_447] {strides = array<i32>} : memref<2x8x8x128xf32, #tpu.memory_space<vmem>>, vector<16xf32>,
        tpu.vector_store %arg7[%parallel_loop3A_444, %parallel_loop3A_445, %parallel_loop3A_446, %parallel_loop3A_447], %parallel_loop3A_441 {strides = array<i32>} : memref<2x8x8x128xf32, #tpu.memory_space<vmem>>, vector<16xf32>,
        %parallel_loop3A_449 = arith.constant 0 : i32
        %parallel_loop3A_450 = arith.constant 0 : i32
        %parallel_loop3A_451 = arith.constant 0 : i32
        %parallel_loop3A_452 = tpu.memref_slice %arg5[%scan3A_172, %parallel_loop3A_449, %parallel_loop3A_450, %parallel_loop3A_451] : memref<2x52x8x128xf32, #tpu.memory_space<vmem>> -> memref<1x52x8x128xf32, #tpu.memory_space<vmem>>
        %parallel_loop3A_453 = tpu.memref_squeeze %parallel_loop3A_452 : memref<1x52x8x128xf32, #tpu.memory_space<vmem>> -> memref<52x8x128xf32, #tpu.memory_space<vmem>>
        %parallel_loop3A_454 = tpu.vector_load_idx %parallel_loop3A_453[%parallel_loop3A_389, %broadcast_in_dim3A_8, %parallel_loop3A_392] : memref<52x8x128xf32, #tpu.memory_space<vmem>>[vector<16xi32>, vector<16xi32>, vector<16xi32>], vector<16xf32>,
        %parallel_loop3A_455 = arith.constant 1 : i32
        %parallel_loop3A_456 = arith.constant 4 : i32
        %parallel_loop3A_457 = arith.index_cast %parallel_loop3A_455 : i32 to index
        %parallel_loop3A_458 = arith.index_cast %parallel_loop3A_394 : i32 to index
        %parallel_loop3A_459 = arith.index_cast %parallel_loop3A_456 : i32 to index
        %parallel_loop3A_460 = arith.index_cast %parallel_loop3A_396 : i32 to index
        %parallel_loop3A_461 = tpu.vector_load %arg7[%parallel_loop3A_457, %parallel_loop3A_458, %parallel_loop3A_459, %parallel_loop3A_460] {strides = array<i32>} : memref<2x8x8x128xf32, #tpu.memory_space<vmem>>, vector<16xf32>,
        tpu.vector_store %arg7[%parallel_loop3A_457, %parallel_loop3A_458, %parallel_loop3A_459, %parallel_loop3A_460], %parallel_loop3A_454 {strides = array<i32>} : memref<2x8x8x128xf32, #tpu.memory_space<vmem>>, vector<16xf32>,
        %parallel_loop3A_462 = arith.constant 0 : i32
        %parallel_loop3A_463 = arith.constant 0 : i32
        %parallel_loop3A_464 = arith.constant 0 : i32
        %parallel_loop3A_465 = tpu.memref_slice %arg5[%scan3A_172, %parallel_loop3A_462, %parallel_loop3A_463, %parallel_loop3A_464] : memref<2x52x8x128xf32, #tpu.memory_space<vmem>> -> memref<1x52x8x128xf32, #tpu.memory_space<vmem>>
        %parallel_loop3A_466 = tpu.memref_squeeze %parallel_loop3A_465 : memref<1x52x8x128xf32, #tpu.memory_space<vmem>> -> memref<52x8x128xf32, #tpu.memory_space<vmem>>
        %parallel_loop3A_467 = tpu.vector_load_idx %parallel_loop3A_466[%parallel_loop3A_389, %broadcast_in_dim3A_10, %parallel_loop3A_392] : memref<52x8x128xf32, #tpu.memory_space<vmem>>[vector<16xi32>, vector<16xi32>, vector<16xi32>], vector<16xf32>,
        %parallel_loop3A_468 = arith.constant 1 : i32
        %parallel_loop3A_469 = arith.constant 5 : i32
        %parallel_loop3A_470 = arith.index_cast %parallel_loop3A_468 : i32 to index
        %parallel_loop3A_471 = arith.index_cast %parallel_loop3A_394 : i32 to index
        %parallel_loop3A_472 = arith.index_cast %parallel_loop3A_469 : i32 to index
        %parallel_loop3A_473 = arith.index_cast %parallel_loop3A_396 : i32 to index
        %parallel_loop3A_474 = tpu.vector_load %arg7[%parallel_loop3A_470, %parallel_loop3A_471, %parallel_loop3A_472, %parallel_loop3A_473] {strides = array<i32>} : memref<2x8x8x128xf32, #tpu.memory_space<vmem>>, vector<16xf32>,
        tpu.vector_store %arg7[%parallel_loop3A_470, %parallel_loop3A_471, %parallel_loop3A_472, %parallel_loop3A_473], %parallel_loop3A_467 {strides = array<i32>} : memref<2x8x8x128xf32, #tpu.memory_space<vmem>>, vector<16xf32>,
        %parallel_loop3A_475 = arith.constant 0 : i32
        %parallel_loop3A_476 = arith.constant 0 : i32
        %parallel_loop3A_477 = arith.constant 0 : i32
        %parallel_loop3A_478 = tpu.memref_slice %arg5[%scan3A_172, %parallel_loop3A_475, %parallel_loop3A_476, %parallel_loop3A_477] : memref<2x52x8x128xf32, #tpu.memory_space<vmem>> -> memref<1x52x8x128xf32, #tpu.memory_space<vmem>>
        %parallel_loop3A_479 = tpu.memref_squeeze %parallel_loop3A_478 : memref<1x52x8x128xf32, #tpu.memory_space<vmem>> -> memref<52x8x128xf32, #tpu.memory_space<vmem>>
        %parallel_loop3A_480 = tpu.vector_load_idx %parallel_loop3A_479[%parallel_loop3A_389, %broadcast_in_dim3A_12, %parallel_loop3A_392] : memref<52x8x128xf32, #tpu.memory_space<vmem>>[vector<16xi32>, vector<16xi32>, vector<16xi32>], vector<16xf32>,
        %parallel_loop3A_481 = arith.constant 1 : i32
        %parallel_loop3A_482 = arith.constant 6 : i32
        %parallel_loop3A_483 = arith.index_cast %parallel_loop3A_481 : i32 to index
        %parallel_loop3A_484 = arith.index_cast %parallel_loop3A_394 : i32 to index
        %parallel_loop3A_485 = arith.index_cast %parallel_loop3A_482 : i32 to index
        %parallel_loop3A_486 = arith.index_cast %parallel_loop3A_396 : i32 to index
        %parallel_loop3A_487 = tpu.vector_load %arg7[%parallel_loop3A_483, %parallel_loop3A_484, %parallel_loop3A_485, %parallel_loop3A_486] {strides = array<i32>} : memref<2x8x8x128xf32, #tpu.memory_space<vmem>>, vector<16xf32>,
        tpu.vector_store %arg7[%parallel_loop3A_483, %parallel_loop3A_484, %parallel_loop3A_485, %parallel_loop3A_486], %parallel_loop3A_480 {strides = array<i32>} : memref<2x8x8x128xf32, #tpu.memory_space<vmem>>, vector<16xf32>,
        %parallel_loop3A_488 = arith.constant 0 : i32
        %parallel_loop3A_489 = arith.constant 0 : i32
        %parallel_loop3A_490 = arith.constant 0 : i32
        %parallel_loop3A_491 = tpu.memref_slice %arg5[%scan3A_172, %parallel_loop3A_488, %parallel_loop3A_489, %parallel_loop3A_490] : memref<2x52x8x128xf32, #tpu.memory_space<vmem>> -> memref<1x52x8x128xf32, #tpu.memory_space<vmem>>
        %parallel_loop3A_492 = tpu.memref_squeeze %parallel_loop3A_491 : memref<1x52x8x128xf32, #tpu.memory_space<vmem>> -> memref<52x8x128xf32, #tpu.memory_space<vmem>>
        %parallel_loop3A_493 = tpu.vector_load_idx %parallel_loop3A_492[%parallel_loop3A_389, %broadcast_in_dim3A_14, %parallel_loop3A_392] : memref<52x8x128xf32, #tpu.memory_space<vmem>>[vector<16xi32>, vector<16xi32>, vector<16xi32>], vector<16xf32>,
        %parallel_loop3A_494 = arith.constant 1 : i32
        %parallel_loop3A_495 = arith.constant 7 : i32
        %parallel_loop3A_496 = arith.index_cast %parallel_loop3A_494 : i32 to index
        %parallel_loop3A_497 = arith.index_cast %parallel_loop3A_394 : i32 to index
        %parallel_loop3A_498 = arith.index_cast %parallel_loop3A_495 : i32 to index
        %parallel_loop3A_499 = arith.index_cast %parallel_loop3A_396 : i32 to index
        %parallel_loop3A_500 = tpu.vector_load %arg7[%parallel_loop3A_496, %parallel_loop3A_497, %parallel_loop3A_498, %parallel_loop3A_499] {strides = array<i32>} : memref<2x8x8x128xf32, #tpu.memory_space<vmem>>, vector<16xf32>,
        tpu.vector_store %arg7[%parallel_loop3A_496, %parallel_loop3A_497, %parallel_loop3A_498, %parallel_loop3A_499], %parallel_loop3A_493 {strides = array<i32>} : memref<2x8x8x128xf32, #tpu.memory_space<vmem>>, vector<16xf32>,
      } {sc.loop_unroll_factor = 4 : i64, sc.parallel_access}
      %dma_start3A_359 = arith.constant 1 : i32
      %dma_start3A_360 = arith.constant 0 : i32
      %dma_start3A_361 = arith.constant 0 : i32
      %dma_start3A_362 = arith.constant 0 : i32
      %dma_start3A_363 = tpu.memref_slice %arg7[%dma_start3A_359, %dma_start3A_360, %dma_start3A_361, %dma_start3A_362] : memref<2x8x8x128xf32, #tpu.memory_space<vmem>> -> memref<1x8x8x128xf32, #tpu.memory_space<vmem>>
      %dma_start3A_364 = tpu.memref_squeeze %dma_start3A_363 : memref<1x8x8x128xf32, #tpu.memory_space<vmem>> -> memref<8x8x128xf32, #tpu.memory_space<vmem>>
      %dma_start3A_365 = arith.constant 8 : i32
      %dma_start3A_366 = arith.constant 0 : i32
      %dma_start3A_367 = arith.constant 0 : i32
      %dma_start3A_368 = tpu.memref_slice %arg4[%scan3A_274, %add3A_171, %dma_start3A_365, %dma_start3A_366, %dma_start3A_367] : memref<16x96x16x8x128xf32, #tpu.memory_space<hbm>> -> memref<1x1x8x8x128xf32, #tpu.memory_space<hbm>>
      %dma_start3A_369 = tpu.memref_squeeze %dma_start3A_368 : memref<1x1x8x8x128xf32, #tpu.memory_space<hbm>> -> memref<8x8x128xf32, #tpu.memory_space<hbm>>
      %dma_start3A_370 = arith.constant 8 : i32
      %dma_start3A_371 = arith.constant 0 : i32
      %dma_start3A_372 = arith.constant 0 : i32
      %dma_start3A_373 = tpu.memref_slice %arg4[%scan3A_274, %add3A_171, %dma_start3A_370, %dma_start3A_371, %dma_start3A_372] : memref<16x96x16x8x128xf32, #tpu.memory_space<hbm>> -> memref<1x1x8x8x128xf32, #tpu.memory_space<hbm>>
      %dma_start3A_374 = tpu.memref_squeeze %dma_start3A_373 : memref<1x1x8x8x128xf32, #tpu.memory_space<hbm>> -> memref<8x8x128xf32, #tpu.memory_space<hbm>>
      %dma_start3A_375 = arith.constant 0 : i32
      %dma_start3A_376 = arith.constant 0 : i32
      %dma_start3A_377 = arith.constant 0 : i32
      %dma_start3A_378 = tpu.memref_slice %arg7[%dma_start3A_359, %dma_start3A_375, %dma_start3A_376, %dma_start3A_377] : memref<2x8x8x128xf32, #tpu.memory_space<vmem>> -> memref<1x8x8x128xf32, #tpu.memory_space<vmem>>
      %dma_start3A_379 = tpu.memref_squeeze %dma_start3A_378 : memref<1x8x8x128xf32, #tpu.memory_space<vmem>> -> memref<8x8x128xf32, #tpu.memory_space<vmem>>
      tpu.enqueue_dma source(%dma_start3A_379 : memref<8x8x128xf32, #tpu.memory_space<vmem>>) target(%dma_start3A_374 : memref<8x8x128xf32, #tpu.memory_space<hbm>>) target_semaphore(%arg8 : memref<!tpu.dma_semaphore, #tpu.memory_space<semaphore_mem>>)
      %scan3A_380 = arith.constant 0 : i32
      scf.yield %scan3A_380 : i32
    }
    %scan3A_179 = arith.constant 16 : i32
    %dma_wait3A_180 = arith.constant 0 : i32
    %dma_wait3A_181 = arith.constant 0 : i32
    %dma_wait3A_182 = arith.constant 0 : i32
    %dma_wait3A_183 = arith.constant 0 : i32
    %dma_wait3A_184 = tpu.memref_slice %arg5[%dma_wait3A_180, %dma_wait3A_181, %dma_wait3A_182, %dma_wait3A_183] : memref<2x52x8x128xf32, #tpu.memory_space<vmem>> -> memref<1x52x8x128xf32, #tpu.memory_space<vmem>>
    %dma_wait3A_185 = tpu.memref_squeeze %dma_wait3A_184 : memref<1x52x8x128xf32, #tpu.memory_space<vmem>> -> memref<52x8x128xf32, #tpu.memory_space<vmem>>
    %dma_wait3A_186 = arith.constant 0 : i32
    %dma_wait3A_187 = arith.constant 0 : i32
    %dma_wait3A_188 = arith.constant 0 : i32
    %dma_wait3A_189 = tpu.memref_slice %arg3[%add3A_143, %dma_wait3A_186, %dma_wait3A_187, %dma_wait3A_188] : memref<96x52x8x128xf32, #tpu.memory_space<hbm>> -> memref<1x52x8x128xf32, #tpu.memory_space<hbm>>
    %dma_wait3A_190 = tpu.memref_squeeze %dma_wait3A_189 : memref<1x52x8x128xf32, #tpu.memory_space<hbm>> -> memref<52x8x128xf32, #tpu.memory_space<hbm>>
    %dma_wait3A_191 = arith.constant 0 : i32
    %dma_wait3A_192 = arith.constant 0 : i32
    %dma_wait3A_193 = arith.constant 0 : i32
    %dma_wait3A_194 = tpu.memref_slice %arg5[%dma_wait3A_180, %dma_wait3A_191, %dma_wait3A_192, %dma_wait3A_193] : memref<2x52x8x128xf32, #tpu.memory_space<vmem>> -> memref<1x52x8x128xf32, #tpu.memory_space<vmem>>
    %dma_wait3A_195 = tpu.memref_squeeze %dma_wait3A_194 : memref<1x52x8x128xf32, #tpu.memory_space<vmem>> -> memref<52x8x128xf32, #tpu.memory_space<vmem>>
    %dma_wait3A_196 = arith.constant 0 : i32
    %dma_wait3A_197 = arith.constant 0 : i32
    %dma_wait3A_198 = arith.constant 0 : i32
    %dma_wait3A_199 = tpu.memref_slice %arg3[%add3A_143, %dma_wait3A_196, %dma_wait3A_197, %dma_wait3A_198] : memref<96x52x8x128xf32, #tpu.memory_space<hbm>> -> memref<1x52x8x128xf32, #tpu.memory_space<hbm>>
    %dma_wait3A_200 = tpu.memref_squeeze %dma_wait3A_199 : memref<1x52x8x128xf32, #tpu.memory_space<hbm>> -> memref<52x8x128xf32, #tpu.memory_space<hbm>>
    tpu.wait_dma2 semaphore(%arg10 : memref<!tpu.dma_semaphore, #tpu.memory_space<semaphore_mem>>) src(%dma_wait3A_200 : memref<52x8x128xf32, #tpu.memory_space<hbm>>) dst(%dma_wait3A_195 : memref<52x8x128xf32, #tpu.memory_space<vmem>>)
    %mul3A_201 = arith.constant 3 : i32
    %mul3A_202 = arith.muli %arg0, %mul3A_201 : i32
    %add3A_203 = arith.constant 2 : i32
    %add3A_204 = arith.addi %mul3A_202, %add3A_203 : i32
    %mul3A_205 = arith.constant 16 : i32
    %mul3A_206 = arith.muli %add3A_204, %mul3A_205 : i32
    %add3A_207 = arith.addi %mul3A_206, %arg1 : i32
    %scan3A_208 = arith.constant 0 : i32
    %scan3A_209 = arith.constant 0 : i32
    %scan3A_210 = arith.constant 0 : i32
    %scan3A_211 = arith.constant 16 : i32
    %scan3A_212 = arith.addi %scan3A_210, %scan3A_211 : i32
    %scan3A_213 = arith.constant 1 : i32
    %scan3A_214 = scf.for %scan3A_274 = %scan3A_210 to %scan3A_212 step %scan3A_213 iter_args(%scan3A_275 = %scan3A_209) -> (i32)  : i32 {
      %and3A = arith.constant 1 : i32
      %and3A_276 = arith.andi %scan3A_274, %and3A : i32
      %dma_wait3A_277 = arith.constant 0 : i32
      %dma_wait3A_278 = tpu.memref_slice %arg6[%and3A_276, %dma_wait3A_277] : memref<2x2048xi32, #tpu.memory_space<vmem>> -> memref<1x2048xi32, #tpu.memory_space<vmem>>
      %dma_wait3A_279 = tpu.memref_squeeze %dma_wait3A_278 : memref<1x2048xi32, #tpu.memory_space<vmem>> -> memref<2048xi32, #tpu.memory_space<vmem>>
      %dma_wait3A_280 = arith.constant 0 : i32
      %dma_wait3A_281 = tpu.memref_slice %arg2[%scan3A_274, %dma_wait3A_280] : memref<16x2048xi32, #tpu.memory_space<hbm>> -> memref<1x2048xi32, #tpu.memory_space<hbm>>
      %dma_wait3A_282 = tpu.memref_squeeze %dma_wait3A_281 : memref<1x2048xi32, #tpu.memory_space<hbm>> -> memref<2048xi32, #tpu.memory_space<hbm>>
      %dma_wait3A_283 = arith.constant 0 : i32
      %dma_wait3A_284 = tpu.memref_slice %arg6[%and3A_276, %dma_wait3A_283] : memref<2x2048xi32, #tpu.memory_space<vmem>> -> memref<1x2048xi32, #tpu.memory_space<vmem>>
      %dma_wait3A_285 = tpu.memref_squeeze %dma_wait3A_284 : memref<1x2048xi32, #tpu.memory_space<vmem>> -> memref<2048xi32, #tpu.memory_space<vmem>>
      %dma_wait3A_286 = arith.constant 0 : i32
      %dma_wait3A_287 = tpu.memref_slice %arg2[%scan3A_274, %dma_wait3A_286] : memref<16x2048xi32, #tpu.memory_space<hbm>> -> memref<1x2048xi32, #tpu.memory_space<hbm>>
      %dma_wait3A_288 = tpu.memref_squeeze %dma_wait3A_287 : memref<1x2048xi32, #tpu.memory_space<hbm>> -> memref<2048xi32, #tpu.memory_space<hbm>>
      tpu.wait_dma2 semaphore(%arg9 : memref<!tpu.dma_semaphore, #tpu.memory_space<semaphore_mem>>) src(%dma_wait3A_288 : memref<2048xi32, #tpu.memory_space<hbm>>) dst(%dma_wait3A_285 : memref<2048xi32, #tpu.memory_space<vmem>>)
      %lt3A = arith.constant 15 : i32
      %lt3A_289 = arith.cmpi slt, %scan3A_274, %lt3A : i32
      %convert_element_type3A = arith.extui %lt3A_289 : i1 to i32
      %cond3A = arith.constant 0 : i32
      %cond3A_290 = arith.cmpi ne, %convert_element_type3A, %cond3A : i32
      scf.if %cond3A_290 {
        %add3A_381 = arith.constant 1 : i32
        %add3A_382 = arith.addi %scan3A_274, %add3A_381 : i32
        %and3A_383 = arith.constant 15 : i32
        %and3A_384 = arith.andi %add3A_382, %and3A_383 : i32
        %sub3A = arith.constant 1 : i32
        %sub3A_385 = arith.subi %sub3A, %and3A_276 : i32
        %dma_start3A_386 = arith.constant 0 : i32
        %dma_start3A_387 = tpu.memref_slice %arg6[%sub3A_385, %dma_start3A_386] : memref<2x2048xi32, #tpu.memory_space<vmem>> -> memref<1x2048xi32, #tpu.memory_space<vmem>>
        %dma_start3A_388 = tpu.memref_squeeze %dma_start3A_387 : memref<1x2048xi32, #tpu.memory_space<vmem>> -> memref<2048xi32, #tpu.memory_space<vmem>>
        %dma_start3A_389 = arith.constant 0 : i32
        %dma_start3A_390 = tpu.memref_slice %arg2[%and3A_384, %dma_start3A_389] : memref<16x2048xi32, #tpu.memory_space<hbm>> -> memref<1x2048xi32, #tpu.memory_space<hbm>>
        %dma_start3A_391 = tpu.memref_squeeze %dma_start3A_390 : memref<1x2048xi32, #tpu.memory_space<hbm>> -> memref<2048xi32, #tpu.memory_space<hbm>>
        %dma_start3A_392 = arith.constant 0 : i32
        %dma_start3A_393 = tpu.memref_slice %arg6[%sub3A_385, %dma_start3A_392] : memref<2x2048xi32, #tpu.memory_space<vmem>> -> memref<1x2048xi32, #tpu.memory_space<vmem>>
        %dma_start3A_394 = tpu.memref_squeeze %dma_start3A_393 : memref<1x2048xi32, #tpu.memory_space<vmem>> -> memref<2048xi32, #tpu.memory_space<vmem>>
        %dma_start3A_395 = arith.constant 0 : i32
        %dma_start3A_396 = tpu.memref_slice %arg2[%and3A_384, %dma_start3A_395] : memref<16x2048xi32, #tpu.memory_space<hbm>> -> memref<1x2048xi32, #tpu.memory_space<hbm>>
        %dma_start3A_397 = tpu.memref_squeeze %dma_start3A_396 : memref<1x2048xi32, #tpu.memory_space<hbm>> -> memref<2048xi32, #tpu.memory_space<hbm>>
        tpu.enqueue_dma source(%dma_start3A_397 : memref<2048xi32, #tpu.memory_space<hbm>>) target(%dma_start3A_394 : memref<2048xi32, #tpu.memory_space<vmem>>) target_semaphore(%arg9 : memref<!tpu.dma_semaphore, #tpu.memory_space<semaphore_mem>>)
      } else {
      }
      %dma_wait3A_291 = arith.constant 0 : i32
      %dma_wait3A_292 = arith.constant 0 : i32
      %dma_wait3A_293 = arith.constant 0 : i32
      %dma_wait3A_294 = arith.constant 0 : i32
      %dma_wait3A_295 = tpu.memref_slice %arg7[%dma_wait3A_291, %dma_wait3A_292, %dma_wait3A_293, %dma_wait3A_294] : memref<2x8x8x128xf32, #tpu.memory_space<vmem>> -> memref<1x8x8x128xf32, #tpu.memory_space<vmem>>
      %dma_wait3A_296 = tpu.memref_squeeze %dma_wait3A_295 : memref<1x8x8x128xf32, #tpu.memory_space<vmem>> -> memref<8x8x128xf32, #tpu.memory_space<vmem>>
      %dma_wait3A_297 = arith.constant 0 : i32
      %dma_wait3A_298 = arith.constant 0 : i32
      %dma_wait3A_299 = arith.constant 0 : i32
      %dma_wait3A_300 = tpu.memref_slice %arg4[%scan3A_274, %add3A_207, %dma_wait3A_297, %dma_wait3A_298, %dma_wait3A_299] : memref<16x96x16x8x128xf32, #tpu.memory_space<hbm>> -> memref<1x1x8x8x128xf32, #tpu.memory_space<hbm>>
      %dma_wait3A_301 = tpu.memref_squeeze %dma_wait3A_300 : memref<1x1x8x8x128xf32, #tpu.memory_space<hbm>> -> memref<8x8x128xf32, #tpu.memory_space<hbm>>
      %dma_wait3A_302 = arith.constant 0 : i32
      %dma_wait3A_303 = arith.constant 0 : i32
      %dma_wait3A_304 = arith.constant 0 : i32
      %dma_wait3A_305 = tpu.memref_slice %arg4[%scan3A_274, %add3A_207, %dma_wait3A_302, %dma_wait3A_303, %dma_wait3A_304] : memref<16x96x16x8x128xf32, #tpu.memory_space<hbm>> -> memref<1x1x8x8x128xf32, #tpu.memory_space<hbm>>
      %dma_wait3A_306 = tpu.memref_squeeze %dma_wait3A_305 : memref<1x1x8x8x128xf32, #tpu.memory_space<hbm>> -> memref<8x8x128xf32, #tpu.memory_space<hbm>>
      %dma_wait3A_307 = arith.constant 0 : i32
      %dma_wait3A_308 = arith.constant 0 : i32
      %dma_wait3A_309 = arith.constant 0 : i32
      %dma_wait3A_310 = tpu.memref_slice %arg7[%dma_wait3A_291, %dma_wait3A_307, %dma_wait3A_308, %dma_wait3A_309] : memref<2x8x8x128xf32, #tpu.memory_space<vmem>> -> memref<1x8x8x128xf32, #tpu.memory_space<vmem>>
      %dma_wait3A_311 = tpu.memref_squeeze %dma_wait3A_310 : memref<1x8x8x128xf32, #tpu.memory_space<vmem>> -> memref<8x8x128xf32, #tpu.memory_space<vmem>>
      tpu.wait_dma2 semaphore(%arg8 : memref<!tpu.dma_semaphore, #tpu.memory_space<semaphore_mem>>) src(%dma_wait3A_311 : memref<8x8x128xf32, #tpu.memory_space<vmem>>) dst(%dma_wait3A_306 : memref<8x8x128xf32, #tpu.memory_space<hbm>>)
      %parallel_loop3A = arith.constant 0 : i32
      %parallel_loop3A_312 = arith.constant 1024 : i32
      %parallel_loop3A_313 = arith.constant 16 : i32
      scf.for %parallel_loop3A_381 = %parallel_loop3A to %parallel_loop3A_312 step %parallel_loop3A_313  : i32 {
        %parallel_loop3A_382 = arith.constant 0 : i32
        %parallel_loop3A_383 = arith.addi %parallel_loop3A_382, %parallel_loop3A_381 : i32
        %parallel_loop3A_384 = arith.index_cast %and3A_276 : i32 to index
        %parallel_loop3A_385 = arith.index_cast %parallel_loop3A_383 : i32 to index
        %parallel_loop3A_386 = tpu.vector_load %arg6[%parallel_loop3A_384, %parallel_loop3A_385] {strides = array<i32>} : memref<2x2048xi32, #tpu.memory_space<vmem>>, vector<16xi32>,
        %parallel_loop3A_387 = arith.constant 7 : i32
        %parallel_loop3A_388 = vector.broadcast %parallel_loop3A_387 : i32 to vector<16xi32>
        %parallel_loop3A_389 = arith.shrui %parallel_loop3A_386, %parallel_loop3A_388 : vector<16xi32>
        %parallel_loop3A_390 = arith.constant 127 : i32
        %parallel_loop3A_391 = vector.broadcast %parallel_loop3A_390 : i32 to vector<16xi32>
        %parallel_loop3A_392 = arith.andi %parallel_loop3A_386, %parallel_loop3A_391 : vector<16xi32>
        %parallel_loop3A_393 = arith.constant 7 : i32
        %parallel_loop3A_394 = arith.shrui %parallel_loop3A_381, %parallel_loop3A_393 : i32
        %parallel_loop3A_395 = arith.constant 127 : i32
        %parallel_loop3A_396 = arith.andi %parallel_loop3A_381, %parallel_loop3A_395 : i32
        %parallel_loop3A_397 = arith.constant 0 : i32
        %parallel_loop3A_398 = arith.constant 0 : i32
        %parallel_loop3A_399 = arith.constant 0 : i32
        %parallel_loop3A_400 = tpu.memref_slice %arg5[%scan3A_208, %parallel_loop3A_397, %parallel_loop3A_398, %parallel_loop3A_399] : memref<2x52x8x128xf32, #tpu.memory_space<vmem>> -> memref<1x52x8x128xf32, #tpu.memory_space<vmem>>
        %parallel_loop3A_401 = tpu.memref_squeeze %parallel_loop3A_400 : memref<1x52x8x128xf32, #tpu.memory_space<vmem>> -> memref<52x8x128xf32, #tpu.memory_space<vmem>>
        %parallel_loop3A_402 = tpu.vector_load_idx %parallel_loop3A_401[%parallel_loop3A_389, %broadcast_in_dim3A_0, %parallel_loop3A_392] : memref<52x8x128xf32, #tpu.memory_space<vmem>>[vector<16xi32>, vector<16xi32>, vector<16xi32>], vector<16xf32>,
        %parallel_loop3A_403 = arith.constant 0 : i32
        %parallel_loop3A_404 = arith.constant 0 : i32
        %parallel_loop3A_405 = arith.index_cast %parallel_loop3A_403 : i32 to index
        %parallel_loop3A_406 = arith.index_cast %parallel_loop3A_394 : i32 to index
        %parallel_loop3A_407 = arith.index_cast %parallel_loop3A_404 : i32 to index
        %parallel_loop3A_408 = arith.index_cast %parallel_loop3A_396 : i32 to index
        %parallel_loop3A_409 = tpu.vector_load %arg7[%parallel_loop3A_405, %parallel_loop3A_406, %parallel_loop3A_407, %parallel_loop3A_408] {strides = array<i32>} : memref<2x8x8x128xf32, #tpu.memory_space<vmem>>, vector<16xf32>,
        tpu.vector_store %arg7[%parallel_loop3A_405, %parallel_loop3A_406, %parallel_loop3A_407, %parallel_loop3A_408], %parallel_loop3A_402 {strides = array<i32>} : memref<2x8x8x128xf32, #tpu.memory_space<vmem>>, vector<16xf32>,
        %parallel_loop3A_410 = arith.constant 0 : i32
        %parallel_loop3A_411 = arith.constant 0 : i32
        %parallel_loop3A_412 = arith.constant 0 : i32
        %parallel_loop3A_413 = tpu.memref_slice %arg5[%scan3A_208, %parallel_loop3A_410, %parallel_loop3A_411, %parallel_loop3A_412] : memref<2x52x8x128xf32, #tpu.memory_space<vmem>> -> memref<1x52x8x128xf32, #tpu.memory_space<vmem>>
        %parallel_loop3A_414 = tpu.memref_squeeze %parallel_loop3A_413 : memref<1x52x8x128xf32, #tpu.memory_space<vmem>> -> memref<52x8x128xf32, #tpu.memory_space<vmem>>
        %parallel_loop3A_415 = tpu.vector_load_idx %parallel_loop3A_414[%parallel_loop3A_389, %broadcast_in_dim3A_2, %parallel_loop3A_392] : memref<52x8x128xf32, #tpu.memory_space<vmem>>[vector<16xi32>, vector<16xi32>, vector<16xi32>], vector<16xf32>,
        %parallel_loop3A_416 = arith.constant 0 : i32
        %parallel_loop3A_417 = arith.constant 1 : i32
        %parallel_loop3A_418 = arith.index_cast %parallel_loop3A_416 : i32 to index
        %parallel_loop3A_419 = arith.index_cast %parallel_loop3A_394 : i32 to index
        %parallel_loop3A_420 = arith.index_cast %parallel_loop3A_417 : i32 to index
        %parallel_loop3A_421 = arith.index_cast %parallel_loop3A_396 : i32 to index
        %parallel_loop3A_422 = tpu.vector_load %arg7[%parallel_loop3A_418, %parallel_loop3A_419, %parallel_loop3A_420, %parallel_loop3A_421] {strides = array<i32>} : memref<2x8x8x128xf32, #tpu.memory_space<vmem>>, vector<16xf32>,
        tpu.vector_store %arg7[%parallel_loop3A_418, %parallel_loop3A_419, %parallel_loop3A_420, %parallel_loop3A_421], %parallel_loop3A_415 {strides = array<i32>} : memref<2x8x8x128xf32, #tpu.memory_space<vmem>>, vector<16xf32>,
        %parallel_loop3A_423 = arith.constant 0 : i32
        %parallel_loop3A_424 = arith.constant 0 : i32
        %parallel_loop3A_425 = arith.constant 0 : i32
        %parallel_loop3A_426 = tpu.memref_slice %arg5[%scan3A_208, %parallel_loop3A_423, %parallel_loop3A_424, %parallel_loop3A_425] : memref<2x52x8x128xf32, #tpu.memory_space<vmem>> -> memref<1x52x8x128xf32, #tpu.memory_space<vmem>>
        %parallel_loop3A_427 = tpu.memref_squeeze %parallel_loop3A_426 : memref<1x52x8x128xf32, #tpu.memory_space<vmem>> -> memref<52x8x128xf32, #tpu.memory_space<vmem>>
        %parallel_loop3A_428 = tpu.vector_load_idx %parallel_loop3A_427[%parallel_loop3A_389, %broadcast_in_dim3A_4, %parallel_loop3A_392] : memref<52x8x128xf32, #tpu.memory_space<vmem>>[vector<16xi32>, vector<16xi32>, vector<16xi32>], vector<16xf32>,
        %parallel_loop3A_429 = arith.constant 0 : i32
        %parallel_loop3A_430 = arith.constant 2 : i32
        %parallel_loop3A_431 = arith.index_cast %parallel_loop3A_429 : i32 to index
        %parallel_loop3A_432 = arith.index_cast %parallel_loop3A_394 : i32 to index
        %parallel_loop3A_433 = arith.index_cast %parallel_loop3A_430 : i32 to index
        %parallel_loop3A_434 = arith.index_cast %parallel_loop3A_396 : i32 to index
        %parallel_loop3A_435 = tpu.vector_load %arg7[%parallel_loop3A_431, %parallel_loop3A_432, %parallel_loop3A_433, %parallel_loop3A_434] {strides = array<i32>} : memref<2x8x8x128xf32, #tpu.memory_space<vmem>>, vector<16xf32>,
        tpu.vector_store %arg7[%parallel_loop3A_431, %parallel_loop3A_432, %parallel_loop3A_433, %parallel_loop3A_434], %parallel_loop3A_428 {strides = array<i32>} : memref<2x8x8x128xf32, #tpu.memory_space<vmem>>, vector<16xf32>,
        %parallel_loop3A_436 = arith.constant 0 : i32
        %parallel_loop3A_437 = arith.constant 0 : i32
        %parallel_loop3A_438 = arith.constant 0 : i32
        %parallel_loop3A_439 = tpu.memref_slice %arg5[%scan3A_208, %parallel_loop3A_436, %parallel_loop3A_437, %parallel_loop3A_438] : memref<2x52x8x128xf32, #tpu.memory_space<vmem>> -> memref<1x52x8x128xf32, #tpu.memory_space<vmem>>
        %parallel_loop3A_440 = tpu.memref_squeeze %parallel_loop3A_439 : memref<1x52x8x128xf32, #tpu.memory_space<vmem>> -> memref<52x8x128xf32, #tpu.memory_space<vmem>>
        %parallel_loop3A_441 = tpu.vector_load_idx %parallel_loop3A_440[%parallel_loop3A_389, %broadcast_in_dim3A_6, %parallel_loop3A_392] : memref<52x8x128xf32, #tpu.memory_space<vmem>>[vector<16xi32>, vector<16xi32>, vector<16xi32>], vector<16xf32>,
        %parallel_loop3A_442 = arith.constant 0 : i32
        %parallel_loop3A_443 = arith.constant 3 : i32
        %parallel_loop3A_444 = arith.index_cast %parallel_loop3A_442 : i32 to index
        %parallel_loop3A_445 = arith.index_cast %parallel_loop3A_394 : i32 to index
        %parallel_loop3A_446 = arith.index_cast %parallel_loop3A_443 : i32 to index
        %parallel_loop3A_447 = arith.index_cast %parallel_loop3A_396 : i32 to index
        %parallel_loop3A_448 = tpu.vector_load %arg7[%parallel_loop3A_444, %parallel_loop3A_445, %parallel_loop3A_446, %parallel_loop3A_447] {strides = array<i32>} : memref<2x8x8x128xf32, #tpu.memory_space<vmem>>, vector<16xf32>,
        tpu.vector_store %arg7[%parallel_loop3A_444, %parallel_loop3A_445, %parallel_loop3A_446, %parallel_loop3A_447], %parallel_loop3A_441 {strides = array<i32>} : memref<2x8x8x128xf32, #tpu.memory_space<vmem>>, vector<16xf32>,
        %parallel_loop3A_449 = arith.constant 0 : i32
        %parallel_loop3A_450 = arith.constant 0 : i32
        %parallel_loop3A_451 = arith.constant 0 : i32
        %parallel_loop3A_452 = tpu.memref_slice %arg5[%scan3A_208, %parallel_loop3A_449, %parallel_loop3A_450, %parallel_loop3A_451] : memref<2x52x8x128xf32, #tpu.memory_space<vmem>> -> memref<1x52x8x128xf32, #tpu.memory_space<vmem>>
        %parallel_loop3A_453 = tpu.memref_squeeze %parallel_loop3A_452 : memref<1x52x8x128xf32, #tpu.memory_space<vmem>> -> memref<52x8x128xf32, #tpu.memory_space<vmem>>
        %parallel_loop3A_454 = tpu.vector_load_idx %parallel_loop3A_453[%parallel_loop3A_389, %broadcast_in_dim3A_8, %parallel_loop3A_392] : memref<52x8x128xf32, #tpu.memory_space<vmem>>[vector<16xi32>, vector<16xi32>, vector<16xi32>], vector<16xf32>,
        %parallel_loop3A_455 = arith.constant 0 : i32
        %parallel_loop3A_456 = arith.constant 4 : i32
        %parallel_loop3A_457 = arith.index_cast %parallel_loop3A_455 : i32 to index
        %parallel_loop3A_458 = arith.index_cast %parallel_loop3A_394 : i32 to index
        %parallel_loop3A_459 = arith.index_cast %parallel_loop3A_456 : i32 to index
        %parallel_loop3A_460 = arith.index_cast %parallel_loop3A_396 : i32 to index
        %parallel_loop3A_461 = tpu.vector_load %arg7[%parallel_loop3A_457, %parallel_loop3A_458, %parallel_loop3A_459, %parallel_loop3A_460] {strides = array<i32>} : memref<2x8x8x128xf32, #tpu.memory_space<vmem>>, vector<16xf32>,
        tpu.vector_store %arg7[%parallel_loop3A_457, %parallel_loop3A_458, %parallel_loop3A_459, %parallel_loop3A_460], %parallel_loop3A_454 {strides = array<i32>} : memref<2x8x8x128xf32, #tpu.memory_space<vmem>>, vector<16xf32>,
        %parallel_loop3A_462 = arith.constant 0 : i32
        %parallel_loop3A_463 = arith.constant 0 : i32
        %parallel_loop3A_464 = arith.constant 0 : i32
        %parallel_loop3A_465 = tpu.memref_slice %arg5[%scan3A_208, %parallel_loop3A_462, %parallel_loop3A_463, %parallel_loop3A_464] : memref<2x52x8x128xf32, #tpu.memory_space<vmem>> -> memref<1x52x8x128xf32, #tpu.memory_space<vmem>>
        %parallel_loop3A_466 = tpu.memref_squeeze %parallel_loop3A_465 : memref<1x52x8x128xf32, #tpu.memory_space<vmem>> -> memref<52x8x128xf32, #tpu.memory_space<vmem>>
        %parallel_loop3A_467 = tpu.vector_load_idx %parallel_loop3A_466[%parallel_loop3A_389, %broadcast_in_dim3A_10, %parallel_loop3A_392] : memref<52x8x128xf32, #tpu.memory_space<vmem>>[vector<16xi32>, vector<16xi32>, vector<16xi32>], vector<16xf32>,
        %parallel_loop3A_468 = arith.constant 0 : i32
        %parallel_loop3A_469 = arith.constant 5 : i32
        %parallel_loop3A_470 = arith.index_cast %parallel_loop3A_468 : i32 to index
        %parallel_loop3A_471 = arith.index_cast %parallel_loop3A_394 : i32 to index
        %parallel_loop3A_472 = arith.index_cast %parallel_loop3A_469 : i32 to index
        %parallel_loop3A_473 = arith.index_cast %parallel_loop3A_396 : i32 to index
        %parallel_loop3A_474 = tpu.vector_load %arg7[%parallel_loop3A_470, %parallel_loop3A_471, %parallel_loop3A_472, %parallel_loop3A_473] {strides = array<i32>} : memref<2x8x8x128xf32, #tpu.memory_space<vmem>>, vector<16xf32>,
        tpu.vector_store %arg7[%parallel_loop3A_470, %parallel_loop3A_471, %parallel_loop3A_472, %parallel_loop3A_473], %parallel_loop3A_467 {strides = array<i32>} : memref<2x8x8x128xf32, #tpu.memory_space<vmem>>, vector<16xf32>,
        %parallel_loop3A_475 = arith.constant 0 : i32
        %parallel_loop3A_476 = arith.constant 0 : i32
        %parallel_loop3A_477 = arith.constant 0 : i32
        %parallel_loop3A_478 = tpu.memref_slice %arg5[%scan3A_208, %parallel_loop3A_475, %parallel_loop3A_476, %parallel_loop3A_477] : memref<2x52x8x128xf32, #tpu.memory_space<vmem>> -> memref<1x52x8x128xf32, #tpu.memory_space<vmem>>
        %parallel_loop3A_479 = tpu.memref_squeeze %parallel_loop3A_478 : memref<1x52x8x128xf32, #tpu.memory_space<vmem>> -> memref<52x8x128xf32, #tpu.memory_space<vmem>>
        %parallel_loop3A_480 = tpu.vector_load_idx %parallel_loop3A_479[%parallel_loop3A_389, %broadcast_in_dim3A_12, %parallel_loop3A_392] : memref<52x8x128xf32, #tpu.memory_space<vmem>>[vector<16xi32>, vector<16xi32>, vector<16xi32>], vector<16xf32>,
        %parallel_loop3A_481 = arith.constant 0 : i32
        %parallel_loop3A_482 = arith.constant 6 : i32
        %parallel_loop3A_483 = arith.index_cast %parallel_loop3A_481 : i32 to index
        %parallel_loop3A_484 = arith.index_cast %parallel_loop3A_394 : i32 to index
        %parallel_loop3A_485 = arith.index_cast %parallel_loop3A_482 : i32 to index
        %parallel_loop3A_486 = arith.index_cast %parallel_loop3A_396 : i32 to index
        %parallel_loop3A_487 = tpu.vector_load %arg7[%parallel_loop3A_483, %parallel_loop3A_484, %parallel_loop3A_485, %parallel_loop3A_486] {strides = array<i32>} : memref<2x8x8x128xf32, #tpu.memory_space<vmem>>, vector<16xf32>,
        tpu.vector_store %arg7[%parallel_loop3A_483, %parallel_loop3A_484, %parallel_loop3A_485, %parallel_loop3A_486], %parallel_loop3A_480 {strides = array<i32>} : memref<2x8x8x128xf32, #tpu.memory_space<vmem>>, vector<16xf32>,
        %parallel_loop3A_488 = arith.constant 0 : i32
        %parallel_loop3A_489 = arith.constant 0 : i32
        %parallel_loop3A_490 = arith.constant 0 : i32
        %parallel_loop3A_491 = tpu.memref_slice %arg5[%scan3A_208, %parallel_loop3A_488, %parallel_loop3A_489, %parallel_loop3A_490] : memref<2x52x8x128xf32, #tpu.memory_space<vmem>> -> memref<1x52x8x128xf32, #tpu.memory_space<vmem>>
        %parallel_loop3A_492 = tpu.memref_squeeze %parallel_loop3A_491 : memref<1x52x8x128xf32, #tpu.memory_space<vmem>> -> memref<52x8x128xf32, #tpu.memory_space<vmem>>
        %parallel_loop3A_493 = tpu.vector_load_idx %parallel_loop3A_492[%parallel_loop3A_389, %broadcast_in_dim3A_14, %parallel_loop3A_392] : memref<52x8x128xf32, #tpu.memory_space<vmem>>[vector<16xi32>, vector<16xi32>, vector<16xi32>], vector<16xf32>,
        %parallel_loop3A_494 = arith.constant 0 : i32
        %parallel_loop3A_495 = arith.constant 7 : i32
        %parallel_loop3A_496 = arith.index_cast %parallel_loop3A_494 : i32 to index
        %parallel_loop3A_497 = arith.index_cast %parallel_loop3A_394 : i32 to index
        %parallel_loop3A_498 = arith.index_cast %parallel_loop3A_495 : i32 to index
        %parallel_loop3A_499 = arith.index_cast %parallel_loop3A_396 : i32 to index
        %parallel_loop3A_500 = tpu.vector_load %arg7[%parallel_loop3A_496, %parallel_loop3A_497, %parallel_loop3A_498, %parallel_loop3A_499] {strides = array<i32>} : memref<2x8x8x128xf32, #tpu.memory_space<vmem>>, vector<16xf32>,
        tpu.vector_store %arg7[%parallel_loop3A_496, %parallel_loop3A_497, %parallel_loop3A_498, %parallel_loop3A_499], %parallel_loop3A_493 {strides = array<i32>} : memref<2x8x8x128xf32, #tpu.memory_space<vmem>>, vector<16xf32>,
      } {sc.loop_unroll_factor = 4 : i64, sc.parallel_access}
      %dma_start3A_314 = arith.constant 0 : i32
      %dma_start3A_315 = arith.constant 0 : i32
      %dma_start3A_316 = arith.constant 0 : i32
      %dma_start3A_317 = arith.constant 0 : i32
      %dma_start3A_318 = tpu.memref_slice %arg7[%dma_start3A_314, %dma_start3A_315, %dma_start3A_316, %dma_start3A_317] : memref<2x8x8x128xf32, #tpu.memory_space<vmem>> -> memref<1x8x8x128xf32, #tpu.memory_space<vmem>>
      %dma_start3A_319 = tpu.memref_squeeze %dma_start3A_318 : memref<1x8x8x128xf32, #tpu.memory_space<vmem>> -> memref<8x8x128xf32, #tpu.memory_space<vmem>>
      %dma_start3A_320 = arith.constant 0 : i32
      %dma_start3A_321 = arith.constant 0 : i32
      %dma_start3A_322 = arith.constant 0 : i32
      %dma_start3A_323 = tpu.memref_slice %arg4[%scan3A_274, %add3A_207, %dma_start3A_320, %dma_start3A_321, %dma_start3A_322] : memref<16x96x16x8x128xf32, #tpu.memory_space<hbm>> -> memref<1x1x8x8x128xf32, #tpu.memory_space<hbm>>
      %dma_start3A_324 = tpu.memref_squeeze %dma_start3A_323 : memref<1x1x8x8x128xf32, #tpu.memory_space<hbm>> -> memref<8x8x128xf32, #tpu.memory_space<hbm>>
      %dma_start3A_325 = arith.constant 0 : i32
      %dma_start3A_326 = arith.constant 0 : i32
      %dma_start3A_327 = arith.constant 0 : i32
      %dma_start3A_328 = tpu.memref_slice %arg4[%scan3A_274, %add3A_207, %dma_start3A_325, %dma_start3A_326, %dma_start3A_327] : memref<16x96x16x8x128xf32, #tpu.memory_space<hbm>> -> memref<1x1x8x8x128xf32, #tpu.memory_space<hbm>>
      %dma_start3A_329 = tpu.memref_squeeze %dma_start3A_328 : memref<1x1x8x8x128xf32, #tpu.memory_space<hbm>> -> memref<8x8x128xf32, #tpu.memory_space<hbm>>
      %dma_start3A_330 = arith.constant 0 : i32
      %dma_start3A_331 = arith.constant 0 : i32
      %dma_start3A_332 = arith.constant 0 : i32
      %dma_start3A_333 = tpu.memref_slice %arg7[%dma_start3A_314, %dma_start3A_330, %dma_start3A_331, %dma_start3A_332] : memref<2x8x8x128xf32, #tpu.memory_space<vmem>> -> memref<1x8x8x128xf32, #tpu.memory_space<vmem>>
      %dma_start3A_334 = tpu.memref_squeeze %dma_start3A_333 : memref<1x8x8x128xf32, #tpu.memory_space<vmem>> -> memref<8x8x128xf32, #tpu.memory_space<vmem>>
      tpu.enqueue_dma source(%dma_start3A_334 : memref<8x8x128xf32, #tpu.memory_space<vmem>>) target(%dma_start3A_329 : memref<8x8x128xf32, #tpu.memory_space<hbm>>) target_semaphore(%arg8 : memref<!tpu.dma_semaphore, #tpu.memory_space<semaphore_mem>>)
      %dma_wait3A_335 = arith.constant 1 : i32
      %dma_wait3A_336 = arith.constant 0 : i32
      %dma_wait3A_337 = arith.constant 0 : i32
      %dma_wait3A_338 = arith.constant 0 : i32
      %dma_wait3A_339 = tpu.memref_slice %arg7[%dma_wait3A_335, %dma_wait3A_336, %dma_wait3A_337, %dma_wait3A_338] : memref<2x8x8x128xf32, #tpu.memory_space<vmem>> -> memref<1x8x8x128xf32, #tpu.memory_space<vmem>>
      %dma_wait3A_340 = tpu.memref_squeeze %dma_wait3A_339 : memref<1x8x8x128xf32, #tpu.memory_space<vmem>> -> memref<8x8x128xf32, #tpu.memory_space<vmem>>
      %dma_wait3A_341 = arith.constant 8 : i32
      %dma_wait3A_342 = arith.constant 0 : i32
      %dma_wait3A_343 = arith.constant 0 : i32
      %dma_wait3A_344 = tpu.memref_slice %arg4[%scan3A_274, %add3A_207, %dma_wait3A_341, %dma_wait3A_342, %dma_wait3A_343] : memref<16x96x16x8x128xf32, #tpu.memory_space<hbm>> -> memref<1x1x8x8x128xf32, #tpu.memory_space<hbm>>
      %dma_wait3A_345 = tpu.memref_squeeze %dma_wait3A_344 : memref<1x1x8x8x128xf32, #tpu.memory_space<hbm>> -> memref<8x8x128xf32, #tpu.memory_space<hbm>>
      %dma_wait3A_346 = arith.constant 8 : i32
      %dma_wait3A_347 = arith.constant 0 : i32
      %dma_wait3A_348 = arith.constant 0 : i32
      %dma_wait3A_349 = tpu.memref_slice %arg4[%scan3A_274, %add3A_207, %dma_wait3A_346, %dma_wait3A_347, %dma_wait3A_348] : memref<16x96x16x8x128xf32, #tpu.memory_space<hbm>> -> memref<1x1x8x8x128xf32, #tpu.memory_space<hbm>>
      %dma_wait3A_350 = tpu.memref_squeeze %dma_wait3A_349 : memref<1x1x8x8x128xf32, #tpu.memory_space<hbm>> -> memref<8x8x128xf32, #tpu.memory_space<hbm>>
      %dma_wait3A_351 = arith.constant 0 : i32
      %dma_wait3A_352 = arith.constant 0 : i32
      %dma_wait3A_353 = arith.constant 0 : i32
      %dma_wait3A_354 = tpu.memref_slice %arg7[%dma_wait3A_335, %dma_wait3A_351, %dma_wait3A_352, %dma_wait3A_353] : memref<2x8x8x128xf32, #tpu.memory_space<vmem>> -> memref<1x8x8x128xf32, #tpu.memory_space<vmem>>
      %dma_wait3A_355 = tpu.memref_squeeze %dma_wait3A_354 : memref<1x8x8x128xf32, #tpu.memory_space<vmem>> -> memref<8x8x128xf32, #tpu.memory_space<vmem>>
      tpu.wait_dma2 semaphore(%arg8 : memref<!tpu.dma_semaphore, #tpu.memory_space<semaphore_mem>>) src(%dma_wait3A_355 : memref<8x8x128xf32, #tpu.memory_space<vmem>>) dst(%dma_wait3A_350 : memref<8x8x128xf32, #tpu.memory_space<hbm>>)
      %parallel_loop3A_356 = arith.constant 0 : i32
      %parallel_loop3A_357 = arith.constant 1024 : i32
      %parallel_loop3A_358 = arith.constant 16 : i32
      scf.for %parallel_loop3A_381 = %parallel_loop3A_356 to %parallel_loop3A_357 step %parallel_loop3A_358  : i32 {
        %parallel_loop3A_382 = arith.constant 1024 : i32
        %parallel_loop3A_383 = arith.addi %parallel_loop3A_382, %parallel_loop3A_381 : i32
        %parallel_loop3A_384 = arith.index_cast %and3A_276 : i32 to index
        %parallel_loop3A_385 = arith.index_cast %parallel_loop3A_383 : i32 to index
        %parallel_loop3A_386 = tpu.vector_load %arg6[%parallel_loop3A_384, %parallel_loop3A_385] {strides = array<i32>} : memref<2x2048xi32, #tpu.memory_space<vmem>>, vector<16xi32>,
        %parallel_loop3A_387 = arith.constant 7 : i32
        %parallel_loop3A_388 = vector.broadcast %parallel_loop3A_387 : i32 to vector<16xi32>
        %parallel_loop3A_389 = arith.shrui %parallel_loop3A_386, %parallel_loop3A_388 : vector<16xi32>
        %parallel_loop3A_390 = arith.constant 127 : i32
        %parallel_loop3A_391 = vector.broadcast %parallel_loop3A_390 : i32 to vector<16xi32>
        %parallel_loop3A_392 = arith.andi %parallel_loop3A_386, %parallel_loop3A_391 : vector<16xi32>
        %parallel_loop3A_393 = arith.constant 7 : i32
        %parallel_loop3A_394 = arith.shrui %parallel_loop3A_381, %parallel_loop3A_393 : i32
        %parallel_loop3A_395 = arith.constant 127 : i32
        %parallel_loop3A_396 = arith.andi %parallel_loop3A_381, %parallel_loop3A_395 : i32
        %parallel_loop3A_397 = arith.constant 0 : i32
        %parallel_loop3A_398 = arith.constant 0 : i32
        %parallel_loop3A_399 = arith.constant 0 : i32
        %parallel_loop3A_400 = tpu.memref_slice %arg5[%scan3A_208, %parallel_loop3A_397, %parallel_loop3A_398, %parallel_loop3A_399] : memref<2x52x8x128xf32, #tpu.memory_space<vmem>> -> memref<1x52x8x128xf32, #tpu.memory_space<vmem>>
        %parallel_loop3A_401 = tpu.memref_squeeze %parallel_loop3A_400 : memref<1x52x8x128xf32, #tpu.memory_space<vmem>> -> memref<52x8x128xf32, #tpu.memory_space<vmem>>
        %parallel_loop3A_402 = tpu.vector_load_idx %parallel_loop3A_401[%parallel_loop3A_389, %broadcast_in_dim3A_0, %parallel_loop3A_392] : memref<52x8x128xf32, #tpu.memory_space<vmem>>[vector<16xi32>, vector<16xi32>, vector<16xi32>], vector<16xf32>,
        %parallel_loop3A_403 = arith.constant 1 : i32
        %parallel_loop3A_404 = arith.constant 0 : i32
        %parallel_loop3A_405 = arith.index_cast %parallel_loop3A_403 : i32 to index
        %parallel_loop3A_406 = arith.index_cast %parallel_loop3A_394 : i32 to index
        %parallel_loop3A_407 = arith.index_cast %parallel_loop3A_404 : i32 to index
        %parallel_loop3A_408 = arith.index_cast %parallel_loop3A_396 : i32 to index
        %parallel_loop3A_409 = tpu.vector_load %arg7[%parallel_loop3A_405, %parallel_loop3A_406, %parallel_loop3A_407, %parallel_loop3A_408] {strides = array<i32>} : memref<2x8x8x128xf32, #tpu.memory_space<vmem>>, vector<16xf32>,
        tpu.vector_store %arg7[%parallel_loop3A_405, %parallel_loop3A_406, %parallel_loop3A_407, %parallel_loop3A_408], %parallel_loop3A_402 {strides = array<i32>} : memref<2x8x8x128xf32, #tpu.memory_space<vmem>>, vector<16xf32>,
        %parallel_loop3A_410 = arith.constant 0 : i32
        %parallel_loop3A_411 = arith.constant 0 : i32
        %parallel_loop3A_412 = arith.constant 0 : i32
        %parallel_loop3A_413 = tpu.memref_slice %arg5[%scan3A_208, %parallel_loop3A_410, %parallel_loop3A_411, %parallel_loop3A_412] : memref<2x52x8x128xf32, #tpu.memory_space<vmem>> -> memref<1x52x8x128xf32, #tpu.memory_space<vmem>>
        %parallel_loop3A_414 = tpu.memref_squeeze %parallel_loop3A_413 : memref<1x52x8x128xf32, #tpu.memory_space<vmem>> -> memref<52x8x128xf32, #tpu.memory_space<vmem>>
        %parallel_loop3A_415 = tpu.vector_load_idx %parallel_loop3A_414[%parallel_loop3A_389, %broadcast_in_dim3A_2, %parallel_loop3A_392] : memref<52x8x128xf32, #tpu.memory_space<vmem>>[vector<16xi32>, vector<16xi32>, vector<16xi32>], vector<16xf32>,
        %parallel_loop3A_416 = arith.constant 1 : i32
        %parallel_loop3A_417 = arith.constant 1 : i32
        %parallel_loop3A_418 = arith.index_cast %parallel_loop3A_416 : i32 to index
        %parallel_loop3A_419 = arith.index_cast %parallel_loop3A_394 : i32 to index
        %parallel_loop3A_420 = arith.index_cast %parallel_loop3A_417 : i32 to index
        %parallel_loop3A_421 = arith.index_cast %parallel_loop3A_396 : i32 to index
        %parallel_loop3A_422 = tpu.vector_load %arg7[%parallel_loop3A_418, %parallel_loop3A_419, %parallel_loop3A_420, %parallel_loop3A_421] {strides = array<i32>} : memref<2x8x8x128xf32, #tpu.memory_space<vmem>>, vector<16xf32>,
        tpu.vector_store %arg7[%parallel_loop3A_418, %parallel_loop3A_419, %parallel_loop3A_420, %parallel_loop3A_421], %parallel_loop3A_415 {strides = array<i32>} : memref<2x8x8x128xf32, #tpu.memory_space<vmem>>, vector<16xf32>,
        %parallel_loop3A_423 = arith.constant 0 : i32
        %parallel_loop3A_424 = arith.constant 0 : i32
        %parallel_loop3A_425 = arith.constant 0 : i32
        %parallel_loop3A_426 = tpu.memref_slice %arg5[%scan3A_208, %parallel_loop3A_423, %parallel_loop3A_424, %parallel_loop3A_425] : memref<2x52x8x128xf32, #tpu.memory_space<vmem>> -> memref<1x52x8x128xf32, #tpu.memory_space<vmem>>
        %parallel_loop3A_427 = tpu.memref_squeeze %parallel_loop3A_426 : memref<1x52x8x128xf32, #tpu.memory_space<vmem>> -> memref<52x8x128xf32, #tpu.memory_space<vmem>>
        %parallel_loop3A_428 = tpu.vector_load_idx %parallel_loop3A_427[%parallel_loop3A_389, %broadcast_in_dim3A_4, %parallel_loop3A_392] : memref<52x8x128xf32, #tpu.memory_space<vmem>>[vector<16xi32>, vector<16xi32>, vector<16xi32>], vector<16xf32>,
        %parallel_loop3A_429 = arith.constant 1 : i32
        %parallel_loop3A_430 = arith.constant 2 : i32
        %parallel_loop3A_431 = arith.index_cast %parallel_loop3A_429 : i32 to index
        %parallel_loop3A_432 = arith.index_cast %parallel_loop3A_394 : i32 to index
        %parallel_loop3A_433 = arith.index_cast %parallel_loop3A_430 : i32 to index
        %parallel_loop3A_434 = arith.index_cast %parallel_loop3A_396 : i32 to index
        %parallel_loop3A_435 = tpu.vector_load %arg7[%parallel_loop3A_431, %parallel_loop3A_432, %parallel_loop3A_433, %parallel_loop3A_434] {strides = array<i32>} : memref<2x8x8x128xf32, #tpu.memory_space<vmem>>, vector<16xf32>,
        tpu.vector_store %arg7[%parallel_loop3A_431, %parallel_loop3A_432, %parallel_loop3A_433, %parallel_loop3A_434], %parallel_loop3A_428 {strides = array<i32>} : memref<2x8x8x128xf32, #tpu.memory_space<vmem>>, vector<16xf32>,
        %parallel_loop3A_436 = arith.constant 0 : i32
        %parallel_loop3A_437 = arith.constant 0 : i32
        %parallel_loop3A_438 = arith.constant 0 : i32
        %parallel_loop3A_439 = tpu.memref_slice %arg5[%scan3A_208, %parallel_loop3A_436, %parallel_loop3A_437, %parallel_loop3A_438] : memref<2x52x8x128xf32, #tpu.memory_space<vmem>> -> memref<1x52x8x128xf32, #tpu.memory_space<vmem>>
        %parallel_loop3A_440 = tpu.memref_squeeze %parallel_loop3A_439 : memref<1x52x8x128xf32, #tpu.memory_space<vmem>> -> memref<52x8x128xf32, #tpu.memory_space<vmem>>
        %parallel_loop3A_441 = tpu.vector_load_idx %parallel_loop3A_440[%parallel_loop3A_389, %broadcast_in_dim3A_6, %parallel_loop3A_392] : memref<52x8x128xf32, #tpu.memory_space<vmem>>[vector<16xi32>, vector<16xi32>, vector<16xi32>], vector<16xf32>,
        %parallel_loop3A_442 = arith.constant 1 : i32
        %parallel_loop3A_443 = arith.constant 3 : i32
        %parallel_loop3A_444 = arith.index_cast %parallel_loop3A_442 : i32 to index
        %parallel_loop3A_445 = arith.index_cast %parallel_loop3A_394 : i32 to index
        %parallel_loop3A_446 = arith.index_cast %parallel_loop3A_443 : i32 to index
        %parallel_loop3A_447 = arith.index_cast %parallel_loop3A_396 : i32 to index
        %parallel_loop3A_448 = tpu.vector_load %arg7[%parallel_loop3A_444, %parallel_loop3A_445, %parallel_loop3A_446, %parallel_loop3A_447] {strides = array<i32>} : memref<2x8x8x128xf32, #tpu.memory_space<vmem>>, vector<16xf32>,
        tpu.vector_store %arg7[%parallel_loop3A_444, %parallel_loop3A_445, %parallel_loop3A_446, %parallel_loop3A_447], %parallel_loop3A_441 {strides = array<i32>} : memref<2x8x8x128xf32, #tpu.memory_space<vmem>>, vector<16xf32>,
        %parallel_loop3A_449 = arith.constant 0 : i32
        %parallel_loop3A_450 = arith.constant 0 : i32
        %parallel_loop3A_451 = arith.constant 0 : i32
        %parallel_loop3A_452 = tpu.memref_slice %arg5[%scan3A_208, %parallel_loop3A_449, %parallel_loop3A_450, %parallel_loop3A_451] : memref<2x52x8x128xf32, #tpu.memory_space<vmem>> -> memref<1x52x8x128xf32, #tpu.memory_space<vmem>>
        %parallel_loop3A_453 = tpu.memref_squeeze %parallel_loop3A_452 : memref<1x52x8x128xf32, #tpu.memory_space<vmem>> -> memref<52x8x128xf32, #tpu.memory_space<vmem>>
        %parallel_loop3A_454 = tpu.vector_load_idx %parallel_loop3A_453[%parallel_loop3A_389, %broadcast_in_dim3A_8, %parallel_loop3A_392] : memref<52x8x128xf32, #tpu.memory_space<vmem>>[vector<16xi32>, vector<16xi32>, vector<16xi32>], vector<16xf32>,
        %parallel_loop3A_455 = arith.constant 1 : i32
        %parallel_loop3A_456 = arith.constant 4 : i32
        %parallel_loop3A_457 = arith.index_cast %parallel_loop3A_455 : i32 to index
        %parallel_loop3A_458 = arith.index_cast %parallel_loop3A_394 : i32 to index
        %parallel_loop3A_459 = arith.index_cast %parallel_loop3A_456 : i32 to index
        %parallel_loop3A_460 = arith.index_cast %parallel_loop3A_396 : i32 to index
        %parallel_loop3A_461 = tpu.vector_load %arg7[%parallel_loop3A_457, %parallel_loop3A_458, %parallel_loop3A_459, %parallel_loop3A_460] {strides = array<i32>} : memref<2x8x8x128xf32, #tpu.memory_space<vmem>>, vector<16xf32>,
        tpu.vector_store %arg7[%parallel_loop3A_457, %parallel_loop3A_458, %parallel_loop3A_459, %parallel_loop3A_460], %parallel_loop3A_454 {strides = array<i32>} : memref<2x8x8x128xf32, #tpu.memory_space<vmem>>, vector<16xf32>,
        %parallel_loop3A_462 = arith.constant 0 : i32
        %parallel_loop3A_463 = arith.constant 0 : i32
        %parallel_loop3A_464 = arith.constant 0 : i32
        %parallel_loop3A_465 = tpu.memref_slice %arg5[%scan3A_208, %parallel_loop3A_462, %parallel_loop3A_463, %parallel_loop3A_464] : memref<2x52x8x128xf32, #tpu.memory_space<vmem>> -> memref<1x52x8x128xf32, #tpu.memory_space<vmem>>
        %parallel_loop3A_466 = tpu.memref_squeeze %parallel_loop3A_465 : memref<1x52x8x128xf32, #tpu.memory_space<vmem>> -> memref<52x8x128xf32, #tpu.memory_space<vmem>>
        %parallel_loop3A_467 = tpu.vector_load_idx %parallel_loop3A_466[%parallel_loop3A_389, %broadcast_in_dim3A_10, %parallel_loop3A_392] : memref<52x8x128xf32, #tpu.memory_space<vmem>>[vector<16xi32>, vector<16xi32>, vector<16xi32>], vector<16xf32>,
        %parallel_loop3A_468 = arith.constant 1 : i32
        %parallel_loop3A_469 = arith.constant 5 : i32
        %parallel_loop3A_470 = arith.index_cast %parallel_loop3A_468 : i32 to index
        %parallel_loop3A_471 = arith.index_cast %parallel_loop3A_394 : i32 to index
        %parallel_loop3A_472 = arith.index_cast %parallel_loop3A_469 : i32 to index
        %parallel_loop3A_473 = arith.index_cast %parallel_loop3A_396 : i32 to index
        %parallel_loop3A_474 = tpu.vector_load %arg7[%parallel_loop3A_470, %parallel_loop3A_471, %parallel_loop3A_472, %parallel_loop3A_473] {strides = array<i32>} : memref<2x8x8x128xf32, #tpu.memory_space<vmem>>, vector<16xf32>,
        tpu.vector_store %arg7[%parallel_loop3A_470, %parallel_loop3A_471, %parallel_loop3A_472, %parallel_loop3A_473], %parallel_loop3A_467 {strides = array<i32>} : memref<2x8x8x128xf32, #tpu.memory_space<vmem>>, vector<16xf32>,
        %parallel_loop3A_475 = arith.constant 0 : i32
        %parallel_loop3A_476 = arith.constant 0 : i32
        %parallel_loop3A_477 = arith.constant 0 : i32
        %parallel_loop3A_478 = tpu.memref_slice %arg5[%scan3A_208, %parallel_loop3A_475, %parallel_loop3A_476, %parallel_loop3A_477] : memref<2x52x8x128xf32, #tpu.memory_space<vmem>> -> memref<1x52x8x128xf32, #tpu.memory_space<vmem>>
        %parallel_loop3A_479 = tpu.memref_squeeze %parallel_loop3A_478 : memref<1x52x8x128xf32, #tpu.memory_space<vmem>> -> memref<52x8x128xf32, #tpu.memory_space<vmem>>
        %parallel_loop3A_480 = tpu.vector_load_idx %parallel_loop3A_479[%parallel_loop3A_389, %broadcast_in_dim3A_12, %parallel_loop3A_392] : memref<52x8x128xf32, #tpu.memory_space<vmem>>[vector<16xi32>, vector<16xi32>, vector<16xi32>], vector<16xf32>,
        %parallel_loop3A_481 = arith.constant 1 : i32
        %parallel_loop3A_482 = arith.constant 6 : i32
        %parallel_loop3A_483 = arith.index_cast %parallel_loop3A_481 : i32 to index
        %parallel_loop3A_484 = arith.index_cast %parallel_loop3A_394 : i32 to index
        %parallel_loop3A_485 = arith.index_cast %parallel_loop3A_482 : i32 to index
        %parallel_loop3A_486 = arith.index_cast %parallel_loop3A_396 : i32 to index
        %parallel_loop3A_487 = tpu.vector_load %arg7[%parallel_loop3A_483, %parallel_loop3A_484, %parallel_loop3A_485, %parallel_loop3A_486] {strides = array<i32>} : memref<2x8x8x128xf32, #tpu.memory_space<vmem>>, vector<16xf32>,
        tpu.vector_store %arg7[%parallel_loop3A_483, %parallel_loop3A_484, %parallel_loop3A_485, %parallel_loop3A_486], %parallel_loop3A_480 {strides = array<i32>} : memref<2x8x8x128xf32, #tpu.memory_space<vmem>>, vector<16xf32>,
        %parallel_loop3A_488 = arith.constant 0 : i32
        %parallel_loop3A_489 = arith.constant 0 : i32
        %parallel_loop3A_490 = arith.constant 0 : i32
        %parallel_loop3A_491 = tpu.memref_slice %arg5[%scan3A_208, %parallel_loop3A_488, %parallel_loop3A_489, %parallel_loop3A_490] : memref<2x52x8x128xf32, #tpu.memory_space<vmem>> -> memref<1x52x8x128xf32, #tpu.memory_space<vmem>>
        %parallel_loop3A_492 = tpu.memref_squeeze %parallel_loop3A_491 : memref<1x52x8x128xf32, #tpu.memory_space<vmem>> -> memref<52x8x128xf32, #tpu.memory_space<vmem>>
        %parallel_loop3A_493 = tpu.vector_load_idx %parallel_loop3A_492[%parallel_loop3A_389, %broadcast_in_dim3A_14, %parallel_loop3A_392] : memref<52x8x128xf32, #tpu.memory_space<vmem>>[vector<16xi32>, vector<16xi32>, vector<16xi32>], vector<16xf32>,
        %parallel_loop3A_494 = arith.constant 1 : i32
        %parallel_loop3A_495 = arith.constant 7 : i32
        %parallel_loop3A_496 = arith.index_cast %parallel_loop3A_494 : i32 to index
        %parallel_loop3A_497 = arith.index_cast %parallel_loop3A_394 : i32 to index
        %parallel_loop3A_498 = arith.index_cast %parallel_loop3A_495 : i32 to index
        %parallel_loop3A_499 = arith.index_cast %parallel_loop3A_396 : i32 to index
        %parallel_loop3A_500 = tpu.vector_load %arg7[%parallel_loop3A_496, %parallel_loop3A_497, %parallel_loop3A_498, %parallel_loop3A_499] {strides = array<i32>} : memref<2x8x8x128xf32, #tpu.memory_space<vmem>>, vector<16xf32>,
        tpu.vector_store %arg7[%parallel_loop3A_496, %parallel_loop3A_497, %parallel_loop3A_498, %parallel_loop3A_499], %parallel_loop3A_493 {strides = array<i32>} : memref<2x8x8x128xf32, #tpu.memory_space<vmem>>, vector<16xf32>,
      } {sc.loop_unroll_factor = 4 : i64, sc.parallel_access}
      %dma_start3A_359 = arith.constant 1 : i32
      %dma_start3A_360 = arith.constant 0 : i32
      %dma_start3A_361 = arith.constant 0 : i32
      %dma_start3A_362 = arith.constant 0 : i32
      %dma_start3A_363 = tpu.memref_slice %arg7[%dma_start3A_359, %dma_start3A_360, %dma_start3A_361, %dma_start3A_362] : memref<2x8x8x128xf32, #tpu.memory_space<vmem>> -> memref<1x8x8x128xf32, #tpu.memory_space<vmem>>
      %dma_start3A_364 = tpu.memref_squeeze %dma_start3A_363 : memref<1x8x8x128xf32, #tpu.memory_space<vmem>> -> memref<8x8x128xf32, #tpu.memory_space<vmem>>
      %dma_start3A_365 = arith.constant 8 : i32
      %dma_start3A_366 = arith.constant 0 : i32
      %dma_start3A_367 = arith.constant 0 : i32
      %dma_start3A_368 = tpu.memref_slice %arg4[%scan3A_274, %add3A_207, %dma_start3A_365, %dma_start3A_366, %dma_start3A_367] : memref<16x96x16x8x128xf32, #tpu.memory_space<hbm>> -> memref<1x1x8x8x128xf32, #tpu.memory_space<hbm>>
      %dma_start3A_369 = tpu.memref_squeeze %dma_start3A_368 : memref<1x1x8x8x128xf32, #tpu.memory_space<hbm>> -> memref<8x8x128xf32, #tpu.memory_space<hbm>>
      %dma_start3A_370 = arith.constant 8 : i32
      %dma_start3A_371 = arith.constant 0 : i32
      %dma_start3A_372 = arith.constant 0 : i32
      %dma_start3A_373 = tpu.memref_slice %arg4[%scan3A_274, %add3A_207, %dma_start3A_370, %dma_start3A_371, %dma_start3A_372] : memref<16x96x16x8x128xf32, #tpu.memory_space<hbm>> -> memref<1x1x8x8x128xf32, #tpu.memory_space<hbm>>
      %dma_start3A_374 = tpu.memref_squeeze %dma_start3A_373 : memref<1x1x8x8x128xf32, #tpu.memory_space<hbm>> -> memref<8x8x128xf32, #tpu.memory_space<hbm>>
      %dma_start3A_375 = arith.constant 0 : i32
      %dma_start3A_376 = arith.constant 0 : i32
      %dma_start3A_377 = arith.constant 0 : i32
      %dma_start3A_378 = tpu.memref_slice %arg7[%dma_start3A_359, %dma_start3A_375, %dma_start3A_376, %dma_start3A_377] : memref<2x8x8x128xf32, #tpu.memory_space<vmem>> -> memref<1x8x8x128xf32, #tpu.memory_space<vmem>>
      %dma_start3A_379 = tpu.memref_squeeze %dma_start3A_378 : memref<1x8x8x128xf32, #tpu.memory_space<vmem>> -> memref<8x8x128xf32, #tpu.memory_space<vmem>>
      tpu.enqueue_dma source(%dma_start3A_379 : memref<8x8x128xf32, #tpu.memory_space<vmem>>) target(%dma_start3A_374 : memref<8x8x128xf32, #tpu.memory_space<hbm>>) target_semaphore(%arg8 : memref<!tpu.dma_semaphore, #tpu.memory_space<semaphore_mem>>)
      %scan3A_380 = arith.constant 0 : i32
      scf.yield %scan3A_380 : i32
    }
    %scan3A_215 = arith.constant 16 : i32
    %mul3A_216 = arith.constant 3 : i32
    %mul3A_217 = arith.muli %arg0, %mul3A_216 : i32
    %add3A_218 = arith.constant 2 : i32
    %add3A_219 = arith.addi %mul3A_217, %add3A_218 : i32
    %mul3A_220 = arith.constant 16 : i32
    %mul3A_221 = arith.muli %add3A_219, %mul3A_220 : i32
    %add3A_222 = arith.addi %mul3A_221, %arg1 : i32
    %dma_wait3A_223 = arith.constant 0 : i32
    %dma_wait3A_224 = arith.constant 15 : i32
    %dma_wait3A_225 = arith.constant 0 : i32
    %dma_wait3A_226 = arith.constant 0 : i32
    %dma_wait3A_227 = arith.constant 0 : i32
    %dma_wait3A_228 = tpu.memref_slice %arg7[%dma_wait3A_223, %dma_wait3A_225, %dma_wait3A_226, %dma_wait3A_227] : memref<2x8x8x128xf32, #tpu.memory_space<vmem>> -> memref<1x8x8x128xf32, #tpu.memory_space<vmem>>
    %dma_wait3A_229 = tpu.memref_squeeze %dma_wait3A_228 : memref<1x8x8x128xf32, #tpu.memory_space<vmem>> -> memref<8x8x128xf32, #tpu.memory_space<vmem>>
    %dma_wait3A_230 = arith.constant 0 : i32
    %dma_wait3A_231 = arith.constant 0 : i32
    %dma_wait3A_232 = arith.constant 0 : i32
    %dma_wait3A_233 = tpu.memref_slice %arg4[%dma_wait3A_224, %add3A_222, %dma_wait3A_230, %dma_wait3A_231, %dma_wait3A_232] : memref<16x96x16x8x128xf32, #tpu.memory_space<hbm>> -> memref<1x1x8x8x128xf32, #tpu.memory_space<hbm>>
    %dma_wait3A_234 = tpu.memref_squeeze %dma_wait3A_233 : memref<1x1x8x8x128xf32, #tpu.memory_space<hbm>> -> memref<8x8x128xf32, #tpu.memory_space<hbm>>
    %dma_wait3A_235 = arith.constant 0 : i32
    %dma_wait3A_236 = arith.constant 0 : i32
    %dma_wait3A_237 = arith.constant 0 : i32
    %dma_wait3A_238 = tpu.memref_slice %arg4[%dma_wait3A_224, %add3A_222, %dma_wait3A_235, %dma_wait3A_236, %dma_wait3A_237] : memref<16x96x16x8x128xf32, #tpu.memory_space<hbm>> -> memref<1x1x8x8x128xf32, #tpu.memory_space<hbm>>
    %dma_wait3A_239 = tpu.memref_squeeze %dma_wait3A_238 : memref<1x1x8x8x128xf32, #tpu.memory_space<hbm>> -> memref<8x8x128xf32, #tpu.memory_space<hbm>>
    %dma_wait3A_240 = arith.constant 0 : i32
    %dma_wait3A_241 = arith.constant 0 : i32
    %dma_wait3A_242 = arith.constant 0 : i32
    %dma_wait3A_243 = tpu.memref_slice %arg7[%dma_wait3A_223, %dma_wait3A_240, %dma_wait3A_241, %dma_wait3A_242] : memref<2x8x8x128xf32, #tpu.memory_space<vmem>> -> memref<1x8x8x128xf32, #tpu.memory_space<vmem>>
    %dma_wait3A_244 = tpu.memref_squeeze %dma_wait3A_243 : memref<1x8x8x128xf32, #tpu.memory_space<vmem>> -> memref<8x8x128xf32, #tpu.memory_space<vmem>>
    tpu.wait_dma2 semaphore(%arg8 : memref<!tpu.dma_semaphore, #tpu.memory_space<semaphore_mem>>) src(%dma_wait3A_244 : memref<8x8x128xf32, #tpu.memory_space<vmem>>) dst(%dma_wait3A_239 : memref<8x8x128xf32, #tpu.memory_space<hbm>>)
    %mul3A_245 = arith.constant 3 : i32
    %mul3A_246 = arith.muli %arg0, %mul3A_245 : i32
    %add3A_247 = arith.constant 2 : i32
    %add3A_248 = arith.addi %mul3A_246, %add3A_247 : i32
    %mul3A_249 = arith.constant 16 : i32
    %mul3A_250 = arith.muli %add3A_248, %mul3A_249 : i32
    %add3A_251 = arith.addi %mul3A_250, %arg1 : i32
    %dma_wait3A_252 = arith.constant 1 : i32
    %dma_wait3A_253 = arith.constant 15 : i32
    %dma_wait3A_254 = arith.constant 0 : i32
    %dma_wait3A_255 = arith.constant 0 : i32
    %dma_wait3A_256 = arith.constant 0 : i32
    %dma_wait3A_257 = tpu.memref_slice %arg7[%dma_wait3A_252, %dma_wait3A_254, %dma_wait3A_255, %dma_wait3A_256] : memref<2x8x8x128xf32, #tpu.memory_space<vmem>> -> memref<1x8x8x128xf32, #tpu.memory_space<vmem>>
    %dma_wait3A_258 = tpu.memref_squeeze %dma_wait3A_257 : memref<1x8x8x128xf32, #tpu.memory_space<vmem>> -> memref<8x8x128xf32, #tpu.memory_space<vmem>>
    %dma_wait3A_259 = arith.constant 8 : i32
    %dma_wait3A_260 = arith.constant 0 : i32
    %dma_wait3A_261 = arith.constant 0 : i32
    %dma_wait3A_262 = tpu.memref_slice %arg4[%dma_wait3A_253, %add3A_251, %dma_wait3A_259, %dma_wait3A_260, %dma_wait3A_261] : memref<16x96x16x8x128xf32, #tpu.memory_space<hbm>> -> memref<1x1x8x8x128xf32, #tpu.memory_space<hbm>>
    %dma_wait3A_263 = tpu.memref_squeeze %dma_wait3A_262 : memref<1x1x8x8x128xf32, #tpu.memory_space<hbm>> -> memref<8x8x128xf32, #tpu.memory_space<hbm>>
    %dma_wait3A_264 = arith.constant 8 : i32
    %dma_wait3A_265 = arith.constant 0 : i32
    %dma_wait3A_266 = arith.constant 0 : i32
    %dma_wait3A_267 = tpu.memref_slice %arg4[%dma_wait3A_253, %add3A_251, %dma_wait3A_264, %dma_wait3A_265, %dma_wait3A_266] : memref<16x96x16x8x128xf32, #tpu.memory_space<hbm>> -> memref<1x1x8x8x128xf32, #tpu.memory_space<hbm>>
    %dma_wait3A_268 = tpu.memref_squeeze %dma_wait3A_267 : memref<1x1x8x8x128xf32, #tpu.memory_space<hbm>> -> memref<8x8x128xf32, #tpu.memory_space<hbm>>
    %dma_wait3A_269 = arith.constant 0 : i32
    %dma_wait3A_270 = arith.constant 0 : i32
    %dma_wait3A_271 = arith.constant 0 : i32
    %dma_wait3A_272 = tpu.memref_slice %arg7[%dma_wait3A_252, %dma_wait3A_269, %dma_wait3A_270, %dma_wait3A_271] : memref<2x8x8x128xf32, #tpu.memory_space<vmem>> -> memref<1x8x8x128xf32, #tpu.memory_space<vmem>>
    %dma_wait3A_273 = tpu.memref_squeeze %dma_wait3A_272 : memref<1x8x8x128xf32, #tpu.memory_space<vmem>> -> memref<8x8x128xf32, #tpu.memory_space<vmem>>
    tpu.wait_dma2 semaphore(%arg8 : memref<!tpu.dma_semaphore, #tpu.memory_space<semaphore_mem>>) src(%dma_wait3A_273 : memref<8x8x128xf32, #tpu.memory_space<vmem>>) dst(%dma_wait3A_268 : memref<8x8x128xf32, #tpu.memory_space<hbm>>)
    return
  }
}

module attributes {stable_mosaic.version = 14 : i64} {
  func.func @_t4_body(%arg0: i32, %arg1: memref<3328x768xf32, #tpu.memory_space<vmem>>, %arg2: memref<96x26x8x128xf32, #tpu.memory_space<vmem>>) attributes {dimension_semantics = [#tpu.dimension_semantics<arbitrary>], iteration_bounds = array<i64: 2>, scalar_prefetch = 0 : i64, scratch_operands = 0 : i64, tpu.core_type = #tpu.core_type<tc>, window_params = [{transform_indices = @transform_0, window_bounds = array<i64: 3328, 768>}, {transform_indices = @transform_1, window_bounds = array<i64: 96, 26, 8, 128>}]} {
    %get3A = arith.constant 0 : index
    %get3A_0 = arith.constant 0 : index
    %get3A_1 = vector.load %arg1[%get3A, %get3A_0] : memref<3328x768xf32, #tpu.memory_space<vmem>>, vector<128x768xf32>
    %transpose3A = tpu.transpose %get3A_1, [1, 0] : vector<128x768xf32> -> vector<768x128xf32>
    %reshape3A = vector.shape_cast %transpose3A : vector<768x128xf32> to vector<96x8x128xf32>
    %swap3A = arith.constant 0 : index
    %swap3A_2 = arith.constant 0 : index
    %swap3A_3 = arith.constant 0 : index
    %swap3A_4 = arith.constant 0 : index
    %swap3A_5 = vector.load %arg2[%swap3A, %swap3A_2, %swap3A_3, %swap3A_4] : memref<96x26x8x128xf32, #tpu.memory_space<vmem>>, vector<96x1x8x128xf32>
    %swap3A_6 = vector.shape_cast %swap3A_5 : vector<96x1x8x128xf32> to vector<96x8x128xf32>
    %swap3A_7 = vector.shape_cast %reshape3A : vector<96x8x128xf32> to vector<96x1x8x128xf32>
    tpu.vector_store %arg2[%swap3A, %swap3A_2, %swap3A_3, %swap3A_4], %swap3A_7 {strides = array<i32>} : memref<96x26x8x128xf32, #tpu.memory_space<vmem>>, vector<96x1x8x128xf32>,
    %get3A_8 = arith.constant 128 : index
    %get3A_9 = arith.constant 0 : index
    %get3A_10 = vector.load %arg1[%get3A_8, %get3A_9] : memref<3328x768xf32, #tpu.memory_space<vmem>>, vector<128x768xf32>
    %transpose3A_11 = tpu.transpose %get3A_10, [1, 0] : vector<128x768xf32> -> vector<768x128xf32>
    %reshape3A_12 = vector.shape_cast %transpose3A_11 : vector<768x128xf32> to vector<96x8x128xf32>
    %swap3A_13 = arith.constant 0 : index
    %swap3A_14 = arith.constant 1 : index
    %swap3A_15 = arith.constant 0 : index
    %swap3A_16 = arith.constant 0 : index
    %swap3A_17 = vector.load %arg2[%swap3A_13, %swap3A_14, %swap3A_15, %swap3A_16] : memref<96x26x8x128xf32, #tpu.memory_space<vmem>>, vector<96x1x8x128xf32>
    %swap3A_18 = vector.shape_cast %swap3A_17 : vector<96x1x8x128xf32> to vector<96x8x128xf32>
    %swap3A_19 = vector.shape_cast %reshape3A_12 : vector<96x8x128xf32> to vector<96x1x8x128xf32>
    tpu.vector_store %arg2[%swap3A_13, %swap3A_14, %swap3A_15, %swap3A_16], %swap3A_19 {strides = array<i32>} : memref<96x26x8x128xf32, #tpu.memory_space<vmem>>, vector<96x1x8x128xf32>,
    %get3A_20 = arith.constant 256 : index
    %get3A_21 = arith.constant 0 : index
    %get3A_22 = vector.load %arg1[%get3A_20, %get3A_21] : memref<3328x768xf32, #tpu.memory_space<vmem>>, vector<128x768xf32>
    %transpose3A_23 = tpu.transpose %get3A_22, [1, 0] : vector<128x768xf32> -> vector<768x128xf32>
    %reshape3A_24 = vector.shape_cast %transpose3A_23 : vector<768x128xf32> to vector<96x8x128xf32>
    %swap3A_25 = arith.constant 0 : index
    %swap3A_26 = arith.constant 2 : index
    %swap3A_27 = arith.constant 0 : index
    %swap3A_28 = arith.constant 0 : index
    %swap3A_29 = vector.load %arg2[%swap3A_25, %swap3A_26, %swap3A_27, %swap3A_28] : memref<96x26x8x128xf32, #tpu.memory_space<vmem>>, vector<96x1x8x128xf32>
    %swap3A_30 = vector.shape_cast %swap3A_29 : vector<96x1x8x128xf32> to vector<96x8x128xf32>
    %swap3A_31 = vector.shape_cast %reshape3A_24 : vector<96x8x128xf32> to vector<96x1x8x128xf32>
    tpu.vector_store %arg2[%swap3A_25, %swap3A_26, %swap3A_27, %swap3A_28], %swap3A_31 {strides = array<i32>} : memref<96x26x8x128xf32, #tpu.memory_space<vmem>>, vector<96x1x8x128xf32>,
    %get3A_32 = arith.constant 384 : index
    %get3A_33 = arith.constant 0 : index
    %get3A_34 = vector.load %arg1[%get3A_32, %get3A_33] : memref<3328x768xf32, #tpu.memory_space<vmem>>, vector<128x768xf32>
    %transpose3A_35 = tpu.transpose %get3A_34, [1, 0] : vector<128x768xf32> -> vector<768x128xf32>
    %reshape3A_36 = vector.shape_cast %transpose3A_35 : vector<768x128xf32> to vector<96x8x128xf32>
    %swap3A_37 = arith.constant 0 : index
    %swap3A_38 = arith.constant 3 : index
    %swap3A_39 = arith.constant 0 : index
    %swap3A_40 = arith.constant 0 : index
    %swap3A_41 = vector.load %arg2[%swap3A_37, %swap3A_38, %swap3A_39, %swap3A_40] : memref<96x26x8x128xf32, #tpu.memory_space<vmem>>, vector<96x1x8x128xf32>
    %swap3A_42 = vector.shape_cast %swap3A_41 : vector<96x1x8x128xf32> to vector<96x8x128xf32>
    %swap3A_43 = vector.shape_cast %reshape3A_36 : vector<96x8x128xf32> to vector<96x1x8x128xf32>
    tpu.vector_store %arg2[%swap3A_37, %swap3A_38, %swap3A_39, %swap3A_40], %swap3A_43 {strides = array<i32>} : memref<96x26x8x128xf32, #tpu.memory_space<vmem>>, vector<96x1x8x128xf32>,
    %get3A_44 = arith.constant 512 : index
    %get3A_45 = arith.constant 0 : index
    %get3A_46 = vector.load %arg1[%get3A_44, %get3A_45] : memref<3328x768xf32, #tpu.memory_space<vmem>>, vector<128x768xf32>
    %transpose3A_47 = tpu.transpose %get3A_46, [1, 0] : vector<128x768xf32> -> vector<768x128xf32>
    %reshape3A_48 = vector.shape_cast %transpose3A_47 : vector<768x128xf32> to vector<96x8x128xf32>
    %swap3A_49 = arith.constant 0 : index
    %swap3A_50 = arith.constant 4 : index
    %swap3A_51 = arith.constant 0 : index
    %swap3A_52 = arith.constant 0 : index
    %swap3A_53 = vector.load %arg2[%swap3A_49, %swap3A_50, %swap3A_51, %swap3A_52] : memref<96x26x8x128xf32, #tpu.memory_space<vmem>>, vector<96x1x8x128xf32>
    %swap3A_54 = vector.shape_cast %swap3A_53 : vector<96x1x8x128xf32> to vector<96x8x128xf32>
    %swap3A_55 = vector.shape_cast %reshape3A_48 : vector<96x8x128xf32> to vector<96x1x8x128xf32>
    tpu.vector_store %arg2[%swap3A_49, %swap3A_50, %swap3A_51, %swap3A_52], %swap3A_55 {strides = array<i32>} : memref<96x26x8x128xf32, #tpu.memory_space<vmem>>, vector<96x1x8x128xf32>,
    %get3A_56 = arith.constant 640 : index
    %get3A_57 = arith.constant 0 : index
    %get3A_58 = vector.load %arg1[%get3A_56, %get3A_57] : memref<3328x768xf32, #tpu.memory_space<vmem>>, vector<128x768xf32>
    %transpose3A_59 = tpu.transpose %get3A_58, [1, 0] : vector<128x768xf32> -> vector<768x128xf32>
    %reshape3A_60 = vector.shape_cast %transpose3A_59 : vector<768x128xf32> to vector<96x8x128xf32>
    %swap3A_61 = arith.constant 0 : index
    %swap3A_62 = arith.constant 5 : index
    %swap3A_63 = arith.constant 0 : index
    %swap3A_64 = arith.constant 0 : index
    %swap3A_65 = vector.load %arg2[%swap3A_61, %swap3A_62, %swap3A_63, %swap3A_64] : memref<96x26x8x128xf32, #tpu.memory_space<vmem>>, vector<96x1x8x128xf32>
    %swap3A_66 = vector.shape_cast %swap3A_65 : vector<96x1x8x128xf32> to vector<96x8x128xf32>
    %swap3A_67 = vector.shape_cast %reshape3A_60 : vector<96x8x128xf32> to vector<96x1x8x128xf32>
    tpu.vector_store %arg2[%swap3A_61, %swap3A_62, %swap3A_63, %swap3A_64], %swap3A_67 {strides = array<i32>} : memref<96x26x8x128xf32, #tpu.memory_space<vmem>>, vector<96x1x8x128xf32>,
    %get3A_68 = arith.constant 768 : index
    %get3A_69 = arith.constant 0 : index
    %get3A_70 = vector.load %arg1[%get3A_68, %get3A_69] : memref<3328x768xf32, #tpu.memory_space<vmem>>, vector<128x768xf32>
    %transpose3A_71 = tpu.transpose %get3A_70, [1, 0] : vector<128x768xf32> -> vector<768x128xf32>
    %reshape3A_72 = vector.shape_cast %transpose3A_71 : vector<768x128xf32> to vector<96x8x128xf32>
    %swap3A_73 = arith.constant 0 : index
    %swap3A_74 = arith.constant 6 : index
    %swap3A_75 = arith.constant 0 : index
    %swap3A_76 = arith.constant 0 : index
    %swap3A_77 = vector.load %arg2[%swap3A_73, %swap3A_74, %swap3A_75, %swap3A_76] : memref<96x26x8x128xf32, #tpu.memory_space<vmem>>, vector<96x1x8x128xf32>
    %swap3A_78 = vector.shape_cast %swap3A_77 : vector<96x1x8x128xf32> to vector<96x8x128xf32>
    %swap3A_79 = vector.shape_cast %reshape3A_72 : vector<96x8x128xf32> to vector<96x1x8x128xf32>
    tpu.vector_store %arg2[%swap3A_73, %swap3A_74, %swap3A_75, %swap3A_76], %swap3A_79 {strides = array<i32>} : memref<96x26x8x128xf32, #tpu.memory_space<vmem>>, vector<96x1x8x128xf32>,
    %get3A_80 = arith.constant 896 : index
    %get3A_81 = arith.constant 0 : index
    %get3A_82 = vector.load %arg1[%get3A_80, %get3A_81] : memref<3328x768xf32, #tpu.memory_space<vmem>>, vector<128x768xf32>
    %transpose3A_83 = tpu.transpose %get3A_82, [1, 0] : vector<128x768xf32> -> vector<768x128xf32>
    %reshape3A_84 = vector.shape_cast %transpose3A_83 : vector<768x128xf32> to vector<96x8x128xf32>
    %swap3A_85 = arith.constant 0 : index
    %swap3A_86 = arith.constant 7 : index
    %swap3A_87 = arith.constant 0 : index
    %swap3A_88 = arith.constant 0 : index
    %swap3A_89 = vector.load %arg2[%swap3A_85, %swap3A_86, %swap3A_87, %swap3A_88] : memref<96x26x8x128xf32, #tpu.memory_space<vmem>>, vector<96x1x8x128xf32>
    %swap3A_90 = vector.shape_cast %swap3A_89 : vector<96x1x8x128xf32> to vector<96x8x128xf32>
    %swap3A_91 = vector.shape_cast %reshape3A_84 : vector<96x8x128xf32> to vector<96x1x8x128xf32>
    tpu.vector_store %arg2[%swap3A_85, %swap3A_86, %swap3A_87, %swap3A_88], %swap3A_91 {strides = array<i32>} : memref<96x26x8x128xf32, #tpu.memory_space<vmem>>, vector<96x1x8x128xf32>,
    %get3A_92 = arith.constant 1024 : index
    %get3A_93 = arith.constant 0 : index
    %get3A_94 = vector.load %arg1[%get3A_92, %get3A_93] : memref<3328x768xf32, #tpu.memory_space<vmem>>, vector<128x768xf32>
    %transpose3A_95 = tpu.transpose %get3A_94, [1, 0] : vector<128x768xf32> -> vector<768x128xf32>
    %reshape3A_96 = vector.shape_cast %transpose3A_95 : vector<768x128xf32> to vector<96x8x128xf32>
    %swap3A_97 = arith.constant 0 : index
    %swap3A_98 = arith.constant 8 : index
    %swap3A_99 = arith.constant 0 : index
    %swap3A_100 = arith.constant 0 : index
    %swap3A_101 = vector.load %arg2[%swap3A_97, %swap3A_98, %swap3A_99, %swap3A_100] : memref<96x26x8x128xf32, #tpu.memory_space<vmem>>, vector<96x1x8x128xf32>
    %swap3A_102 = vector.shape_cast %swap3A_101 : vector<96x1x8x128xf32> to vector<96x8x128xf32>
    %swap3A_103 = vector.shape_cast %reshape3A_96 : vector<96x8x128xf32> to vector<96x1x8x128xf32>
    tpu.vector_store %arg2[%swap3A_97, %swap3A_98, %swap3A_99, %swap3A_100], %swap3A_103 {strides = array<i32>} : memref<96x26x8x128xf32, #tpu.memory_space<vmem>>, vector<96x1x8x128xf32>,
    %get3A_104 = arith.constant 1152 : index
    %get3A_105 = arith.constant 0 : index
    %get3A_106 = vector.load %arg1[%get3A_104, %get3A_105] : memref<3328x768xf32, #tpu.memory_space<vmem>>, vector<128x768xf32>
    %transpose3A_107 = tpu.transpose %get3A_106, [1, 0] : vector<128x768xf32> -> vector<768x128xf32>
    %reshape3A_108 = vector.shape_cast %transpose3A_107 : vector<768x128xf32> to vector<96x8x128xf32>
    %swap3A_109 = arith.constant 0 : index
    %swap3A_110 = arith.constant 9 : index
    %swap3A_111 = arith.constant 0 : index
    %swap3A_112 = arith.constant 0 : index
    %swap3A_113 = vector.load %arg2[%swap3A_109, %swap3A_110, %swap3A_111, %swap3A_112] : memref<96x26x8x128xf32, #tpu.memory_space<vmem>>, vector<96x1x8x128xf32>
    %swap3A_114 = vector.shape_cast %swap3A_113 : vector<96x1x8x128xf32> to vector<96x8x128xf32>
    %swap3A_115 = vector.shape_cast %reshape3A_108 : vector<96x8x128xf32> to vector<96x1x8x128xf32>
    tpu.vector_store %arg2[%swap3A_109, %swap3A_110, %swap3A_111, %swap3A_112], %swap3A_115 {strides = array<i32>} : memref<96x26x8x128xf32, #tpu.memory_space<vmem>>, vector<96x1x8x128xf32>,
    %get3A_116 = arith.constant 1280 : index
    %get3A_117 = arith.constant 0 : index
    %get3A_118 = vector.load %arg1[%get3A_116, %get3A_117] : memref<3328x768xf32, #tpu.memory_space<vmem>>, vector<128x768xf32>
    %transpose3A_119 = tpu.transpose %get3A_118, [1, 0] : vector<128x768xf32> -> vector<768x128xf32>
    %reshape3A_120 = vector.shape_cast %transpose3A_119 : vector<768x128xf32> to vector<96x8x128xf32>
    %swap3A_121 = arith.constant 0 : index
    %swap3A_122 = arith.constant 10 : index
    %swap3A_123 = arith.constant 0 : index
    %swap3A_124 = arith.constant 0 : index
    %swap3A_125 = vector.load %arg2[%swap3A_121, %swap3A_122, %swap3A_123, %swap3A_124] : memref<96x26x8x128xf32, #tpu.memory_space<vmem>>, vector<96x1x8x128xf32>
    %swap3A_126 = vector.shape_cast %swap3A_125 : vector<96x1x8x128xf32> to vector<96x8x128xf32>
    %swap3A_127 = vector.shape_cast %reshape3A_120 : vector<96x8x128xf32> to vector<96x1x8x128xf32>
    tpu.vector_store %arg2[%swap3A_121, %swap3A_122, %swap3A_123, %swap3A_124], %swap3A_127 {strides = array<i32>} : memref<96x26x8x128xf32, #tpu.memory_space<vmem>>, vector<96x1x8x128xf32>,
    %get3A_128 = arith.constant 1408 : index
    %get3A_129 = arith.constant 0 : index
    %get3A_130 = vector.load %arg1[%get3A_128, %get3A_129] : memref<3328x768xf32, #tpu.memory_space<vmem>>, vector<128x768xf32>
    %transpose3A_131 = tpu.transpose %get3A_130, [1, 0] : vector<128x768xf32> -> vector<768x128xf32>
    %reshape3A_132 = vector.shape_cast %transpose3A_131 : vector<768x128xf32> to vector<96x8x128xf32>
    %swap3A_133 = arith.constant 0 : index
    %swap3A_134 = arith.constant 11 : index
    %swap3A_135 = arith.constant 0 : index
    %swap3A_136 = arith.constant 0 : index
    %swap3A_137 = vector.load %arg2[%swap3A_133, %swap3A_134, %swap3A_135, %swap3A_136] : memref<96x26x8x128xf32, #tpu.memory_space<vmem>>, vector<96x1x8x128xf32>
    %swap3A_138 = vector.shape_cast %swap3A_137 : vector<96x1x8x128xf32> to vector<96x8x128xf32>
    %swap3A_139 = vector.shape_cast %reshape3A_132 : vector<96x8x128xf32> to vector<96x1x8x128xf32>
    tpu.vector_store %arg2[%swap3A_133, %swap3A_134, %swap3A_135, %swap3A_136], %swap3A_139 {strides = array<i32>} : memref<96x26x8x128xf32, #tpu.memory_space<vmem>>, vector<96x1x8x128xf32>,
    %get3A_140 = arith.constant 1536 : index
    %get3A_141 = arith.constant 0 : index
    %get3A_142 = vector.load %arg1[%get3A_140, %get3A_141] : memref<3328x768xf32, #tpu.memory_space<vmem>>, vector<128x768xf32>
    %transpose3A_143 = tpu.transpose %get3A_142, [1, 0] : vector<128x768xf32> -> vector<768x128xf32>
    %reshape3A_144 = vector.shape_cast %transpose3A_143 : vector<768x128xf32> to vector<96x8x128xf32>
    %swap3A_145 = arith.constant 0 : index
    %swap3A_146 = arith.constant 12 : index
    %swap3A_147 = arith.constant 0 : index
    %swap3A_148 = arith.constant 0 : index
    %swap3A_149 = vector.load %arg2[%swap3A_145, %swap3A_146, %swap3A_147, %swap3A_148] : memref<96x26x8x128xf32, #tpu.memory_space<vmem>>, vector<96x1x8x128xf32>
    %swap3A_150 = vector.shape_cast %swap3A_149 : vector<96x1x8x128xf32> to vector<96x8x128xf32>
    %swap3A_151 = vector.shape_cast %reshape3A_144 : vector<96x8x128xf32> to vector<96x1x8x128xf32>
    tpu.vector_store %arg2[%swap3A_145, %swap3A_146, %swap3A_147, %swap3A_148], %swap3A_151 {strides = array<i32>} : memref<96x26x8x128xf32, #tpu.memory_space<vmem>>, vector<96x1x8x128xf32>,
    %get3A_152 = arith.constant 1664 : index
    %get3A_153 = arith.constant 0 : index
    %get3A_154 = vector.load %arg1[%get3A_152, %get3A_153] : memref<3328x768xf32, #tpu.memory_space<vmem>>, vector<128x768xf32>
    %transpose3A_155 = tpu.transpose %get3A_154, [1, 0] : vector<128x768xf32> -> vector<768x128xf32>
    %reshape3A_156 = vector.shape_cast %transpose3A_155 : vector<768x128xf32> to vector<96x8x128xf32>
    %swap3A_157 = arith.constant 0 : index
    %swap3A_158 = arith.constant 13 : index
    %swap3A_159 = arith.constant 0 : index
    %swap3A_160 = arith.constant 0 : index
    %swap3A_161 = vector.load %arg2[%swap3A_157, %swap3A_158, %swap3A_159, %swap3A_160] : memref<96x26x8x128xf32, #tpu.memory_space<vmem>>, vector<96x1x8x128xf32>
    %swap3A_162 = vector.shape_cast %swap3A_161 : vector<96x1x8x128xf32> to vector<96x8x128xf32>
    %swap3A_163 = vector.shape_cast %reshape3A_156 : vector<96x8x128xf32> to vector<96x1x8x128xf32>
    tpu.vector_store %arg2[%swap3A_157, %swap3A_158, %swap3A_159, %swap3A_160], %swap3A_163 {strides = array<i32>} : memref<96x26x8x128xf32, #tpu.memory_space<vmem>>, vector<96x1x8x128xf32>,
    %get3A_164 = arith.constant 1792 : index
    %get3A_165 = arith.constant 0 : index
    %get3A_166 = vector.load %arg1[%get3A_164, %get3A_165] : memref<3328x768xf32, #tpu.memory_space<vmem>>, vector<128x768xf32>
    %transpose3A_167 = tpu.transpose %get3A_166, [1, 0] : vector<128x768xf32> -> vector<768x128xf32>
    %reshape3A_168 = vector.shape_cast %transpose3A_167 : vector<768x128xf32> to vector<96x8x128xf32>
    %swap3A_169 = arith.constant 0 : index
    %swap3A_170 = arith.constant 14 : index
    %swap3A_171 = arith.constant 0 : index
    %swap3A_172 = arith.constant 0 : index
    %swap3A_173 = vector.load %arg2[%swap3A_169, %swap3A_170, %swap3A_171, %swap3A_172] : memref<96x26x8x128xf32, #tpu.memory_space<vmem>>, vector<96x1x8x128xf32>
    %swap3A_174 = vector.shape_cast %swap3A_173 : vector<96x1x8x128xf32> to vector<96x8x128xf32>
    %swap3A_175 = vector.shape_cast %reshape3A_168 : vector<96x8x128xf32> to vector<96x1x8x128xf32>
    tpu.vector_store %arg2[%swap3A_169, %swap3A_170, %swap3A_171, %swap3A_172], %swap3A_175 {strides = array<i32>} : memref<96x26x8x128xf32, #tpu.memory_space<vmem>>, vector<96x1x8x128xf32>,
    %get3A_176 = arith.constant 1920 : index
    %get3A_177 = arith.constant 0 : index
    %get3A_178 = vector.load %arg1[%get3A_176, %get3A_177] : memref<3328x768xf32, #tpu.memory_space<vmem>>, vector<128x768xf32>
    %transpose3A_179 = tpu.transpose %get3A_178, [1, 0] : vector<128x768xf32> -> vector<768x128xf32>
    %reshape3A_180 = vector.shape_cast %transpose3A_179 : vector<768x128xf32> to vector<96x8x128xf32>
    %swap3A_181 = arith.constant 0 : index
    %swap3A_182 = arith.constant 15 : index
    %swap3A_183 = arith.constant 0 : index
    %swap3A_184 = arith.constant 0 : index
    %swap3A_185 = vector.load %arg2[%swap3A_181, %swap3A_182, %swap3A_183, %swap3A_184] : memref<96x26x8x128xf32, #tpu.memory_space<vmem>>, vector<96x1x8x128xf32>
    %swap3A_186 = vector.shape_cast %swap3A_185 : vector<96x1x8x128xf32> to vector<96x8x128xf32>
    %swap3A_187 = vector.shape_cast %reshape3A_180 : vector<96x8x128xf32> to vector<96x1x8x128xf32>
    tpu.vector_store %arg2[%swap3A_181, %swap3A_182, %swap3A_183, %swap3A_184], %swap3A_187 {strides = array<i32>} : memref<96x26x8x128xf32, #tpu.memory_space<vmem>>, vector<96x1x8x128xf32>,
    %get3A_188 = arith.constant 2048 : index
    %get3A_189 = arith.constant 0 : index
    %get3A_190 = vector.load %arg1[%get3A_188, %get3A_189] : memref<3328x768xf32, #tpu.memory_space<vmem>>, vector<128x768xf32>
    %transpose3A_191 = tpu.transpose %get3A_190, [1, 0] : vector<128x768xf32> -> vector<768x128xf32>
    %reshape3A_192 = vector.shape_cast %transpose3A_191 : vector<768x128xf32> to vector<96x8x128xf32>
    %swap3A_193 = arith.constant 0 : index
    %swap3A_194 = arith.constant 16 : index
    %swap3A_195 = arith.constant 0 : index
    %swap3A_196 = arith.constant 0 : index
    %swap3A_197 = vector.load %arg2[%swap3A_193, %swap3A_194, %swap3A_195, %swap3A_196] : memref<96x26x8x128xf32, #tpu.memory_space<vmem>>, vector<96x1x8x128xf32>
    %swap3A_198 = vector.shape_cast %swap3A_197 : vector<96x1x8x128xf32> to vector<96x8x128xf32>
    %swap3A_199 = vector.shape_cast %reshape3A_192 : vector<96x8x128xf32> to vector<96x1x8x128xf32>
    tpu.vector_store %arg2[%swap3A_193, %swap3A_194, %swap3A_195, %swap3A_196], %swap3A_199 {strides = array<i32>} : memref<96x26x8x128xf32, #tpu.memory_space<vmem>>, vector<96x1x8x128xf32>,
    %get3A_200 = arith.constant 2176 : index
    %get3A_201 = arith.constant 0 : index
    %get3A_202 = vector.load %arg1[%get3A_200, %get3A_201] : memref<3328x768xf32, #tpu.memory_space<vmem>>, vector<128x768xf32>
    %transpose3A_203 = tpu.transpose %get3A_202, [1, 0] : vector<128x768xf32> -> vector<768x128xf32>
    %reshape3A_204 = vector.shape_cast %transpose3A_203 : vector<768x128xf32> to vector<96x8x128xf32>
    %swap3A_205 = arith.constant 0 : index
    %swap3A_206 = arith.constant 17 : index
    %swap3A_207 = arith.constant 0 : index
    %swap3A_208 = arith.constant 0 : index
    %swap3A_209 = vector.load %arg2[%swap3A_205, %swap3A_206, %swap3A_207, %swap3A_208] : memref<96x26x8x128xf32, #tpu.memory_space<vmem>>, vector<96x1x8x128xf32>
    %swap3A_210 = vector.shape_cast %swap3A_209 : vector<96x1x8x128xf32> to vector<96x8x128xf32>
    %swap3A_211 = vector.shape_cast %reshape3A_204 : vector<96x8x128xf32> to vector<96x1x8x128xf32>
    tpu.vector_store %arg2[%swap3A_205, %swap3A_206, %swap3A_207, %swap3A_208], %swap3A_211 {strides = array<i32>} : memref<96x26x8x128xf32, #tpu.memory_space<vmem>>, vector<96x1x8x128xf32>,
    %get3A_212 = arith.constant 2304 : index
    %get3A_213 = arith.constant 0 : index
    %get3A_214 = vector.load %arg1[%get3A_212, %get3A_213] : memref<3328x768xf32, #tpu.memory_space<vmem>>, vector<128x768xf32>
    %transpose3A_215 = tpu.transpose %get3A_214, [1, 0] : vector<128x768xf32> -> vector<768x128xf32>
    %reshape3A_216 = vector.shape_cast %transpose3A_215 : vector<768x128xf32> to vector<96x8x128xf32>
    %swap3A_217 = arith.constant 0 : index
    %swap3A_218 = arith.constant 18 : index
    %swap3A_219 = arith.constant 0 : index
    %swap3A_220 = arith.constant 0 : index
    %swap3A_221 = vector.load %arg2[%swap3A_217, %swap3A_218, %swap3A_219, %swap3A_220] : memref<96x26x8x128xf32, #tpu.memory_space<vmem>>, vector<96x1x8x128xf32>
    %swap3A_222 = vector.shape_cast %swap3A_221 : vector<96x1x8x128xf32> to vector<96x8x128xf32>
    %swap3A_223 = vector.shape_cast %reshape3A_216 : vector<96x8x128xf32> to vector<96x1x8x128xf32>
    tpu.vector_store %arg2[%swap3A_217, %swap3A_218, %swap3A_219, %swap3A_220], %swap3A_223 {strides = array<i32>} : memref<96x26x8x128xf32, #tpu.memory_space<vmem>>, vector<96x1x8x128xf32>,
    %get3A_224 = arith.constant 2432 : index
    %get3A_225 = arith.constant 0 : index
    %get3A_226 = vector.load %arg1[%get3A_224, %get3A_225] : memref<3328x768xf32, #tpu.memory_space<vmem>>, vector<128x768xf32>
    %transpose3A_227 = tpu.transpose %get3A_226, [1, 0] : vector<128x768xf32> -> vector<768x128xf32>
    %reshape3A_228 = vector.shape_cast %transpose3A_227 : vector<768x128xf32> to vector<96x8x128xf32>
    %swap3A_229 = arith.constant 0 : index
    %swap3A_230 = arith.constant 19 : index
    %swap3A_231 = arith.constant 0 : index
    %swap3A_232 = arith.constant 0 : index
    %swap3A_233 = vector.load %arg2[%swap3A_229, %swap3A_230, %swap3A_231, %swap3A_232] : memref<96x26x8x128xf32, #tpu.memory_space<vmem>>, vector<96x1x8x128xf32>
    %swap3A_234 = vector.shape_cast %swap3A_233 : vector<96x1x8x128xf32> to vector<96x8x128xf32>
    %swap3A_235 = vector.shape_cast %reshape3A_228 : vector<96x8x128xf32> to vector<96x1x8x128xf32>
    tpu.vector_store %arg2[%swap3A_229, %swap3A_230, %swap3A_231, %swap3A_232], %swap3A_235 {strides = array<i32>} : memref<96x26x8x128xf32, #tpu.memory_space<vmem>>, vector<96x1x8x128xf32>,
    %get3A_236 = arith.constant 2560 : index
    %get3A_237 = arith.constant 0 : index
    %get3A_238 = vector.load %arg1[%get3A_236, %get3A_237] : memref<3328x768xf32, #tpu.memory_space<vmem>>, vector<128x768xf32>
    %transpose3A_239 = tpu.transpose %get3A_238, [1, 0] : vector<128x768xf32> -> vector<768x128xf32>
    %reshape3A_240 = vector.shape_cast %transpose3A_239 : vector<768x128xf32> to vector<96x8x128xf32>
    %swap3A_241 = arith.constant 0 : index
    %swap3A_242 = arith.constant 20 : index
    %swap3A_243 = arith.constant 0 : index
    %swap3A_244 = arith.constant 0 : index
    %swap3A_245 = vector.load %arg2[%swap3A_241, %swap3A_242, %swap3A_243, %swap3A_244] : memref<96x26x8x128xf32, #tpu.memory_space<vmem>>, vector<96x1x8x128xf32>
    %swap3A_246 = vector.shape_cast %swap3A_245 : vector<96x1x8x128xf32> to vector<96x8x128xf32>
    %swap3A_247 = vector.shape_cast %reshape3A_240 : vector<96x8x128xf32> to vector<96x1x8x128xf32>
    tpu.vector_store %arg2[%swap3A_241, %swap3A_242, %swap3A_243, %swap3A_244], %swap3A_247 {strides = array<i32>} : memref<96x26x8x128xf32, #tpu.memory_space<vmem>>, vector<96x1x8x128xf32>,
    %get3A_248 = arith.constant 2688 : index
    %get3A_249 = arith.constant 0 : index
    %get3A_250 = vector.load %arg1[%get3A_248, %get3A_249] : memref<3328x768xf32, #tpu.memory_space<vmem>>, vector<128x768xf32>
    %transpose3A_251 = tpu.transpose %get3A_250, [1, 0] : vector<128x768xf32> -> vector<768x128xf32>
    %reshape3A_252 = vector.shape_cast %transpose3A_251 : vector<768x128xf32> to vector<96x8x128xf32>
    %swap3A_253 = arith.constant 0 : index
    %swap3A_254 = arith.constant 21 : index
    %swap3A_255 = arith.constant 0 : index
    %swap3A_256 = arith.constant 0 : index
    %swap3A_257 = vector.load %arg2[%swap3A_253, %swap3A_254, %swap3A_255, %swap3A_256] : memref<96x26x8x128xf32, #tpu.memory_space<vmem>>, vector<96x1x8x128xf32>
    %swap3A_258 = vector.shape_cast %swap3A_257 : vector<96x1x8x128xf32> to vector<96x8x128xf32>
    %swap3A_259 = vector.shape_cast %reshape3A_252 : vector<96x8x128xf32> to vector<96x1x8x128xf32>
    tpu.vector_store %arg2[%swap3A_253, %swap3A_254, %swap3A_255, %swap3A_256], %swap3A_259 {strides = array<i32>} : memref<96x26x8x128xf32, #tpu.memory_space<vmem>>, vector<96x1x8x128xf32>,
    %get3A_260 = arith.constant 2816 : index
    %get3A_261 = arith.constant 0 : index
    %get3A_262 = vector.load %arg1[%get3A_260, %get3A_261] : memref<3328x768xf32, #tpu.memory_space<vmem>>, vector<128x768xf32>
    %transpose3A_263 = tpu.transpose %get3A_262, [1, 0] : vector<128x768xf32> -> vector<768x128xf32>
    %reshape3A_264 = vector.shape_cast %transpose3A_263 : vector<768x128xf32> to vector<96x8x128xf32>
    %swap3A_265 = arith.constant 0 : index
    %swap3A_266 = arith.constant 22 : index
    %swap3A_267 = arith.constant 0 : index
    %swap3A_268 = arith.constant 0 : index
    %swap3A_269 = vector.load %arg2[%swap3A_265, %swap3A_266, %swap3A_267, %swap3A_268] : memref<96x26x8x128xf32, #tpu.memory_space<vmem>>, vector<96x1x8x128xf32>
    %swap3A_270 = vector.shape_cast %swap3A_269 : vector<96x1x8x128xf32> to vector<96x8x128xf32>
    %swap3A_271 = vector.shape_cast %reshape3A_264 : vector<96x8x128xf32> to vector<96x1x8x128xf32>
    tpu.vector_store %arg2[%swap3A_265, %swap3A_266, %swap3A_267, %swap3A_268], %swap3A_271 {strides = array<i32>} : memref<96x26x8x128xf32, #tpu.memory_space<vmem>>, vector<96x1x8x128xf32>,
    %get3A_272 = arith.constant 2944 : index
    %get3A_273 = arith.constant 0 : index
    %get3A_274 = vector.load %arg1[%get3A_272, %get3A_273] : memref<3328x768xf32, #tpu.memory_space<vmem>>, vector<128x768xf32>
    %transpose3A_275 = tpu.transpose %get3A_274, [1, 0] : vector<128x768xf32> -> vector<768x128xf32>
    %reshape3A_276 = vector.shape_cast %transpose3A_275 : vector<768x128xf32> to vector<96x8x128xf32>
    %swap3A_277 = arith.constant 0 : index
    %swap3A_278 = arith.constant 23 : index
    %swap3A_279 = arith.constant 0 : index
    %swap3A_280 = arith.constant 0 : index
    %swap3A_281 = vector.load %arg2[%swap3A_277, %swap3A_278, %swap3A_279, %swap3A_280] : memref<96x26x8x128xf32, #tpu.memory_space<vmem>>, vector<96x1x8x128xf32>
    %swap3A_282 = vector.shape_cast %swap3A_281 : vector<96x1x8x128xf32> to vector<96x8x128xf32>
    %swap3A_283 = vector.shape_cast %reshape3A_276 : vector<96x8x128xf32> to vector<96x1x8x128xf32>
    tpu.vector_store %arg2[%swap3A_277, %swap3A_278, %swap3A_279, %swap3A_280], %swap3A_283 {strides = array<i32>} : memref<96x26x8x128xf32, #tpu.memory_space<vmem>>, vector<96x1x8x128xf32>,
    %get3A_284 = arith.constant 3072 : index
    %get3A_285 = arith.constant 0 : index
    %get3A_286 = vector.load %arg1[%get3A_284, %get3A_285] : memref<3328x768xf32, #tpu.memory_space<vmem>>, vector<128x768xf32>
    %transpose3A_287 = tpu.transpose %get3A_286, [1, 0] : vector<128x768xf32> -> vector<768x128xf32>
    %reshape3A_288 = vector.shape_cast %transpose3A_287 : vector<768x128xf32> to vector<96x8x128xf32>
    %swap3A_289 = arith.constant 0 : index
    %swap3A_290 = arith.constant 24 : index
    %swap3A_291 = arith.constant 0 : index
    %swap3A_292 = arith.constant 0 : index
    %swap3A_293 = vector.load %arg2[%swap3A_289, %swap3A_290, %swap3A_291, %swap3A_292] : memref<96x26x8x128xf32, #tpu.memory_space<vmem>>, vector<96x1x8x128xf32>
    %swap3A_294 = vector.shape_cast %swap3A_293 : vector<96x1x8x128xf32> to vector<96x8x128xf32>
    %swap3A_295 = vector.shape_cast %reshape3A_288 : vector<96x8x128xf32> to vector<96x1x8x128xf32>
    tpu.vector_store %arg2[%swap3A_289, %swap3A_290, %swap3A_291, %swap3A_292], %swap3A_295 {strides = array<i32>} : memref<96x26x8x128xf32, #tpu.memory_space<vmem>>, vector<96x1x8x128xf32>,
    %get3A_296 = arith.constant 3200 : index
    %get3A_297 = arith.constant 0 : index
    %get3A_298 = vector.load %arg1[%get3A_296, %get3A_297] : memref<3328x768xf32, #tpu.memory_space<vmem>>, vector<128x768xf32>
    %transpose3A_299 = tpu.transpose %get3A_298, [1, 0] : vector<128x768xf32> -> vector<768x128xf32>
    %reshape3A_300 = vector.shape_cast %transpose3A_299 : vector<768x128xf32> to vector<96x8x128xf32>
    %swap3A_301 = arith.constant 0 : index
    %swap3A_302 = arith.constant 25 : index
    %swap3A_303 = arith.constant 0 : index
    %swap3A_304 = arith.constant 0 : index
    %swap3A_305 = vector.load %arg2[%swap3A_301, %swap3A_302, %swap3A_303, %swap3A_304] : memref<96x26x8x128xf32, #tpu.memory_space<vmem>>, vector<96x1x8x128xf32>
    %swap3A_306 = vector.shape_cast %swap3A_305 : vector<96x1x8x128xf32> to vector<96x8x128xf32>
    %swap3A_307 = vector.shape_cast %reshape3A_300 : vector<96x8x128xf32> to vector<96x1x8x128xf32>
    tpu.vector_store %arg2[%swap3A_301, %swap3A_302, %swap3A_303, %swap3A_304], %swap3A_307 {strides = array<i32>} : memref<96x26x8x128xf32, #tpu.memory_space<vmem>>, vector<96x1x8x128xf32>,
    return
  }
  func.func @transform_0(%arg0: i32) -> (i32, i32) {
    %c0_i32 = arith.constant 0 : i32
    %c0_i32_0 = arith.constant 0 : i32
    return %arg0, %c0_i32 : i32, i32
  }
  func.func @transform_1(%arg0: i32) -> (i32, i32, i32, i32) {
    %c0_i32 = arith.constant 0 : i32
    %c0_i32_0 = arith.constant 0 : i32
    %c0_i32_1 = arith.constant 0 : i32
    %c0_i32_2 = arith.constant 0 : i32
    return %c0_i32, %arg0, %c0_i32_0, %c0_i32_1 : i32, i32, i32, i32
  }
}

</mosaic_0001>

<sc_bundles>
// kernel: _features.4.cloned.1.call-start
scs
__scs_entry_jumppad:
0x0: {  	(pc) =	sbr.rel $0x88, $3  }
0x1: {  	(tag) =	ssettag $0x0;
	lr =	simm.s32 $0x1  }
0x2: {  	[smem:$0x3F9F] =	sst lr;
	_ =	strace $0xD0000000  }
0x3: {  	_ = 	snop  }
0x4: {  	_ = 	snop  }
0x5: {  	_ = 	snop  }
0x6: {  	_ = 	snop  }
0x7: {  	_ = 	snop  }
__scs_overlays_trampoline_lowered:
0x8: {  	[smem:$0x3FAE] =	sst s0  }
0x9: {  	[smem:$0x3FAF] =	sst s1  }
0xa: {  	[smem:$0x3FB0] =	sst s2  }
0xb: {  	[smem:$0x3FB1] =	sst s3  }
0xc: {  	[smem:$0x3FB2] =	sst s4  }
0xd: {  	[smem:$0x3FB3] =	sst s5  }
0xe: {  	[smem:$0x3FB4] =	sst s6  }
0xf: {  	[smem:$0x3FB5] =	sst s7  }
0x10: {  	[smem:$0x3FB6] =	sst s8  }
0x11: {  	[smem:$0x3FB7] =	sst s9;
	s0 =	simm.s32 @!p0 $0x0  }
0x12: {  	s1 =	sld [smem:$0x3F9D];
	s0 =	simm.s32 @p0 $0x1  }
0x13: {  	[smem:$0x3FB8] =	sst s0;
	s0 =	simm.s32 @!p1 $0x0  }
0x14: {  	s2 =	sld [smem:$0x3F9C];
	s0 =	simm.s32 @p1 $0x1  }
0x15: {  	[smem:$0x3FB9] =	sst s0;
	s0 =	simm.s32 @!p2 $0x0  }
0x16: {  	s3 =	sld [smem:$0x3FDB];
	s0 =	simm.s32 @p2 $0x1  }
0x17: {  	s4 =	simm.s32 $0x1BF5;
	[smem:$0x3FBB] =	sst s0  }
0x18: {  	s0 =	sld [smem:$0x3F9E];
	_ =	swait.ge [sflag:s4], $0x0  }
0x19: {  	s7 =	sld [smem:$0x3F9F]  }
0x1a: {  	s8 =	sadd.s32 $0xFFFFE003, lr  }
0x1b: {  	s9 =	sadd.s32 $0xFFFFFEF7, lr;
	s5 =	simm.s32 $0xFFFFFFFF;
	p2 =	slt.u32 s8, $0xFFFFF086  }
0x1c: {  	p1 =	slt.u32 s9, $0xF7A;
	s5 =	simm.s32 @!p2 $0x0  }
0x1d: {  	s5 =	simm.s32 @p1 $0x1;
	p0 =	seq.s32 s7, s2  }
0x1e: {  	s7 =	smul.u32 @!p0 $0xF7A, s2;
	p2 =	seq.s32 @!p0 s5, $0x0  }
0x1f: {  	s9 =	smul.u32 $0xF7A, s1;
	s8 =	simm.s32 @!p0 $0x1BF5;
	p2 =	por !p2, p0  }
0x20: {  	[sflag:s8] =	ssyncset.s32 @!p0 $0xFFFFF086;
	s6 =	sadd.s32 @!p0 s3, s7;
	s7 =	simm.s32 @!p0 $0x108  }
0x21: {  	s3 =	sadd.s32 s3, s9;
	s6 =	sadd.s32 @!p0 $0x88, s6;
	s7 =	simm.s32 @p2 $0x1082  }
0x22: {  	[simem:s7], [sflag:s8] =	dma.local @!p0 [hbm:s6], $0xF7A  }
0x23: {  	s9 =	sor.u32 $0xD0000000, s2;
	s6 =	simm.s32 $0x108;
	_ =	swait.ge @!p0 [sflag:s8], $0x0  }
0x24: {  	s3 =	sadd.s32 $0x88, s3;
	s6 =	simm.s32 @!p1 $0x1082;
	[sflag:s4] =	ssyncset.s32 $0xFFFFF086  }
0x25: {  	[simem:s6], [sflag:s4] =	dma.local [hbm:s3], $0xF7A  }
0x26: {  	[smem:$0x3F9F] =	sst s1;
	(tag) =	ssettag s2;
	_ =	strace s9  }
0x27: {  	s1 =	sld [smem:$0x3FAF]  }
0x28: {  	s2 =	sld [smem:$0x3FB0]  }
0x29: {  	s4 =	sld [smem:$0x3FB2]  }
0x2a: {  	p0 =	seq.s32 s5, $0x0;
	s5 =	sld [smem:$0x3FB3]  }
0x2b: {  	s6 =	sld [smem:$0x3FB4]  }
0x2c: {  	s7 =	sld [smem:$0x3FB5]  }
0x2d: {  	s3 =	simm.s32 $0x108;
	s8 =	sld [smem:$0x3FB6]  }
0x2e: {  	s3 =	simm.s32 @!p0 $0x1082;
	s9 =	sld [smem:$0x3FB7]  }
0x2f: {  	lr =	sadd.s32 s0, s3;
	s0 =	sld [smem:$0x3FAE]  }
0x30: {  	s3 =	sld [smem:$0x3FB1]  }
0x31: {  	[smem:$0x3FBA] =	sst s10  }
0x32: {  	s10 =	sld [smem:$0x3FB8];
	_ =	sdelay $0x3  }
0x33: {  	p0 =	seq.s32 s10, $0x1;
	s10 =	sld [smem:$0x3FBA];
	_ =	sdelay $0x3  }
0x34: {  	[smem:$0x3FBA] =	sst s10  }
0x35: {  	s10 =	sld [smem:$0x3FB9];
	_ =	sdelay $0x3  }
0x36: {  	p1 =	seq.s32 s10, $0x1;
	s10 =	sld [smem:$0x3FBA];
	_ =	sdelay $0x3  }
0x37: {  	[smem:$0x3FBA] =	sst s10  }
0x38: {  	s10 =	sld [smem:$0x3FBB]  }
0x39: {  	_ = 	snop;
	(pc) =	sbr.ind lr, $3  }
0x3a: {  	_ = 	snop  }
0x3b: {  	_ = 	snop  }
0x3c: {  	p2 =	seq.s32 s10, $0x1;
	s10 =	sld [smem:$0x3FBA]  }
0x3d: {  	_ =	shalt  }
0x3e: {  	_ =	shalt  }
0x3f: {  	_ =	shalt  }
0x40: {  	_ =	shalt  }
0x41: {  	_ =	shalt  }
0x42: {  	_ =	shalt  }
0x43: {  	_ =	shalt  }
0x44: {  	_ =	shalt  }
0x45: {  	_ =	shalt  }
0x46: {  	_ =	shalt  }
0x47: {  	_ =	shalt  }
0x48: {  	_ =	shalt  }
0x49: {  	_ =	shalt  }
0x4a: {  	_ =	shalt  }
0x4b: {  	_ =	shalt  }
0x4c: {  	_ =	shalt  }
0x4d: {  	_ =	shalt  }
0x4e: {  	_ =	shalt  }
0x4f: {  	_ =	shalt  }
0x50: {  	_ =	shalt  }
0x51: {  	_ =	shalt  }
0x52: {  	_ =	shalt  }
0x53: {  	_ =	shalt  }
0x54: {  	_ =	shalt  }
0x55: {  	_ =	shalt  }
0x56: {  	_ =	shalt  }
0x57: {  	_ =	shalt  }
0x58: {  	_ =	shalt  }
0x59: {  	_ =	shalt  }
0x5a: {  	_ =	shalt  }
0x5b: {  	_ =	shalt  }
0x5c: {  	_ =	shalt  }
0x5d: {  	_ =	shalt  }
0x5e: {  	_ =	shalt  }
0x5f: {  	_ =	shalt  }
0x60: {  	_ =	shalt  }
0x61: {  	_ =	shalt  }
0x62: {  	_ =	shalt  }
0x63: {  	_ =	shalt  }
0x64: {  	_ =	shalt  }
0x65: {  	_ =	shalt  }
0x66: {  	_ =	shalt  }
0x67: {  	_ =	shalt  }
0x68: {  	_ =	shalt  }
0x69: {  	_ =	shalt  }
0x6a: {  	_ =	shalt  }
0x6b: {  	_ =	shalt  }
0x6c: {  	_ =	shalt  }
0x6d: {  	_ =	shalt  }
0x6e: {  	_ =	shalt  }
0x6f: {  	_ =	shalt  }
0x70: {  	_ =	shalt  }
0x71: {  	_ =	shalt  }
0x72: {  	_ =	shalt  }
0x73: {  	_ =	shalt  }
0x74: {  	_ =	shalt  }
0x75: {  	_ =	shalt  }
0x76: {  	_ =	shalt  }
0x77: {  	_ =	shalt  }
0x78: {  	_ =	shalt  }
0x79: {  	_ =	shalt  }
0x7a: {  	_ =	shalt  }
0x7b: {  	_ =	shalt  }
0x7c: {  	_ =	shalt  }
0x7d: {  	_ =	shalt  }
0x7e: {  	_ =	shalt  }
0x7f: {  	_ =	shalt  }
0x80: {  	_ =	shalt  }
0x81: {  	_ =	shalt  }
0x82: {  	_ =	shalt  }
0x83: {  	_ =	shalt  }
0x84: {  	_ =	shalt  }
0x85: {  	_ =	shalt  }
0x86: {  	_ =	shalt  }
0x87: {  	_ =	shalt  }
.Lfunc_end0:
.L_simem_size_0:
called_computation_lowered:
.L_overlay_start_0:
0x88: {  	s2 =	sld [smem:$0x3FD9]  }
0x89: {  	s3 =	sld [smem:$0x3FFE];
	_ =	sdelay $0x1  }
0x8a: {  	s1 =	srdreg.scid  }
0x8b: {  	s0 =	sand.u32 $0x1, s1  }
0x8c: {  	s17 =	sshll.u32 s0, $0xA;
	s2 =	sadd.s32 s3, s2  }
0x8d: {  	s2 =	sadd.s32 s2, s17  }
0x8e: {  	[smem:$0x3FC6] =	sst s2  }
0x8f: {  	_ = 	snop  }
0x90: {  	s2 =	sld [smem:$0x3FD0];
	(tm) =	ssettm $0x1  }
0x91: {  	s18 =	sld [smem:$0x3FFB];
	_ =	sdelay $0x3  }
0x92: {  	_ =	strace s18  }
0x93: {  	s3 =	sld [smem:$0x3FFC];
	_ =	sdelay $0x3  }
0x94: {  	_ =	strace s3  }
0x95: {  	s3 =	sld [smem:$0x3FFD];
	_ =	sdelay $0x3  }
0x96: {  	_ =	strace s3  }
0x97: {  	_ =	strace $0x8FFFFFFF  }
0x98: {  	s19 =	sld [smem:$0x3FDB];
	_ =	sdelay $0x1  }
0x99: {  	s4 =	simm.s32 $_scs_section_size  }
0x9a: {  	s5 =	simm.s32 $_size__tile_overlayer_lowered;
	s6 =	simm.s32 $_tile_overlayer_lowered  }
0x9b: {  	s22 =	simm.s32 $0x1BFF;
	s21 =	sshll.u32 s6, $0x1;
	s3 =	sadd.s32 s4, s19  }
0x9c: {  	s7 =	simm.s32 $0x0;
	s20 =	sshll.u32 s5, $0x1;
	s5 =	sadd.s32 s21, s3  }
0x9d: {  	[timem:s7], [sflag:s22] =	dma.local [hbm:s5], s20  }
0x9e: {  	_ =	swait.ge [sflag:s22], s20  }
0x9f: {  	s4 =	ssub.s32 $0x0, s20;
	[sflag:s22] =	ssyncset.done $0x0  }
0xa0: {  	[sflag:s22] =	ssyncadd.s32 s4;
	_ =	sdelay $0x1  }
0xa1: {  	s23 =	simm.s32 $0x1B8B  }
0xa2: {  	_ =	swait.ge [sflag:s23], $0x1  }
0xa3: {  	[sflag:s23] =	ssyncset.done $0x0  }
0xa4: {  	s25 =	simm.s32 $0x1B8E;
	s24 =	sld [smem:$0x3FFE];
	[sflag:s23] =	ssyncadd.s32 $0xFFFFFFFF  }
0xa5: {  	s26 =	simm.s32 $execute0_lowered;
	[smem:$0x3FD2] =	sst s25  }
0xa6: {  	s5 =	sshll.u32 s26, $0x1;
	_ =	strace $0x80000046;
	[dreg:$0x1] =	wrdreg $0xFFFFFFFF  }
0xa7: {  	s28 =	simm.s32 $_size_execute0_lowered;
	s3 =	sadd.s32 s3, s5;
	[dreg:$0x0] =	wrdreg $0x0  }
0xa8: {  	s5 =	sshll.u32 s28, $0x1;
	[dreg:$0x2] =	wrdreg s3  }
0xa9: {  	[dreg:$0x3] =	wrdreg s5  }
0xaa: {  	[dreg:$0x4] =	wrdreg $0xC0  }
0xab: {  	_ =	task [dreg:s7], $0x5FFFF  }
0xac: {  	[dreg:$0x1] =	wrdreg $0xFFFFFFFF  }
0xad: {  	[dreg:$0x0] =	wrdreg $0x60  }
0xae: {  	[dreg:$0x2] =	wrdreg s24  }
0xaf: {  	[dreg:$0x3] =	wrdreg s2  }
0xb0: {  	[dreg:$0x4] =	wrdreg $0x9  }
0xb1: {  	_ =	task.clear_ibuf [dreg:s7], $0x5FFFF;
	_ =	strace $0x90000046  }
0xb2: {  	s29 =	simm.s32 $0x9;
	_ =	strace $0x80000048  }
0xb3: {  	_ =	swait.ge [sflag:s29], $0x1  }
0xb4: {  	[sflag:s29] =	ssyncadd.s32 $0xFFFFFFFF  }
0xb5: {  	_ =	strace $0x90000048  }
0xb6: {  	_ =	sfence  }
0xb7: {  	s30 =	sld [smem:$0x0];
	_ =	sdelay $0x2  }
0xb8: {  	s31 =	sshll.u32 s1, $0xD;
	s1 =	sshrl.u32 s1, $0x2  }
0xb9: {  	s3 =	sand.u32 $0x4000, s31;
	s1 =	sadd.s32 s1, s30  }
0xba: {  	s0 =	sor.u32 s3, s0;
	s1 =	sshll.u32 s1, $0x11  }
0xbb: {  	s0 =	sor.u32 s1, s0  }
0xbc: {  	s0 =	sadd.s32 $0x8F2B, s0  }
0xbd: {  	[sflag:s0] =	ssyncadd.remote.s32 $0x1  }
0xbe: {  	_ =	sfence.sel $0xFFFF  }
0xbf: {  	[dreg:$0x0] =	wrdreg $0xFFFFFFFF;
	(pc) =	sbr.abs _section_cstart, $3  }
0xc0: {  	[dreg:$0x1] =	wrdreg $0xFFFFFFFF  }
0xc1: {  	_ =	task.clear_ibuf [dreg:s7], $0x2FFFF;
	_ =	strace $0x9FFFFFFF  }
0xc2: {  	(tm) =	ssettm $0x7FFFFFFF  }
0xc3: {  	_ =	shalt  }
tec
execute0_lowered:
.L_overlay_start_1:
0x0: {  	(tag) =	ssettag $0x1  }
0x1: {  	s0 =	srdreg.scid  }
0x2: {  	s2 =	rddreg [dreg:$0x0];
	s0 =	sand.u32 $0x1, s0  }
0x3: {  	s6 =	rddreg [dreg:$0x1];
	s1 =	smul.u32 $0x30, s0  }
0x4: {  	s3 =	stileid.u32;
	s29 =	sadd.s32 $0x400, s6;
	s0 =	ssub.s32 $0x2, s0  }
0x5: {  	s5 =	sshrl.u32 s0, $0x1;
	s1 =	sor.u32 s3, s1;
	s3 =	simm.s32 $0x0  }
0x6: {  	s0 =	ssub.s32 s0, s5;
	s4 =	smul.u32 $0x1A00, s1;
	[smem:$0x7FF] =	sst s3  }
0x7: {  	s1 =	sshll.u32 s1, $0xE;
	_ =	strace $0x80000047;
	[dreg:$0x1c] =	wrdreg s29  }
0x8: {  	s0 =	smax.u32 s0, $0x1;
	[dreg:$0x1b] =	wrdreg s1  }
0x9: {  	s31 =	sadd.s32 $0x40000, s1;
	[smem:$0x7FD] =	sst s0  }
0xa: {  	s1 =	sadd.s32 $0x80000, s1;
	[dreg:$0x1e] =	wrdreg s31  }
0xb: {  	s4 =	sadd.s32 s4, s2;
	s2 =	sadd.s32 $0x600, s2;
	[dreg:$0x1f] =	wrdreg s1  }
0xc: {  	[dreg:$0x18] =	wrdreg s2;
	s26 =	sadd.s32 $0x1600, s4  }
0xd: {  	s28 =	sadd.s32 $0x1B600, s4;
	[dreg:$0x19] =	wrdreg s26  }
0xe: {  	s30 =	sadd.s32 $0x35600, s4;
	[dreg:$0x1a] =	wrdreg s28  }
0xf: {  	s2 =	simm.s32 $0xD000;
	s4 =	simm.s32 $0x0;
	[dreg:$0x1d] =	wrdreg s30  }
.LBB2_1:
0x10: {  	[smem:$0x7FC] =	sst s4  }
0x11: {  	s0 =	rddreg [dreg:$0x18];
	s1 =	simm.s32 $0x1A000  }
0x12: {  	[tilespmem:s1], [sflag:$0x2] =	stream.linear.gather [hbm4b:s0+s3], $0x800, $0x38;
	[tilespmem:$0x1F000] =	vst v63  }
0x13: {  	s29 =	rddreg [dreg:$0x19];
	s30 =	simm.s32 $0x3  }
0x14: {  	[tilespmem:s3], [sflag:$0x3] =	stream.linear.gather [hbm4b:s29+s3], $0xD000, $0x38;
	[tilespmem:$0x1F000] =	vst v63  }
0x15: {  	_ =	swait.ge [sflag:s30], $0xD000  }
0x16: {  	p0 =	por $0x0, $0x0;
	p1 =	por $0x0, $0x0;
	[sflag:s30] =	ssyncset.done $0x0  }
0x17: {  	s4 =	simm.s32 $0x0;
	s31 =	rddreg [dreg:$0x1a];
	[sflag:s30] =	ssyncadd.s32 $0xFFFF3000  }
0x18: {  	[tilespmem:s2], [sflag:$0x3] =	stream.linear.gather [hbm4b:s31+s3], $0xD000, $0x38;
	[tilespmem:$0x1F000] =	vst v63  }
.LBB2_2:
0x19: {  	s1 =	sadd.s32 $0x1, s4;
	s0 =	sxor.u32 $0xFFFFFFFF, s4;
	s2 =	simm.s32 $0x2  }
0x1a: {  	p2 =	seq.s32 s4, $0x0;
	_ =	swait.ge [sflag:s2], $0x800;
	s0 =	sshll.u32 s0, $0xB  }
0x1b: {  	[smem:$0x7F9] =	sst s1;
	s1 =	sshll.u32 s1, $0x8;
	[sflag:s2] =	ssyncset.done $0x0  }
0x1c: {  	s0 =	sand.u32 $0x800, s0;
	s25 =	rddreg [dreg:$0x18];
	s1 =	sand.u32 $0xF00, s1  }
0x1d: {  	[sflag:s2] =	ssyncadd.s32 $0xFFFFF800;
	s0 =	sor.u32 $0x1A000, s0;
	s1 =	sadd.s32 s25, s1  }
0x1e: {  	[tilespmem:s0], [sflag:$0x2] =	stream.linear.gather [hbm4b:s1+s3], $0x800, $0x38;
	[tilespmem:$0x1F000] =	vst v63  }
0x1f: {  	[smem:$0x7FA] =	sst s4;
	s4 =	simm.s32 @!p2 $0x1;
	s0 =	simm.s32 $0x1  }
0x20: {  	s0 =	simm.s32 @!p1 $0x0;
	_ =	swait.ge @!p2 [sflag:s4], $0x2000  }
0x21: {  	s2 =	sshll.u32 s0, $0xB;
	[sflag:s4] =	ssyncset.done @!p2 $0x0  }
0x22: {  	s26 =	sor.u32 $0x1A020, s2;
	[sflag:s4] =	ssyncadd.s32 @!p2 $0xFFFFE000  }
0x23: {  	v0 =	vld [tilespmem:s26+$0x10];
	_ =	sdelay $0x2  }
0x24: {  	v1 =	vld [tilespmem:s26+$0xFFFFFFE0]  }
0x25: {  	v2 =	vld [tilespmem:s26+$0xFFFFFFF0]  }
0x26: {  	v3 =	vshll.u32 v0, $0x3  }
0x27: {  	v0 =	vand.u32 $0x7F, v0;
	v3 =	vand.u32 $0xFFFFFC00, v3  }
0x28: {  	v4 =	vor.u32 v3, v0;
	v0 =	vld [tilespmem:s26+$0x0]  }
0x29: {  	v3 =	vshll.u32 v1, $0x3  }
0x2a: {  	v5 =	vshll.u32 v2, $0x3;
	v1 =	vand.u32 $0x7F, v1;
	v3 =	vand.u32 $0xFFFFFC00, v3  }
0x2b: {  	v6 =	vand.u32 $0x7F, v2;
	v5 =	vand.u32 $0xFFFFFC00, v5;
	v2 =	vor.u32 v3, v1  }
0x2c: {  	v1 =	vor.u32 v5, v6  }
0x2d: {  	v5 =	vld.idx.msk [tilespmem:v4+s3+$0x0], $0xffff;
	v3 =	vshll.u32 v0, $0x3  }
0x2e: {  	s25 =	simm.s32 $0x0;
	v6 =	vor.u32 $0x80, v4;
	v0 =	vand.u32 $0x7F, v0;
	v3 =	vand.u32 $0xFFFFFC00, v3  }
0x2f: {  	s11 =	sand.u32 $0x1C00, s25;
	s0 =	simm.s32 $0x30;
	v3 =	vor.u32 v3, v0  }
0x30: {  	s6 =	sadd.s32 $0x1B000, s11;
	s12 =	sand.u32 $0x70, s0;
	v0 =	vld.idx.msk [tilespmem:v2+s3+$0x0], $0xffff  }
0x31: {  	s8 =	sor.u32 s12, s6;
	v7 =	vor.u32 $0x80, v2;
	v8 =	vld.idx.msk [tilespmem:v1+s3+$0x0], $0xffff  }
0x32: {  	[tilespmem:s8+$0x0] =	vst v5;
	v5 =	vor.u32 $0x80, v1  }
0x33: {  	s5 =	sand.u32 $0x40, s25;
	s4 =	simm.s32 $0x10;
	v6 =	vld.idx.msk [tilespmem:v6+s3+$0x0], $0xffff  }
0x34: {  	s7 =	sor.u32 s5, s6;
	s9 =	sand.u32 $0x50, s4;
	v9 =	vor.u32 $0x100, v4;
	v10 =	vld.idx.msk [tilespmem:v3+s3+$0x0], $0xffff  }
0x35: {  	s9 =	sor.u32 s9, s6;
	v11 =	vor.u32 $0x80, v3;
	[tilespmem:s7+$0x0] =	vst v0  }
0x36: {  	s5 =	simm.s32 $0x20;
	[tilespmem:s9+$0x0] =	vst v8;
	v0 =	vld.idx.msk [tilespmem:v7+s3+$0x0], $0xffff  }
0x37: {  	s10 =	sand.u32 $0x60, s5;
	v7 =	vor.u32 $0x100, v2;
	v5 =	vld.idx.msk [tilespmem:v5+s3+$0x0], $0xffff  }
0x38: {  	s6 =	sor.u32 s10, s6;
	[tilespmem:s8+$0x80] =	vst v6;
	v6 =	vor.u32 $0x100, v1  }
0x39: {  	v8 =	vld.idx.msk [tilespmem:v9+s3+$0x0], $0xffff;
	[tilespmem:s6+$0x0] =	vst v10  }
0x3a: {  	v9 =	vor.u32 $0x180, v4;
	v10 =	vld.idx.msk [tilespmem:v11+s3+$0x0], $0xffff  }
0x3b: {  	[tilespmem:s7+$0x80] =	vst v0  }
0x3c: {  	v11 =	vor.u32 $0x100, v3;
	v0 =	vld.idx.msk [tilespmem:v7+s3+$0x0], $0xffff;
	[tilespmem:s9+$0x80] =	vst v5  }
0x3d: {  	s1 =	sadd.s32 $0x40, s26;
	v5 =	vld.idx.msk [tilespmem:v6+s3+$0x0], $0xffff  }
0x3e: {  	[tilespmem:s8+$0x100] =	vst v8;
	v8 =	vld [tilespmem:s1+$0x10]  }
0x3f: {  	v6 =	vld.idx.msk [tilespmem:v9+s3+$0x0], $0xffff;
	[tilespmem:s6+$0x80] =	vst v10;
	v10 =	vor.u32 $0x180, v2  }
0x40: {  	v13 =	vld [tilespmem:s1+$0xFFFFFFF0];
	v7 =	vor.u32 $0x200, v4  }
0x41: {  	v9 =	vld.idx.msk [tilespmem:v11+s3+$0x0], $0xffff  }
0x42: {  	v12 =	vor.u32 $0x180, v1;
	v11 =	vld [tilespmem:s1+$0xFFFFFFE0];
	[tilespmem:s7+$0x100] =	vst v0  }
0x43: {  	v14 =	vld [tilespmem:s1+$0x0];
	[tilespmem:s9+$0x100] =	vst v5;
	v15 =	vshll.u32 v8, $0x3  }
0x44: {  	v8 =	vand.u32 $0x7F, v8;
	[tilespmem:s8+$0x180] =	vst v6;
	v6 =	vor.u32 $0x180, v3;
	v0 =	vand.u32 $0xFFFFFC00, v15;
	v5 =	vld.idx.msk [tilespmem:v10+s3+$0x0], $0xffff  }
0x45: {  	s13 =	sand.u32 $0x7, s25;
	v7 =	vld.idx.msk [tilespmem:v7+s3+$0x0], $0xffff;
	v0 =	vor.u32 v0, v8  }
0x46: {  	v17 =	vshll.u32 v13, $0x3;
	s8 =	sshll.u32 s13, $0x4;
	v15 =	vor.u32 $0x280, v4  }
0x47: {  	v13 =	vand.u32 $0x7F, v13;
	v16 =	vor.u32 $0x200, v2;
	v12 =	vld.idx.msk [tilespmem:v12+s3+$0x0], $0xffff;
	s14 =	sadd.s32 $0x0, s8;
	v8 =	vshll.u32 v11, $0x3  }
0x48: {  	v10 =	vor.u32 $0x200, v1;
	[tilespmem:s6+$0x100] =	vst v9;
	v11 =	vand.u32 $0x7F, v11;
	s8 =	sadd.s32 $0x30, s14;
	v8 =	vand.u32 $0xFFFFFC00, v8  }
0x49: {  	v9 =	vand.u32 $0xFFFFFC00, v17;
	s11 =	sor.u32 $0x200, s8;
	v8 =	vor.u32 v8, v11;
	v17 =	vld.idx.msk [tilespmem:v6+s3+$0x0], $0xffff;
	v6 =	vshll.u32 v14, $0x3;
	[tilespmem:s7+$0x180] =	vst v5  }
0x4a: {  	[tilespmem:s11+$0x1B000] =	vst v7;
	v7 =	vand.u32 $0xFFFFFC00, v6;
	v6 =	vor.u32 v9, v13;
	v9 =	vand.u32 $0x7F, v14;
	v5 =	vld.idx.msk [tilespmem:v0+s3+$0x0], $0xffff  }
0x4b: {  	s31 =	simm.s32 $0x200;
	v11 =	vld.idx.msk [tilespmem:v15+s3+$0x0], $0xffff;
	v19 =	vor.u32 v7, v9  }
0x4c: {  	s24 =	simm.s32 $0x70;
	s15 =	sand.u32 $0x1C00, s31;
	[tilespmem:s9+$0x180] =	vst v12;
	v12 =	vor.u32 $0x80, v0;
	s7 =	simm.s32 $0x1;
	v7 =	vld.idx.msk [tilespmem:v16+s3+$0x0], $0xffff  }
0x4d: {  	s16 =	sand.u32 $0x70, s24;
	s9 =	sadd.s32 $0x1B000, s15;
	v10 =	vld.idx.msk [tilespmem:v10+s3+$0x0], $0xffff;
	s7 =	simm.s32 @!p0 $0x0;
	v13 =	vor.u32 $0x200, v3  }
0x4e: {  	s20 =	sor.u32 s16, s9;
	v9 =	vor.u32 $0x300, v4;
	s7 =	sshll.u32 s7, $0x6;
	v14 =	vld.idx.msk [tilespmem:v8+s3+$0x0], $0xffff;
	[tilespmem:s6+$0x180] =	vst v17  }
0x4f: {  	s18 =	sor.u32 $0x280, s8;
	v15 =	vor.u32 $0x280, v2;
	s17 =	sadd.s32 $0x0, s7;
	v16 =	vld.idx.msk [tilespmem:v6+s3+$0x0], $0xffff;
	[tilespmem:s20+$0x0] =	vst v5  }
0x50: {  	s12 =	simm.s32 $0x40;
	s7 =	sor.u32 $0x200, s17;
	s6 =	sadd.s32 $0x10, s14;
	v18 =	vld.idx.msk [tilespmem:v19+s3+$0x0], $0xffff;
	[tilespmem:s18+$0x1B000] =	vst v11  }
0x51: {  	s21 =	simm.s32 $0x60;
	s22 =	sand.u32 $0x40, s12;
	v17 =	vor.u32 $0x80, v8;
	s10 =	sor.u32 $0x200, s6;
	v12 =	vld.idx.msk [tilespmem:v12+s3+$0x0], $0xffff;
	[tilespmem:s7+$0x1B000] =	vst v7  }
0x52: {  	s2 =	sor.u32 $0x1A430, s2;
	s16 =	simm.s32 $0x50;
	v11 =	vor.u32 $0x80, v6;
	s7 =	sor.u32 s22, s9;
	[tilespmem:s10+$0x1B000] =	vst v10;
	v7 =	vld.idx.msk [tilespmem:v13+s3+$0x0], $0xffff  }
0x53: {  	s26 =	sand.u32 $0x60, s21;
	s13 =	sand.u32 $0x3, s25;
	s14 =	sand.u32 $0x50, s16;
	v5 =	vld.idx.msk [tilespmem:v9+s3+$0x0], $0xffff;
	v9 =	vor.u32 $0x80, v19;
	[tilespmem:s7+$0x0] =	vst v14  }
0x54: {  	s19 =	sshll.u32 s13, $0x5;
	s14 =	sor.u32 s14, s9;
	v10 =	vor.u32 $0x100, v0;
	v13 =	vld.idx.msk [tilespmem:v15+s3+$0x0], $0xffff;
	[smem:$0x7FB] =	sst s2  }
0x55: {  	s23 =	sadd.s32 $0x0, s19;
	s11 =	sor.u32 s26, s9;
	v4 =	vor.u32 $0x380, v4;
	[tilespmem:s14+$0x0] =	vst v16  }
0x56: {  	p3 =	por !p0, !p0;
	s10 =	sadd.s32 $0x20, s23;
	v14 =	vor.u32 $0x280, v1;
	v15 =	vld.idx.msk [tilespmem:v17+s3+$0x0], $0xffff;
	[tilespmem:s11+$0x0] =	vst v18  }
0x57: {  	s5 =	sor.u32 s5, s25;
	s0 =	sor.u32 s0, s25;
	s2 =	sor.u32 $0x200, s10;
	v16 =	vor.u32 $0x280, v3;
	v11 =	vld.idx.msk [tilespmem:v11+s3+$0x0], $0xffff;
	[tilespmem:s20+$0x80] =	vst v12  }
0x58: {  	s19 =	sor.u32 s4, s25;
	s8 =	sor.u32 $0x300, s8;
	s18 =	sor.u32 $0x280, s17;
	v17 =	vor.u32 $0x100, v8;
	[tilespmem:s2+$0x1B000] =	vst v7;
	v9 =	vld.idx.msk [tilespmem:v9+s3+$0x0], $0xffff  }
0x59: {  	[tilespmem:s8+$0x1B000] =	vst v5;
	v5 =	vor.u32 $0x100, v6;
	s8 =	sor.u32 $0x380, s19;
	s19 =	sor.u32 $0x380, s5;
	v10 =	vld.idx.msk [tilespmem:v10+s3+$0x0], $0xffff;
	s5 =	simm.s32 $0x1  }
0x5a: {  	s30 =	simm.s32 $0x2;
	s0 =	sor.u32 $0x380, s0;
	[tilespmem:s18+$0x1B000] =	vst v13;
	v4 =	vld.idx.msk [tilespmem:v4+s3+$0x0], $0xffff;
	s5 =	simm.s32 @!p3 $0x0  }
0x5b: {  	s26 =	sor.u32 $0x300, s17;
	s17 =	sor.u32 s25, s25;
	v12 =	vor.u32 $0x100, v19;
	v22 =	vld.idx.msk [tilespmem:v14+s3+$0x0], $0xffff;
	[tilespmem:s7+$0x80] =	vst v15;
	s5 =	sshll.u32 s5, $0x6  }
0x5c: {  	s22 =	sand.u32 $0x3, s30;
	s15 =	sor.u32 $0x280, s10;
	v25 =	vld.idx.msk [tilespmem:v16+s3+$0x0], $0xffff;
	s23 =	sadd.s32 $0x200, s5;
	[tilespmem:s14+$0x80] =	vst v11  }
0x5d: {  	s13 =	sor.u32 $0x300, s10;
	s4 =	sor.u32 $0x380, s17;
	v7 =	vor.u32 $0x300, v2;
	v27 =	vld.idx.msk [tilespmem:v17+s3+$0x0], $0xffff;
	s5 =	sor.u32 $0x200, s23;
	[tilespmem:s11+$0x80] =	vst v9  }
0x5e: {  	v23 =	vor.u32 $0x180, v0;
	s9 =	sshll.u32 s22, $0x5;
	s17 =	sor.u32 $0x300, s6;
	v29 =	vld.idx.msk [tilespmem:v5+s3+$0x0], $0xffff;
	[dreg:$0xb] =	wrdreg s5  }
0x5f: {  	v26 =	vor.u32 $0x300, v1;
	s10 =	sor.u32 $0x280, s6;
	s9 =	sadd.s32 $0x200, s9;
	s6 =	sor.u32 $0x280, s23;
	[tilespmem:s0+$0x1B000] =	vst v4  }
0x60: {  	v28 =	vor.u32 $0x300, v3;
	s22 =	sadd.s32 $0x20, s9;
	v18 =	vor.u32 $0x180, v6;
	v20 =	vld.idx.msk [tilespmem:v12+s3+$0x0], $0xffff;
	[dreg:$0x5] =	wrdreg s6  }
0x61: {  	s9 =	sor.u32 $0x200, s22;
	v13 =	vor.u32 $0x380, v2;
	v14 =	vor.u32 $0x380, v1;
	v2 =	vor.u32 $0x300, v8;
	[tilespmem:s20+$0x100] =	vst v10  }
0x62: {  	s12 =	sor.u32 s31, s12;
	s21 =	sor.u32 s21, s31;
	v1 =	vor.u32 $0x300, v19;
	v15 =	vor.u32 $0x380, v3;
	v3 =	vor.u32 $0x300, v6;
	v21 =	vld.idx.msk [tilespmem:v7+s3+$0x0], $0xffff;
	[dreg:$0x8] =	wrdreg s9  }
0x63: {  	s29 =	sor.u32 $0x380, s12;
	s28 =	sor.u32 $0x380, s21;
	v17 =	vor.u32 $0x180, v8;
	v16 =	vor.u32 $0x180, v19;
	v11 =	vor.u32 $0x200, v6;
	[tilespmem:s10+$0x1B000] =	vst v22;
	v24 =	vld.idx.msk [tilespmem:v23+s3+$0x0], $0xffff  }
0x64: {  	s16 =	sor.u32 s16, s31;
	s18 =	sor.u32 $0x300, s23;
	s23 =	sor.u32 $0x280, s22;
	v9 =	vor.u32 $0x200, v19;
	v5 =	vor.u32 $0x280, v6;
	v12 =	vor.u32 $0x200, v8;
	[tilespmem:s15+$0x1B000] =	vst v25;
	v22 =	vld.idx.msk [tilespmem:v26+s3+$0x0], $0xffff  }
0x65: {  	v4 =	vor.u32 $0x280, v19;
	v7 =	vor.u32 $0x280, v8;
	v10 =	vor.u32 $0x380, v8;
	s10 =	sor.u32 $0x300, s22;
	s22 =	sor.u32 $0x380, s16;
	[tilespmem:s7+$0x100] =	vst v27;
	s16 =	sadd.s32 $0x40, s1;
	v23 =	vld.idx.msk [tilespmem:v28+s3+$0x0], $0xffff  }
0x66: {  	s21 =	simm.s32 $0xC0;
	v8 =	vor.u32 $0x380, v6;
	v6 =	vor.u32 $0x380, v19;
	s9 =	simm.s32 $0x200;
	v25 =	vor.u32 $0x200, v0;
	[tilespmem:s14+$0x100] =	vst v29;
	s1 =	simm.s32 $0x80;
	v19 =	vld [tilespmem:s16+$0x10]  }
.LBB2_3:
0x67: {  	_ = 	snop  }
0x68: {  	v26 =	vld [tilespmem:s16+$0xFFFFFFE0];
	[tilespmem:s11+$0x100] =	vst v20  }
0x69: {  	v20 =	vld [tilespmem:s16+$0xFFFFFFF0];
	[tilespmem:s26+$0x1B000] =	vst v21  }
0x6a: {  	v21 =	vld [tilespmem:s16+$0x0];
	[tilespmem:s20+$0x180] =	vst v24  }
0x6b: {  	s25 =	sadd.s32 $0x4, s25;
	v24 =	vld.idx.msk [tilespmem:v25+s3+$0x0], $0xffff  }
0x6c: {  	s15 =	sand.u32 $0x7, s25;
	[tilespmem:s17+$0x1B000] =	vst v22;
	v22 =	vshll.u32 v19, $0x3;
	v17 =	vld.idx.msk [tilespmem:v17+s3+$0x0], $0xffff  }
0x6d: {  	s5 =	sshll.u32 s15, $0x4;
	[tilespmem:s13+$0x1B000] =	vst v23;
	v19 =	vand.u32 $0x7F, v19;
	v23 =	vor.u32 $0x280, v0;
	v22 =	vand.u32 $0xFFFFFC00, v22;
	v18 =	vld.idx.msk [tilespmem:v18+s3+$0x0], $0xffff  }
0x6e: {  	[dreg:$0x14] =	wrdreg s9;
	s2 =	smov.u32 s10;
	s10 =	sadd.s32 s5, s31;
	v25 =	vshll.u32 v26, $0x3;
	v16 =	vld.idx.msk [tilespmem:v16+s3+$0x0], $0xffff;
	v19 =	vor.u32 v22, v19;
	v27 =	vshll.u32 v20, $0x3  }
0x6f: {  	s0 =	smov.u32 s18;
	s12 =	smov.u32 s22;
	s22 =	sadd.s32 $0x30, s10;
	v28 =	vld.idx.msk [tilespmem:v13+s3+$0x0], $0xffff;
	v22 =	vand.u32 $0xFFFFFC00, v25;
	v25 =	vand.u32 $0xFFFFFC00, v27;
	v27 =	vshll.u32 v21, $0x3  }
0x70: {  	s9 =	smov.u32 s24;
	s6 =	sadd.s32 $0x10, s10;
	v13 =	vmov v10;
	v10 =	vand.u32 $0x7F, v26;
	s10 =	sor.u32 $0x200, s22;
	v26 =	vand.u32 $0xFFFFFC00, v27;
	v27 =	vld.idx.msk [tilespmem:v14+s3+$0x0], $0xffff  }
0x71: {  	p3 =	por !p3, !p3;
	s30 =	sadd.s32 $0x2, s30;
	[dreg:$0xc] =	wrdreg s0;
	v20 =	vand.u32 $0x7F, v20;
	v14 =	vmovc v8;
	v8 =	vor.u32 v22, v10;
	v10 =	vand.u32 $0x7F, v21;
	[tilespmem:s10+$0x1B000] =	vst v24;
	v21 =	vld.idx.msk [tilespmem:v15+s3+$0x0], $0xffff  }
0x72: {  	[dreg:$0x16] =	wrdreg s2;
	s2 =	smov.u32 s23;
	s23 =	smov.u32 s28;
	v20 =	vor.u32 v25, v20;
	[tilespmem:s7+$0x180] =	vst v17;
	v25 =	vor.u32 v26, v10;
	v10 =	vld.idx.msk [tilespmem:v23+s3+$0x0], $0xffff  }
0x73: {  	s28 =	sadd.s32 $0x10, s1;
	s15 =	sand.u32 $0x3, s30;
	s31 =	sadd.s32 $0x200, s31;
	[tilespmem:s14+$0x180] =	vst v18;
	v30 =	vld.idx.msk [tilespmem:v19+s3+$0x0], $0xffff  }
0x74: {  	v33 =	vor.u32 $0x300, v0;
	s18 =	sand.u32 $0x50, s28;
	s20 =	sshll.u32 s15, $0x5;
	s0 =	sand.u32 $0x1C00, s31;
	v34 =	vor.u32 $0x80, v19;
	[tilespmem:s11+$0x180] =	vst v16;
	v32 =	vld.idx.msk [tilespmem:v12+s3+$0x0], $0xffff  }
0x75: {  	s15 =	sadd.s32 $0x30, s1;
	s24 =	sor.u32 $0x200, s6;
	s13 =	sor.u32 $0x280, s6;
	v22 =	vor.u32 $0x80, v8;
	v24 =	vor.u32 $0x80, v20;
	v23 =	vor.u32 $0x100, v8;
	v35 =	vld.idx.msk [tilespmem:v11+s3+$0x0], $0xffff;
	[tilespmem:s4+$0x1B000] =	vst v28  }
0x76: {  	s17 =	sor.u32 $0x300, s6;
	s5 =	sand.u32 $0x70, s15;
	s6 =	sor.u32 $0x280, s22;
	v26 =	vor.u32 $0x100, v20;
	v17 =	vor.u32 $0x180, v8;
	v18 =	vor.u32 $0x180, v20;
	v28 =	vld.idx.msk [tilespmem:v8+s3+$0x0], $0xffff;
	[tilespmem:s8+$0x1B000] =	vst v27  }
0x77: {  	[dreg:$0x10] =	wrdreg s13;
	s13 =	smov.u32 s29;
	v12 =	vor.u32 $0x200, v8;
	v11 =	vor.u32 $0x200, v20;
	v38 =	vor.u32 $0x280, v20;
	s8 =	sadd.s32 $0x1B000, s0;
	[tilespmem:s19+$0x1B000] =	vst v21;
	v37 =	vld.idx.msk [tilespmem:v20+s3+$0x0], $0xffff  }
0x78: {  	s7 =	simm.s32 $0x1;
	s4 =	sadd.s32 s31, s20;
	v40 =	vor.u32 $0x300, v8;
	v41 =	vor.u32 $0x300, v20;
	v29 =	vor.u32 $0x80, v25;
	v21 =	vld.idx.msk [tilespmem:v25+s3+$0x0], $0xffff;
	s20 =	sor.u32 s5, s8;
	[tilespmem:s6+$0x1B000] =	vst v10  }
0x79: {  	s10 =	sand.u32 $0x40, s1;
	s7 =	simm.s32 @!p3 $0x0;
	v31 =	vor.u32 $0x100, v25;
	v16 =	vor.u32 $0x180, v25;
	v36 =	vor.u32 $0x200, v25;
	s6 =	rddreg [dreg:$0xb];
	v61 =	vld.idx.msk [tilespmem:v9+s3+$0x0], $0xffff;
	[tilespmem:s20+$0x0] =	vst v30  }
0x7a: {  	s29 =	sadd.s32 $0x20, s1;
	s11 =	sshll.u32 s7, $0x6;
	v27 =	vor.u32 $0x280, v8;
	s7 =	sor.u32 s10, s8;
	v10 =	vor.u32 $0x380, v8;
	v8 =	vor.u32 $0x380, v20;
	[tilespmem:s6+$0x1B000] =	vst v32;
	v20 =	vld.idx.msk [tilespmem:v33+s3+$0x0], $0xffff  }
0x7b: {  	s22 =	sor.u32 $0x300, s22;
	s26 =	sand.u32 $0x60, s29;
	v15 =	vmovc v6;
	v39 =	vor.u32 $0x280, v25;
	v42 =	vor.u32 $0x300, v25;
	s4 =	sadd.s32 $0x20, s4;
	v6 =	vor.u32 $0x380, v25;
	v25 =	vld.idx.msk [tilespmem:v34+s3+$0x0], $0xffff;
	[tilespmem:s7+$0x0] =	vst v28  }
0x7c: {  	v62 =	vor.u32 $0x380, v0;
	v0 =	vmov v19;
	s14 =	sor.u32 s18, s8;
	s18 =	sadd.s32 s11, s31;
	s11 =	sor.u32 s26, s8;
	[tilespmem:s24+$0x1B000] =	vst v35;
	v28 =	vld.idx.msk [tilespmem:v7+s3+$0x0], $0xffff  }
0x7d: {  	v19 =	vor.u32 $0x100, v0;
	s5 =	sor.u32 $0x200, s4;
	s26 =	sor.u32 $0x280, s4;
	s10 =	sor.u32 $0x300, s4;
	v22 =	vld.idx.msk [tilespmem:v22+s3+$0x0], $0xffff;
	[tilespmem:s14+$0x0] =	vst v37  }
0x7e: {  	s4 =	sor.u32 s31, s1;
	s8 =	sor.u32 s28, s31;
	s19 =	sor.u32 $0x200, s18;
	[tilespmem:s11+$0x0] =	vst v21;
	v24 =	vld.idx.msk [tilespmem:v24+s3+$0x0], $0xffff  }
0x7f: {  	s1 =	sor.u32 $0x380, s8;
	[dreg:$0xb] =	wrdreg s19;
	s19 =	sor.u32 s29, s31;
	v21 =	vld.idx.msk [tilespmem:v29+s3+$0x0], $0xffff;
	[tilespmem:s22+$0x1B000] =	vst v20  }
0x80: {  	s8 =	smov.u32 s12;
	s12 =	rddreg [dreg:$0x8];
	s24 =	sor.u32 $0x380, s19;
	v7 =	vmov v27;
	v27 =	vld.idx.msk [tilespmem:v5+s3+$0x0], $0xffff;
	[tilespmem:s20+$0x80] =	vst v25  }
0x81: {  	s28 =	smov.u32 s24;
	s24 =	rddreg [dreg:$0x5];
	[tilespmem:s12+$0x1B000] =	vst v61;
	v25 =	vld.idx.msk [tilespmem:v62+s3+$0x0], $0xffff  }
0x82: {  	v19 =	vld.idx.msk [tilespmem:v19+s3+$0x0], $0xffff;
	[tilespmem:s24+$0x1B000] =	vst v28  }
0x83: {  	s0 =	sor.u32 $0x380, s4;
	s12 =	rddreg [dreg:$0x14];
	v63 =	vld.idx.msk [tilespmem:v4+s3+$0x0], $0xffff;
	[tilespmem:s7+$0x80] =	vst v22;
	v22 =	vor.u32 $0x180, v0  }
0x84: {  	s29 =	smov.u32 s0;
	s0 =	sor.u32 s9, s12;
	[tilespmem:s14+$0x80] =	vst v24;
	v23 =	vld.idx.msk [tilespmem:v23+s3+$0x0], $0xffff  }
0x85: {  	s19 =	smov.u32 s23;
	s23 =	smov.u32 s5;
	s0 =	sor.u32 $0x380, s0;
	[tilespmem:s11+$0x80] =	vst v21;
	v26 =	vld.idx.msk [tilespmem:v26+s3+$0x0], $0xffff  }
0x86: {  	p4 =	slt.u32 s21, $0x3C0;
	s16 =	sadd.s32 $0x40, s16;
	[dreg:$0x8] =	wrdreg s23;
	v20 =	vld.idx.msk [tilespmem:v31+s3+$0x0], $0xffff;
	[tilespmem:s0+$0x1B000] =	vst v25  }
.Ltmp0:
0x87: {  	s6 =	sor.u32 $0x280, s18;
	s23 =	rddreg [dreg:$0x10];
	v21 =	vld.idx.msk [tilespmem:v2+s3+$0x0], $0xffff;
	[tilespmem:s20+$0x100] =	vst v19;
	(pc) =	sbr.rel @p4 .LBB2_3-.Ltmp0, $4  }
0x88: {  	s4 =	smov.u32 s13;
	s13 =	rddreg [dreg:$0x16];
	s5 =	smov.u32 s6;
	[tilespmem:s23+$0x1B000] =	vst v27;
	v24 =	vld.idx.msk [tilespmem:v22+s3+$0x0], $0xffff  }
0x89: {  	s18 =	sor.u32 $0x300, s18;
	[dreg:$0x5] =	wrdreg s5;
	s22 =	smov.u32 s1;
	[tilespmem:s2+$0x1B000] =	vst v63;
	v22 =	vld.idx.msk [tilespmem:v3+s3+$0x0], $0xffff  }
0x8a: {  	v9 =	vmov v36;
	v5 =	vmov v38;
	s1 =	smov.u32 s21;
	s9 =	smov.u32 s31;
	s21 =	sadd.s32 $0x40, s21;
	v19 =	vld [tilespmem:s16+$0x10];
	[tilespmem:s7+$0x100] =	vst v23  }
0x8b: {  	v4 =	vmovc v39;
	s24 =	smov.u32 s15;
	v2 =	vmovc v40;
	s23 =	smov.u32 s26;
	s26 =	rddreg [dreg:$0xc];
	v25 =	vor.u32 $0x200, v0;
	v3 =	vmov v41;
	v23 =	vld.idx.msk [tilespmem:v1+s3+$0x0], $0xffff;
	v1 =	vmov v42;
	[tilespmem:s14+$0x100] =	vst v26  }
0x8c: {  	_ = 	snop  }
0x8d: {  	v26 =	vld [tilespmem:s16+$0xFFFFFFE0]  }
0x8e: {  	v27 =	vld [tilespmem:s16+$0xFFFFFFF0]  }
0x8f: {  	v28 =	vld [tilespmem:s16+$0x0];
	[tilespmem:s26+$0x1B000] =	vst v21  }
0x90: {  	v21 =	vld.idx.msk [tilespmem:v17+s3+$0x0], $0xffff;
	[tilespmem:s20+$0x180] =	vst v24  }
0x91: {  	s16 =	sadd.s32 $0x4, s25;
	v24 =	vld.idx.msk [tilespmem:v25+s3+$0x0], $0xffff;
	v25 =	vshll.u32 v19, $0x3  }
0x92: {  	[tilespmem:s11+$0x100] =	vst v20;
	s0 =	sand.u32 $0x7, s16;
	v19 =	vand.u32 $0x7F, v19;
	v17 =	vand.u32 $0xFFFFFC00, v25;
	v25 =	vor.u32 $0x280, v0  }
0x93: {  	v18 =	vld.idx.msk [tilespmem:v18+s3+$0x0], $0xffff;
	s0 =	sshll.u32 s0, $0x4;
	[tilespmem:s17+$0x1B000] =	vst v22;
	v20 =	vshll.u32 v26, $0x3;
	v29 =	vshll.u32 v27, $0x3;
	v17 =	vor.u32 v17, v19  }
0x94: {  	v16 =	vld.idx.msk [tilespmem:v16+s3+$0x0], $0xffff;
	s0 =	sadd.s32 s0, s31;
	[tilespmem:s13+$0x1B000] =	vst v23;
	v22 =	vand.u32 $0x7F, v26;
	v23 =	vshll.u32 v28, $0x3;
	v19 =	vand.u32 $0xFFFFFC00, v20  }
0x95: {  	s15 =	sadd.s32 $0x30, s0;
	v26 =	vld.idx.msk [tilespmem:v13+s3+$0x0], $0xffff;
	v27 =	vand.u32 $0x7F, v27;
	v20 =	vand.u32 $0xFFFFFC00, v29;
	v13 =	vor.u32 v19, v22  }
0x96: {  	s2 =	sor.u32 $0x200, s15;
	[tilespmem:s7+$0x180] =	vst v21;
	v19 =	vand.u32 $0xFFFFFC00, v23;
	v22 =	vld.idx.msk [tilespmem:v14+s3+$0x0], $0xffff;
	v14 =	vor.u32 v20, v27;
	v20 =	vand.u32 $0x7F, v28  }
0x97: {  	[tilespmem:s2+$0x1B000] =	vst v24;
	v23 =	vld.idx.msk [tilespmem:v15+s3+$0x0], $0xffff;
	v15 =	vor.u32 v19, v20  }
0x98: {  	[tilespmem:s14+$0x180] =	vst v18;
	v19 =	vld.idx.msk [tilespmem:v25+s3+$0x0], $0xffff  }
0x99: {  	[tilespmem:s11+$0x180] =	vst v16;
	v18 =	vld.idx.msk [tilespmem:v17+s3+$0x0], $0xffff  }
0x9a: {  	v16 =	vor.u32 $0x80, v17;
	s2 =	sadd.s32 $0x200, s31;
	[tilespmem:s4+$0x1B000] =	vst v26;
	v20 =	vld.idx.msk [tilespmem:v13+s3+$0x0], $0xffff  }
0x9b: {  	v21 =	vor.u32 $0x80, v13;
	s5 =	sand.u32 $0x1C00, s2;
	s4 =	sadd.s32 $0x30, s1;
	[tilespmem:s8+$0x1B000] =	vst v22;
	v22 =	vld.idx.msk [tilespmem:v14+s3+$0x0], $0xffff  }
0x9c: {  	s14 =	sor.u32 $0x280, s15;
	v24 =	vor.u32 $0x80, v14;
	s5 =	sadd.s32 $0x1B000, s5;
	s6 =	sand.u32 $0x70, s4;
	[tilespmem:s19+$0x1B000] =	vst v23;
	v23 =	vld.idx.msk [tilespmem:v15+s3+$0x0], $0xffff  }
0x9d: {  	s17 =	sand.u32 $0x40, s1;
	s7 =	sadd.s32 $0x10, s1;
	v11 =	vld.idx.msk [tilespmem:v11+s3+$0x0], $0xffff;
	v25 =	vor.u32 $0x80, v15;
	s19 =	sor.u32 s6, s5;
	[tilespmem:s14+$0x1B000] =	vst v19  }
0x9e: {  	v12 =	vld.idx.msk [tilespmem:v12+s3+$0x0], $0xffff;
	s13 =	sand.u32 $0x50, s7;
	s8 =	sadd.s32 $0x20, s1;
	v19 =	vor.u32 $0x300, v0;
	s14 =	sor.u32 s17, s5;
	[tilespmem:s19+$0x0] =	vst v18  }
0x9f: {  	s20 =	sor.u32 s13, s5;
	s21 =	sand.u32 $0x60, s8;
	v16 =	vld.idx.msk [tilespmem:v16+s3+$0x0], $0xffff;
	[tilespmem:s14+$0x0] =	vst v20  }
0xa0: {  	s26 =	sadd.s32 $0x10, s0;
	s25 =	sor.u32 s21, s5;
	[tilespmem:s20+$0x0] =	vst v22;
	v20 =	vld.idx.msk [tilespmem:v21+s3+$0x0], $0xffff  }
0xa1: {  	s5 =	sor.u32 $0x200, s26;
	v18 =	vor.u32 $0x100, v17;
	v22 =	vld.idx.msk [tilespmem:v24+s3+$0x0], $0xffff;
	[tilespmem:s25+$0x0] =	vst v23  }
0xa2: {  	v21 =	vor.u32 $0x100, v13;
	s31 =	rddreg [dreg:$0xb];
	v23 =	vld.idx.msk [tilespmem:v25+s3+$0x0], $0xffff;
	[tilespmem:s5+$0x1B000] =	vst v11  }
0xa3: {  	v19 =	vld.idx.msk [tilespmem:v19+s3+$0x0], $0xffff;
	[tilespmem:s31+$0x1B000] =	vst v12;
	v12 =	vor.u32 $0x100, v14  }
0xa4: {  	v11 =	vor.u32 $0x100, v15;
	[tilespmem:s19+$0x80] =	vst v16  }
0xa5: {  	v9 =	vld.idx.msk [tilespmem:v9+s3+$0x0], $0xffff;
	v0 =	vor.u32 $0x380, v0;
	[tilespmem:s14+$0x80] =	vst v20  }
0xa6: {  	v16 =	vld.idx.msk [tilespmem:v18+s3+$0x0], $0xffff;
	[tilespmem:s20+$0x80] =	vst v22  }
0xa7: {  	s6 =	sor.u32 $0x300, s15;
	v20 =	vld.idx.msk [tilespmem:v21+s3+$0x0], $0xffff;
	[tilespmem:s25+$0x80] =	vst v23  }
0xa8: {  	[tilespmem:s6+$0x1B000] =	vst v19;
	v12 =	vld.idx.msk [tilespmem:v12+s3+$0x0], $0xffff  }
0xa9: {  	v18 =	vor.u32 $0x180, v17;
	v11 =	vld.idx.msk [tilespmem:v11+s3+$0x0], $0xffff;
	s0 =	rddreg [dreg:$0x8]  }
0xaa: {  	v21 =	vor.u32 $0x180, v13;
	v0 =	vld.idx.msk [tilespmem:v0+s3+$0x0], $0xffff;
	[tilespmem:s0+$0x1B000] =	vst v9  }
0xab: {  	v5 =	vld.idx.msk [tilespmem:v5+s3+$0x0], $0xffff;
	v19 =	vor.u32 $0x180, v14;
	[tilespmem:s19+$0x100] =	vst v16  }
0xac: {  	v7 =	vld.idx.msk [tilespmem:v7+s3+$0x0], $0xffff;
	v9 =	vor.u32 $0x180, v15;
	[tilespmem:s14+$0x100] =	vst v20  }
0xad: {  	s12 =	sor.u32 s24, s9;
	v4 =	vld.idx.msk [tilespmem:v4+s3+$0x0], $0xffff;
	[tilespmem:s20+$0x100] =	vst v12  }
0xae: {  	s0 =	sor.u32 $0x380, s12;
	v16 =	vld.idx.msk [tilespmem:v18+s3+$0x0], $0xffff;
	[tilespmem:s25+$0x100] =	vst v11  }
0xaf: {  	s17 =	sor.u32 $0x280, s26;
	v18 =	vor.u32 $0x200, v17;
	v12 =	vld.idx.msk [tilespmem:v21+s3+$0x0], $0xffff;
	s15 =	rddreg [dreg:$0x5];
	[tilespmem:s0+$0x1B000] =	vst v0  }
0xb0: {  	v20 =	vor.u32 $0x200, v13;
	v11 =	vld.idx.msk [tilespmem:v19+s3+$0x0], $0xffff;
	[tilespmem:s17+$0x1B000] =	vst v5  }
0xb1: {  	v9 =	vld.idx.msk [tilespmem:v9+s3+$0x0], $0xffff;
	[tilespmem:s15+$0x1B000] =	vst v7;
	v7 =	vor.u32 $0x200, v14  }
0xb2: {  	v0 =	vor.u32 $0x200, v15;
	[tilespmem:s23+$0x1B000] =	vst v4;
	v3 =	vld.idx.msk [tilespmem:v3+s3+$0x0], $0xffff  }
0xb3: {  	s16 =	sadd.s32 $0x4, s16;
	[tilespmem:s19+$0x180] =	vst v16;
	v2 =	vld.idx.msk [tilespmem:v2+s3+$0x0], $0xffff  }
0xb4: {  	p3 =	por !p3, !p3;
	s0 =	sand.u32 $0x7, s16;
	[tilespmem:s14+$0x180] =	vst v12;
	v12 =	vld.idx.msk [tilespmem:v18+s3+$0x0], $0xffff  }
0xb5: {  	s11 =	sor.u32 $0x300, s26;
	s6 =	simm.s32 $0x1;
	s0 =	sshll.u32 s0, $0x4;
	[tilespmem:s20+$0x180] =	vst v11;
	v11 =	vor.u32 $0x280, v17;
	v16 =	vld.idx.msk [tilespmem:v20+s3+$0x0], $0xffff  }
0xb6: {  	s6 =	simm.s32 @!p3 $0x0;
	s19 =	sadd.s32 $0x2, s30;
	s0 =	sadd.s32 s0, s2;
	v18 =	vor.u32 $0x280, v13;
	[tilespmem:s25+$0x180] =	vst v9;
	v7 =	vld.idx.msk [tilespmem:v7+s3+$0x0], $0xffff  }
0xb7: {  	s6 =	sshll.u32 s6, $0x6;
	s9 =	sand.u32 $0x3, s19;
	v9 =	vor.u32 $0x280, v14;
	s20 =	sadd.s32 $0x30, s0;
	v0 =	vld.idx.msk [tilespmem:v0+s3+$0x0], $0xffff;
	[tilespmem:s11+$0x1B000] =	vst v3  }
0xb8: {  	s6 =	sadd.s32 s6, s2;
	v5 =	vor.u32 $0x280, v15;
	v1 =	vld.idx.msk [tilespmem:v1+s3+$0x0], $0xffff;
	s9 =	sshll.u32 s9, $0x5;
	s12 =	sor.u32 $0x200, s20;
	[tilespmem:s18+$0x1B000] =	vst v2  }
0xb9: {  	s21 =	sor.u32 $0x200, s6;
	s9 =	sadd.s32 s2, s9;
	s0 =	sadd.s32 $0x10, s0;
	v3 =	vld.idx.msk [tilespmem:v10+s3+$0x0], $0xffff;
	[tilespmem:s12+$0x1B000] =	vst v12  }
0xba: {  	s9 =	sadd.s32 $0x20, s9;
	s23 =	sor.u32 $0x200, s0;
	v4 =	vld.idx.msk [tilespmem:v11+s3+$0x0], $0xffff;
	[tilespmem:s21+$0x1B000] =	vst v16  }
0xbb: {  	s24 =	sor.u32 $0x200, s9;
	v11 =	vor.u32 $0x300, v17;
	[tilespmem:s23+$0x1B000] =	vst v7;
	v7 =	vld.idx.msk [tilespmem:v18+s3+$0x0], $0xffff  }
0xbc: {  	v12 =	vor.u32 $0x300, v13;
	[tilespmem:s24+$0x1B000] =	vst v0;
	v0 =	vld.idx.msk [tilespmem:v9+s3+$0x0], $0xffff  }
0xbd: {  	[tilespmem:s10+$0x1B000] =	vst v1;
	v9 =	vor.u32 $0x300, v14;
	v2 =	vld.idx.msk [tilespmem:v5+s3+$0x0], $0xffff  }
0xbe: {  	s25 =	sor.u32 $0x280, s20;
	v8 =	vld.idx.msk [tilespmem:v8+s3+$0x0], $0xffff;
	v5 =	vor.u32 $0x300, v15;
	[tilespmem:s29+$0x1B000] =	vst v3  }
0xbf: {  	s26 =	sor.u32 $0x280, s6;
	v3 =	vld.idx.msk [tilespmem:v6+s3+$0x0], $0xffff;
	[tilespmem:s25+$0x1B000] =	vst v4  }
0xc0: {  	s30 =	sor.u32 $0x280, s0;
	v4 =	vld.idx.msk [tilespmem:v11+s3+$0x0], $0xffff;
	[tilespmem:s26+$0x1B000] =	vst v7  }
0xc1: {  	s31 =	sor.u32 $0x280, s9;
	v7 =	vor.u32 $0x380, v17;
	v10 =	vld.idx.msk [tilespmem:v12+s3+$0x0], $0xffff;
	[tilespmem:s30+$0x1B000] =	vst v0  }
0xc2: {  	v0 =	vor.u32 $0x380, v13;
	[tilespmem:s31+$0x1B000] =	vst v2;
	v9 =	vld.idx.msk [tilespmem:v9+s3+$0x0], $0xffff  }
0xc3: {  	[tilespmem:s22+$0x1B000] =	vst v8;
	v1 =	vld.idx.msk [tilespmem:v5+s3+$0x0], $0xffff  }
0xc4: {  	s5 =	sor.u32 $0x300, s20;
	[tilespmem:s28+$0x1B000] =	vst v3  }
0xc5: {  	s6 =	sor.u32 $0x300, s6;
	v2 =	vor.u32 $0x380, v14;
	[tilespmem:s5+$0x1B000] =	vst v4  }
0xc6: {  	s0 =	sor.u32 $0x300, s0;
	v5 =	vor.u32 $0x380, v15;
	v4 =	vld.idx.msk [tilespmem:v7+s3+$0x0], $0xffff;
	[tilespmem:s6+$0x1B000] =	vst v10  }
0xc7: {  	s13 =	sor.u32 $0x300, s9;
	[tilespmem:s0+$0x1B000] =	vst v9;
	v0 =	vld.idx.msk [tilespmem:v0+s3+$0x0], $0xffff  }
0xc8: {  	[tilespmem:s13+$0x1B000] =	vst v1  }
0xc9: {  	s14 =	sor.u32 s4, s2;
	s16 =	sld [smem:$0x7FA]  }
0xca: {  	s15 =	sor.u32 s2, s1;
	s0 =	sor.u32 $0x380, s14;
	v1 =	vld.idx.msk [tilespmem:v2+s3+$0x0], $0xffff  }
0xcb: {  	s1 =	sor.u32 $0x380, s15;
	v2 =	vld.idx.msk [tilespmem:v5+s3+$0x0], $0xffff;
	[tilespmem:s0+$0x1B000] =	vst v4  }
0xcc: {  	s4 =	smul.u32 $0x180000, s16;
	[tilespmem:s1+$0x1B000] =	vst v0  }
0xcd: {  	s17 =	sor.u32 s7, s2;
	s1 =	rddreg [dreg:$0x1b]  }
0xce: {  	s19 =	sor.u32 $0x380, s17;
	s18 =	sor.u32 s8, s2;
	s1 =	sadd.s32 s1, s4  }
0xcf: {  	s20 =	rddreg [dreg:$0x1];
	s0 =	sor.u32 $0x380, s18;
	[tilespmem:s19+$0x1B000] =	vst v1;
	s22 =	sshrl.u32 s1, $0x3  }
0xd0: {  	s21 =	simm.s32 $0x1B000;
	[tilespmem:s0+$0x1B000] =	vst v2;
	s0 =	sadd.s32 s20, s22  }
0xd1: {  	[hbm4b:s0+s3] =	stream.linear.scatter [tilespmem:s21], [sflag:$0x1], $0x2000, $0x38;
	[tilespmem:$0x1F000] =	vst v63  }
0xd2: {  	s0 =	simm.s32 @!p2 $0x1  }
0xd3: {  	_ =	swait.ge @!p2 [sflag:s0], $0x2000  }
0xd4: {  	s23 =	sld [smem:$0x7FB]  }
0xd5: {  	[sflag:s0] =	ssyncset.done @!p2 $0x0  }
0xd6: {  	[sflag:s0] =	ssyncadd.s32 @!p2 $0xFFFFE000  }
0xd7: {  	v0 =	vld [tilespmem:s23+$0x0];
	_ =	sdelay $0x3  }
0xd8: {  	v1 =	vld [tilespmem:s23+$0xFFFFFFD0]  }
0xd9: {  	v2 =	vld [tilespmem:s23+$0xFFFFFFE0];
	v3 =	vshll.u32 v0, $0x3  }
0xda: {  	v0 =	vand.u32 $0x7F, v0;
	v3 =	vand.u32 $0xFFFFFC00, v3  }
0xdb: {  	v3 =	vor.u32 v3, v0;
	_ =	sdelay $0x1  }
0xdc: {  	v4 =	vshll.u32 v1, $0x3;
	v0 =	vld [tilespmem:s23+$0xFFFFFFF0]  }
0xdd: {  	v5 =	vshll.u32 v2, $0x3;
	v1 =	vand.u32 $0x7F, v1;
	v4 =	vand.u32 $0xFFFFFC00, v4  }
0xde: {  	v6 =	vand.u32 $0x7F, v2;
	v5 =	vand.u32 $0xFFFFFC00, v5;
	v2 =	vor.u32 v4, v1  }
0xdf: {  	v1 =	vor.u32 v5, v6;
	v5 =	vld.idx.msk [tilespmem:v3+s3+$0x0], $0xffff  }
0xe0: {  	s24 =	simm.s32 $0x0;
	s25 =	simm.s32 $0x0;
	v6 =	vor.u32 $0x80, v3  }
0xe1: {  	s11 =	sand.u32 $0x1C00, s24;
	s2 =	sand.u32 $0x40, s25;
	v4 =	vshll.u32 v0, $0x3  }
0xe2: {  	s8 =	sor.u32 $0x30, s2;
	s0 =	sadd.s32 $0x1D000, s11;
	v0 =	vand.u32 $0x7F, v0;
	v4 =	vand.u32 $0xFFFFFC00, v4  }
0xe3: {  	s26 =	sor.u32 s8, s0;
	v4 =	vor.u32 v4, v0;
	v0 =	vld.idx.msk [tilespmem:v2+s3+$0x0], $0xffff  }
0xe4: {  	v7 =	vor.u32 $0x80, v2;
	v8 =	vld.idx.msk [tilespmem:v1+s3+$0x0], $0xffff;
	[tilespmem:s26+$0x0] =	vst v5  }
0xe5: {  	v5 =	vor.u32 $0x80, v1;
	v6 =	vld.idx.msk [tilespmem:v6+s3+$0x0], $0xffff  }
0xe6: {  	v9 =	vor.u32 $0x100, v3  }
0xe7: {  	s4 =	sor.u32 $0x10, s2;
	s28 =	sor.u32 s2, s0  }
0xe8: {  	s30 =	sadd.s32 $0x1D080, s11;
	s29 =	sor.u32 s4, s0;
	v10 =	vld.idx.msk [tilespmem:v4+s3+$0x0], $0xffff;
	[tilespmem:s28+$0x0] =	vst v0  }
0xe9: {  	s31 =	sor.u32 s8, s30;
	v11 =	vor.u32 $0x80, v4;
	[tilespmem:s29+$0x0] =	vst v8;
	v0 =	vld.idx.msk [tilespmem:v7+s3+$0x0], $0xffff  }
0xea: {  	v7 =	vor.u32 $0x100, v2;
	v5 =	vld.idx.msk [tilespmem:v5+s3+$0x0], $0xffff;
	[tilespmem:s31+$0x0] =	vst v6  }
0xeb: {  	s7 =	sor.u32 $0x20, s2;
	v6 =	vor.u32 $0x100, v1;
	v8 =	vld.idx.msk [tilespmem:v9+s3+$0x0], $0xffff  }
0xec: {  	s0 =	sor.u32 s7, s0;
	v9 =	vor.u32 $0x180, v3  }
0xed: {  	s5 =	sor.u32 s2, s30;
	[tilespmem:s0+$0x0] =	vst v10  }
0xee: {  	s10 =	sadd.s32 $0x1D100, s11;
	s9 =	sor.u32 s4, s30;
	v10 =	vld.idx.msk [tilespmem:v11+s3+$0x0], $0xffff;
	[tilespmem:s5+$0x0] =	vst v0  }
0xef: {  	s12 =	sor.u32 s8, s10;
	v11 =	vor.u32 $0x100, v4;
	v0 =	vld.idx.msk [tilespmem:v7+s3+$0x0], $0xffff;
	[tilespmem:s9+$0x0] =	vst v5  }
0xf0: {  	v5 =	vld.idx.msk [tilespmem:v6+s3+$0x0], $0xffff;
	[tilespmem:s12+$0x0] =	vst v8  }
0xf1: {  	s12 =	sadd.s32 $0x40, s23;
	v6 =	vld.idx.msk [tilespmem:v9+s3+$0x0], $0xffff  }
0xf2: {  	s1 =	sor.u32 s7, s30;
	v7 =	vor.u32 $0x200, v3;
	v8 =	vld [tilespmem:s12+$0x0]  }
0xf3: {  	[tilespmem:s1+$0x0] =	vst v10;
	v13 =	vld [tilespmem:s12+$0xFFFFFFE0]  }
0xf4: {  	s13 =	sadd.s32 $0x1D180, s11;
	v10 =	vor.u32 $0x180, v2;
	v9 =	vld.idx.msk [tilespmem:v11+s3+$0x0], $0xffff  }
0xf5: {  	s14 =	sor.u32 s8, s13;
	v12 =	vor.u32 $0x180, v1;
	v11 =	vld [tilespmem:s12+$0xFFFFFFD0]  }
0xf6: {  	v14 =	vld [tilespmem:s12+$0xFFFFFFF0];
	[tilespmem:s14+$0x0] =	vst v6  }
0xf7: {  	s15 =	sor.u32 s2, s10;
	v6 =	vor.u32 $0x180, v4;
	v15 =	vshll.u32 v8, $0x3;
	v7 =	vld.idx.msk [tilespmem:v7+s3+$0x0], $0xffff  }
0xf8: {  	s16 =	sor.u32 s4, s10;
	[tilespmem:s15+$0x0] =	vst v0;
	v8 =	vand.u32 $0x7F, v8;
	v0 =	vand.u32 $0xFFFFFC00, v15;
	v15 =	vor.u32 $0x280, v3  }
0xf9: {  	v16 =	vor.u32 $0x200, v2;
	[tilespmem:s16+$0x0] =	vst v5;
	v5 =	vld.idx.msk [tilespmem:v10+s3+$0x0], $0xffff;
	v0 =	vor.u32 v0, v8  }
0xfa: {  	s0 =	sor.u32 s7, s10;
	s15 =	sadd.s32 $0x1D200, s11;
	v10 =	vld.idx.msk [tilespmem:v12+s3+$0x0], $0xffff;
	v17 =	vshll.u32 v13, $0x3;
	v13 =	vand.u32 $0x7F, v13;
	v12 =	vshll.u32 v11, $0x3  }
0xfb: {  	s17 =	sor.u32 s8, s15;
	[tilespmem:s0+$0x0] =	vst v9;
	v11 =	vand.u32 $0x7F, v11;
	v8 =	vor.u32 $0x200, v1;
	v9 =	vand.u32 $0xFFFFFC00, v12  }
0xfc: {  	v12 =	vand.u32 $0xFFFFFC00, v17;
	v17 =	vshll.u32 v14, $0x3;
	v21 =	vor.u32 v9, v11;
	v6 =	vld.idx.msk [tilespmem:v6+s3+$0x0], $0xffff;
	[tilespmem:s17+$0x0] =	vst v7  }
0xfd: {  	s18 =	sor.u32 s2, s13;
	v13 =	vor.u32 v12, v13;
	v9 =	vand.u32 $0x7F, v14;
	v7 =	vand.u32 $0xFFFFFC00, v17;
	v11 =	vld.idx.msk [tilespmem:v15+s3+$0x0], $0xffff  }
0xfe: {  	s19 =	sor.u32 s4, s13;
	[tilespmem:s18+$0x0] =	vst v5;
	v25 =	vor.u32 v7, v9;
	v5 =	vld.idx.msk [tilespmem:v0+s3+$0x0], $0xffff  }
0xff: {  	v12 =	vor.u32 $0x200, v4;
	[tilespmem:s19+$0x0] =	vst v10;
	v7 =	vld.idx.msk [tilespmem:v16+s3+$0x0], $0xffff  }
0x100: {  	s20 =	sor.u32 s7, s13;
	v9 =	vor.u32 $0x300, v3;
	v8 =	vld.idx.msk [tilespmem:v8+s3+$0x0], $0xffff  }
0x101: {  	s10 =	simm.s32 $0x200;
	s9 =	simm.s32 $0x40;
	s14 =	sadd.s32 $0x1D280, s11;
	v10 =	vor.u32 $0x80, v0;
	v14 =	vld.idx.msk [tilespmem:v21+s3+$0x0], $0xffff  }
0x102: {  	s1 =	sand.u32 $0x1C00, s10;
	s0 =	sand.u32 $0x40, s9;
	s23 =	sor.u32 s8, s14;
	v15 =	vor.u32 $0x280, v2;
	[tilespmem:s20+$0x0] =	vst v6;
	v6 =	vld.idx.msk [tilespmem:v13+s3+$0x0], $0xffff  }
0x103: {  	s21 =	sadd.s32 $0x1D000, s1;
	s25 =	sor.u32 s2, s15;
	s5 =	sor.u32 $0x30, s0;
	v16 =	vor.u32 $0x80, v21;
	v17 =	vld.idx.msk [tilespmem:v25+s3+$0x0], $0xffff;
	[tilespmem:s23+$0x0] =	vst v11  }
0x104: {  	s24 =	sor.u32 s5, s21;
	v11 =	vor.u32 $0x80, v13;
	[tilespmem:s25+$0x0] =	vst v7;
	v7 =	vld.idx.msk [tilespmem:v12+s3+$0x0], $0xffff  }
0x105: {  	s28 =	sor.u32 s0, s21;
	[tilespmem:s24+$0x0] =	vst v5;
	v5 =	vld.idx.msk [tilespmem:v9+s3+$0x0], $0xffff;
	v9 =	vor.u32 $0x80, v25  }
0x106: {  	s26 =	sor.u32 s4, s15;
	s13 =	sor.u32 $0x10, s0;
	v10 =	vld.idx.msk [tilespmem:v10+s3+$0x0], $0xffff;
	[tilespmem:s28+$0x0] =	vst v14;
	v14 =	vor.u32 $0x280, v1  }
0x107: {  	s6 =	sor.u32 $0x20, s0;
	s29 =	sor.u32 s13, s21;
	v3 =	vor.u32 $0x380, v3;
	[tilespmem:s26+$0x0] =	vst v8;
	v12 =	vld.idx.msk [tilespmem:v15+s3+$0x0], $0xffff  }
0x108: {  	s16 =	sor.u32 s6, s21;
	v8 =	vor.u32 $0x100, v0;
	v15 =	vld.idx.msk [tilespmem:v16+s3+$0x0], $0xffff;
	[tilespmem:s29+$0x0] =	vst v6  }
0x109: {  	s15 =	sor.u32 s7, s15;
	s17 =	sadd.s32 $0x1D300, s11;
	v6 =	vor.u32 $0x280, v4;
	v11 =	vld.idx.msk [tilespmem:v11+s3+$0x0], $0xffff;
	[tilespmem:s16+$0x0] =	vst v17  }
0x10a: {  	s30 =	sadd.s32 $0x1D080, s1;
	s31 =	sor.u32 s8, s17;
	v16 =	vor.u32 $0x100, v21;
	[tilespmem:s15+$0x0] =	vst v7;
	v9 =	vld.idx.msk [tilespmem:v9+s3+$0x0], $0xffff  }
0x10b: {  	s19 =	sor.u32 s5, s30;
	[tilespmem:s31+$0x0] =	vst v5;
	v5 =	vor.u32 $0x100, v13;
	v14 =	vld.idx.msk [tilespmem:v14+s3+$0x0], $0xffff  }
0x10c: {  	v19 =	vor.u32 $0x100, v25;
	s20 =	sor.u32 s2, s14;
	[tilespmem:s19+$0x0] =	vst v10;
	v10 =	vld.idx.msk [tilespmem:v3+s3+$0x0], $0xffff  }
0x10d: {  	v22 =	vor.u32 $0x300, v2;
	s21 =	sor.u32 s0, s30;
	[tilespmem:s20+$0x0] =	vst v12;
	v8 =	vld.idx.msk [tilespmem:v8+s3+$0x0], $0xffff  }
0x10e: {  	v27 =	vor.u32 $0x300, v1;
	s23 =	sor.u32 s13, s30;
	[tilespmem:s21+$0x0] =	vst v15;
	v26 =	vld.idx.msk [tilespmem:v6+s3+$0x0], $0xffff  }
0x10f: {  	v62 =	vor.u32 $0x300, v4;
	v18 =	vor.u32 $0x180, v13;
	s24 =	sor.u32 s6, s30;
	v15 =	vor.u32 $0x180, v0;
	v63 =	vld.idx.msk [tilespmem:v16+s3+$0x0], $0xffff;
	[tilespmem:s23+$0x0] =	vst v11  }
0x110: {  	s25 =	sadd.s32 $0x1D380, s11;
	v1 =	vor.u32 $0x380, v1;
	s29 =	sor.u32 s4, s14;
	v17 =	vor.u32 $0x180, v21;
	v7 =	vor.u32 $0x280, v21;
	v20 =	vld.idx.msk [tilespmem:v5+s3+$0x0], $0xffff;
	[tilespmem:s24+$0x0] =	vst v9  }
0x111: {  	s26 =	sadd.s32 $0x1D100, s1;
	s8 =	sor.u32 s8, s25;
	v12 =	vor.u32 $0x200, v21;
	v3 =	vor.u32 $0x380, v2;
	v2 =	vor.u32 $0x380, v4;
	[tilespmem:s29+$0x0] =	vst v14;
	v23 =	vld.idx.msk [tilespmem:v19+s3+$0x0], $0xffff  }
0x112: {  	s30 =	sor.u32 s7, s14;
	s11 =	sor.u32 s4, s17;
	s28 =	sor.u32 s5, s26;
	v4 =	vor.u32 $0x300, v21;
	v16 =	vor.u32 $0x180, v25;
	v6 =	vor.u32 $0x300, v13;
	[tilespmem:s8+$0x0] =	vst v10;
	v19 =	vld.idx.msk [tilespmem:v22+s3+$0x0], $0xffff  }
0x113: {  	s14 =	sor.u32 s7, s17;
	s4 =	sor.u32 s4, s25;
	s7 =	sor.u32 s7, s25;
	v11 =	vor.u32 $0x200, v13;
	v9 =	vor.u32 $0x280, v13;
	v5 =	vor.u32 $0x300, v25;
	[tilespmem:s28+$0x0] =	vst v8;
	v22 =	vld.idx.msk [tilespmem:v27+s3+$0x0], $0xffff  }
0x114: {  	s16 =	sor.u32 s2, s17;
	s31 =	sor.u32 s0, s26;
	s23 =	sor.u32 s6, s26;
	v14 =	vor.u32 $0x380, v13;
	v13 =	vor.u32 $0x380, v25;
	v10 =	vor.u32 $0x200, v25;
	v24 =	vld.idx.msk [tilespmem:v15+s3+$0x0], $0xffff;
	[tilespmem:s30+$0x0] =	vst v26  }
0x115: {  	s24 =	sor.u32 s13, s26;
	v8 =	vor.u32 $0x280, v25;
	s8 =	sor.u32 s2, s25;
	v25 =	vor.u32 $0x200, v0;
	s2 =	sadd.s32 $0x40, s12;
	v15 =	vor.u32 $0x380, v21;
	[tilespmem:s31+$0x0] =	vst v63;
	v21 =	vld.idx.msk [tilespmem:v62+s3+$0x0], $0xffff  }
.LBB2_5:
0x116: {  	v26 =	vld [tilespmem:s2+$0x0];
	[tilespmem:s24+$0x0] =	vst v20  }
0x117: {  	s12 =	sadd.s32 $0x1D180, s1;
	v20 =	vld [tilespmem:s2+$0xFFFFFFD0];
	[tilespmem:s23+$0x0] =	vst v23  }
0x118: {  	s17 =	sor.u32 s13, s12;
	s15 =	sor.u32 s6, s12;
	s18 =	sor.u32 s5, s12;
	v23 =	vld [tilespmem:s2+$0xFFFFFFE0];
	[tilespmem:s16+$0x0] =	vst v19  }
0x119: {  	s16 =	sor.u32 s0, s12;
	v19 =	vld [tilespmem:s2+$0xFFFFFFF0];
	[tilespmem:s18+$0x0] =	vst v24  }
0x11a: {  	v24 =	vld.idx.msk [tilespmem:v25+s3+$0x0], $0xffff;
	[tilespmem:s11+$0x0] =	vst v22  }
0x11b: {  	v22 =	vshll.u32 v26, $0x3;
	v17 =	vld.idx.msk [tilespmem:v17+s3+$0x0], $0xffff;
	[tilespmem:s14+$0x0] =	vst v21  }
0x11c: {  	v25 =	vor.u32 $0x280, v0;
	v21 =	vand.u32 $0xFFFFFC00, v22;
	v22 =	vand.u32 $0x7F, v26;
	v18 =	vld.idx.msk [tilespmem:v18+s3+$0x0], $0xffff  }
0x11d: {  	v26 =	vshll.u32 v20, $0x3;
	v27 =	vshll.u32 v23, $0x3;
	v21 =	vor.u32 v21, v22;
	v16 =	vld.idx.msk [tilespmem:v16+s3+$0x0], $0xffff  }
0x11e: {  	s14 =	sadd.s32 $0x1D200, s1;
	v22 =	vand.u32 $0xFFFFFC00, v26;
	v26 =	vand.u32 $0xFFFFFC00, v27;
	v27 =	vshll.u32 v19, $0x3;
	v28 =	vld.idx.msk [tilespmem:v3+s3+$0x0], $0xffff;
	v3 =	vmovc v15  }
0x11f: {  	s11 =	sor.u32 s13, s14;
	s12 =	sor.u32 s6, s14;
	s18 =	sor.u32 s5, s14;
	v15 =	vand.u32 $0x7F, v20;
	v20 =	vand.u32 $0x7F, v23;
	v23 =	vand.u32 $0xFFFFFC00, v27;
	v27 =	vld.idx.msk [tilespmem:v1+s3+$0x0], $0xffff;
	v1 =	vmovc v14  }
0x120: {  	s14 =	sor.u32 s0, s14;
	v14 =	vor.u32 v22, v15;
	v20 =	vor.u32 v26, v20;
	v15 =	vand.u32 $0x7F, v19;
	[tilespmem:s18+$0x0] =	vst v24;
	v19 =	vld.idx.msk [tilespmem:v2+s3+$0x0], $0xffff  }
0x121: {  	v22 =	vor.u32 $0x80, v14;
	v24 =	vor.u32 $0x80, v20;
	v23 =	vor.u32 v23, v15;
	v2 =	vmovc v13;
	[tilespmem:s16+$0x0] =	vst v17;
	v15 =	vld.idx.msk [tilespmem:v25+s3+$0x0], $0xffff  }
0x122: {  	v26 =	vor.u32 $0x100, v20;
	v25 =	vor.u32 $0x100, v14;
	v29 =	vor.u32 $0x80, v23;
	v30 =	vld.idx.msk [tilespmem:v21+s3+$0x0], $0xffff;
	[tilespmem:s17+$0x0] =	vst v18  }
0x123: {  	v33 =	vor.u32 $0x300, v0;
	v17 =	vor.u32 $0x180, v14;
	v31 =	vor.u32 $0x100, v23;
	v32 =	vld.idx.msk [tilespmem:v12+s3+$0x0], $0xffff;
	[tilespmem:s15+$0x0] =	vst v16  }
0x124: {  	s9 =	sadd.s32 $0x40, s9;
	s10 =	sadd.s32 $0x200, s10;
	v34 =	vor.u32 $0x80, v21;
	v18 =	vor.u32 $0x180, v20;
	v16 =	vor.u32 $0x180, v23;
	v35 =	vld.idx.msk [tilespmem:v11+s3+$0x0], $0xffff;
	[tilespmem:s8+$0x0] =	vst v28  }
0x125: {  	v36 =	vor.u32 $0x200, v23;
	s17 =	sand.u32 $0x40, s9;
	v12 =	vor.u32 $0x200, v14;
	s15 =	sadd.s32 $0x1D280, s1;
	s8 =	sand.u32 $0x1C00, s10;
	v11 =	vor.u32 $0x200, v20;
	v28 =	vld.idx.msk [tilespmem:v14+s3+$0x0], $0xffff;
	[tilespmem:s4+$0x0] =	vst v27  }
0x126: {  	v38 =	vor.u32 $0x280, v20;
	v39 =	vor.u32 $0x280, v23;
	s18 =	sor.u32 $0x30, s17;
	s16 =	sor.u32 s5, s15;
	s4 =	sadd.s32 $0x1D000, s8;
	v27 =	vor.u32 $0x280, v14;
	v37 =	vld.idx.msk [tilespmem:v20+s3+$0x0], $0xffff;
	[tilespmem:s7+$0x0] =	vst v19  }
0x127: {  	v40 =	vor.u32 $0x300, v14;
	v41 =	vor.u32 $0x300, v20;
	v42 =	vor.u32 $0x300, v23;
	s20 =	sor.u32 $0x10, s17;
	s19 =	sor.u32 $0x20, s17;
	s7 =	sor.u32 s18, s4;
	v19 =	vld.idx.msk [tilespmem:v23+s3+$0x0], $0xffff;
	[tilespmem:s16+$0x0] =	vst v15  }
0x128: {  	v13 =	vor.u32 $0x380, v23;
	s23 =	sor.u32 s20, s4;
	s16 =	sor.u32 s17, s4;
	v15 =	vor.u32 $0x380, v14;
	v14 =	vor.u32 $0x380, v20;
	s4 =	sor.u32 s19, s4;
	[tilespmem:s7+$0x0] =	vst v30;
	v20 =	vld.idx.msk [tilespmem:v33+s3+$0x0], $0xffff  }
0x129: {  	s21 =	sor.u32 s13, s15;
	s7 =	sor.u32 s0, s15;
	s15 =	sor.u32 s6, s15;
	v23 =	vld.idx.msk [tilespmem:v34+s3+$0x0], $0xffff;
	[tilespmem:s14+$0x0] =	vst v32  }
0x12a: {  	p2 =	slt.u32 s9, $0x3C0;
	v32 =	vor.u32 $0x380, v0;
	v0 =	vmov v21;
	[tilespmem:s11+$0x0] =	vst v35;
	v30 =	vld.idx.msk [tilespmem:v10+s3+$0x0], $0xffff;
	v10 =	vmov v36  }
0x12b: {  	v21 =	vor.u32 $0x100, v0;
	[tilespmem:s16+$0x0] =	vst v28;
	v28 =	vld.idx.msk [tilespmem:v7+s3+$0x0], $0xffff;
	v7 =	vmov v27  }
0x12c: {  	s14 =	sadd.s32 $0x1D300, s1;
	v22 =	vld.idx.msk [tilespmem:v22+s3+$0x0], $0xffff;
	[tilespmem:s23+$0x0] =	vst v37  }
0x12d: {  	s11 =	sor.u32 s13, s14;
	s16 =	sadd.s32 $0x1D080, s8;
	v24 =	vld.idx.msk [tilespmem:v24+s3+$0x0], $0xffff;
	[tilespmem:s4+$0x0] =	vst v19;
	s4 =	sor.u32 s5, s14  }
0x12e: {  	s23 =	sor.u32 s20, s16;
	s24 =	sor.u32 s19, s16;
	s25 =	sor.u32 s18, s16;
	v19 =	vld.idx.msk [tilespmem:v29+s3+$0x0], $0xffff;
	[tilespmem:s4+$0x0] =	vst v20  }
0x12f: {  	s4 =	sor.u32 s17, s16;
	s16 =	sor.u32 s0, s14;
	s14 =	sor.u32 s6, s14;
	[tilespmem:s25+$0x0] =	vst v23;
	v27 =	vld.idx.msk [tilespmem:v32+s3+$0x0], $0xffff  }
0x130: {  	v21 =	vld.idx.msk [tilespmem:v21+s3+$0x0], $0xffff;
	[tilespmem:s12+$0x0] =	vst v30  }
0x131: {  	[tilespmem:s7+$0x0] =	vst v28;
	v28 =	vld.idx.msk [tilespmem:v9+s3+$0x0], $0xffff;
	v9 =	vmov v38  }
0x132: {  	s7 =	sadd.s32 $0x1D380, s1;
	s1 =	smov.u32 s8;
	[tilespmem:s4+$0x0] =	vst v22;
	v22 =	vor.u32 $0x180, v0;
	v29 =	vld.idx.msk [tilespmem:v8+s3+$0x0], $0xffff;
	v8 =	vmov v39  }
0x133: {  	s8 =	sadd.s32 $0x1D100, s1;
	v25 =	vld.idx.msk [tilespmem:v25+s3+$0x0], $0xffff;
	[tilespmem:s23+$0x0] =	vst v24  }
0x134: {  	s4 =	sor.u32 s13, s7;
	s5 =	sor.u32 s5, s7;
	s23 =	sor.u32 s19, s8;
	v20 =	vld.idx.msk [tilespmem:v26+s3+$0x0], $0xffff;
	[tilespmem:s24+$0x0] =	vst v19  }
.Ltmp1:
0x135: {  	s12 =	sor.u32 s18, s8;
	s24 =	sor.u32 s20, s8;
	v23 =	vld.idx.msk [tilespmem:v31+s3+$0x0], $0xffff;
	[tilespmem:s5+$0x0] =	vst v27;
	(pc) =	sbr.rel @p2 .LBB2_5-.Ltmp1, $4  }
0x136: {  	s25 =	sor.u32 s17, s8;
	s8 =	sor.u32 s0, s7;
	s7 =	sor.u32 s6, s7;
	[tilespmem:s12+$0x0] =	vst v21;
	v19 =	vld.idx.msk [tilespmem:v4+s3+$0x0], $0xffff;
	v4 =	vmov v40  }
0x137: {  	s13 =	smov.u32 s20;
	s0 =	smov.u32 s17;
	s5 =	smov.u32 s18;
	v24 =	vld.idx.msk [tilespmem:v22+s3+$0x0], $0xffff;
	[tilespmem:s21+$0x0] =	vst v28  }
0x138: {  	s6 =	smov.u32 s19;
	v22 =	vld.idx.msk [tilespmem:v6+s3+$0x0], $0xffff;
	[tilespmem:s15+$0x0] =	vst v29;
	v6 =	vmov v41  }
0x139: {  	s2 =	sadd.s32 $0x40, s2;
	[tilespmem:s25+$0x0] =	vst v25;
	v25 =	vor.u32 $0x200, v0;
	v21 =	vld.idx.msk [tilespmem:v5+s3+$0x0], $0xffff;
	v5 =	vmov v42  }
0x13a: {  	_ =	sdelay $0x3  }
0x13b: {  	[tilespmem:s24+$0x0] =	vst v20;
	v17 =	vld.idx.msk [tilespmem:v17+s3+$0x0], $0xffff  }
0x13c: {  	[tilespmem:s23+$0x0] =	vst v23;
	v18 =	vld.idx.msk [tilespmem:v18+s3+$0x0], $0xffff  }
0x13d: {  	s2 =	sadd.s32 $0x1D180, s1;
	v16 =	vld.idx.msk [tilespmem:v16+s3+$0x0], $0xffff  }
0x13e: {  	s9 =	sor.u32 s5, s2  }
0x13f: {  	s10 =	sor.u32 s0, s2;
	[tilespmem:s9+$0x0] =	vst v24  }
0x140: {  	s30 =	sor.u32 s13, s2;
	v55 =	vld.idx.msk [tilespmem:v25+s3+$0x0], $0xffff;
	[tilespmem:s10+$0x0] =	vst v17  }
0x141: {  	v56 =	vor.u32 $0x280, v0;
	s2 =	sor.u32 s6, s2;
	[tilespmem:s30+$0x0] =	vst v18;
	v12 =	vld.idx.msk [tilespmem:v12+s3+$0x0], $0xffff  }
0x142: {  	[tilespmem:s2+$0x0] =	vst v16;
	v11 =	vld.idx.msk [tilespmem:v11+s3+$0x0], $0xffff  }
0x143: {  	s31 =	sadd.s32 $0x1D200, s1;
	v10 =	vld.idx.msk [tilespmem:v10+s3+$0x0], $0xffff  }
0x144: {  	s10 =	sor.u32 s5, s31  }
0x145: {  	s12 =	sor.u32 s0, s31;
	[tilespmem:s10+$0x0] =	vst v55  }
0x146: {  	s15 =	sor.u32 s13, s31;
	v57 =	vld.idx.msk [tilespmem:v56+s3+$0x0], $0xffff;
	[tilespmem:s12+$0x0] =	vst v12  }
0x147: {  	v58 =	vor.u32 $0x300, v0;
	s2 =	sor.u32 s6, s31;
	[tilespmem:s15+$0x0] =	vst v11;
	v7 =	vld.idx.msk [tilespmem:v7+s3+$0x0], $0xffff  }
0x148: {  	[tilespmem:s2+$0x0] =	vst v10;
	v9 =	vld.idx.msk [tilespmem:v9+s3+$0x0], $0xffff  }
0x149: {  	[tilespmem:s16+$0x0] =	vst v19;
	s16 =	sadd.s32 $0x1D280, s1;
	v8 =	vld.idx.msk [tilespmem:v8+s3+$0x0], $0xffff  }
0x14a: {  	s17 =	sor.u32 s5, s16;
	[tilespmem:s11+$0x0] =	vst v22  }
0x14b: {  	v3 =	vld.idx.msk [tilespmem:v3+s3+$0x0], $0xffff;
	s18 =	sor.u32 s0, s16;
	[tilespmem:s17+$0x0] =	vst v57  }
0x14c: {  	s19 =	sor.u32 s13, s16;
	v59 =	vld.idx.msk [tilespmem:v58+s3+$0x0], $0xffff;
	[tilespmem:s18+$0x0] =	vst v7  }
0x14d: {  	v60 =	vor.u32 $0x380, v0;
	s2 =	sor.u32 s6, s16;
	v4 =	vld.idx.msk [tilespmem:v4+s3+$0x0], $0xffff;
	[tilespmem:s19+$0x0] =	vst v9  }
0x14e: {  	[tilespmem:s2+$0x0] =	vst v8;
	v6 =	vld.idx.msk [tilespmem:v6+s3+$0x0], $0xffff  }
0x14f: {  	s20 =	sadd.s32 $0x1D300, s1;
	[tilespmem:s14+$0x0] =	vst v21;
	v5 =	vld.idx.msk [tilespmem:v5+s3+$0x0], $0xffff  }
0x150: {  	s21 =	sor.u32 s5, s20;
	v1 =	vld.idx.msk [tilespmem:v1+s3+$0x0], $0xffff;
	[tilespmem:s8+$0x0] =	vst v3  }
0x151: {  	s23 =	sor.u32 s0, s20;
	v2 =	vld.idx.msk [tilespmem:v2+s3+$0x0], $0xffff;
	[tilespmem:s21+$0x0] =	vst v59  }
0x152: {  	s24 =	sor.u32 s13, s20;
	v0 =	vld.idx.msk [tilespmem:v60+s3+$0x0], $0xffff;
	[tilespmem:s23+$0x0] =	vst v4  }
0x153: {  	s2 =	sor.u32 s6, s20;
	[tilespmem:s24+$0x0] =	vst v6;
	v61 =	vld.idx.msk [tilespmem:v15+s3+$0x0], $0xffff  }
0x154: {  	[tilespmem:s2+$0x0] =	vst v5;
	v62 =	vld.idx.msk [tilespmem:v14+s3+$0x0], $0xffff  }
0x155: {  	s25 =	sadd.s32 $0x1D380, s1;
	[tilespmem:s4+$0x0] =	vst v1;
	v63 =	vld.idx.msk [tilespmem:v13+s3+$0x0], $0xffff  }
0x156: {  	s26 =	sor.u32 s5, s25;
	[tilespmem:s7+$0x0] =	vst v2  }
0x157: {  	s28 =	sor.u32 s0, s25;
	[tilespmem:s26+$0x0] =	vst v0  }
0x158: {  	s29 =	sor.u32 s13, s25;
	[tilespmem:s28+$0x0] =	vst v61  }
0x159: {  	s30 =	sor.u32 s6, s25;
	[tilespmem:s29+$0x0] =	vst v62  }
0x15a: {  	[tilespmem:s30+$0x0] =	vst v63  }
0x15b: {  	s4 =	sld [smem:$0x7F9];
	_ =	sdelay $0x2  }
0x15c: {  	p2 =	sne.s32 s4, $0x10  }
.Ltmp2:
0x15d: {  	_ = 	snop;
	(pc) =	sbr.rel @p2 .LBB2_2-.Ltmp2, $4  }
0x15e: {  	_ = 	snop  }
0x15f: {  	s0 =	rddreg [dreg:$0x1c]  }
0x160: {  	p1 =	por !p1, !p1;
	s31 =	simm.s32 $0x1D000;
	s0 =	sadd.s32 s22, s0  }
0x161: {  	[hbm4b:s0+s3] =	stream.linear.scatter [tilespmem:s31], [sflag:$0x1], $0x2000, $0x38;
	[tilespmem:$0x1F000] =	vst v63  }
0x162: {  	s0 =	simm.s32 $0x3  }
0x163: {  	s1 =	simm.s32 $0x0;
	p0 =	por $0x0, $0x0;
	_ =	swait.ge [sflag:s0], $0xD000  }
0x164: {  	p1 =	por $0x0, $0x0;
	s26 =	simm.s32 $0xD000;
	[sflag:s0] =	ssyncset.done $0x0  }
0x165: {  	s31 =	rddreg [dreg:$0x1d];
	[sflag:s0] =	ssyncadd.s32 $0xFFFF3000;
	s0 =	simm.s32 $0x0  }
0x166: {  	[tilespmem:s1], [sflag:$0x3] =	stream.linear.gather [hbm4b:s31+s1], $0xD000, $0x38;
	[tilespmem:$0x1F000] =	vst v63  }
.LBB2_8:
0x167: {  	s1 =	simm.s32 $0x1;
	s4 =	sadd.s32 $0x1, s0  }
0x168: {  	s2 =	sxor.u32 $0xFFFFFFFF, s0;
	s5 =	simm.s32 $0x2;
	s24 =	simm.s32 $0x0  }
0x169: {  	s13 =	simm.s32 $0x1;
	_ =	swait.ge [sflag:s5], $0x800;
	s2 =	sshll.u32 s2, $0xB  }
0x16a: {  	[smem:$0x7F5] =	sst s4;
	s4 =	sshll.u32 s4, $0x8;
	[sflag:s5] =	ssyncset.done $0x0  }
0x16b: {  	s2 =	sand.u32 $0x800, s2;
	s12 =	rddreg [dreg:$0x18];
	s4 =	sand.u32 $0xF00, s4  }
0x16c: {  	[sflag:s5] =	ssyncadd.s32 $0xFFFFF800;
	s2 =	sor.u32 $0x1A000, s2;
	s4 =	sadd.s32 s12, s4  }
0x16d: {  	[tilespmem:s2], [sflag:$0x2] =	stream.linear.gather [hbm4b:s4+s24], $0x800, $0x38;
	[tilespmem:$0x1F000] =	vst v63  }
0x16e: {  	s1 =	simm.s32 @!p1 $0x0;
	_ =	swait.ge [sflag:s13], $0x2000  }
0x16f: {  	s14 =	sshll.u32 s1, $0xB;
	[sflag:s13] =	ssyncset.done $0x0  }
0x170: {  	s1 =	sor.u32 $0x1A020, s14;
	[sflag:s13] =	ssyncadd.s32 $0xFFFFE000  }
0x171: {  	v0 =	vld [tilespmem:s1+$0x10];
	_ =	sdelay $0x3  }
0x172: {  	v1 =	vld [tilespmem:s1+$0xFFFFFFE0]  }
0x173: {  	v2 =	vld [tilespmem:s1+$0xFFFFFFF0];
	v3 =	vshll.u32 v0, $0x3  }
0x174: {  	v0 =	vand.u32 $0x7F, v0;
	v3 =	vand.u32 $0xFFFFFC00, v3  }
0x175: {  	v4 =	vor.u32 v3, v0;
	_ =	sdelay $0x1  }
0x176: {  	v0 =	vld [tilespmem:s1+$0x0];
	v3 =	vshll.u32 v1, $0x3  }
0x177: {  	v5 =	vshll.u32 v2, $0x3;
	v1 =	vand.u32 $0x7F, v1;
	v3 =	vand.u32 $0xFFFFFC00, v3  }
0x178: {  	v6 =	vand.u32 $0x7F, v2;
	v5 =	vand.u32 $0xFFFFFC00, v5;
	v2 =	vor.u32 v3, v1  }
0x179: {  	v1 =	vor.u32 v5, v6;
	v5 =	vld.idx.msk [tilespmem:v4+s26+$0x0], $0xffff  }
0x17a: {  	v6 =	vor.u32 $0x80, v4  }
0x17b: {  	s15 =	sand.u32 $0x1C00, s24;
	s5 =	simm.s32 $0x30;
	v3 =	vshll.u32 v0, $0x3  }
0x17c: {  	s7 =	sadd.s32 $0x1B000, s15;
	s16 =	sand.u32 $0x70, s5;
	v0 =	vand.u32 $0x7F, v0;
	v3 =	vand.u32 $0xFFFFFC00, v3  }
0x17d: {  	s8 =	sor.u32 s16, s7;
	v3 =	vor.u32 v3, v0;
	v0 =	vld.idx.msk [tilespmem:v2+s26+$0x0], $0xffff  }
0x17e: {  	v7 =	vor.u32 $0x80, v2;
	v8 =	vld.idx.msk [tilespmem:v1+s26+$0x0], $0xffff;
	[tilespmem:s8+$0x0] =	vst v5  }
0x17f: {  	v5 =	vor.u32 $0x80, v1;
	v6 =	vld.idx.msk [tilespmem:v6+s26+$0x0], $0xffff  }
0x180: {  	s6 =	sand.u32 $0x40, s24;
	s4 =	simm.s32 $0x10;
	v9 =	vor.u32 $0x100, v4  }
0x181: {  	s10 =	sor.u32 s6, s7;
	s9 =	sand.u32 $0x50, s4  }
0x182: {  	s9 =	sor.u32 s9, s7;
	v10 =	vld.idx.msk [tilespmem:v3+s26+$0x0], $0xffff;
	[tilespmem:s10+$0x0] =	vst v0  }
0x183: {  	v11 =	vor.u32 $0x80, v3;
	[tilespmem:s9+$0x0] =	vst v8;
	v0 =	vld.idx.msk [tilespmem:v7+s26+$0x0], $0xffff  }
0x184: {  	s6 =	simm.s32 $0x20;
	v7 =	vor.u32 $0x100, v2;
	v5 =	vld.idx.msk [tilespmem:v5+s26+$0x0], $0xffff;
	[tilespmem:s8+$0x80] =	vst v6  }
0x185: {  	s11 =	sand.u32 $0x60, s6;
	v6 =	vor.u32 $0x100, v1;
	v8 =	vld.idx.msk [tilespmem:v9+s26+$0x0], $0xffff  }
0x186: {  	s7 =	sor.u32 s11, s7;
	v9 =	vor.u32 $0x180, v4  }
0x187: {  	[tilespmem:s7+$0x0] =	vst v10  }
0x188: {  	v10 =	vld.idx.msk [tilespmem:v11+s26+$0x0], $0xffff;
	[tilespmem:s10+$0x80] =	vst v0  }
0x189: {  	v0 =	vld.idx.msk [tilespmem:v7+s26+$0x0], $0xffff;
	[tilespmem:s9+$0x80] =	vst v5  }
0x18a: {  	v11 =	vor.u32 $0x100, v3;
	v5 =	vld.idx.msk [tilespmem:v6+s26+$0x0], $0xffff;
	[tilespmem:s8+$0x100] =	vst v8  }
0x18b: {  	s1 =	sadd.s32 $0x40, s1;
	v6 =	vld.idx.msk [tilespmem:v9+s26+$0x0], $0xffff  }
0x18c: {  	v7 =	vor.u32 $0x200, v4;
	v8 =	vld [tilespmem:s1+$0x10];
	_ =	sdelay $0x1  }
0x18d: {  	v13 =	vld [tilespmem:s1+$0xFFFFFFF0];
	[tilespmem:s7+$0x80] =	vst v10  }
0x18e: {  	v10 =	vor.u32 $0x180, v2;
	v9 =	vld.idx.msk [tilespmem:v11+s26+$0x0], $0xffff  }
0x18f: {  	v12 =	vor.u32 $0x180, v1;
	v11 =	vld [tilespmem:s1+$0xFFFFFFE0];
	[tilespmem:s8+$0x180] =	vst v6  }
0x190: {  	s17 =	sand.u32 $0x7, s24;
	v15 =	vshll.u32 v8, $0x3;
	v6 =	vor.u32 $0x180, v3;
	v7 =	vld.idx.msk [tilespmem:v7+s26+$0x0], $0xffff  }
0x191: {  	v14 =	vld [tilespmem:s1+$0x0];
	[tilespmem:s10+$0x100] =	vst v0;
	v0 =	vand.u32 $0xFFFFFC00, v15;
	s8 =	sshll.u32 s17, $0x4;
	v15 =	vor.u32 $0x280, v4  }
0x192: {  	v8 =	vand.u32 $0x7F, v8;
	s18 =	sadd.s32 $0x0, s8  }
0x193: {  	v16 =	vor.u32 $0x200, v2;
	[tilespmem:s9+$0x100] =	vst v5;
	v5 =	vld.idx.msk [tilespmem:v10+s26+$0x0], $0xffff;
	v0 =	vor.u32 v0, v8;
	s8 =	sadd.s32 $0x30, s18  }
0x194: {  	v17 =	vshll.u32 v13, $0x3;
	v12 =	vld.idx.msk [tilespmem:v12+s26+$0x0], $0xffff;
	v10 =	vor.u32 $0x200, v1;
	v8 =	vshll.u32 v11, $0x3;
	[tilespmem:s7+$0x100] =	vst v9;
	s12 =	sor.u32 $0x200, s8  }
0x195: {  	s2 =	sor.u32 $0x1A430, s14;
	v9 =	vand.u32 $0xFFFFFC00, v17;
	v11 =	vand.u32 $0x7F, v11;
	v8 =	vand.u32 $0xFFFFFC00, v8;
	v17 =	vld.idx.msk [tilespmem:v6+s26+$0x0], $0xffff;
	[tilespmem:s12+$0x1B000] =	vst v7  }
0x196: {  	s19 =	smul.u32 $0x180000, s0;
	v13 =	vand.u32 $0x7F, v13;
	v8 =	vor.u32 v8, v11;
	v6 =	vshll.u32 v14, $0x3;
	v11 =	vld.idx.msk [tilespmem:v15+s26+$0x0], $0xffff;
	[smem:$0x7F6] =	sst s2  }
0x197: {  	v7 =	vand.u32 $0xFFFFFC00, v6;
	v6 =	vor.u32 v9, v13;
	v9 =	vand.u32 $0x7F, v14;
	s20 =	rddreg [dreg:$0x1e]  }
0x198: {  	s29 =	simm.s32 $0x70;
	s21 =	sand.u32 $0x3, s24;
	v19 =	vor.u32 v7, v9;
	s0 =	sadd.s32 s20, s19;
	[tilespmem:s10+$0x180] =	vst v5;
	v5 =	vld.idx.msk [tilespmem:v0+s26+$0x0], $0xffff  }
0x199: {  	s2 =	simm.s32 $0x1;
	v9 =	vor.u32 $0x300, v4;
	[tilespmem:s9+$0x180] =	vst v12;
	s25 =	sshrl.u32 s0, $0x3;
	v7 =	vld.idx.msk [tilespmem:v16+s26+$0x0], $0xffff;
	s0 =	simm.s32 $0x200  }
0x19a: {  	s23 =	sand.u32 $0x70, s29;
	s2 =	simm.s32 @!p0 $0x0;
	v12 =	vor.u32 $0x80, v0;
	v10 =	vld.idx.msk [tilespmem:v10+s26+$0x0], $0xffff;
	s22 =	sand.u32 $0x1C00, s0  }
0x19b: {  	s28 =	sor.u32 $0x280, s8;
	v13 =	vor.u32 $0x200, v3;
	v14 =	vld.idx.msk [tilespmem:v8+s26+$0x0], $0xffff;
	s2 =	sshll.u32 s2, $0x6;
	[tilespmem:s7+$0x180] =	vst v17;
	s7 =	sadd.s32 $0x1B000, s22  }
0x19c: {  	s15 =	simm.s32 $0x50;
	v15 =	vor.u32 $0x280, v2;
	s13 =	sadd.s32 $0x0, s2;
	v16 =	vld.idx.msk [tilespmem:v6+s26+$0x0], $0xffff;
	s16 =	sor.u32 s23, s7;
	[tilespmem:s28+$0x1B000] =	vst v11  }
0x19d: {  	s14 =	simm.s32 $0x40;
	s17 =	sadd.s32 $0x10, s18;
	v17 =	vor.u32 $0x80, v8;
	s2 =	sor.u32 $0x200, s13;
	v18 =	vld.idx.msk [tilespmem:v19+s26+$0x0], $0xffff;
	[tilespmem:s16+$0x0] =	vst v5  }
0x19e: {  	s18 =	sand.u32 $0x40, s14;
	s12 =	sor.u32 $0x200, s17;
	s9 =	sshll.u32 s21, $0x5;
	v11 =	vor.u32 $0x80, v6;
	v5 =	vld.idx.msk [tilespmem:v9+s26+$0x0], $0xffff;
	[tilespmem:s2+$0x1B000] =	vst v7  }
0x19f: {  	s21 =	simm.s32 $0x60;
	s19 =	sand.u32 $0x50, s15;
	v9 =	vor.u32 $0x80, v19;
	v12 =	vld.idx.msk [tilespmem:v12+s26+$0x0], $0xffff;
	s2 =	sor.u32 s18, s7;
	[tilespmem:s12+$0x1B000] =	vst v10  }
0x1a0: {  	v4 =	vor.u32 $0x380, v4;
	s20 =	sand.u32 $0x60, s21;
	s10 =	sor.u32 s19, s7;
	v7 =	vld.idx.msk [tilespmem:v13+s26+$0x0], $0xffff;
	[tilespmem:s2+$0x0] =	vst v14  }
0x1a1: {  	v10 =	vor.u32 $0x100, v0;
	s7 =	sor.u32 s20, s7;
	v13 =	vld.idx.msk [tilespmem:v15+s26+$0x0], $0xffff;
	[tilespmem:s10+$0x0] =	vst v16  }
0x1a2: {  	s8 =	sor.u32 $0x300, s8;
	s9 =	sadd.s32 $0x0, s9;
	v14 =	vor.u32 $0x280, v1;
	v15 =	vld.idx.msk [tilespmem:v17+s26+$0x0], $0xffff;
	[tilespmem:s7+$0x0] =	vst v18  }
0x1a3: {  	p2 =	por !p0, !p0;
	s9 =	sadd.s32 $0x20, s9;
	v16 =	vor.u32 $0x280, v3;
	v11 =	vld.idx.msk [tilespmem:v11+s26+$0x0], $0xffff;
	[tilespmem:s8+$0x1B000] =	vst v5  }
0x1a4: {  	s6 =	sor.u32 s6, s24;
	s11 =	sor.u32 $0x300, s13;
	s18 =	sor.u32 $0x200, s9;
	v17 =	vor.u32 $0x100, v8;
	v9 =	vld.idx.msk [tilespmem:v9+s26+$0x0], $0xffff;
	[tilespmem:s16+$0x80] =	vst v12  }
0x1a5: {  	s20 =	sor.u32 $0x280, s13;
	s13 =	sor.u32 $0x380, s6;
	s6 =	simm.s32 $0x1;
	v5 =	vor.u32 $0x100, v6;
	v4 =	vld.idx.msk [tilespmem:v4+s26+$0x0], $0xffff;
	[tilespmem:s18+$0x1B000] =	vst v7  }
0x1a6: {  	s5 =	sor.u32 s5, s24;
	s6 =	simm.s32 @!p2 $0x0;
	v10 =	vld.idx.msk [tilespmem:v10+s26+$0x0], $0xffff;
	[tilespmem:s20+$0x1B000] =	vst v13  }
0x1a7: {  	s31 =	simm.s32 $0x2;
	s5 =	sor.u32 $0x380, s5;
	s6 =	sshll.u32 s6, $0x6;
	v22 =	vld.idx.msk [tilespmem:v14+s26+$0x0], $0xffff;
	[tilespmem:s2+$0x80] =	vst v15  }
0x1a8: {  	s22 =	sor.u32 $0x280, s9;
	s19 =	sand.u32 $0x3, s31;
	s6 =	sadd.s32 $0x200, s6;
	v12 =	vor.u32 $0x100, v19;
	v25 =	vld.idx.msk [tilespmem:v16+s26+$0x0], $0xffff;
	[tilespmem:s10+$0x80] =	vst v11  }
0x1a9: {  	s12 =	sor.u32 $0x300, s9;
	s9 =	sshll.u32 s19, $0x5;
	s18 =	sor.u32 $0x200, s6;
	v27 =	vld.idx.msk [tilespmem:v17+s26+$0x0], $0xffff;
	[tilespmem:s7+$0x80] =	vst v9  }
0x1aa: {  	s28 =	sor.u32 s4, s24;
	s9 =	sadd.s32 $0x200, s9;
	v7 =	vor.u32 $0x300, v2;
	v29 =	vld.idx.msk [tilespmem:v5+s26+$0x0], $0xffff;
	[dreg:$0x9] =	wrdreg s18  }
0x1ab: {  	v23 =	vor.u32 $0x180, v0;
	s8 =	sor.u32 $0x380, s28;
	s28 =	sadd.s32 $0x20, s9;
	s19 =	sor.u32 $0x280, s6;
	[tilespmem:s5+$0x1B000] =	vst v4  }
0x1ac: {  	v26 =	vor.u32 $0x300, v1;
	s23 =	sor.u32 s24, s24;
	s24 =	sor.u32 $0x200, s28;
	[dreg:$0x3] =	wrdreg s19  }
0x1ad: {  	v28 =	vor.u32 $0x300, v3;
	v20 =	vld.idx.msk [tilespmem:v12+s26+$0x0], $0xffff;
	[dreg:$0x7] =	wrdreg s24  }
0x1ae: {  	s14 =	sor.u32 s0, s14;
	s4 =	sor.u32 $0x380, s23;
	s23 =	sor.u32 $0x280, s17;
	v18 =	vor.u32 $0x180, v6;
	[tilespmem:s16+$0x100] =	vst v10  }
0x1af: {  	s15 =	sor.u32 s15, s0;
	s21 =	sor.u32 s21, s0;
	s30 =	sor.u32 $0x380, s14;
	v13 =	vor.u32 $0x380, v2;
	v14 =	vor.u32 $0x380, v1;
	v2 =	vor.u32 $0x300, v8;
	v21 =	vld.idx.msk [tilespmem:v7+s26+$0x0], $0xffff;
	[tilespmem:s23+$0x1B000] =	vst v22  }
0x1b0: {  	s14 =	sor.u32 $0x380, s21;
	s21 =	simm.s32 $0x0;
	s17 =	sor.u32 $0x300, s17;
	v1 =	vor.u32 $0x300, v19;
	v15 =	vor.u32 $0x380, v3;
	v16 =	vor.u32 $0x180, v19;
	[tilespmem:s22+$0x1B000] =	vst v25;
	v24 =	vld.idx.msk [tilespmem:v23+s26+$0x0], $0xffff  }
0x1b1: {  	s20 =	sor.u32 $0x300, s28;
	v3 =	vor.u32 $0x300, v6;
	v17 =	vor.u32 $0x180, v8;
	v11 =	vor.u32 $0x200, v6;
	s19 =	sor.u32 $0x280, s28;
	s28 =	rddreg [dreg:$0x1];
	[tilespmem:s2+$0x100] =	vst v27;
	v22 =	vld.idx.msk [tilespmem:v26+s26+$0x0], $0xffff  }
0x1b2: {  	v9 =	vor.u32 $0x200, v19;
	v5 =	vor.u32 $0x280, v6;
	v4 =	vor.u32 $0x280, v19;
	s22 =	sadd.s32 $0x40, s1;
	s1 =	sadd.s32 s28, s25;
	v23 =	vld.idx.msk [tilespmem:v28+s26+$0x0], $0xffff;
	[smem:$0x7F7] =	sst s25  }
0x1b3: {  	s18 =	sor.u32 $0x300, s6;
	v12 =	vor.u32 $0x200, v8;
	s24 =	sor.u32 $0x380, s15;
	v7 =	vor.u32 $0x280, v8;
	v10 =	vor.u32 $0x380, v8;
	[smem:$0x7F8] =	sst s1  }
0x1b4: {  	v8 =	vor.u32 $0x380, v6;
	v6 =	vor.u32 $0x380, v19;
	v25 =	vor.u32 $0x200, v0;
	s23 =	simm.s32 $0xC0;
	s1 =	simm.s32 $0x80;
	s25 =	simm.s32 $0x200;
	v19 =	vld [tilespmem:s22+$0x10];
	[tilespmem:s10+$0x100] =	vst v29  }
.LBB2_9:
0x1b5: {  	_ = 	snop  }
0x1b6: {  	v26 =	vld [tilespmem:s22+$0xFFFFFFE0];
	[tilespmem:s7+$0x100] =	vst v20  }
0x1b7: {  	v20 =	vld [tilespmem:s22+$0xFFFFFFF0];
	[tilespmem:s11+$0x1B000] =	vst v21  }
0x1b8: {  	v21 =	vld [tilespmem:s22+$0x0];
	[tilespmem:s16+$0x180] =	vst v24  }
0x1b9: {  	s21 =	sadd.s32 $0x4, s21;
	v24 =	vld.idx.msk [tilespmem:v25+s26+$0x0], $0xffff  }
0x1ba: {  	s15 =	sand.u32 $0x7, s21;
	[tilespmem:s17+$0x1B000] =	vst v22;
	v22 =	vshll.u32 v19, $0x3;
	v17 =	vld.idx.msk [tilespmem:v17+s26+$0x0], $0xffff  }
0x1bb: {  	[dreg:$0x17] =	wrdreg s19;
	s15 =	sshll.u32 s15, $0x4;
	[tilespmem:s12+$0x1B000] =	vst v23;
	v19 =	vand.u32 $0x7F, v19;
	v23 =	vor.u32 $0x280, v0;
	v22 =	vand.u32 $0xFFFFFC00, v22;
	v18 =	vld.idx.msk [tilespmem:v18+s26+$0x0], $0xffff  }
0x1bc: {  	s5 =	smov.u32 s18;
	s9 =	simm.s32 $0xD000;
	s15 =	sadd.s32 s15, s0;
	v25 =	vshll.u32 v26, $0x3;
	v16 =	vld.idx.msk [tilespmem:v16+s26+$0x0], $0xffff;
	v19 =	vor.u32 v22, v19;
	v27 =	vshll.u32 v20, $0x3  }
0x1bd: {  	s11 =	smov.u32 s14;
	s14 =	smov.u32 s24;
	s24 =	sadd.s32 $0x30, s15;
	v28 =	vld.idx.msk [tilespmem:v13+s26+$0x0], $0xffff;
	v22 =	vand.u32 $0xFFFFFC00, v25;
	v25 =	vand.u32 $0xFFFFFC00, v27;
	v27 =	vshll.u32 v21, $0x3  }
0x1be: {  	s19 =	smov.u32 s20;
	s20 =	sadd.s32 $0x10, s15;
	v13 =	vmov v10;
	v10 =	vand.u32 $0x7F, v26;
	s15 =	sor.u32 $0x200, s24;
	v26 =	vand.u32 $0xFFFFFC00, v27;
	v27 =	vld.idx.msk [tilespmem:v14+s9+$0x0], $0xffff  }
0x1bf: {  	[dreg:$0xf] =	wrdreg s5;
	v20 =	vand.u32 $0x7F, v20;
	v14 =	vmovc v8;
	v8 =	vor.u32 v22, v10;
	v10 =	vand.u32 $0x7F, v21;
	[tilespmem:s15+$0x1B000] =	vst v24;
	v21 =	vld.idx.msk [tilespmem:v15+s9+$0x0], $0xffff  }
0x1c0: {  	p2 =	por !p2, !p2;
	s31 =	sadd.s32 $0x2, s31;
	[dreg:$0xe] =	wrdreg s19;
	v20 =	vor.u32 v25, v20;
	[tilespmem:s2+$0x180] =	vst v17;
	v25 =	vor.u32 v26, v10;
	v10 =	vld.idx.msk [tilespmem:v23+s9+$0x0], $0xffff  }
0x1c1: {  	s6 =	sand.u32 $0x3, s31;
	s5 =	smov.u32 s13;
	s28 =	sor.u32 $0x280, s20;
	[tilespmem:s10+$0x180] =	vst v18;
	v30 =	vld.idx.msk [tilespmem:v19+s9+$0x0], $0xffff  }
0x1c2: {  	v33 =	vor.u32 $0x300, v0;
	s0 =	sadd.s32 $0x200, s0;
	s16 =	sand.u32 $0x40, s1;
	[dreg:$0x11] =	wrdreg s28;
	v34 =	vor.u32 $0x80, v19;
	[tilespmem:s7+$0x180] =	vst v16;
	v32 =	vld.idx.msk [tilespmem:v12+s9+$0x0], $0xffff  }
0x1c3: {  	s28 =	sand.u32 $0x1C00, s0;
	s2 =	simm.s32 $0x1;
	s15 =	sshll.u32 s6, $0x5;
	v22 =	vor.u32 $0x80, v8;
	v24 =	vor.u32 $0x80, v20;
	v23 =	vor.u32 $0x100, v8;
	v35 =	vld.idx.msk [tilespmem:v11+s9+$0x0], $0xffff;
	[tilespmem:s4+$0x1B000] =	vst v28  }
0x1c4: {  	s6 =	sor.u32 $0x280, s24;
	v26 =	vor.u32 $0x100, v20;
	v17 =	vor.u32 $0x180, v8;
	v18 =	vor.u32 $0x180, v20;
	s4 =	sadd.s32 s0, s15;
	s15 =	sadd.s32 $0x30, s1;
	v28 =	vld.idx.msk [tilespmem:v8+s9+$0x0], $0xffff;
	[tilespmem:s8+$0x1B000] =	vst v27  }
0x1c5: {  	s2 =	simm.s32 @!p2 $0x0;
	v12 =	vor.u32 $0x200, v8;
	v11 =	vor.u32 $0x200, v20;
	v38 =	vor.u32 $0x280, v20;
	s8 =	sadd.s32 $0x1B000, s28;
	s28 =	sand.u32 $0x70, s15;
	[tilespmem:s5+$0x1B000] =	vst v21;
	v37 =	vld.idx.msk [tilespmem:v20+s9+$0x0], $0xffff  }
0x1c6: {  	v40 =	vor.u32 $0x300, v8;
	v41 =	vor.u32 $0x300, v20;
	v29 =	vor.u32 $0x80, v25;
	s7 =	sshll.u32 s2, $0x6;
	s2 =	sor.u32 s16, s8;
	v21 =	vld.idx.msk [tilespmem:v25+s9+$0x0], $0xffff;
	s16 =	sor.u32 s28, s8;
	[tilespmem:s6+$0x1B000] =	vst v10  }
0x1c7: {  	s19 =	smov.u32 s30;
	v31 =	vor.u32 $0x100, v25;
	v16 =	vor.u32 $0x180, v25;
	v36 =	vor.u32 $0x200, v25;
	s6 =	rddreg [dreg:$0x9];
	v61 =	vld.idx.msk [tilespmem:v9+s9+$0x0], $0xffff;
	[tilespmem:s16+$0x0] =	vst v30  }
0x1c8: {  	s30 =	sadd.s32 $0x20, s1;
	s12 =	smov.u32 s29;
	s29 =	sadd.s32 $0x10, s1;
	v27 =	vor.u32 $0x280, v8;
	v10 =	vor.u32 $0x380, v8;
	v8 =	vor.u32 $0x380, v20;
	[tilespmem:s6+$0x1B000] =	vst v32;
	v20 =	vld.idx.msk [tilespmem:v33+s9+$0x0], $0xffff  }
0x1c9: {  	s26 =	smov.u32 s25;
	s25 =	sor.u32 $0x200, s20;
	s18 =	sand.u32 $0x50, s29;
	v15 =	vmovc v6;
	v39 =	vor.u32 $0x280, v25;
	v42 =	vor.u32 $0x300, v25;
	v6 =	vor.u32 $0x380, v25;
	v25 =	vld.idx.msk [tilespmem:v34+s9+$0x0], $0xffff;
	[tilespmem:s2+$0x0] =	vst v28  }
0x1ca: {  	v62 =	vor.u32 $0x380, v0;
	s17 =	sor.u32 $0x300, s20;
	s20 =	sand.u32 $0x60, s30;
	v0 =	vmov v19;
	s10 =	sor.u32 s18, s8;
	[tilespmem:s25+$0x1B000] =	vst v35;
	v28 =	vld.idx.msk [tilespmem:v7+s9+$0x0], $0xffff  }
0x1cb: {  	v19 =	vor.u32 $0x100, v0;
	s18 =	sadd.s32 s7, s0;
	s7 =	sor.u32 s20, s8;
	v22 =	vld.idx.msk [tilespmem:v22+s9+$0x0], $0xffff;
	[tilespmem:s10+$0x0] =	vst v37  }
0x1cc: {  	s24 =	sor.u32 $0x300, s24;
	s4 =	sadd.s32 $0x20, s4;
	s20 =	sor.u32 $0x200, s18;
	[tilespmem:s7+$0x0] =	vst v21;
	v24 =	vld.idx.msk [tilespmem:v24+s9+$0x0], $0xffff  }
0x1cd: {  	s5 =	sor.u32 $0x200, s4;
	s28 =	sor.u32 $0x280, s4;
	[dreg:$0x9] =	wrdreg s20;
	v21 =	vld.idx.msk [tilespmem:v29+s9+$0x0], $0xffff;
	[tilespmem:s24+$0x1B000] =	vst v20  }
0x1ce: {  	s20 =	sor.u32 $0x300, s4;
	s4 =	smov.u32 s19;
	s19 =	rddreg [dreg:$0x7];
	v7 =	vmov v27;
	v27 =	vld.idx.msk [tilespmem:v5+s9+$0x0], $0xffff;
	[tilespmem:s16+$0x80] =	vst v25  }
0x1cf: {  	s8 =	sor.u32 s0, s1;
	s25 =	sor.u32 s30, s0;
	[tilespmem:s19+$0x1B000] =	vst v61;
	s19 =	rddreg [dreg:$0x3];
	v25 =	vld.idx.msk [tilespmem:v62+s9+$0x0], $0xffff  }
0x1d0: {  	s6 =	sor.u32 $0x280, s18;
	s1 =	sor.u32 $0x380, s8;
	s25 =	sor.u32 $0x380, s25;
	v19 =	vld.idx.msk [tilespmem:v19+s9+$0x0], $0xffff;
	[tilespmem:s19+$0x1B000] =	vst v28  }
0x1d1: {  	s8 =	smov.u32 s14;
	s14 =	smov.u32 s25;
	s25 =	smov.u32 s5;
	v63 =	vld.idx.msk [tilespmem:v4+s9+$0x0], $0xffff;
	[tilespmem:s2+$0x80] =	vst v22;
	v22 =	vor.u32 $0x180, v0  }
0x1d2: {  	[dreg:$0x7] =	wrdreg s25;
	s25 =	smov.u32 s6;
	s6 =	sor.u32 s12, s26;
	[tilespmem:s10+$0x80] =	vst v24;
	v23 =	vld.idx.msk [tilespmem:v23+s9+$0x0], $0xffff  }
0x1d3: {  	p3 =	slt.u32 s23, $0x3C0;
	s13 =	sor.u32 s29, s0;
	s5 =	sor.u32 $0x380, s6;
	[tilespmem:s7+$0x80] =	vst v21;
	v26 =	vld.idx.msk [tilespmem:v26+s9+$0x0], $0xffff  }
0x1d4: {  	s22 =	sadd.s32 $0x40, s22;
	s13 =	sor.u32 $0x380, s13;
	s29 =	smov.u32 s15;
	v20 =	vld.idx.msk [tilespmem:v31+s9+$0x0], $0xffff;
	[tilespmem:s5+$0x1B000] =	vst v25  }
.Ltmp3:
0x1d5: {  	s15 =	rddreg [dreg:$0x11];
	s18 =	sor.u32 $0x300, s18;
	v21 =	vld.idx.msk [tilespmem:v2+s9+$0x0], $0xffff;
	[tilespmem:s16+$0x100] =	vst v19;
	(pc) =	sbr.rel @p3 .LBB2_9-.Ltmp3, $4  }
0x1d6: {  	s30 =	smov.u32 s1;
	s26 =	simm.s32 $0xD000;
	s19 =	rddreg [dreg:$0x17];
	[tilespmem:s15+$0x1B000] =	vst v27;
	v24 =	vld.idx.msk [tilespmem:v22+s9+$0x0], $0xffff  }
0x1d7: {  	s1 =	smov.u32 s23;
	s23 =	sadd.s32 $0x40, s23;
	s12 =	rddreg [dreg:$0xe];
	[tilespmem:s19+$0x1B000] =	vst v63;
	v22 =	vld.idx.msk [tilespmem:v3+s26+$0x0], $0xffff  }
0x1d8: {  	v9 =	vmov v36;
	v5 =	vmov v38;
	[dreg:$0x3] =	wrdreg s25;
	s25 =	smov.u32 s0;
	s24 =	smov.u32 s13;
	v19 =	vld [tilespmem:s22+$0x10];
	[tilespmem:s2+$0x100] =	vst v23  }
0x1d9: {  	s13 =	smov.u32 s11;
	s11 =	rddreg [dreg:$0xf];
	v4 =	vmovc v39;
	v2 =	vmovc v40;
	s19 =	smov.u32 s28;
	v25 =	vor.u32 $0x200, v0;
	v3 =	vmov v41;
	v23 =	vld.idx.msk [tilespmem:v1+s26+$0x0], $0xffff;
	v1 =	vmov v42;
	[tilespmem:s10+$0x100] =	vst v26  }
0x1da: {  	_ = 	snop  }
0x1db: {  	v26 =	vld [tilespmem:s22+$0xFFFFFFE0]  }
0x1dc: {  	v27 =	vld [tilespmem:s22+$0xFFFFFFF0]  }
0x1dd: {  	v28 =	vld [tilespmem:s22+$0x0];
	[tilespmem:s11+$0x1B000] =	vst v21  }
0x1de: {  	v21 =	vld.idx.msk [tilespmem:v17+s26+$0x0], $0xffff;
	[tilespmem:s16+$0x180] =	vst v24  }
0x1df: {  	s16 =	sadd.s32 $0x4, s21;
	v24 =	vld.idx.msk [tilespmem:v25+s26+$0x0], $0xffff;
	v25 =	vshll.u32 v19, $0x3  }
0x1e0: {  	[tilespmem:s7+$0x100] =	vst v20;
	s5 =	sand.u32 $0x7, s16;
	v19 =	vand.u32 $0x7F, v19;
	v17 =	vand.u32 $0xFFFFFC00, v25;
	v25 =	vor.u32 $0x280, v0  }
0x1e1: {  	v18 =	vld.idx.msk [tilespmem:v18+s26+$0x0], $0xffff;
	[tilespmem:s17+$0x1B000] =	vst v22;
	s5 =	sshll.u32 s5, $0x4;
	v20 =	vshll.u32 v26, $0x3;
	v29 =	vshll.u32 v27, $0x3;
	v17 =	vor.u32 v17, v19  }
0x1e2: {  	v16 =	vld.idx.msk [tilespmem:v16+s26+$0x0], $0xffff;
	s5 =	sadd.s32 s5, s0;
	[tilespmem:s12+$0x1B000] =	vst v23;
	v22 =	vand.u32 $0x7F, v26;
	v23 =	vshll.u32 v28, $0x3;
	v19 =	vand.u32 $0xFFFFFC00, v20  }
0x1e3: {  	s11 =	sadd.s32 $0x30, s5;
	v26 =	vld.idx.msk [tilespmem:v13+s26+$0x0], $0xffff;
	v27 =	vand.u32 $0x7F, v27;
	v20 =	vand.u32 $0xFFFFFC00, v29;
	v13 =	vor.u32 v19, v22  }
0x1e4: {  	[tilespmem:s2+$0x180] =	vst v21;
	s6 =	sor.u32 $0x200, s11;
	v19 =	vand.u32 $0xFFFFFC00, v23;
	v22 =	vld.idx.msk [tilespmem:v14+s26+$0x0], $0xffff;
	v14 =	vor.u32 v20, v27;
	v20 =	vand.u32 $0x7F, v28  }
0x1e5: {  	[tilespmem:s6+$0x1B000] =	vst v24;
	v23 =	vld.idx.msk [tilespmem:v15+s26+$0x0], $0xffff;
	v15 =	vor.u32 v19, v20  }
0x1e6: {  	[tilespmem:s10+$0x180] =	vst v18;
	v19 =	vld.idx.msk [tilespmem:v25+s26+$0x0], $0xffff  }
0x1e7: {  	[tilespmem:s7+$0x180] =	vst v16;
	v18 =	vld.idx.msk [tilespmem:v17+s26+$0x0], $0xffff  }
0x1e8: {  	s0 =	sadd.s32 $0x200, s0;
	v16 =	vor.u32 $0x80, v17;
	[tilespmem:s4+$0x1B000] =	vst v26;
	v20 =	vld.idx.msk [tilespmem:v13+s26+$0x0], $0xffff  }
0x1e9: {  	s21 =	sand.u32 $0x1C00, s0;
	s2 =	sadd.s32 $0x30, s1;
	v21 =	vor.u32 $0x80, v13;
	[tilespmem:s8+$0x1B000] =	vst v22;
	v22 =	vld.idx.msk [tilespmem:v14+s26+$0x0], $0xffff  }
0x1ea: {  	s22 =	sadd.s32 $0x1B000, s21;
	s23 =	sand.u32 $0x70, s2;
	s28 =	sor.u32 $0x280, s11;
	v24 =	vor.u32 $0x80, v14;
	[tilespmem:s13+$0x1B000] =	vst v23;
	v23 =	vld.idx.msk [tilespmem:v15+s26+$0x0], $0xffff  }
0x1eb: {  	s9 =	sand.u32 $0x40, s1;
	v11 =	vld.idx.msk [tilespmem:v11+s26+$0x0], $0xffff;
	s15 =	sor.u32 s23, s22;
	v25 =	vor.u32 $0x80, v15;
	s4 =	sadd.s32 $0x10, s1;
	[tilespmem:s28+$0x1B000] =	vst v19  }
0x1ec: {  	v12 =	vld.idx.msk [tilespmem:v12+s26+$0x0], $0xffff;
	s7 =	sadd.s32 $0x20, s1;
	s12 =	sor.u32 s9, s22;
	s9 =	sand.u32 $0x50, s4;
	v19 =	vor.u32 $0x300, v0;
	[tilespmem:s15+$0x0] =	vst v18  }
0x1ed: {  	s17 =	sand.u32 $0x60, s7;
	s10 =	sor.u32 s9, s22;
	v16 =	vld.idx.msk [tilespmem:v16+s26+$0x0], $0xffff;
	[tilespmem:s12+$0x0] =	vst v20  }
0x1ee: {  	s21 =	sor.u32 s17, s22;
	s8 =	sadd.s32 $0x10, s5;
	[tilespmem:s10+$0x0] =	vst v22;
	v20 =	vld.idx.msk [tilespmem:v21+s26+$0x0], $0xffff  }
0x1ef: {  	s23 =	sor.u32 $0x200, s8;
	v18 =	vor.u32 $0x100, v17;
	v22 =	vld.idx.msk [tilespmem:v24+s26+$0x0], $0xffff;
	[tilespmem:s21+$0x0] =	vst v23  }
0x1f0: {  	v21 =	vor.u32 $0x100, v13;
	s22 =	rddreg [dreg:$0x9];
	v23 =	vld.idx.msk [tilespmem:v25+s26+$0x0], $0xffff;
	[tilespmem:s23+$0x1B000] =	vst v11  }
0x1f1: {  	v19 =	vld.idx.msk [tilespmem:v19+s26+$0x0], $0xffff;
	[tilespmem:s22+$0x1B000] =	vst v12;
	v12 =	vor.u32 $0x100, v14  }
0x1f2: {  	v11 =	vor.u32 $0x100, v15;
	[tilespmem:s15+$0x80] =	vst v16  }
0x1f3: {  	v9 =	vld.idx.msk [tilespmem:v9+s26+$0x0], $0xffff;
	[tilespmem:s12+$0x80] =	vst v20  }
0x1f4: {  	v16 =	vld.idx.msk [tilespmem:v18+s26+$0x0], $0xffff;
	[tilespmem:s10+$0x80] =	vst v22  }
0x1f5: {  	v0 =	vor.u32 $0x380, v0;
	s28 =	sor.u32 $0x300, s11;
	v20 =	vld.idx.msk [tilespmem:v21+s26+$0x0], $0xffff;
	[tilespmem:s21+$0x80] =	vst v23  }
0x1f6: {  	v18 =	vor.u32 $0x180, v17;
	[tilespmem:s28+$0x1B000] =	vst v19;
	v12 =	vld.idx.msk [tilespmem:v12+s26+$0x0], $0xffff  }
0x1f7: {  	v21 =	vor.u32 $0x180, v13;
	v11 =	vld.idx.msk [tilespmem:v11+s26+$0x0], $0xffff;
	s5 =	rddreg [dreg:$0x7]  }
0x1f8: {  	v19 =	vor.u32 $0x180, v14;
	[tilespmem:s5+$0x1B000] =	vst v9  }
0x1f9: {  	v7 =	vld.idx.msk [tilespmem:v7+s26+$0x0], $0xffff;
	v9 =	vor.u32 $0x180, v15;
	[tilespmem:s15+$0x100] =	vst v16  }
0x1fa: {  	v0 =	vld.idx.msk [tilespmem:v0+s26+$0x0], $0xffff;
	[tilespmem:s12+$0x100] =	vst v20  }
0x1fb: {  	v16 =	vld.idx.msk [tilespmem:v18+s26+$0x0], $0xffff;
	[tilespmem:s10+$0x100] =	vst v12  }
0x1fc: {  	v18 =	vor.u32 $0x200, v17;
	v12 =	vld.idx.msk [tilespmem:v21+s26+$0x0], $0xffff;
	[tilespmem:s21+$0x100] =	vst v11  }
0x1fd: {  	s29 =	sor.u32 s29, s25;
	v20 =	vor.u32 $0x200, v13;
	v11 =	vld.idx.msk [tilespmem:v19+s26+$0x0], $0xffff;
	s9 =	rddreg [dreg:$0x3]  }
0x1fe: {  	s5 =	sor.u32 $0x380, s29;
	v9 =	vld.idx.msk [tilespmem:v9+s26+$0x0], $0xffff;
	[tilespmem:s9+$0x1B000] =	vst v7;
	v7 =	vor.u32 $0x200, v14  }
0x1ff: {  	v5 =	vld.idx.msk [tilespmem:v5+s26+$0x0], $0xffff;
	[tilespmem:s5+$0x1B000] =	vst v0;
	v0 =	vor.u32 $0x200, v15  }
0x200: {  	s11 =	sadd.s32 $0x4, s16;
	v4 =	vld.idx.msk [tilespmem:v4+s26+$0x0], $0xffff;
	[tilespmem:s15+$0x180] =	vst v16  }
0x201: {  	p2 =	por !p2, !p2;
	s5 =	sand.u32 $0x7, s11;
	[tilespmem:s12+$0x180] =	vst v12;
	v12 =	vld.idx.msk [tilespmem:v18+s26+$0x0], $0xffff  }
0x202: {  	s13 =	sor.u32 $0x280, s8;
	s9 =	simm.s32 $0x1;
	s5 =	sshll.u32 s5, $0x4;
	[tilespmem:s10+$0x180] =	vst v11;
	v11 =	vor.u32 $0x280, v17;
	v16 =	vld.idx.msk [tilespmem:v20+s26+$0x0], $0xffff  }
0x203: {  	s15 =	sadd.s32 $0x2, s31;
	s9 =	simm.s32 @!p2 $0x0;
	s5 =	sadd.s32 s5, s0;
	[tilespmem:s21+$0x180] =	vst v9;
	v9 =	vor.u32 $0x280, v13;
	v7 =	vld.idx.msk [tilespmem:v7+s26+$0x0], $0xffff  }
0x204: {  	[tilespmem:s13+$0x1B000] =	vst v5;
	s9 =	sshll.u32 s9, $0x6;
	s16 =	sadd.s32 $0x30, s5;
	v18 =	vor.u32 $0x280, v14;
	s10 =	sand.u32 $0x3, s15;
	v0 =	vld.idx.msk [tilespmem:v0+s26+$0x0], $0xffff  }
0x205: {  	v5 =	vor.u32 $0x280, v15;
	[tilespmem:s19+$0x1B000] =	vst v4;
	v2 =	vld.idx.msk [tilespmem:v2+s26+$0x0], $0xffff;
	s9 =	sadd.s32 s9, s0;
	s17 =	sor.u32 $0x200, s16;
	s10 =	sshll.u32 s10, $0x5  }
0x206: {  	v3 =	vld.idx.msk [tilespmem:v3+s26+$0x0], $0xffff;
	s5 =	sadd.s32 $0x10, s5;
	s19 =	sor.u32 $0x200, s9;
	s10 =	sadd.s32 s0, s10;
	[tilespmem:s17+$0x1B000] =	vst v12  }
0x207: {  	s21 =	sor.u32 $0x200, s5;
	s10 =	sadd.s32 $0x20, s10;
	[tilespmem:s19+$0x1B000] =	vst v16;
	v4 =	vld.idx.msk [tilespmem:v11+s26+$0x0], $0xffff  }
0x208: {  	s22 =	sor.u32 $0x200, s10;
	[tilespmem:s21+$0x1B000] =	vst v7;
	v7 =	vor.u32 $0x300, v17;
	v9 =	vld.idx.msk [tilespmem:v9+s26+$0x0], $0xffff  }
0x209: {  	v11 =	vor.u32 $0x300, v13;
	[tilespmem:s22+$0x1B000] =	vst v0;
	v0 =	vld.idx.msk [tilespmem:v18+s26+$0x0], $0xffff  }
0x20a: {  	s8 =	sor.u32 $0x300, s8;
	[tilespmem:s18+$0x1B000] =	vst v2;
	v12 =	vor.u32 $0x300, v14;
	v2 =	vld.idx.msk [tilespmem:v5+s26+$0x0], $0xffff  }
0x20b: {  	v1 =	vld.idx.msk [tilespmem:v1+s26+$0x0], $0xffff;
	s23 =	sor.u32 $0x280, s16;
	[tilespmem:s8+$0x1B000] =	vst v3;
	v5 =	vor.u32 $0x300, v15  }
0x20c: {  	s25 =	sor.u32 $0x280, s9;
	v3 =	vld.idx.msk [tilespmem:v10+s26+$0x0], $0xffff;
	[tilespmem:s23+$0x1B000] =	vst v4  }
0x20d: {  	s28 =	sor.u32 $0x280, s5;
	v4 =	vld.idx.msk [tilespmem:v7+s26+$0x0], $0xffff;
	[tilespmem:s25+$0x1B000] =	vst v9  }
0x20e: {  	s29 =	sor.u32 $0x280, s10;
	v7 =	vor.u32 $0x380, v17;
	v9 =	vld.idx.msk [tilespmem:v11+s26+$0x0], $0xffff;
	[tilespmem:s28+$0x1B000] =	vst v0  }
0x20f: {  	v0 =	vor.u32 $0x380, v13;
	[tilespmem:s29+$0x1B000] =	vst v2;
	v10 =	vld.idx.msk [tilespmem:v12+s26+$0x0], $0xffff  }
0x210: {  	[tilespmem:s20+$0x1B000] =	vst v1;
	v2 =	vor.u32 $0x380, v14;
	v1 =	vld.idx.msk [tilespmem:v5+s26+$0x0], $0xffff  }
0x211: {  	s6 =	sor.u32 $0x300, s16;
	v8 =	vld.idx.msk [tilespmem:v8+s26+$0x0], $0xffff;
	[tilespmem:s30+$0x1B000] =	vst v3;
	v5 =	vor.u32 $0x380, v15  }
0x212: {  	s31 =	sor.u32 $0x300, s9;
	v3 =	vld.idx.msk [tilespmem:v6+s26+$0x0], $0xffff;
	[tilespmem:s6+$0x1B000] =	vst v4  }
0x213: {  	s5 =	sor.u32 $0x300, s5;
	v4 =	vld.idx.msk [tilespmem:v7+s26+$0x0], $0xffff;
	[tilespmem:s31+$0x1B000] =	vst v9  }
0x214: {  	s8 =	sor.u32 $0x300, s10;
	[tilespmem:s5+$0x1B000] =	vst v10;
	v0 =	vld.idx.msk [tilespmem:v0+s26+$0x0], $0xffff  }
0x215: {  	[tilespmem:s8+$0x1B000] =	vst v1;
	v1 =	vld.idx.msk [tilespmem:v2+s26+$0x0], $0xffff  }
0x216: {  	s2 =	sor.u32 s2, s0;
	[tilespmem:s24+$0x1B000] =	vst v8;
	v2 =	vld.idx.msk [tilespmem:v5+s26+$0x0], $0xffff  }
0x217: {  	s2 =	sor.u32 $0x380, s2;
	s9 =	sor.u32 s0, s1;
	[tilespmem:s14+$0x1B000] =	vst v3  }
0x218: {  	s4 =	sor.u32 s4, s0;
	s1 =	sor.u32 $0x380, s9;
	[tilespmem:s2+$0x1B000] =	vst v4  }
0x219: {  	s0 =	sor.u32 s7, s0;
	s10 =	sor.u32 $0x380, s4;
	[tilespmem:s1+$0x1B000] =	vst v0  }
0x21a: {  	s0 =	sor.u32 $0x380, s0;
	[tilespmem:s10+$0x1B000] =	vst v1  }
0x21b: {  	[tilespmem:s0+$0x1B000] =	vst v2  }
0x21c: {  	s2 =	sld [smem:$0x7F8];
	_ =	sdelay $0x1  }
0x21d: {  	s11 =	simm.s32 $0x0;
	s13 =	simm.s32 $0x1;
	s12 =	simm.s32 $0x1B000  }
0x21e: {  	[hbm4b:s2+s11] =	stream.linear.scatter [tilespmem:s12], [sflag:$0x1], $0x2000, $0x38;
	[tilespmem:$0x1F000] =	vst v63  }
0x21f: {  	_ =	swait.ge [sflag:s13], $0x2000  }
0x220: {  	s14 =	sld [smem:$0x7F6]  }
0x221: {  	[sflag:s13] =	ssyncset.done $0x0  }
0x222: {  	[sflag:s13] =	ssyncadd.s32 $0xFFFFE000  }
0x223: {  	v0 =	vld [tilespmem:s14+$0x0];
	_ =	sdelay $0x3  }
0x224: {  	v1 =	vld [tilespmem:s14+$0xFFFFFFD0]  }
0x225: {  	v2 =	vld [tilespmem:s14+$0xFFFFFFE0];
	v3 =	vshll.u32 v0, $0x3  }
0x226: {  	v0 =	vand.u32 $0x7F, v0;
	v3 =	vand.u32 $0xFFFFFC00, v3  }
0x227: {  	v3 =	vor.u32 v3, v0;
	v0 =	vld [tilespmem:s14+$0xFFFFFFF0];
	_ =	sdelay $0x1  }
0x228: {  	v4 =	vshll.u32 v1, $0x3  }
0x229: {  	v5 =	vshll.u32 v2, $0x3;
	v1 =	vand.u32 $0x7F, v1;
	v4 =	vand.u32 $0xFFFFFC00, v4  }
0x22a: {  	v6 =	vand.u32 $0x7F, v2;
	v5 =	vand.u32 $0xFFFFFC00, v5;
	v2 =	vor.u32 v4, v1  }
0x22b: {  	v1 =	vor.u32 v5, v6;
	v5 =	vld.idx.msk [tilespmem:v3+s26+$0x0], $0xffff;
	v4 =	vshll.u32 v0, $0x3  }
0x22c: {  	s15 =	simm.s32 $0x0;
	v6 =	vor.u32 $0x80, v3;
	v0 =	vand.u32 $0x7F, v0;
	v4 =	vand.u32 $0xFFFFFC00, v4  }
0x22d: {  	s2 =	sand.u32 $0x40, s15;
	s11 =	sand.u32 $0x1C00, s11;
	v4 =	vor.u32 v4, v0  }
0x22e: {  	s0 =	sadd.s32 $0x1D000, s11;
	s7 =	sor.u32 $0x30, s2  }
0x22f: {  	s16 =	sor.u32 s7, s0;
	v0 =	vld.idx.msk [tilespmem:v2+s26+$0x0], $0xffff  }
0x230: {  	v7 =	vor.u32 $0x80, v2;
	v8 =	vld.idx.msk [tilespmem:v1+s26+$0x0], $0xffff;
	[tilespmem:s16+$0x0] =	vst v5  }
0x231: {  	v5 =	vor.u32 $0x80, v1;
	v6 =	vld.idx.msk [tilespmem:v6+s26+$0x0], $0xffff  }
0x232: {  	v9 =	vor.u32 $0x100, v3;
	v10 =	vld.idx.msk [tilespmem:v4+s26+$0x0], $0xffff  }
0x233: {  	s4 =	sor.u32 $0x10, s2;
	s17 =	sor.u32 s2, s0;
	v11 =	vor.u32 $0x80, v4  }
0x234: {  	s19 =	sadd.s32 $0x1D080, s11;
	s18 =	sor.u32 s4, s0;
	[tilespmem:s17+$0x0] =	vst v0  }
0x235: {  	s8 =	sor.u32 $0x20, s2;
	s20 =	sor.u32 s7, s19;
	[tilespmem:s18+$0x0] =	vst v8;
	v0 =	vld.idx.msk [tilespmem:v7+s26+$0x0], $0xffff  }
0x236: {  	s0 =	sor.u32 s8, s0;
	v7 =	vor.u32 $0x100, v2;
	v5 =	vld.idx.msk [tilespmem:v5+s26+$0x0], $0xffff;
	[tilespmem:s20+$0x0] =	vst v6  }
0x237: {  	v6 =	vor.u32 $0x100, v1;
	v8 =	vld.idx.msk [tilespmem:v9+s26+$0x0], $0xffff;
	[tilespmem:s0+$0x0] =	vst v10  }
0x238: {  	v10 =	vld.idx.msk [tilespmem:v11+s26+$0x0], $0xffff  }
0x239: {  	s21 =	sor.u32 s2, s19;
	s12 =	sadd.s32 $0x40, s14;
	v9 =	vor.u32 $0x180, v3  }
0x23a: {  	s23 =	sadd.s32 $0x1D100, s11;
	s22 =	sor.u32 s4, s19;
	v13 =	vld [tilespmem:s12+$0xFFFFFFE0];
	[tilespmem:s21+$0x0] =	vst v0  }
0x23b: {  	s24 =	sor.u32 s7, s23;
	v11 =	vor.u32 $0x100, v4;
	v0 =	vld.idx.msk [tilespmem:v7+s26+$0x0], $0xffff;
	[tilespmem:s22+$0x0] =	vst v5  }
0x23c: {  	s1 =	sor.u32 s8, s19;
	v5 =	vld.idx.msk [tilespmem:v6+s26+$0x0], $0xffff;
	[tilespmem:s24+$0x0] =	vst v8  }
0x23d: {  	v8 =	vld [tilespmem:s12+$0x0];
	[tilespmem:s1+$0x0] =	vst v10;
	v10 =	vor.u32 $0x180, v2  }
0x23e: {  	v12 =	vor.u32 $0x180, v1;
	v6 =	vld.idx.msk [tilespmem:v9+s26+$0x0], $0xffff  }
0x23f: {  	v14 =	vld [tilespmem:s12+$0xFFFFFFF0];
	v7 =	vor.u32 $0x200, v3  }
0x240: {  	s29 =	sor.u32 s2, s23;
	v9 =	vld.idx.msk [tilespmem:v11+s26+$0x0], $0xffff  }
0x241: {  	s25 =	sadd.s32 $0x1D180, s11;
	s30 =	sor.u32 s4, s23;
	v11 =	vld [tilespmem:s12+$0xFFFFFFD0];
	[tilespmem:s29+$0x0] =	vst v0  }
0x242: {  	s28 =	sor.u32 s7, s25;
	[tilespmem:s30+$0x0] =	vst v5;
	v15 =	vshll.u32 v8, $0x3;
	v5 =	vld.idx.msk [tilespmem:v10+s26+$0x0], $0xffff  }
0x243: {  	v8 =	vand.u32 $0x7F, v8;
	[tilespmem:s28+$0x0] =	vst v6;
	v6 =	vor.u32 $0x180, v4;
	v0 =	vand.u32 $0xFFFFFC00, v15;
	v10 =	vld.idx.msk [tilespmem:v12+s26+$0x0], $0xffff  }
0x244: {  	v7 =	vld.idx.msk [tilespmem:v7+s26+$0x0], $0xffff;
	v0 =	vor.u32 v0, v8  }
0x245: {  	v17 =	vshll.u32 v13, $0x3;
	s0 =	sor.u32 s8, s23;
	v8 =	vor.u32 $0x200, v1  }
0x246: {  	v13 =	vand.u32 $0x7F, v13;
	s16 =	sor.u32 s2, s25;
	v15 =	vor.u32 $0x280, v3;
	v12 =	vshll.u32 v11, $0x3;
	[tilespmem:s0+$0x0] =	vst v9  }
0x247: {  	s31 =	sadd.s32 $0x1D200, s11;
	v16 =	vor.u32 $0x200, v2;
	s17 =	sor.u32 s4, s25;
	v11 =	vand.u32 $0x7F, v11;
	v9 =	vand.u32 $0xFFFFFC00, v12;
	[tilespmem:s16+$0x0] =	vst v5  }
0x248: {  	s14 =	sor.u32 s7, s31;
	v12 =	vand.u32 $0xFFFFFC00, v17;
	v17 =	vshll.u32 v14, $0x3;
	v21 =	vor.u32 v9, v11;
	v6 =	vld.idx.msk [tilespmem:v6+s26+$0x0], $0xffff;
	[tilespmem:s17+$0x0] =	vst v10  }
0x249: {  	v13 =	vor.u32 v12, v13;
	v9 =	vand.u32 $0x7F, v14;
	[tilespmem:s14+$0x0] =	vst v7;
	v7 =	vand.u32 $0xFFFFFC00, v17;
	v5 =	vld.idx.msk [tilespmem:v0+s26+$0x0], $0xffff  }
0x24a: {  	v8 =	vld.idx.msk [tilespmem:v8+s26+$0x0], $0xffff;
	v25 =	vor.u32 v7, v9  }
0x24b: {  	s9 =	simm.s32 $0x40;
	s10 =	simm.s32 $0x200;
	v10 =	vor.u32 $0x80, v0;
	v11 =	vld.idx.msk [tilespmem:v15+s26+$0x0], $0xffff  }
0x24c: {  	s1 =	sand.u32 $0x1C00, s10;
	s0 =	sand.u32 $0x40, s9;
	v12 =	vor.u32 $0x200, v4;
	v7 =	vld.idx.msk [tilespmem:v16+s26+$0x0], $0xffff  }
0x24d: {  	s18 =	sor.u32 s8, s25;
	s19 =	sadd.s32 $0x1D000, s1;
	s5 =	sor.u32 $0x30, s0;
	v9 =	vor.u32 $0x300, v3;
	v14 =	vld.idx.msk [tilespmem:v21+s26+$0x0], $0xffff  }
0x24e: {  	s21 =	sor.u32 s5, s19;
	s14 =	sadd.s32 $0x1D280, s11;
	[tilespmem:s18+$0x0] =	vst v6;
	v6 =	vld.idx.msk [tilespmem:v13+s26+$0x0], $0xffff  }
0x24f: {  	v15 =	vor.u32 $0x280, v2;
	s20 =	sor.u32 s7, s14;
	[tilespmem:s21+$0x0] =	vst v5;
	v17 =	vld.idx.msk [tilespmem:v25+s26+$0x0], $0xffff  }
0x250: {  	s22 =	sor.u32 s2, s31;
	v16 =	vor.u32 $0x80, v21;
	[tilespmem:s20+$0x0] =	vst v11;
	v10 =	vld.idx.msk [tilespmem:v10+s26+$0x0], $0xffff  }
0x251: {  	s23 =	sor.u32 s4, s31;
	v11 =	vor.u32 $0x80, v13;
	[tilespmem:s22+$0x0] =	vst v7;
	v7 =	vld.idx.msk [tilespmem:v12+s26+$0x0], $0xffff  }
0x252: {  	s13 =	sor.u32 $0x10, s0;
	s24 =	sor.u32 s0, s19;
	[tilespmem:s23+$0x0] =	vst v8;
	v5 =	vld.idx.msk [tilespmem:v9+s26+$0x0], $0xffff;
	v9 =	vor.u32 $0x80, v25  }
0x253: {  	s6 =	sor.u32 $0x20, s0;
	s25 =	sor.u32 s13, s19;
	v8 =	vor.u32 $0x100, v0;
	[tilespmem:s24+$0x0] =	vst v14  }
0x254: {  	s28 =	sadd.s32 $0x1D080, s1;
	s16 =	sor.u32 s6, s19;
	v12 =	vld.idx.msk [tilespmem:v15+s26+$0x0], $0xffff;
	v14 =	vor.u32 $0x280, v1;
	[tilespmem:s25+$0x0] =	vst v6  }
0x255: {  	s30 =	sor.u32 s5, s28;
	v3 =	vor.u32 $0x380, v3;
	v15 =	vld.idx.msk [tilespmem:v16+s26+$0x0], $0xffff;
	[tilespmem:s16+$0x0] =	vst v17  }
0x256: {  	s15 =	sor.u32 s8, s31;
	s18 =	sadd.s32 $0x1D300, s11;
	v11 =	vld.idx.msk [tilespmem:v11+s26+$0x0], $0xffff;
	[tilespmem:s30+$0x0] =	vst v10  }
0x257: {  	s29 =	sor.u32 s7, s18;
	v6 =	vor.u32 $0x280, v4;
	[tilespmem:s15+$0x0] =	vst v7;
	v9 =	vld.idx.msk [tilespmem:v9+s26+$0x0], $0xffff  }
0x258: {  	s31 =	sor.u32 s2, s14;
	v16 =	vor.u32 $0x100, v21;
	[tilespmem:s29+$0x0] =	vst v5;
	v8 =	vld.idx.msk [tilespmem:v8+s26+$0x0], $0xffff  }
0x259: {  	s19 =	sor.u32 s0, s28;
	v5 =	vor.u32 $0x100, v13;
	[tilespmem:s31+$0x0] =	vst v12;
	v14 =	vld.idx.msk [tilespmem:v14+s26+$0x0], $0xffff  }
0x25a: {  	v19 =	vor.u32 $0x100, v25;
	s20 =	sor.u32 s13, s28;
	v10 =	vld.idx.msk [tilespmem:v3+s26+$0x0], $0xffff;
	[tilespmem:s19+$0x0] =	vst v15  }
0x25b: {  	v22 =	vor.u32 $0x300, v2;
	s21 =	sor.u32 s6, s28;
	s23 =	sadd.s32 $0x1D100, s1;
	[tilespmem:s20+$0x0] =	vst v11  }
0x25c: {  	s25 =	sor.u32 s5, s23;
	v15 =	vor.u32 $0x180, v0;
	v26 =	vld.idx.msk [tilespmem:v6+s26+$0x0], $0xffff;
	[tilespmem:s21+$0x0] =	vst v9  }
0x25d: {  	v27 =	vor.u32 $0x300, v1;
	v62 =	vor.u32 $0x300, v4;
	v18 =	vor.u32 $0x180, v13;
	s22 =	sadd.s32 $0x1D380, s11;
	s24 =	sor.u32 s4, s14;
	v63 =	vld.idx.msk [tilespmem:v16+s26+$0x0], $0xffff;
	[tilespmem:s25+$0x0] =	vst v8  }
0x25e: {  	v1 =	vor.u32 $0x380, v1;
	s7 =	sor.u32 s7, s22;
	v17 =	vor.u32 $0x180, v21;
	v7 =	vor.u32 $0x280, v21;
	v20 =	vld.idx.msk [tilespmem:v5+s26+$0x0], $0xffff;
	[tilespmem:s24+$0x0] =	vst v14  }
0x25f: {  	s17 =	sor.u32 s2, s18;
	s28 =	sor.u32 s8, s14;
	v12 =	vor.u32 $0x200, v21;
	v3 =	vor.u32 $0x380, v2;
	v2 =	vor.u32 $0x380, v4;
	v23 =	vld.idx.msk [tilespmem:v19+s26+$0x0], $0xffff;
	[tilespmem:s7+$0x0] =	vst v10  }
0x260: {  	s14 =	sor.u32 s4, s18;
	s11 =	sor.u32 s2, s22;
	v4 =	vor.u32 $0x300, v21;
	v16 =	vor.u32 $0x180, v25;
	v6 =	vor.u32 $0x300, v13;
	v19 =	vld.idx.msk [tilespmem:v22+s26+$0x0], $0xffff;
	s30 =	sld [smem:$0x7F7]  }
0x261: {  	s16 =	sor.u32 s8, s18;
	s8 =	sor.u32 s8, s22;
	s31 =	sor.u32 s0, s23;
	v11 =	vor.u32 $0x200, v13;
	v9 =	vor.u32 $0x280, v13;
	v8 =	vor.u32 $0x280, v25;
	v24 =	vld.idx.msk [tilespmem:v15+s26+$0x0], $0xffff  }
0x262: {  	v5 =	vor.u32 $0x300, v25;
	v14 =	vor.u32 $0x380, v13;
	v13 =	vor.u32 $0x380, v25;
	s24 =	sor.u32 s13, s23;
	s23 =	sor.u32 s6, s23;
	v22 =	vld.idx.msk [tilespmem:v27+s26+$0x0], $0xffff;
	s29 =	rddreg [dreg:$0x1c];
	[tilespmem:s28+$0x0] =	vst v26  }
0x263: {  	v10 =	vor.u32 $0x200, v25;
	s7 =	sor.u32 s4, s22;
	v15 =	vor.u32 $0x380, v21;
	v25 =	vor.u32 $0x200, v0;
	s4 =	sadd.s32 $0x40, s12;
	[tilespmem:s31+$0x0] =	vst v63;
	v21 =	vld.idx.msk [tilespmem:v62+s26+$0x0], $0xffff;
	s2 =	sadd.s32 s30, s29  }
.LBB2_11:
0x264: {  	v26 =	vld [tilespmem:s4+$0x0];
	[tilespmem:s24+$0x0] =	vst v20  }
0x265: {  	s12 =	sadd.s32 $0x1D180, s1;
	v20 =	vld [tilespmem:s4+$0xFFFFFFD0];
	[tilespmem:s23+$0x0] =	vst v23  }
0x266: {  	s19 =	sor.u32 s13, s12;
	s18 =	sor.u32 s6, s12;
	s15 =	sor.u32 s5, s12;
	v23 =	vld [tilespmem:s4+$0xFFFFFFE0];
	[tilespmem:s17+$0x0] =	vst v19  }
0x267: {  	s17 =	sor.u32 s0, s12;
	v19 =	vld [tilespmem:s4+$0xFFFFFFF0];
	[tilespmem:s15+$0x0] =	vst v24  }
0x268: {  	v24 =	vld.idx.msk [tilespmem:v25+s26+$0x0], $0xffff;
	[tilespmem:s14+$0x0] =	vst v22  }
0x269: {  	v22 =	vshll.u32 v26, $0x3;
	v17 =	vld.idx.msk [tilespmem:v17+s26+$0x0], $0xffff;
	[tilespmem:s16+$0x0] =	vst v21  }
0x26a: {  	v25 =	vor.u32 $0x280, v0;
	v21 =	vand.u32 $0xFFFFFC00, v22;
	v22 =	vand.u32 $0x7F, v26;
	v18 =	vld.idx.msk [tilespmem:v18+s26+$0x0], $0xffff  }
0x26b: {  	v26 =	vshll.u32 v20, $0x3;
	v27 =	vshll.u32 v23, $0x3;
	v21 =	vor.u32 v21, v22;
	v16 =	vld.idx.msk [tilespmem:v16+s26+$0x0], $0xffff  }
0x26c: {  	s15 =	sadd.s32 $0x1D200, s1;
	v22 =	vand.u32 $0xFFFFFC00, v26;
	v26 =	vand.u32 $0xFFFFFC00, v27;
	v27 =	vshll.u32 v19, $0x3;
	v28 =	vld.idx.msk [tilespmem:v3+s26+$0x0], $0xffff;
	v3 =	vmovc v15  }
0x26d: {  	s14 =	sor.u32 s13, s15;
	s12 =	sor.u32 s6, s15;
	s16 =	sor.u32 s5, s15;
	v15 =	vand.u32 $0x7F, v20;
	v20 =	vand.u32 $0x7F, v23;
	v23 =	vand.u32 $0xFFFFFC00, v27;
	v27 =	vld.idx.msk [tilespmem:v1+s26+$0x0], $0xffff;
	v1 =	vmovc v14  }
0x26e: {  	s15 =	sor.u32 s0, s15;
	v14 =	vor.u32 v22, v15;
	v20 =	vor.u32 v26, v20;
	v15 =	vand.u32 $0x7F, v19;
	[tilespmem:s16+$0x0] =	vst v24;
	v19 =	vld.idx.msk [tilespmem:v2+s26+$0x0], $0xffff  }
0x26f: {  	v22 =	vor.u32 $0x80, v14;
	v24 =	vor.u32 $0x80, v20;
	v23 =	vor.u32 v23, v15;
	v2 =	vmovc v13;
	[tilespmem:s17+$0x0] =	vst v17;
	v15 =	vld.idx.msk [tilespmem:v25+s26+$0x0], $0xffff  }
0x270: {  	v26 =	vor.u32 $0x100, v20;
	v25 =	vor.u32 $0x100, v14;
	v29 =	vor.u32 $0x80, v23;
	v30 =	vld.idx.msk [tilespmem:v21+s26+$0x0], $0xffff;
	[tilespmem:s19+$0x0] =	vst v18  }
0x271: {  	v33 =	vor.u32 $0x300, v0;
	v17 =	vor.u32 $0x180, v14;
	v31 =	vor.u32 $0x100, v23;
	v32 =	vld.idx.msk [tilespmem:v12+s26+$0x0], $0xffff;
	[tilespmem:s18+$0x0] =	vst v16  }
0x272: {  	s9 =	sadd.s32 $0x40, s9;
	s10 =	sadd.s32 $0x200, s10;
	v34 =	vor.u32 $0x80, v21;
	v18 =	vor.u32 $0x180, v20;
	v16 =	vor.u32 $0x180, v23;
	v35 =	vld.idx.msk [tilespmem:v11+s26+$0x0], $0xffff;
	[tilespmem:s11+$0x0] =	vst v28  }
0x273: {  	s16 =	sadd.s32 $0x1D280, s1;
	v36 =	vor.u32 $0x200, v23;
	s18 =	sand.u32 $0x40, s9;
	v12 =	vor.u32 $0x200, v14;
	s11 =	sand.u32 $0x1C00, s10;
	v11 =	vor.u32 $0x200, v20;
	v28 =	vld.idx.msk [tilespmem:v14+s26+$0x0], $0xffff;
	[tilespmem:s7+$0x0] =	vst v27  }
0x274: {  	v38 =	vor.u32 $0x280, v20;
	v39 =	vor.u32 $0x280, v23;
	s17 =	sor.u32 s5, s16;
	s19 =	sor.u32 $0x30, s18;
	s7 =	sadd.s32 $0x1D000, s11;
	v27 =	vor.u32 $0x280, v14;
	v37 =	vld.idx.msk [tilespmem:v20+s26+$0x0], $0xffff;
	[tilespmem:s8+$0x0] =	vst v19  }
0x275: {  	v40 =	vor.u32 $0x300, v14;
	v41 =	vor.u32 $0x300, v20;
	v42 =	vor.u32 $0x300, v23;
	s21 =	sor.u32 $0x10, s18;
	s20 =	sor.u32 $0x20, s18;
	s8 =	sor.u32 s19, s7;
	v19 =	vld.idx.msk [tilespmem:v23+s26+$0x0], $0xffff;
	[tilespmem:s17+$0x0] =	vst v15  }
0x276: {  	v13 =	vor.u32 $0x380, v23;
	s23 =	sor.u32 s21, s7;
	s17 =	sor.u32 s18, s7;
	v15 =	vor.u32 $0x380, v14;
	v14 =	vor.u32 $0x380, v20;
	s7 =	sor.u32 s20, s7;
	[tilespmem:s8+$0x0] =	vst v30;
	v20 =	vld.idx.msk [tilespmem:v33+s26+$0x0], $0xffff  }
0x277: {  	s22 =	sor.u32 s13, s16;
	s8 =	sor.u32 s0, s16;
	v23 =	vld.idx.msk [tilespmem:v34+s26+$0x0], $0xffff;
	[tilespmem:s15+$0x0] =	vst v32;
	s15 =	sor.u32 s6, s16  }
0x278: {  	p2 =	slt.u32 s9, $0x3C0;
	v32 =	vor.u32 $0x380, v0;
	v0 =	vmov v21;
	[tilespmem:s14+$0x0] =	vst v35;
	v30 =	vld.idx.msk [tilespmem:v10+s26+$0x0], $0xffff;
	v10 =	vmov v36  }
0x279: {  	v21 =	vor.u32 $0x100, v0;
	[tilespmem:s17+$0x0] =	vst v28;
	v28 =	vld.idx.msk [tilespmem:v7+s26+$0x0], $0xffff;
	v7 =	vmov v27  }
0x27a: {  	s16 =	sadd.s32 $0x1D300, s1;
	v22 =	vld.idx.msk [tilespmem:v22+s26+$0x0], $0xffff;
	[tilespmem:s23+$0x0] =	vst v37  }
0x27b: {  	s14 =	sor.u32 s13, s16;
	s17 =	sadd.s32 $0x1D080, s11;
	v24 =	vld.idx.msk [tilespmem:v24+s26+$0x0], $0xffff;
	[tilespmem:s7+$0x0] =	vst v19;
	s7 =	sor.u32 s5, s16  }
0x27c: {  	s23 =	sor.u32 s21, s17;
	s24 =	sor.u32 s20, s17;
	s25 =	sor.u32 s19, s17;
	v19 =	vld.idx.msk [tilespmem:v29+s26+$0x0], $0xffff;
	[tilespmem:s7+$0x0] =	vst v20  }
0x27d: {  	s7 =	sor.u32 s18, s17;
	s17 =	sor.u32 s0, s16;
	s16 =	sor.u32 s6, s16;
	[tilespmem:s25+$0x0] =	vst v23;
	v27 =	vld.idx.msk [tilespmem:v32+s26+$0x0], $0xffff  }
0x27e: {  	v21 =	vld.idx.msk [tilespmem:v21+s26+$0x0], $0xffff;
	[tilespmem:s12+$0x0] =	vst v30  }
0x27f: {  	[tilespmem:s8+$0x0] =	vst v28;
	v28 =	vld.idx.msk [tilespmem:v9+s26+$0x0], $0xffff;
	v9 =	vmov v38  }
0x280: {  	s8 =	sadd.s32 $0x1D380, s1;
	s1 =	smov.u32 s11;
	[tilespmem:s7+$0x0] =	vst v22;
	v22 =	vor.u32 $0x180, v0;
	v29 =	vld.idx.msk [tilespmem:v8+s26+$0x0], $0xffff;
	v8 =	vmov v39  }
0x281: {  	s11 =	sadd.s32 $0x1D100, s1;
	v25 =	vld.idx.msk [tilespmem:v25+s26+$0x0], $0xffff;
	[tilespmem:s23+$0x0] =	vst v24  }
0x282: {  	s7 =	sor.u32 s13, s8;
	s5 =	sor.u32 s5, s8;
	s23 =	sor.u32 s20, s11;
	v20 =	vld.idx.msk [tilespmem:v26+s26+$0x0], $0xffff;
	[tilespmem:s24+$0x0] =	vst v19  }
.Ltmp4:
0x283: {  	s12 =	sor.u32 s19, s11;
	s24 =	sor.u32 s21, s11;
	v23 =	vld.idx.msk [tilespmem:v31+s26+$0x0], $0xffff;
	[tilespmem:s5+$0x0] =	vst v27;
	(pc) =	sbr.rel @p2 .LBB2_11-.Ltmp4, $4  }
0x284: {  	s25 =	sor.u32 s18, s11;
	s11 =	sor.u32 s0, s8;
	s8 =	sor.u32 s6, s8;
	[tilespmem:s12+$0x0] =	vst v21;
	v19 =	vld.idx.msk [tilespmem:v4+s26+$0x0], $0xffff;
	v4 =	vmov v40  }
0x285: {  	s13 =	smov.u32 s21;
	s0 =	smov.u32 s18;
	s5 =	smov.u32 s19;
	v24 =	vld.idx.msk [tilespmem:v22+s26+$0x0], $0xffff;
	[tilespmem:s22+$0x0] =	vst v28  }
0x286: {  	s6 =	smov.u32 s20;
	v22 =	vld.idx.msk [tilespmem:v6+s26+$0x0], $0xffff;
	[tilespmem:s15+$0x0] =	vst v29;
	v6 =	vmov v41  }
0x287: {  	s4 =	sadd.s32 $0x40, s4;
	[tilespmem:s25+$0x0] =	vst v25;
	v25 =	vor.u32 $0x200, v0;
	v21 =	vld.idx.msk [tilespmem:v5+s26+$0x0], $0xffff;
	v5 =	vmov v42  }
0x288: {  	_ =	sdelay $0x3  }
0x289: {  	[tilespmem:s24+$0x0] =	vst v20;
	v17 =	vld.idx.msk [tilespmem:v17+s26+$0x0], $0xffff  }
0x28a: {  	[tilespmem:s23+$0x0] =	vst v23;
	v18 =	vld.idx.msk [tilespmem:v18+s26+$0x0], $0xffff  }
0x28b: {  	s4 =	sadd.s32 $0x1D180, s1;
	v16 =	vld.idx.msk [tilespmem:v16+s26+$0x0], $0xffff  }
0x28c: {  	s9 =	sor.u32 s5, s4  }
0x28d: {  	s10 =	sor.u32 s0, s4;
	[tilespmem:s9+$0x0] =	vst v24  }
0x28e: {  	s28 =	sor.u32 s13, s4;
	v55 =	vld.idx.msk [tilespmem:v25+s26+$0x0], $0xffff;
	[tilespmem:s10+$0x0] =	vst v17  }
0x28f: {  	v56 =	vor.u32 $0x280, v0;
	s4 =	sor.u32 s6, s4;
	[tilespmem:s28+$0x0] =	vst v18;
	v12 =	vld.idx.msk [tilespmem:v12+s26+$0x0], $0xffff  }
0x290: {  	[tilespmem:s4+$0x0] =	vst v16;
	v11 =	vld.idx.msk [tilespmem:v11+s26+$0x0], $0xffff  }
0x291: {  	s29 =	sadd.s32 $0x1D200, s1;
	v10 =	vld.idx.msk [tilespmem:v10+s26+$0x0], $0xffff  }
0x292: {  	s30 =	sor.u32 s5, s29  }
0x293: {  	s31 =	sor.u32 s0, s29;
	[tilespmem:s30+$0x0] =	vst v55  }
0x294: {  	s12 =	sor.u32 s13, s29;
	v57 =	vld.idx.msk [tilespmem:v56+s26+$0x0], $0xffff;
	[tilespmem:s31+$0x0] =	vst v12  }
0x295: {  	v58 =	vor.u32 $0x300, v0;
	s4 =	sor.u32 s6, s29;
	[tilespmem:s12+$0x0] =	vst v11;
	v7 =	vld.idx.msk [tilespmem:v7+s26+$0x0], $0xffff  }
0x296: {  	[tilespmem:s4+$0x0] =	vst v10;
	v9 =	vld.idx.msk [tilespmem:v9+s26+$0x0], $0xffff  }
0x297: {  	s15 =	sadd.s32 $0x1D280, s1;
	[tilespmem:s17+$0x0] =	vst v19;
	v8 =	vld.idx.msk [tilespmem:v8+s26+$0x0], $0xffff  }
0x298: {  	s17 =	sor.u32 s5, s15;
	[tilespmem:s14+$0x0] =	vst v22  }
0x299: {  	s18 =	sor.u32 s0, s15;
	v3 =	vld.idx.msk [tilespmem:v3+s26+$0x0], $0xffff;
	[tilespmem:s17+$0x0] =	vst v57  }
0x29a: {  	s19 =	sor.u32 s13, s15;
	v59 =	vld.idx.msk [tilespmem:v58+s26+$0x0], $0xffff;
	[tilespmem:s18+$0x0] =	vst v7  }
0x29b: {  	v60 =	vor.u32 $0x380, v0;
	s4 =	sor.u32 s6, s15;
	v4 =	vld.idx.msk [tilespmem:v4+s26+$0x0], $0xffff;
	[tilespmem:s19+$0x0] =	vst v9  }
0x29c: {  	[tilespmem:s4+$0x0] =	vst v8;
	v6 =	vld.idx.msk [tilespmem:v6+s26+$0x0], $0xffff  }
0x29d: {  	s20 =	sadd.s32 $0x1D300, s1;
	[tilespmem:s16+$0x0] =	vst v21;
	v5 =	vld.idx.msk [tilespmem:v5+s26+$0x0], $0xffff  }
0x29e: {  	s21 =	sor.u32 s5, s20;
	v1 =	vld.idx.msk [tilespmem:v1+s26+$0x0], $0xffff;
	[tilespmem:s11+$0x0] =	vst v3  }
0x29f: {  	s22 =	sor.u32 s0, s20;
	v2 =	vld.idx.msk [tilespmem:v2+s26+$0x0], $0xffff;
	[tilespmem:s21+$0x0] =	vst v59  }
0x2a0: {  	s23 =	sor.u32 s13, s20;
	v0 =	vld.idx.msk [tilespmem:v60+s26+$0x0], $0xffff;
	[tilespmem:s22+$0x0] =	vst v4  }
0x2a1: {  	s4 =	sor.u32 s6, s20;
	[tilespmem:s23+$0x0] =	vst v6;
	v61 =	vld.idx.msk [tilespmem:v15+s26+$0x0], $0xffff  }
0x2a2: {  	[tilespmem:s4+$0x0] =	vst v5;
	v62 =	vld.idx.msk [tilespmem:v14+s26+$0x0], $0xffff  }
0x2a3: {  	s24 =	sadd.s32 $0x1D380, s1;
	[tilespmem:s7+$0x0] =	vst v1;
	v63 =	vld.idx.msk [tilespmem:v13+s26+$0x0], $0xffff  }
0x2a4: {  	s25 =	sor.u32 s5, s24;
	[tilespmem:s8+$0x0] =	vst v2  }
0x2a5: {  	s28 =	sor.u32 s0, s24;
	[tilespmem:s25+$0x0] =	vst v0  }
0x2a6: {  	s29 =	sor.u32 s13, s24;
	[tilespmem:s28+$0x0] =	vst v61  }
0x2a7: {  	s30 =	sor.u32 s6, s24;
	[tilespmem:s29+$0x0] =	vst v62  }
0x2a8: {  	[tilespmem:s30+$0x0] =	vst v63  }
0x2a9: {  	s0 =	sld [smem:$0x7F5];
	_ =	sdelay $0x2  }
0x2aa: {  	p2 =	sne.s32 s0, $0x10  }
.Ltmp5:
0x2ab: {  	_ = 	snop;
	(pc) =	sbr.rel @p2 .LBB2_8-.Ltmp5, $3  }
0x2ac: {  	_ =	sdelay $0x1  }
0x2ad: {  	p1 =	por !p1, !p1;
	s31 =	simm.s32 $0x1D000  }
0x2ae: {  	[hbm4b:s2+s3] =	stream.linear.scatter [tilespmem:s31], [sflag:$0x1], $0x2000, $0x38;
	[tilespmem:$0x1F000] =	vst v63  }
0x2af: {  	s0 =	simm.s32 $0x3  }
0x2b0: {  	_ =	swait.ge [sflag:s0], $0xD000  }
0x2b1: {  	p0 =	por $0x0, $0x0;
	[sflag:s0] =	ssyncset.done $0x0  }
0x2b2: {  	p1 =	por $0x0, $0x0;
	s12 =	simm.s32 $0x0;
	[sflag:s0] =	ssyncadd.s32 $0xFFFF3000  }
.LBB2_14:
0x2b3: {  	s0 =	simm.s32 $0x1;
	p2 =	seq.s32 s12, $0xF  }
0x2b4: {  	s1 =	sand.u32 $0x1, s12;
	s4 =	simm.s32 $0x2;
	s28 =	simm.s32 $0x1  }
0x2b5: {  	_ =	swait.ge [sflag:s4], $0x800;
	s2 =	sshll.u32 @!p2 s12, $0x8;
	s1 =	sshll.u32 @!p2 s1, $0xB  }
0x2b6: {  	[sflag:s4] =	ssyncset.done $0x0;
	s2 =	sadd.s32 @!p2 $0x100, s2;
	s1 =	sxor.u32 @!p2 $0x800, s1  }
0x2b7: {  	[sflag:s4] =	ssyncadd.s32 $0xFFFFF800;
	s2 =	sand.u32 @!p2 $0xF00, s2;
	s4 =	rddreg [dreg:$0x18]  }
0x2b8: {  	s1 =	sor.u32 @!p2 $0x1A000, s1;
	s2 =	sadd.s32 @!p2 s4, s2;
	s4 =	simm.s32 @!p2 $0x0  }
0x2b9: {  	[tilespmem:s1], [sflag:$0x2] =	stream.linear.gather @!p2 [hbm4b:s2+s4], $0x800, $0x38;
	[tilespmem:$0x1F000] =	vst v63  }
0x2ba: {  	s0 =	simm.s32 @!p1 $0x0;
	_ =	swait.ge [sflag:s28], $0x2000  }
0x2bb: {  	s0 =	sshll.u32 s0, $0xB;
	[sflag:s28] =	ssyncset.done $0x0  }
0x2bc: {  	s30 =	sor.u32 $0x1A020, s0;
	[sflag:s28] =	ssyncadd.s32 $0xFFFFE000  }
0x2bd: {  	v0 =	vld [tilespmem:s30+$0x10];
	_ =	sdelay $0x3  }
0x2be: {  	v1 =	vld [tilespmem:s30+$0xFFFFFFE0]  }
0x2bf: {  	v2 =	vld [tilespmem:s30+$0xFFFFFFF0];
	v3 =	vshll.u32 v0, $0x3  }
0x2c0: {  	v0 =	vand.u32 $0x7F, v0;
	v3 =	vand.u32 $0xFFFFFC00, v3  }
0x2c1: {  	v4 =	vor.u32 v3, v0  }
0x2c2: {  	v0 =	vld [tilespmem:s30+$0x0]  }
0x2c3: {  	v3 =	vshll.u32 v1, $0x3  }
0x2c4: {  	v5 =	vshll.u32 v2, $0x3;
	v1 =	vand.u32 $0x7F, v1;
	v3 =	vand.u32 $0xFFFFFC00, v3  }
0x2c5: {  	v6 =	vand.u32 $0x7F, v2;
	v5 =	vand.u32 $0xFFFFFC00, v5;
	v2 =	vor.u32 v3, v1  }
0x2c6: {  	v1 =	vor.u32 v5, v6;
	v5 =	vld.idx.msk [tilespmem:v4+s3+$0x0], $0xffff  }
0x2c7: {  	s20 =	simm.s32 $0x0;
	v6 =	vor.u32 $0x80, v4;
	v3 =	vshll.u32 v0, $0x3  }
0x2c8: {  	s5 =	simm.s32 $0x30;
	s11 =	sand.u32 $0x1C00, s20;
	v0 =	vand.u32 $0x7F, v0;
	v3 =	vand.u32 $0xFFFFFC00, v3  }
0x2c9: {  	s13 =	sand.u32 $0x70, s5;
	s2 =	sadd.s32 $0x1B000, s11;
	v3 =	vor.u32 v3, v0  }
0x2ca: {  	s8 =	sor.u32 s13, s2;
	v0 =	vld.idx.msk [tilespmem:v2+s3+$0x0], $0xffff  }
0x2cb: {  	v7 =	vor.u32 $0x80, v2;
	v8 =	vld.idx.msk [tilespmem:v1+s3+$0x0], $0xffff;
	[tilespmem:s8+$0x0] =	vst v5  }
0x2cc: {  	v5 =	vor.u32 $0x80, v1;
	v6 =	vld.idx.msk [tilespmem:v6+s3+$0x0], $0xffff  }
0x2cd: {  	s6 =	sand.u32 $0x40, s20;
	s4 =	simm.s32 $0x10;
	v9 =	vor.u32 $0x100, v4  }
0x2ce: {  	s7 =	sand.u32 $0x50, s4;
	s9 =	sor.u32 s6, s2;
	v10 =	vld.idx.msk [tilespmem:v3+s3+$0x0], $0xffff  }
0x2cf: {  	s7 =	sor.u32 s7, s2;
	v11 =	vor.u32 $0x80, v3;
	[tilespmem:s9+$0x0] =	vst v0  }
0x2d0: {  	s6 =	simm.s32 $0x20;
	[tilespmem:s7+$0x0] =	vst v8;
	v0 =	vld.idx.msk [tilespmem:v7+s3+$0x0], $0xffff  }
0x2d1: {  	s10 =	sand.u32 $0x60, s6;
	v7 =	vor.u32 $0x100, v2;
	v5 =	vld.idx.msk [tilespmem:v5+s3+$0x0], $0xffff;
	[tilespmem:s8+$0x80] =	vst v6  }
0x2d2: {  	s2 =	sor.u32 s10, s2;
	v6 =	vor.u32 $0x100, v1;
	v8 =	vld.idx.msk [tilespmem:v9+s3+$0x0], $0xffff  }
0x2d3: {  	[tilespmem:s2+$0x0] =	vst v10;
	v9 =	vor.u32 $0x180, v4  }
0x2d4: {  	v10 =	vld.idx.msk [tilespmem:v11+s3+$0x0], $0xffff  }
0x2d5: {  	v11 =	vor.u32 $0x100, v3;
	[tilespmem:s9+$0x80] =	vst v0  }
0x2d6: {  	v0 =	vld.idx.msk [tilespmem:v7+s3+$0x0], $0xffff;
	[tilespmem:s7+$0x80] =	vst v5  }
0x2d7: {  	v5 =	vld.idx.msk [tilespmem:v6+s3+$0x0], $0xffff;
	[tilespmem:s8+$0x100] =	vst v8  }
0x2d8: {  	s1 =	sadd.s32 $0x40, s30;
	v6 =	vld.idx.msk [tilespmem:v9+s3+$0x0], $0xffff  }
0x2d9: {  	v7 =	vor.u32 $0x200, v4;
	v8 =	vld [tilespmem:s1+$0x10];
	[tilespmem:s2+$0x80] =	vst v10  }
0x2da: {  	v9 =	vld.idx.msk [tilespmem:v11+s3+$0x0], $0xffff  }
0x2db: {  	v11 =	vld [tilespmem:s1+$0xFFFFFFE0]  }
0x2dc: {  	v10 =	vor.u32 $0x180, v2  }
0x2dd: {  	v13 =	vld [tilespmem:s1+$0xFFFFFFF0];
	v12 =	vor.u32 $0x180, v1;
	[tilespmem:s8+$0x180] =	vst v6  }
0x2de: {  	s14 =	sand.u32 $0x7, s20;
	v15 =	vshll.u32 v8, $0x3;
	v6 =	vor.u32 $0x180, v3;
	v7 =	vld.idx.msk [tilespmem:v7+s3+$0x0], $0xffff  }
0x2df: {  	v14 =	vld [tilespmem:s1+$0x0];
	[tilespmem:s9+$0x100] =	vst v0;
	v8 =	vand.u32 $0x7F, v8;
	v0 =	vand.u32 $0xFFFFFC00, v15;
	s8 =	sshll.u32 s14, $0x4;
	v15 =	vor.u32 $0x280, v4  }
0x2e0: {  	[tilespmem:s7+$0x100] =	vst v5;
	v0 =	vor.u32 v0, v8;
	s15 =	sadd.s32 $0x0, s8;
	v8 =	vshll.u32 v11, $0x3  }
0x2e1: {  	v5 =	vld.idx.msk [tilespmem:v10+s3+$0x0], $0xffff;
	[tilespmem:s2+$0x100] =	vst v9;
	v11 =	vand.u32 $0x7F, v11;
	s8 =	sadd.s32 $0x30, s15;
	v8 =	vand.u32 $0xFFFFFC00, v8  }
0x2e2: {  	v17 =	vshll.u32 v13, $0x3;
	v12 =	vld.idx.msk [tilespmem:v12+s3+$0x0], $0xffff;
	[smem:$0x7F1] =	sst s12;
	s11 =	sor.u32 $0x200, s8;
	v8 =	vor.u32 v8, v11  }
0x2e3: {  	s0 =	sor.u32 $0x1A430, s0;
	v16 =	vor.u32 $0x200, v2;
	v9 =	vand.u32 $0xFFFFFC00, v17;
	v17 =	vld.idx.msk [tilespmem:v6+s3+$0x0], $0xffff;
	[tilespmem:s11+$0x1B000] =	vst v7  }
0x2e4: {  	s17 =	smul.u32 $0x180000, s12;
	v13 =	vand.u32 $0x7F, v13;
	v10 =	vor.u32 $0x200, v1;
	v6 =	vshll.u32 v14, $0x3;
	v11 =	vld.idx.msk [tilespmem:v15+s3+$0x0], $0xffff;
	[smem:$0x7F2] =	sst s0  }
0x2e5: {  	v7 =	vand.u32 $0xFFFFFC00, v6;
	v6 =	vor.u32 v9, v13;
	v9 =	vand.u32 $0x7F, v14;
	s18 =	rddreg [dreg:$0x1f]  }
0x2e6: {  	s25 =	simm.s32 $0x70;
	s19 =	sand.u32 $0x3, s20;
	v19 =	vor.u32 v7, v9;
	s0 =	sadd.s32 s18, s17;
	[tilespmem:s9+$0x180] =	vst v5;
	v5 =	vld.idx.msk [tilespmem:v0+s3+$0x0], $0xffff  }
0x2e7: {  	s22 =	sand.u32 $0x70, s25;
	v9 =	vor.u32 $0x300, v4;
	v14 =	vld.idx.msk [tilespmem:v8+s3+$0x0], $0xffff;
	s24 =	sshrl.u32 s0, $0x3;
	s0 =	simm.s32 $0x200  }
0x2e8: {  	s14 =	simm.s32 $0x40;
	s9 =	simm.s32 $0x1;
	[tilespmem:s7+$0x180] =	vst v12;
	v12 =	vor.u32 $0x80, v0;
	v7 =	vld.idx.msk [tilespmem:v16+s3+$0x0], $0xffff;
	s21 =	sand.u32 $0x1C00, s0  }
0x2e9: {  	s23 =	sor.u32 $0x280, s8;
	v13 =	vor.u32 $0x200, v3;
	s9 =	simm.s32 @!p0 $0x0;
	v10 =	vld.idx.msk [tilespmem:v10+s3+$0x0], $0xffff;
	[tilespmem:s2+$0x180] =	vst v17;
	s11 =	sadd.s32 $0x1B000, s21  }
0x2ea: {  	s28 =	sand.u32 $0x40, s14;
	v15 =	vor.u32 $0x280, v2;
	s9 =	sshll.u32 s9, $0x6;
	v16 =	vld.idx.msk [tilespmem:v6+s3+$0x0], $0xffff;
	s16 =	sor.u32 s22, s11;
	[tilespmem:s23+$0x1B000] =	vst v11  }
0x2eb: {  	s13 =	sadd.s32 $0x10, s15;
	v17 =	vor.u32 $0x80, v8;
	s9 =	sadd.s32 $0x0, s9;
	v18 =	vld.idx.msk [tilespmem:v19+s3+$0x0], $0xffff;
	s2 =	sor.u32 s28, s11;
	[tilespmem:s16+$0x0] =	vst v5  }
0x2ec: {  	s15 =	simm.s32 $0x50;
	s10 =	sor.u32 $0x200, s13;
	s26 =	sor.u32 $0x200, s9;
	v11 =	vor.u32 $0x80, v6;
	v5 =	vld.idx.msk [tilespmem:v9+s3+$0x0], $0xffff;
	[tilespmem:s2+$0x0] =	vst v14  }
0x2ed: {  	s7 =	sshll.u32 s19, $0x5;
	s17 =	sand.u32 $0x50, s15;
	s21 =	simm.s32 $0x60;
	v9 =	vor.u32 $0x80, v19;
	v12 =	vld.idx.msk [tilespmem:v12+s3+$0x0], $0xffff;
	[tilespmem:s26+$0x1B000] =	vst v7  }
0x2ee: {  	s7 =	sadd.s32 $0x0, s7;
	s19 =	sand.u32 $0x60, s21;
	v14 =	vor.u32 $0x280, v1;
	[tilespmem:s10+$0x1B000] =	vst v10;
	v7 =	vld.idx.msk [tilespmem:v13+s3+$0x0], $0xffff;
	s10 =	sor.u32 s17, s11  }
0x2ef: {  	v4 =	vor.u32 $0x380, v4;
	s30 =	sadd.s32 $0x20, s7;
	s7 =	sor.u32 s19, s11;
	v13 =	vld.idx.msk [tilespmem:v15+s3+$0x0], $0xffff;
	[tilespmem:s10+$0x0] =	vst v16  }
0x2f0: {  	s8 =	sor.u32 $0x300, s8;
	v10 =	vor.u32 $0x100, v0;
	v15 =	vld.idx.msk [tilespmem:v17+s3+$0x0], $0xffff;
	[tilespmem:s7+$0x0] =	vst v18  }
0x2f1: {  	s31 =	simm.s32 $0x2;
	p2 =	por !p0, !p0;
	s6 =	sor.u32 s6, s20;
	v16 =	vor.u32 $0x280, v3;
	v11 =	vld.idx.msk [tilespmem:v11+s3+$0x0], $0xffff;
	[tilespmem:s8+$0x1B000] =	vst v5  }
0x2f2: {  	s22 =	sor.u32 $0x200, s30;
	s18 =	sor.u32 $0x280, s9;
	s19 =	sor.u32 s4, s20;
	v17 =	vor.u32 $0x100, v8;
	v9 =	vld.idx.msk [tilespmem:v9+s3+$0x0], $0xffff;
	[tilespmem:s16+$0x80] =	vst v12  }
0x2f3: {  	s8 =	sor.u32 $0x380, s19;
	v5 =	vor.u32 $0x100, v6;
	s19 =	sor.u32 $0x380, s6;
	s6 =	simm.s32 $0x1;
	v22 =	vld.idx.msk [tilespmem:v14+s3+$0x0], $0xffff;
	[tilespmem:s22+$0x1B000] =	vst v7  }
0x2f4: {  	s12 =	sor.u32 $0x300, s30;
	s28 =	sand.u32 $0x3, s31;
	v4 =	vld.idx.msk [tilespmem:v4+s3+$0x0], $0xffff;
	s6 =	simm.s32 @!p2 $0x0;
	[tilespmem:s18+$0x1B000] =	vst v13  }
0x2f5: {  	s11 =	sor.u32 $0x300, s9;
	s9 =	sshll.u32 s28, $0x5;
	v10 =	vld.idx.msk [tilespmem:v10+s3+$0x0], $0xffff;
	[tilespmem:s2+$0x80] =	vst v15;
	s6 =	sshll.u32 s6, $0x6  }
0x2f6: {  	s26 =	sor.u32 $0x280, s30;
	s9 =	sadd.s32 $0x200, s9;
	v25 =	vld.idx.msk [tilespmem:v16+s3+$0x0], $0xffff;
	s30 =	sadd.s32 $0x200, s6;
	[tilespmem:s10+$0x80] =	vst v11  }
0x2f7: {  	s9 =	sadd.s32 $0x20, s9;
	v12 =	vor.u32 $0x100, v19;
	v27 =	vld.idx.msk [tilespmem:v17+s3+$0x0], $0xffff;
	s6 =	sor.u32 $0x200, s30;
	[tilespmem:s7+$0x80] =	vst v9  }
0x2f8: {  	s5 =	sor.u32 s5, s20;
	v7 =	vor.u32 $0x300, v2;
	s22 =	sor.u32 $0x200, s9;
	v29 =	vld.idx.msk [tilespmem:v5+s3+$0x0], $0xffff;
	[dreg:$0xa] =	wrdreg s6  }
0x2f9: {  	s5 =	sor.u32 $0x380, s5;
	v23 =	vor.u32 $0x180, v0;
	[dreg:$0x6] =	wrdreg s22  }
0x2fa: {  	s28 =	sor.u32 $0x280, s30;
	[tilespmem:s5+$0x1B000] =	vst v4  }
0x2fb: {  	v26 =	vor.u32 $0x300, v1;
	v28 =	vor.u32 $0x300, v3;
	s23 =	sor.u32 s20, s20;
	[dreg:$0x4] =	wrdreg s28  }
0x2fc: {  	s14 =	sor.u32 s0, s14;
	s4 =	sor.u32 $0x380, s23;
	s23 =	sor.u32 $0x280, s13;
	v18 =	vor.u32 $0x180, v6;
	v14 =	vor.u32 $0x380, v1;
	v1 =	vor.u32 $0x300, v19;
	v20 =	vld.idx.msk [tilespmem:v12+s3+$0x0], $0xffff;
	[tilespmem:s16+$0x100] =	vst v10  }
0x2fd: {  	s15 =	sor.u32 s15, s0;
	v13 =	vor.u32 $0x380, v2;
	v15 =	vor.u32 $0x380, v3;
	v2 =	vor.u32 $0x300, v8;
	s18 =	sor.u32 $0x300, s30;
	s30 =	rddreg [dreg:$0x1];
	v21 =	vld.idx.msk [tilespmem:v7+s3+$0x0], $0xffff;
	[tilespmem:s23+$0x1B000] =	vst v22  }
0x2fe: {  	s21 =	sor.u32 s21, s0;
	v3 =	vor.u32 $0x300, v6;
	v17 =	vor.u32 $0x180, v8;
	v16 =	vor.u32 $0x180, v19;
	s5 =	sadd.s32 s30, s24;
	v24 =	vld.idx.msk [tilespmem:v23+s3+$0x0], $0xffff;
	[smem:$0x7F3] =	sst s24  }
0x2ff: {  	s14 =	sor.u32 $0x380, s14;
	s29 =	sor.u32 $0x380, s21;
	v11 =	vor.u32 $0x200, v6;
	v9 =	vor.u32 $0x200, v19;
	v5 =	vor.u32 $0x280, v6;
	[smem:$0x7F4] =	sst s5  }
0x300: {  	s21 =	sadd.s32 $0x40, s1;
	s1 =	simm.s32 $0x80;
	s17 =	sor.u32 $0x300, s13;
	v4 =	vor.u32 $0x280, v19;
	v12 =	vor.u32 $0x200, v8;
	v7 =	vor.u32 $0x280, v8;
	[tilespmem:s26+$0x1B000] =	vst v25;
	v22 =	vld.idx.msk [tilespmem:v26+s3+$0x0], $0xffff  }
0x301: {  	s20 =	sor.u32 $0x300, s9;
	s22 =	sor.u32 $0x280, s9;
	s9 =	simm.s32 $0x200;
	v10 =	vor.u32 $0x380, v8;
	v8 =	vor.u32 $0x380, v6;
	v6 =	vor.u32 $0x380, v19;
	[tilespmem:s2+$0x100] =	vst v27;
	v19 =	vld [tilespmem:s21+$0x10]  }
0x302: {  	s23 =	simm.s32 $0x0;
	s24 =	sor.u32 $0x380, s15;
	v25 =	vor.u32 $0x200, v0;
	[tilespmem:s10+$0x100] =	vst v29;
	s26 =	simm.s32 $0xC0;
	v23 =	vld.idx.msk [tilespmem:v28+s3+$0x0], $0xffff  }
.LBB2_15:
0x303: {  	_ = 	snop  }
0x304: {  	v26 =	vld [tilespmem:s21+$0xFFFFFFE0];
	[tilespmem:s7+$0x100] =	vst v20  }
0x305: {  	v20 =	vld [tilespmem:s21+$0xFFFFFFF0];
	[tilespmem:s11+$0x1B000] =	vst v21  }
0x306: {  	v21 =	vld [tilespmem:s21+$0x0];
	[tilespmem:s16+$0x180] =	vst v24  }
0x307: {  	[dreg:$0x15] =	wrdreg s9;
	s5 =	smov.u32 s18;
	s23 =	sadd.s32 $0x4, s23;
	v24 =	vld.idx.msk [tilespmem:v25+s3+$0x0], $0xffff  }
0x308: {  	s9 =	smov.u32 s20;
	p2 =	por !p2, !p2;
	s15 =	sand.u32 $0x7, s23;
	[tilespmem:s17+$0x1B000] =	vst v22;
	v22 =	vshll.u32 v19, $0x3;
	v17 =	vld.idx.msk [tilespmem:v17+s3+$0x0], $0xffff  }
0x309: {  	s31 =	sadd.s32 $0x2, s31;
	[dreg:$0xd] =	wrdreg s5;
	s15 =	sshll.u32 s15, $0x4;
	[tilespmem:s12+$0x1B000] =	vst v23;
	v19 =	vand.u32 $0x7F, v19;
	v23 =	vor.u32 $0x280, v0;
	v22 =	vand.u32 $0xFFFFFC00, v22;
	v18 =	vld.idx.msk [tilespmem:v18+s3+$0x0], $0xffff  }
0x30a: {  	s30 =	sadd.s32 $0x20, s1;
	[dreg:$0x13] =	wrdreg s9;
	s15 =	sadd.s32 s15, s0;
	v25 =	vshll.u32 v26, $0x3;
	v16 =	vld.idx.msk [tilespmem:v16+s3+$0x0], $0xffff;
	v19 =	vor.u32 v22, v19;
	v27 =	vshll.u32 v20, $0x3  }
0x30b: {  	s9 =	smov.u32 s25;
	s12 =	smov.u32 s24;
	s24 =	sadd.s32 $0x30, s15;
	v28 =	vld.idx.msk [tilespmem:v13+s3+$0x0], $0xffff;
	v22 =	vand.u32 $0xFFFFFC00, v25;
	v25 =	vand.u32 $0xFFFFFC00, v27;
	v27 =	vshll.u32 v21, $0x3  }
0x30c: {  	s0 =	sadd.s32 $0x200, s0;
	s11 =	sadd.s32 $0x10, s15;
	v13 =	vmov v10;
	v10 =	vand.u32 $0x7F, v26;
	s15 =	sor.u32 $0x200, s24;
	v26 =	vand.u32 $0xFFFFFC00, v27;
	v27 =	vld.idx.msk [tilespmem:v14+s3+$0x0], $0xffff  }
0x30d: {  	s20 =	sand.u32 $0x60, s30;
	s16 =	sand.u32 $0x40, s1;
	s5 =	sand.u32 $0x1C00, s0;
	v20 =	vand.u32 $0x7F, v20;
	v14 =	vmovc v8;
	v8 =	vor.u32 v22, v10;
	v10 =	vand.u32 $0x7F, v21;
	[tilespmem:s15+$0x1B000] =	vst v24;
	v21 =	vld.idx.msk [tilespmem:v15+s3+$0x0], $0xffff  }
0x30e: {  	s25 =	sor.u32 $0x200, s11;
	s13 =	sor.u32 $0x280, s11;
	s17 =	sor.u32 $0x300, s11;
	v20 =	vor.u32 v25, v20;
	[tilespmem:s2+$0x180] =	vst v17;
	v25 =	vor.u32 v26, v10;
	v10 =	vld.idx.msk [tilespmem:v23+s3+$0x0], $0xffff  }
0x30f: {  	s11 =	smov.u32 s22;
	s22 =	smov.u32 s29;
	s29 =	sadd.s32 $0x10, s1;
	[tilespmem:s10+$0x180] =	vst v18;
	v30 =	vld.idx.msk [tilespmem:v19+s3+$0x0], $0xffff  }
0x310: {  	v33 =	vor.u32 $0x300, v0;
	s6 =	sadd.s32 $0x1B000, s5;
	[dreg:$0x12] =	wrdreg s13;
	s18 =	sand.u32 $0x50, s29;
	v34 =	vor.u32 $0x80, v19;
	[tilespmem:s7+$0x180] =	vst v16;
	v32 =	vld.idx.msk [tilespmem:v12+s3+$0x0], $0xffff  }
0x311: {  	s13 =	sor.u32 $0x280, s24;
	s2 =	simm.s32 $0x1;
	s15 =	sand.u32 $0x3, s31;
	v22 =	vor.u32 $0x80, v8;
	v24 =	vor.u32 $0x80, v20;
	v23 =	vor.u32 $0x100, v8;
	v35 =	vld.idx.msk [tilespmem:v11+s3+$0x0], $0xffff;
	[tilespmem:s4+$0x1B000] =	vst v28  }
0x312: {  	s10 =	sor.u32 s18, s6;
	v26 =	vor.u32 $0x100, v20;
	v17 =	vor.u32 $0x180, v8;
	s28 =	sshll.u32 s15, $0x5;
	v18 =	vor.u32 $0x180, v20;
	s15 =	sadd.s32 $0x30, s1;
	v28 =	vld.idx.msk [tilespmem:v8+s3+$0x0], $0xffff;
	[tilespmem:s8+$0x1B000] =	vst v27  }
0x313: {  	s2 =	simm.s32 @!p2 $0x0;
	v12 =	vor.u32 $0x200, v8;
	v11 =	vor.u32 $0x200, v20;
	v38 =	vor.u32 $0x280, v20;
	s4 =	sadd.s32 s0, s28;
	s28 =	sand.u32 $0x70, s15;
	[tilespmem:s19+$0x1B000] =	vst v21;
	v37 =	vld.idx.msk [tilespmem:v20+s3+$0x0], $0xffff  }
0x314: {  	v40 =	vor.u32 $0x300, v8;
	v41 =	vor.u32 $0x300, v20;
	v29 =	vor.u32 $0x80, v25;
	s7 =	sshll.u32 s2, $0x6;
	s2 =	sor.u32 s16, s6;
	s16 =	sor.u32 s28, s6;
	v21 =	vld.idx.msk [tilespmem:v25+s3+$0x0], $0xffff;
	[tilespmem:s13+$0x1B000] =	vst v10  }
0x315: {  	v31 =	vor.u32 $0x100, v25;
	v16 =	vor.u32 $0x180, v25;
	v36 =	vor.u32 $0x200, v25;
	s19 =	sadd.s32 s7, s0;
	s7 =	sor.u32 s20, s6;
	s6 =	rddreg [dreg:$0xa];
	v61 =	vld.idx.msk [tilespmem:v9+s3+$0x0], $0xffff;
	[tilespmem:s16+$0x0] =	vst v30  }
0x316: {  	v27 =	vor.u32 $0x280, v8;
	v10 =	vor.u32 $0x380, v8;
	v8 =	vor.u32 $0x380, v20;
	[tilespmem:s6+$0x1B000] =	vst v32;
	v20 =	vld.idx.msk [tilespmem:v33+s3+$0x0], $0xffff  }
0x317: {  	v15 =	vmovc v6;
	v39 =	vor.u32 $0x280, v25;
	v42 =	vor.u32 $0x300, v25;
	v6 =	vor.u32 $0x380, v25;
	v25 =	vld.idx.msk [tilespmem:v34+s3+$0x0], $0xffff;
	[tilespmem:s2+$0x0] =	vst v28  }
0x318: {  	v62 =	vor.u32 $0x380, v0;
	v0 =	vmov v19;
	[tilespmem:s25+$0x1B000] =	vst v35;
	v28 =	vld.idx.msk [tilespmem:v7+s3+$0x0], $0xffff  }
0x319: {  	v19 =	vor.u32 $0x100, v0;
	v22 =	vld.idx.msk [tilespmem:v22+s3+$0x0], $0xffff;
	[tilespmem:s10+$0x0] =	vst v37  }
0x31a: {  	s24 =	sor.u32 $0x300, s24;
	s4 =	sadd.s32 $0x20, s4;
	s13 =	sor.u32 s29, s0;
	[tilespmem:s7+$0x0] =	vst v21;
	v24 =	vld.idx.msk [tilespmem:v24+s3+$0x0], $0xffff  }
0x31b: {  	s8 =	sor.u32 s0, s1;
	s20 =	sor.u32 $0x200, s19;
	s25 =	sor.u32 $0x380, s13;
	v21 =	vld.idx.msk [tilespmem:v29+s3+$0x0], $0xffff;
	[tilespmem:s24+$0x1B000] =	vst v20  }
0x31c: {  	s6 =	sor.u32 $0x280, s19;
	v7 =	vmov v27;
	v27 =	vld.idx.msk [tilespmem:v5+s3+$0x0], $0xffff;
	s24 =	smov.u32 s25;
	s25 =	rddreg [dreg:$0x6];
	[tilespmem:s16+$0x80] =	vst v25  }
0x31d: {  	s18 =	sor.u32 $0x300, s19;
	s19 =	sor.u32 s30, s0;
	s13 =	rddreg [dreg:$0x4];
	[tilespmem:s25+$0x1B000] =	vst v61;
	v25 =	vld.idx.msk [tilespmem:v62+s3+$0x0], $0xffff  }
0x31e: {  	s1 =	sor.u32 $0x380, s8;
	s8 =	smov.u32 s12;
	s12 =	rddreg [dreg:$0x13];
	v19 =	vld.idx.msk [tilespmem:v19+s3+$0x0], $0xffff;
	[tilespmem:s13+$0x1B000] =	vst v28  }
0x31f: {  	s5 =	sor.u32 $0x200, s4;
	s30 =	sor.u32 $0x380, s19;
	s25 =	rddreg [dreg:$0x15];
	v63 =	vld.idx.msk [tilespmem:v4+s3+$0x0], $0xffff;
	[tilespmem:s2+$0x80] =	vst v22;
	v22 =	vor.u32 $0x180, v0  }
0x320: {  	s29 =	smov.u32 s30;
	s30 =	smov.u32 s5;
	s5 =	sor.u32 s9, s25;
	[tilespmem:s10+$0x80] =	vst v24;
	v23 =	vld.idx.msk [tilespmem:v23+s3+$0x0], $0xffff  }
0x321: {  	[dreg:$0xa] =	wrdreg s20;
	s5 =	sor.u32 $0x380, s5;
	[tilespmem:s7+$0x80] =	vst v21;
	v26 =	vld.idx.msk [tilespmem:v26+s3+$0x0], $0xffff  }
0x322: {  	p3 =	slt.u32 s26, $0x3C0;
	s21 =	sadd.s32 $0x40, s21;
	[dreg:$0x6] =	wrdreg s30;
	v20 =	vld.idx.msk [tilespmem:v31+s3+$0x0], $0xffff;
	[tilespmem:s5+$0x1B000] =	vst v25  }
.Ltmp6:
0x323: {  	s28 =	sor.u32 $0x280, s4;
	s30 =	rddreg [dreg:$0x12];
	v21 =	vld.idx.msk [tilespmem:v2+s3+$0x0], $0xffff;
	[tilespmem:s16+$0x100] =	vst v19;
	(pc) =	sbr.rel @p3 .LBB2_15-.Ltmp6, $4  }
0x324: {  	s20 =	sor.u32 $0x300, s4;
	s4 =	smov.u32 s14;
	s14 =	smov.u32 s1;
	[tilespmem:s30+$0x1B000] =	vst v27;
	v24 =	vld.idx.msk [tilespmem:v22+s3+$0x0], $0xffff  }
0x325: {  	s19 =	smov.u32 s22;
	s1 =	smov.u32 s26;
	s22 =	smov.u32 s6;
	[tilespmem:s11+$0x1B000] =	vst v63;
	v22 =	vld.idx.msk [tilespmem:v3+s3+$0x0], $0xffff  }
0x326: {  	v9 =	vmov v36;
	s26 =	sadd.s32 $0x40, s26;
	[dreg:$0x4] =	wrdreg s22;
	s22 =	smov.u32 s28;
	v5 =	vmov v38;
	v19 =	vld [tilespmem:s21+$0x10];
	[tilespmem:s2+$0x100] =	vst v23  }
0x327: {  	v4 =	vmovc v39;
	s9 =	smov.u32 s0;
	s25 =	smov.u32 s15;
	v2 =	vmovc v40;
	s11 =	rddreg [dreg:$0xd];
	v25 =	vor.u32 $0x200, v0;
	v3 =	vmov v41;
	v23 =	vld.idx.msk [tilespmem:v1+s3+$0x0], $0xffff;
	v1 =	vmov v42;
	[tilespmem:s10+$0x100] =	vst v26  }
0x328: {  	_ = 	snop  }
0x329: {  	v26 =	vld [tilespmem:s21+$0xFFFFFFE0]  }
0x32a: {  	v27 =	vld [tilespmem:s21+$0xFFFFFFF0]  }
0x32b: {  	v28 =	vld [tilespmem:s21+$0x0];
	[tilespmem:s11+$0x1B000] =	vst v21  }
0x32c: {  	v21 =	vld.idx.msk [tilespmem:v17+s3+$0x0], $0xffff;
	[tilespmem:s16+$0x180] =	vst v24  }
0x32d: {  	s16 =	sadd.s32 $0x4, s23;
	v24 =	vld.idx.msk [tilespmem:v25+s3+$0x0], $0xffff;
	v25 =	vshll.u32 v19, $0x3  }
0x32e: {  	[tilespmem:s7+$0x100] =	vst v20;
	s5 =	sand.u32 $0x7, s16;
	v19 =	vand.u32 $0x7F, v19;
	v17 =	vand.u32 $0xFFFFFC00, v25;
	v25 =	vor.u32 $0x280, v0  }
0x32f: {  	v18 =	vld.idx.msk [tilespmem:v18+s3+$0x0], $0xffff;
	[tilespmem:s17+$0x1B000] =	vst v22;
	s5 =	sshll.u32 s5, $0x4;
	v20 =	vshll.u32 v26, $0x3;
	v29 =	vshll.u32 v27, $0x3;
	v17 =	vor.u32 v17, v19  }
0x330: {  	v16 =	vld.idx.msk [tilespmem:v16+s3+$0x0], $0xffff;
	s5 =	sadd.s32 s5, s0;
	[tilespmem:s12+$0x1B000] =	vst v23;
	v22 =	vand.u32 $0x7F, v26;
	v23 =	vshll.u32 v28, $0x3;
	v19 =	vand.u32 $0xFFFFFC00, v20  }
0x331: {  	s11 =	sadd.s32 $0x30, s5;
	v26 =	vld.idx.msk [tilespmem:v13+s3+$0x0], $0xffff;
	v27 =	vand.u32 $0x7F, v27;
	v20 =	vand.u32 $0xFFFFFC00, v29;
	v13 =	vor.u32 v19, v22  }
0x332: {  	[tilespmem:s2+$0x180] =	vst v21;
	s6 =	sor.u32 $0x200, s11;
	v19 =	vand.u32 $0xFFFFFC00, v23;
	v22 =	vld.idx.msk [tilespmem:v14+s3+$0x0], $0xffff;
	v14 =	vor.u32 v20, v27;
	v20 =	vand.u32 $0x7F, v28  }
0x333: {  	[tilespmem:s6+$0x1B000] =	vst v24;
	v23 =	vld.idx.msk [tilespmem:v15+s3+$0x0], $0xffff;
	v15 =	vor.u32 v19, v20  }
0x334: {  	[tilespmem:s10+$0x180] =	vst v18;
	v19 =	vld.idx.msk [tilespmem:v25+s3+$0x0], $0xffff  }
0x335: {  	[tilespmem:s7+$0x180] =	vst v16;
	v18 =	vld.idx.msk [tilespmem:v17+s3+$0x0], $0xffff  }
0x336: {  	s0 =	sadd.s32 $0x200, s0;
	v16 =	vor.u32 $0x80, v17;
	[tilespmem:s4+$0x1B000] =	vst v26;
	v20 =	vld.idx.msk [tilespmem:v13+s3+$0x0], $0xffff  }
0x337: {  	s21 =	sand.u32 $0x1C00, s0;
	s2 =	sadd.s32 $0x30, s1;
	v21 =	vor.u32 $0x80, v13;
	[tilespmem:s8+$0x1B000] =	vst v22;
	v22 =	vld.idx.msk [tilespmem:v14+s3+$0x0], $0xffff  }
0x338: {  	s23 =	sadd.s32 $0x1B000, s21;
	s26 =	sand.u32 $0x70, s2;
	s28 =	sor.u32 $0x280, s11;
	v24 =	vor.u32 $0x80, v14;
	[tilespmem:s19+$0x1B000] =	vst v23;
	v23 =	vld.idx.msk [tilespmem:v15+s3+$0x0], $0xffff  }
0x339: {  	s30 =	sand.u32 $0x40, s1;
	v11 =	vld.idx.msk [tilespmem:v11+s3+$0x0], $0xffff;
	s15 =	sor.u32 s26, s23;
	v25 =	vor.u32 $0x80, v15;
	s4 =	sadd.s32 $0x10, s1;
	[tilespmem:s28+$0x1B000] =	vst v19  }
0x33a: {  	v12 =	vld.idx.msk [tilespmem:v12+s3+$0x0], $0xffff;
	s7 =	sadd.s32 $0x20, s1;
	s13 =	sor.u32 s30, s23;
	s12 =	sand.u32 $0x50, s4;
	v19 =	vor.u32 $0x300, v0;
	[tilespmem:s15+$0x0] =	vst v18  }
0x33b: {  	s17 =	sor.u32 s12, s23;
	s19 =	sand.u32 $0x60, s7;
	v16 =	vld.idx.msk [tilespmem:v16+s3+$0x0], $0xffff;
	[tilespmem:s13+$0x0] =	vst v20  }
0x33c: {  	s8 =	sadd.s32 $0x10, s5;
	s21 =	sor.u32 s19, s23;
	[tilespmem:s17+$0x0] =	vst v22;
	v20 =	vld.idx.msk [tilespmem:v21+s3+$0x0], $0xffff  }
0x33d: {  	s26 =	sor.u32 $0x200, s8;
	v18 =	vor.u32 $0x100, v17;
	v22 =	vld.idx.msk [tilespmem:v24+s3+$0x0], $0xffff;
	[tilespmem:s21+$0x0] =	vst v23  }
0x33e: {  	v21 =	vor.u32 $0x100, v13;
	s23 =	rddreg [dreg:$0xa];
	v23 =	vld.idx.msk [tilespmem:v25+s3+$0x0], $0xffff;
	[tilespmem:s26+$0x1B000] =	vst v11  }
0x33f: {  	v19 =	vld.idx.msk [tilespmem:v19+s3+$0x0], $0xffff;
	[tilespmem:s23+$0x1B000] =	vst v12;
	v12 =	vor.u32 $0x100, v14  }
0x340: {  	v11 =	vor.u32 $0x100, v15;
	[tilespmem:s15+$0x80] =	vst v16  }
0x341: {  	v9 =	vld.idx.msk [tilespmem:v9+s3+$0x0], $0xffff;
	[tilespmem:s13+$0x80] =	vst v20  }
0x342: {  	v16 =	vld.idx.msk [tilespmem:v18+s3+$0x0], $0xffff;
	[tilespmem:s17+$0x80] =	vst v22  }
0x343: {  	v0 =	vor.u32 $0x380, v0;
	s28 =	sor.u32 $0x300, s11;
	v20 =	vld.idx.msk [tilespmem:v21+s3+$0x0], $0xffff;
	[tilespmem:s21+$0x80] =	vst v23  }
0x344: {  	v18 =	vor.u32 $0x180, v17;
	[tilespmem:s28+$0x1B000] =	vst v19;
	v12 =	vld.idx.msk [tilespmem:v12+s3+$0x0], $0xffff  }
0x345: {  	v21 =	vor.u32 $0x180, v13;
	v11 =	vld.idx.msk [tilespmem:v11+s3+$0x0], $0xffff;
	s5 =	rddreg [dreg:$0x6]  }
0x346: {  	v19 =	vor.u32 $0x180, v14;
	[tilespmem:s5+$0x1B000] =	vst v9  }
0x347: {  	v7 =	vld.idx.msk [tilespmem:v7+s3+$0x0], $0xffff;
	v9 =	vor.u32 $0x180, v15;
	[tilespmem:s15+$0x100] =	vst v16  }
0x348: {  	v0 =	vld.idx.msk [tilespmem:v0+s3+$0x0], $0xffff;
	[tilespmem:s13+$0x100] =	vst v20  }
0x349: {  	v16 =	vld.idx.msk [tilespmem:v18+s3+$0x0], $0xffff;
	[tilespmem:s17+$0x100] =	vst v12  }
0x34a: {  	v18 =	vor.u32 $0x200, v17;
	v12 =	vld.idx.msk [tilespmem:v21+s3+$0x0], $0xffff;
	[tilespmem:s21+$0x100] =	vst v11  }
0x34b: {  	s30 =	sor.u32 s25, s9;
	v20 =	vor.u32 $0x200, v13;
	v11 =	vld.idx.msk [tilespmem:v19+s3+$0x0], $0xffff;
	s9 =	rddreg [dreg:$0x4]  }
0x34c: {  	s5 =	sor.u32 $0x380, s30;
	v9 =	vld.idx.msk [tilespmem:v9+s3+$0x0], $0xffff;
	[tilespmem:s9+$0x1B000] =	vst v7;
	v7 =	vor.u32 $0x200, v14  }
0x34d: {  	v4 =	vld.idx.msk [tilespmem:v4+s3+$0x0], $0xffff;
	[tilespmem:s5+$0x1B000] =	vst v0;
	v0 =	vor.u32 $0x200, v15  }
0x34e: {  	s11 =	sadd.s32 $0x4, s16;
	v5 =	vld.idx.msk [tilespmem:v5+s3+$0x0], $0xffff;
	[tilespmem:s15+$0x180] =	vst v16  }
0x34f: {  	p2 =	por !p2, !p2;
	s5 =	sand.u32 $0x7, s11;
	[tilespmem:s13+$0x180] =	vst v12;
	v12 =	vld.idx.msk [tilespmem:v18+s3+$0x0], $0xffff  }
0x350: {  	s9 =	simm.s32 $0x1;
	s5 =	sshll.u32 s5, $0x4;
	s15 =	sadd.s32 $0x2, s31;
	[tilespmem:s17+$0x180] =	vst v11;
	v11 =	vor.u32 $0x280, v17;
	v16 =	vld.idx.msk [tilespmem:v20+s3+$0x0], $0xffff  }
0x351: {  	s9 =	simm.s32 @!p2 $0x0;
	s5 =	sadd.s32 s5, s0;
	s10 =	sand.u32 $0x3, s15;
	[tilespmem:s21+$0x180] =	vst v9;
	v9 =	vor.u32 $0x280, v13;
	v7 =	vld.idx.msk [tilespmem:v7+s3+$0x0], $0xffff  }
0x352: {  	[tilespmem:s22+$0x1B000] =	vst v4;
	s9 =	sshll.u32 s9, $0x6;
	s16 =	sadd.s32 $0x30, s5;
	s13 =	sor.u32 $0x280, s8;
	v18 =	vor.u32 $0x280, v14;
	v0 =	vld.idx.msk [tilespmem:v0+s3+$0x0], $0xffff  }
0x353: {  	v2 =	vld.idx.msk [tilespmem:v2+s3+$0x0], $0xffff;
	s10 =	sshll.u32 s10, $0x5;
	s9 =	sadd.s32 s9, s0;
	[tilespmem:s13+$0x1B000] =	vst v5;
	v5 =	vor.u32 $0x280, v15;
	s17 =	sor.u32 $0x200, s16  }
0x354: {  	s5 =	sadd.s32 $0x10, s5;
	s10 =	sadd.s32 s0, s10;
	s19 =	sor.u32 $0x200, s9;
	v3 =	vld.idx.msk [tilespmem:v3+s3+$0x0], $0xffff;
	[tilespmem:s17+$0x1B000] =	vst v12  }
0x355: {  	s21 =	sor.u32 $0x200, s5;
	s10 =	sadd.s32 $0x20, s10;
	[tilespmem:s19+$0x1B000] =	vst v16;
	v4 =	vld.idx.msk [tilespmem:v11+s3+$0x0], $0xffff  }
0x356: {  	s22 =	sor.u32 $0x200, s10;
	[tilespmem:s21+$0x1B000] =	vst v7;
	v7 =	vor.u32 $0x300, v17;
	v9 =	vld.idx.msk [tilespmem:v9+s3+$0x0], $0xffff  }
0x357: {  	v11 =	vor.u32 $0x300, v13;
	[tilespmem:s22+$0x1B000] =	vst v0;
	v0 =	vld.idx.msk [tilespmem:v18+s3+$0x0], $0xffff  }
0x358: {  	s8 =	sor.u32 $0x300, s8;
	[tilespmem:s18+$0x1B000] =	vst v2;
	v12 =	vor.u32 $0x300, v14;
	v2 =	vld.idx.msk [tilespmem:v5+s3+$0x0], $0xffff  }
0x359: {  	v1 =	vld.idx.msk [tilespmem:v1+s3+$0x0], $0xffff;
	s23 =	sor.u32 $0x280, s16;
	[tilespmem:s8+$0x1B000] =	vst v3;
	v5 =	vor.u32 $0x300, v15  }
0x35a: {  	s25 =	sor.u32 $0x280, s9;
	v3 =	vld.idx.msk [tilespmem:v10+s3+$0x0], $0xffff;
	[tilespmem:s23+$0x1B000] =	vst v4  }
0x35b: {  	s26 =	sor.u32 $0x280, s5;
	v4 =	vld.idx.msk [tilespmem:v7+s3+$0x0], $0xffff;
	[tilespmem:s25+$0x1B000] =	vst v9  }
0x35c: {  	s28 =	sor.u32 $0x280, s10;
	v7 =	vor.u32 $0x380, v17;
	v9 =	vld.idx.msk [tilespmem:v11+s3+$0x0], $0xffff;
	[tilespmem:s26+$0x1B000] =	vst v0  }
0x35d: {  	v0 =	vor.u32 $0x380, v13;
	[tilespmem:s28+$0x1B000] =	vst v2;
	v10 =	vld.idx.msk [tilespmem:v12+s3+$0x0], $0xffff  }
0x35e: {  	[tilespmem:s20+$0x1B000] =	vst v1;
	v2 =	vor.u32 $0x380, v14;
	v1 =	vld.idx.msk [tilespmem:v5+s3+$0x0], $0xffff  }
0x35f: {  	s6 =	sor.u32 $0x300, s16;
	v8 =	vld.idx.msk [tilespmem:v8+s3+$0x0], $0xffff;
	[tilespmem:s14+$0x1B000] =	vst v3;
	v5 =	vor.u32 $0x380, v15  }
0x360: {  	s30 =	sor.u32 $0x300, s9;
	v3 =	vld.idx.msk [tilespmem:v6+s3+$0x0], $0xffff;
	[tilespmem:s6+$0x1B000] =	vst v4  }
0x361: {  	s5 =	sor.u32 $0x300, s5;
	v4 =	vld.idx.msk [tilespmem:v7+s3+$0x0], $0xffff;
	[tilespmem:s30+$0x1B000] =	vst v9  }
0x362: {  	s31 =	sor.u32 $0x300, s10;
	[tilespmem:s5+$0x1B000] =	vst v10;
	v0 =	vld.idx.msk [tilespmem:v0+s3+$0x0], $0xffff  }
0x363: {  	[tilespmem:s31+$0x1B000] =	vst v1;
	v1 =	vld.idx.msk [tilespmem:v2+s3+$0x0], $0xffff  }
0x364: {  	s2 =	sor.u32 s2, s0;
	[tilespmem:s24+$0x1B000] =	vst v8;
	v2 =	vld.idx.msk [tilespmem:v5+s3+$0x0], $0xffff  }
0x365: {  	s2 =	sor.u32 $0x380, s2;
	[tilespmem:s29+$0x1B000] =	vst v3;
	s5 =	sor.u32 s0, s1  }
0x366: {  	s4 =	sor.u32 s4, s0;
	s1 =	sor.u32 $0x380, s5;
	[tilespmem:s2+$0x1B000] =	vst v4  }
0x367: {  	s6 =	sor.u32 $0x380, s4;
	s0 =	sor.u32 s7, s0;
	[tilespmem:s1+$0x1B000] =	vst v0  }
0x368: {  	s0 =	sor.u32 $0x380, s0;
	[tilespmem:s6+$0x1B000] =	vst v1  }
0x369: {  	[tilespmem:s0+$0x1B000] =	vst v2  }
0x36a: {  	s2 =	sld [smem:$0x7F4];
	_ =	sdelay $0x1  }
0x36b: {  	s9 =	simm.s32 $0x1;
	s8 =	simm.s32 $0x1B000;
	s7 =	simm.s32 $0x0  }
0x36c: {  	[hbm4b:s2+s7] =	stream.linear.scatter [tilespmem:s8], [sflag:$0x1], $0x2000, $0x38;
	[tilespmem:$0x1F000] =	vst v63  }
0x36d: {  	_ =	swait.ge [sflag:s9], $0x2000  }
0x36e: {  	s10 =	sld [smem:$0x7F2]  }
0x36f: {  	[sflag:s9] =	ssyncset.done $0x0  }
0x370: {  	[sflag:s9] =	ssyncadd.s32 $0xFFFFE000  }
0x371: {  	v0 =	vld [tilespmem:s10+$0x0];
	_ =	sdelay $0x3  }
0x372: {  	v1 =	vld [tilespmem:s10+$0xFFFFFFD0]  }
0x373: {  	v2 =	vld [tilespmem:s10+$0xFFFFFFE0];
	v3 =	vshll.u32 v0, $0x3  }
0x374: {  	v0 =	vand.u32 $0x7F, v0;
	v3 =	vand.u32 $0xFFFFFC00, v3  }
0x375: {  	v3 =	vor.u32 v3, v0;
	v0 =	vld [tilespmem:s10+$0xFFFFFFF0];
	_ =	sdelay $0x1  }
0x376: {  	v4 =	vshll.u32 v1, $0x3  }
0x377: {  	v5 =	vshll.u32 v2, $0x3;
	v1 =	vand.u32 $0x7F, v1;
	v4 =	vand.u32 $0xFFFFFC00, v4  }
0x378: {  	v6 =	vand.u32 $0x7F, v2;
	v5 =	vand.u32 $0xFFFFFC00, v5;
	v2 =	vor.u32 v4, v1  }
0x379: {  	v1 =	vor.u32 v5, v6;
	v5 =	vld.idx.msk [tilespmem:v3+s3+$0x0], $0xffff;
	v4 =	vshll.u32 v0, $0x3  }
0x37a: {  	s11 =	simm.s32 $0x0;
	v6 =	vor.u32 $0x80, v3;
	v0 =	vand.u32 $0x7F, v0;
	v4 =	vand.u32 $0xFFFFFC00, v4  }
0x37b: {  	s2 =	sand.u32 $0x40, s11;
	s11 =	sand.u32 $0x1C00, s7;
	v4 =	vor.u32 v4, v0  }
0x37c: {  	s0 =	sadd.s32 $0x1D000, s11;
	s7 =	sor.u32 $0x30, s2  }
0x37d: {  	s12 =	sor.u32 s7, s0;
	v0 =	vld.idx.msk [tilespmem:v2+s3+$0x0], $0xffff  }
0x37e: {  	v7 =	vor.u32 $0x80, v2;
	v8 =	vld.idx.msk [tilespmem:v1+s3+$0x0], $0xffff;
	[tilespmem:s12+$0x0] =	vst v5  }
0x37f: {  	v5 =	vor.u32 $0x80, v1;
	v6 =	vld.idx.msk [tilespmem:v6+s3+$0x0], $0xffff  }
0x380: {  	v9 =	vor.u32 $0x100, v3;
	v10 =	vld.idx.msk [tilespmem:v4+s3+$0x0], $0xffff  }
0x381: {  	s4 =	sor.u32 $0x10, s2;
	s13 =	sor.u32 s2, s0;
	v11 =	vor.u32 $0x80, v4  }
0x382: {  	s15 =	sadd.s32 $0x1D080, s11;
	s14 =	sor.u32 s4, s0;
	[tilespmem:s13+$0x0] =	vst v0  }
0x383: {  	s8 =	sor.u32 $0x20, s2;
	s16 =	sor.u32 s7, s15;
	[tilespmem:s14+$0x0] =	vst v8;
	v0 =	vld.idx.msk [tilespmem:v7+s3+$0x0], $0xffff  }
0x384: {  	s0 =	sor.u32 s8, s0;
	v7 =	vor.u32 $0x100, v2;
	v5 =	vld.idx.msk [tilespmem:v5+s3+$0x0], $0xffff;
	[tilespmem:s16+$0x0] =	vst v6  }
0x385: {  	v6 =	vor.u32 $0x100, v1;
	v8 =	vld.idx.msk [tilespmem:v9+s3+$0x0], $0xffff;
	[tilespmem:s0+$0x0] =	vst v10  }
0x386: {  	v10 =	vld.idx.msk [tilespmem:v11+s3+$0x0], $0xffff  }
0x387: {  	s17 =	sor.u32 s2, s15;
	s12 =	sadd.s32 $0x40, s10;
	v9 =	vor.u32 $0x180, v3  }
0x388: {  	s19 =	sadd.s32 $0x1D100, s11;
	s18 =	sor.u32 s4, s15;
	v13 =	vld [tilespmem:s12+$0xFFFFFFE0];
	[tilespmem:s17+$0x0] =	vst v0  }
0x389: {  	s20 =	sor.u32 s7, s19;
	v11 =	vor.u32 $0x100, v4;
	v0 =	vld.idx.msk [tilespmem:v7+s3+$0x0], $0xffff;
	[tilespmem:s18+$0x0] =	vst v5  }
0x38a: {  	s1 =	sor.u32 s8, s15;
	v5 =	vld.idx.msk [tilespmem:v6+s3+$0x0], $0xffff;
	[tilespmem:s20+$0x0] =	vst v8  }
0x38b: {  	v8 =	vld [tilespmem:s12+$0x0];
	[tilespmem:s1+$0x0] =	vst v10;
	v10 =	vor.u32 $0x180, v2  }
0x38c: {  	v12 =	vor.u32 $0x180, v1;
	v6 =	vld.idx.msk [tilespmem:v9+s3+$0x0], $0xffff  }
0x38d: {  	v14 =	vld [tilespmem:s12+$0xFFFFFFF0];
	v7 =	vor.u32 $0x200, v3  }
0x38e: {  	s23 =	sor.u32 s2, s19;
	v9 =	vld.idx.msk [tilespmem:v11+s3+$0x0], $0xffff  }
0x38f: {  	s21 =	sadd.s32 $0x1D180, s11;
	s24 =	sor.u32 s4, s19;
	v11 =	vld [tilespmem:s12+$0xFFFFFFD0];
	[tilespmem:s23+$0x0] =	vst v0  }
0x390: {  	s22 =	sor.u32 s7, s21;
	[tilespmem:s24+$0x0] =	vst v5;
	v15 =	vshll.u32 v8, $0x3;
	v5 =	vld.idx.msk [tilespmem:v10+s3+$0x0], $0xffff  }
0x391: {  	v8 =	vand.u32 $0x7F, v8;
	[tilespmem:s22+$0x0] =	vst v6;
	v6 =	vor.u32 $0x180, v4;
	v0 =	vand.u32 $0xFFFFFC00, v15;
	v10 =	vld.idx.msk [tilespmem:v12+s3+$0x0], $0xffff  }
0x392: {  	v7 =	vld.idx.msk [tilespmem:v7+s3+$0x0], $0xffff;
	v0 =	vor.u32 v0, v8  }
0x393: {  	v16 =	vor.u32 $0x200, v2;
	s0 =	sor.u32 s8, s19;
	v8 =	vor.u32 $0x200, v1  }
0x394: {  	s28 =	sor.u32 s2, s21;
	v17 =	vshll.u32 v13, $0x3;
	v15 =	vor.u32 $0x280, v3;
	v12 =	vshll.u32 v11, $0x3;
	[tilespmem:s0+$0x0] =	vst v9  }
0x395: {  	s25 =	sadd.s32 $0x1D200, s11;
	s29 =	sor.u32 s4, s21;
	v13 =	vand.u32 $0x7F, v13;
	v11 =	vand.u32 $0x7F, v11;
	v9 =	vand.u32 $0xFFFFFC00, v12;
	[tilespmem:s28+$0x0] =	vst v5  }
0x396: {  	s26 =	sor.u32 s7, s25;
	v12 =	vand.u32 $0xFFFFFC00, v17;
	v17 =	vshll.u32 v14, $0x3;
	v21 =	vor.u32 v9, v11;
	v6 =	vld.idx.msk [tilespmem:v6+s3+$0x0], $0xffff;
	[tilespmem:s29+$0x0] =	vst v10  }
0x397: {  	v13 =	vor.u32 v12, v13;
	v9 =	vand.u32 $0x7F, v14;
	[tilespmem:s26+$0x0] =	vst v7;
	v7 =	vand.u32 $0xFFFFFC00, v17;
	v5 =	vld.idx.msk [tilespmem:v0+s3+$0x0], $0xffff  }
0x398: {  	v8 =	vld.idx.msk [tilespmem:v8+s3+$0x0], $0xffff;
	v25 =	vor.u32 v7, v9  }
0x399: {  	s9 =	simm.s32 $0x40;
	s10 =	simm.s32 $0x200;
	v10 =	vor.u32 $0x80, v0;
	v11 =	vld.idx.msk [tilespmem:v15+s3+$0x0], $0xffff  }
0x39a: {  	s1 =	sand.u32 $0x1C00, s10;
	s0 =	sand.u32 $0x40, s9;
	v12 =	vor.u32 $0x200, v4;
	v7 =	vld.idx.msk [tilespmem:v16+s3+$0x0], $0xffff  }
0x39b: {  	s30 =	sor.u32 s8, s21;
	s31 =	sadd.s32 $0x1D000, s1;
	s5 =	sor.u32 $0x30, s0;
	v9 =	vor.u32 $0x300, v3;
	v14 =	vld.idx.msk [tilespmem:v21+s3+$0x0], $0xffff  }
0x39c: {  	s14 =	sadd.s32 $0x1D280, s11;
	s19 =	sor.u32 s5, s31;
	[tilespmem:s30+$0x0] =	vst v6;
	v6 =	vld.idx.msk [tilespmem:v13+s3+$0x0], $0xffff  }
0x39d: {  	s18 =	sor.u32 s7, s14;
	v15 =	vor.u32 $0x280, v2;
	[tilespmem:s19+$0x0] =	vst v5;
	v17 =	vld.idx.msk [tilespmem:v25+s3+$0x0], $0xffff  }
0x39e: {  	s20 =	sor.u32 s2, s25;
	v16 =	vor.u32 $0x80, v21;
	[tilespmem:s18+$0x0] =	vst v11;
	v10 =	vld.idx.msk [tilespmem:v10+s3+$0x0], $0xffff  }
0x39f: {  	s21 =	sor.u32 s4, s25;
	v11 =	vor.u32 $0x80, v13;
	[tilespmem:s20+$0x0] =	vst v7;
	v7 =	vld.idx.msk [tilespmem:v12+s3+$0x0], $0xffff  }
0x3a0: {  	s13 =	sor.u32 $0x10, s0;
	s22 =	sor.u32 s0, s31;
	[tilespmem:s21+$0x0] =	vst v8;
	v5 =	vld.idx.msk [tilespmem:v9+s3+$0x0], $0xffff;
	v9 =	vor.u32 $0x80, v25  }
0x3a1: {  	s6 =	sor.u32 $0x20, s0;
	s23 =	sor.u32 s13, s31;
	v8 =	vor.u32 $0x100, v0;
	[tilespmem:s22+$0x0] =	vst v14  }
0x3a2: {  	s16 =	sor.u32 s6, s31;
	s28 =	sadd.s32 $0x1D080, s1;
	v12 =	vld.idx.msk [tilespmem:v15+s3+$0x0], $0xffff;
	v14 =	vor.u32 $0x280, v1;
	[tilespmem:s23+$0x0] =	vst v6  }
0x3a3: {  	v3 =	vor.u32 $0x380, v3;
	s30 =	sor.u32 s5, s28;
	v15 =	vld.idx.msk [tilespmem:v16+s3+$0x0], $0xffff;
	[tilespmem:s16+$0x0] =	vst v17  }
0x3a4: {  	s15 =	sor.u32 s8, s25;
	s24 =	sadd.s32 $0x1D300, s11;
	v11 =	vld.idx.msk [tilespmem:v11+s3+$0x0], $0xffff;
	[tilespmem:s30+$0x0] =	vst v10  }
0x3a5: {  	s29 =	sor.u32 s7, s24;
	v6 =	vor.u32 $0x280, v4;
	[tilespmem:s15+$0x0] =	vst v7;
	v9 =	vld.idx.msk [tilespmem:v9+s3+$0x0], $0xffff  }
0x3a6: {  	s31 =	sor.u32 s2, s14;
	v16 =	vor.u32 $0x100, v21;
	[tilespmem:s29+$0x0] =	vst v5;
	v8 =	vld.idx.msk [tilespmem:v8+s3+$0x0], $0xffff  }
0x3a7: {  	s19 =	sor.u32 s0, s28;
	v5 =	vor.u32 $0x100, v13;
	[tilespmem:s31+$0x0] =	vst v12;
	v14 =	vld.idx.msk [tilespmem:v14+s3+$0x0], $0xffff  }
0x3a8: {  	v19 =	vor.u32 $0x100, v25;
	s20 =	sor.u32 s13, s28;
	v10 =	vld.idx.msk [tilespmem:v3+s3+$0x0], $0xffff;
	[tilespmem:s19+$0x0] =	vst v15  }
0x3a9: {  	v22 =	vor.u32 $0x300, v2;
	s21 =	sor.u32 s6, s28;
	s23 =	sadd.s32 $0x1D100, s1;
	[tilespmem:s20+$0x0] =	vst v11  }
0x3aa: {  	s26 =	sor.u32 s5, s23;
	v15 =	vor.u32 $0x180, v0;
	v26 =	vld.idx.msk [tilespmem:v6+s3+$0x0], $0xffff;
	[tilespmem:s21+$0x0] =	vst v9  }
0x3ab: {  	v27 =	vor.u32 $0x300, v1;
	v62 =	vor.u32 $0x300, v4;
	s25 =	sor.u32 s4, s14;
	v18 =	vor.u32 $0x180, v13;
	s22 =	sadd.s32 $0x1D380, s11;
	v63 =	vld.idx.msk [tilespmem:v16+s3+$0x0], $0xffff;
	[tilespmem:s26+$0x0] =	vst v8  }
0x3ac: {  	v1 =	vor.u32 $0x380, v1;
	s7 =	sor.u32 s7, s22;
	v17 =	vor.u32 $0x180, v21;
	v7 =	vor.u32 $0x280, v21;
	v20 =	vld.idx.msk [tilespmem:v5+s3+$0x0], $0xffff;
	[tilespmem:s25+$0x0] =	vst v14  }
0x3ad: {  	s17 =	sor.u32 s2, s24;
	s28 =	sor.u32 s8, s14;
	v12 =	vor.u32 $0x200, v21;
	v3 =	vor.u32 $0x380, v2;
	v2 =	vor.u32 $0x380, v4;
	v23 =	vld.idx.msk [tilespmem:v19+s3+$0x0], $0xffff;
	[tilespmem:s7+$0x0] =	vst v10  }
0x3ae: {  	s14 =	sor.u32 s4, s24;
	s11 =	sor.u32 s2, s22;
	v4 =	vor.u32 $0x300, v21;
	v16 =	vor.u32 $0x180, v25;
	v6 =	vor.u32 $0x300, v13;
	v19 =	vld.idx.msk [tilespmem:v22+s3+$0x0], $0xffff;
	s30 =	sld [smem:$0x7F3]  }
0x3af: {  	s16 =	sor.u32 s8, s24;
	s8 =	sor.u32 s8, s22;
	s24 =	sor.u32 s13, s23;
	v11 =	vor.u32 $0x200, v13;
	v9 =	vor.u32 $0x280, v13;
	v8 =	vor.u32 $0x280, v25;
	v24 =	vld.idx.msk [tilespmem:v15+s3+$0x0], $0xffff  }
0x3b0: {  	s31 =	sor.u32 s0, s23;
	s23 =	sor.u32 s6, s23;
	v5 =	vor.u32 $0x300, v25;
	v14 =	vor.u32 $0x380, v13;
	v13 =	vor.u32 $0x380, v25;
	v22 =	vld.idx.msk [tilespmem:v27+s3+$0x0], $0xffff;
	s29 =	rddreg [dreg:$0x1c];
	[tilespmem:s28+$0x0] =	vst v26  }
0x3b1: {  	v10 =	vor.u32 $0x200, v25;
	s7 =	sor.u32 s4, s22;
	v15 =	vor.u32 $0x380, v21;
	v25 =	vor.u32 $0x200, v0;
	s4 =	sadd.s32 $0x40, s12;
	[tilespmem:s31+$0x0] =	vst v63;
	v21 =	vld.idx.msk [tilespmem:v62+s3+$0x0], $0xffff;
	s2 =	sadd.s32 s30, s29  }
.LBB2_17:
0x3b2: {  	v26 =	vld [tilespmem:s4+$0x0];
	[tilespmem:s24+$0x0] =	vst v20  }
0x3b3: {  	s12 =	sadd.s32 $0x1D180, s1;
	v20 =	vld [tilespmem:s4+$0xFFFFFFD0];
	[tilespmem:s23+$0x0] =	vst v23  }
0x3b4: {  	s19 =	sor.u32 s13, s12;
	s18 =	sor.u32 s6, s12;
	s15 =	sor.u32 s5, s12;
	v23 =	vld [tilespmem:s4+$0xFFFFFFE0];
	[tilespmem:s17+$0x0] =	vst v19  }
0x3b5: {  	s17 =	sor.u32 s0, s12;
	v19 =	vld [tilespmem:s4+$0xFFFFFFF0];
	[tilespmem:s15+$0x0] =	vst v24  }
0x3b6: {  	v24 =	vld.idx.msk [tilespmem:v25+s3+$0x0], $0xffff;
	[tilespmem:s14+$0x0] =	vst v22  }
0x3b7: {  	v22 =	vshll.u32 v26, $0x3;
	v17 =	vld.idx.msk [tilespmem:v17+s3+$0x0], $0xffff;
	[tilespmem:s16+$0x0] =	vst v21  }
0x3b8: {  	v25 =	vor.u32 $0x280, v0;
	v21 =	vand.u32 $0xFFFFFC00, v22;
	v22 =	vand.u32 $0x7F, v26;
	v18 =	vld.idx.msk [tilespmem:v18+s3+$0x0], $0xffff  }
0x3b9: {  	v26 =	vshll.u32 v20, $0x3;
	v27 =	vshll.u32 v23, $0x3;
	v21 =	vor.u32 v21, v22;
	v16 =	vld.idx.msk [tilespmem:v16+s3+$0x0], $0xffff  }
0x3ba: {  	s15 =	sadd.s32 $0x1D200, s1;
	v22 =	vand.u32 $0xFFFFFC00, v26;
	v26 =	vand.u32 $0xFFFFFC00, v27;
	v27 =	vshll.u32 v19, $0x3;
	v28 =	vld.idx.msk [tilespmem:v3+s3+$0x0], $0xffff;
	v3 =	vmovc v15  }
0x3bb: {  	s14 =	sor.u32 s13, s15;
	s12 =	sor.u32 s6, s15;
	s16 =	sor.u32 s5, s15;
	v15 =	vand.u32 $0x7F, v20;
	v20 =	vand.u32 $0x7F, v23;
	v23 =	vand.u32 $0xFFFFFC00, v27;
	v27 =	vld.idx.msk [tilespmem:v1+s3+$0x0], $0xffff;
	v1 =	vmovc v14  }
0x3bc: {  	s15 =	sor.u32 s0, s15;
	v14 =	vor.u32 v22, v15;
	v20 =	vor.u32 v26, v20;
	v15 =	vand.u32 $0x7F, v19;
	[tilespmem:s16+$0x0] =	vst v24;
	v19 =	vld.idx.msk [tilespmem:v2+s3+$0x0], $0xffff  }
0x3bd: {  	v22 =	vor.u32 $0x80, v14;
	v24 =	vor.u32 $0x80, v20;
	v23 =	vor.u32 v23, v15;
	v2 =	vmovc v13;
	[tilespmem:s17+$0x0] =	vst v17;
	v15 =	vld.idx.msk [tilespmem:v25+s3+$0x0], $0xffff  }
0x3be: {  	v26 =	vor.u32 $0x100, v20;
	v25 =	vor.u32 $0x100, v14;
	v29 =	vor.u32 $0x80, v23;
	v30 =	vld.idx.msk [tilespmem:v21+s3+$0x0], $0xffff;
	[tilespmem:s19+$0x0] =	vst v18  }
0x3bf: {  	v33 =	vor.u32 $0x300, v0;
	v17 =	vor.u32 $0x180, v14;
	v31 =	vor.u32 $0x100, v23;
	v32 =	vld.idx.msk [tilespmem:v12+s3+$0x0], $0xffff;
	[tilespmem:s18+$0x0] =	vst v16  }
0x3c0: {  	s9 =	sadd.s32 $0x40, s9;
	s10 =	sadd.s32 $0x200, s10;
	v34 =	vor.u32 $0x80, v21;
	v18 =	vor.u32 $0x180, v20;
	v16 =	vor.u32 $0x180, v23;
	v35 =	vld.idx.msk [tilespmem:v11+s3+$0x0], $0xffff;
	[tilespmem:s11+$0x0] =	vst v28  }
0x3c1: {  	s16 =	sadd.s32 $0x1D280, s1;
	v36 =	vor.u32 $0x200, v23;
	s18 =	sand.u32 $0x40, s9;
	v12 =	vor.u32 $0x200, v14;
	s11 =	sand.u32 $0x1C00, s10;
	v11 =	vor.u32 $0x200, v20;
	v28 =	vld.idx.msk [tilespmem:v14+s3+$0x0], $0xffff;
	[tilespmem:s7+$0x0] =	vst v27  }
0x3c2: {  	v38 =	vor.u32 $0x280, v20;
	v39 =	vor.u32 $0x280, v23;
	s17 =	sor.u32 s5, s16;
	s19 =	sor.u32 $0x30, s18;
	s7 =	sadd.s32 $0x1D000, s11;
	v27 =	vor.u32 $0x280, v14;
	v37 =	vld.idx.msk [tilespmem:v20+s3+$0x0], $0xffff;
	[tilespmem:s8+$0x0] =	vst v19  }
0x3c3: {  	v40 =	vor.u32 $0x300, v14;
	v41 =	vor.u32 $0x300, v20;
	v42 =	vor.u32 $0x300, v23;
	s21 =	sor.u32 $0x10, s18;
	s20 =	sor.u32 $0x20, s18;
	s8 =	sor.u32 s19, s7;
	v19 =	vld.idx.msk [tilespmem:v23+s3+$0x0], $0xffff;
	[tilespmem:s17+$0x0] =	vst v15  }
0x3c4: {  	v13 =	vor.u32 $0x380, v23;
	s23 =	sor.u32 s21, s7;
	s17 =	sor.u32 s18, s7;
	v15 =	vor.u32 $0x380, v14;
	v14 =	vor.u32 $0x380, v20;
	s7 =	sor.u32 s20, s7;
	[tilespmem:s8+$0x0] =	vst v30;
	v20 =	vld.idx.msk [tilespmem:v33+s3+$0x0], $0xffff  }
0x3c5: {  	s22 =	sor.u32 s13, s16;
	s8 =	sor.u32 s0, s16;
	v23 =	vld.idx.msk [tilespmem:v34+s3+$0x0], $0xffff;
	[tilespmem:s15+$0x0] =	vst v32;
	s15 =	sor.u32 s6, s16  }
0x3c6: {  	p2 =	slt.u32 s9, $0x3C0;
	v32 =	vor.u32 $0x380, v0;
	v0 =	vmov v21;
	[tilespmem:s14+$0x0] =	vst v35;
	v30 =	vld.idx.msk [tilespmem:v10+s3+$0x0], $0xffff;
	v10 =	vmov v36  }
0x3c7: {  	v21 =	vor.u32 $0x100, v0;
	[tilespmem:s17+$0x0] =	vst v28;
	v28 =	vld.idx.msk [tilespmem:v7+s3+$0x0], $0xffff;
	v7 =	vmov v27  }
0x3c8: {  	s16 =	sadd.s32 $0x1D300, s1;
	v22 =	vld.idx.msk [tilespmem:v22+s3+$0x0], $0xffff;
	[tilespmem:s23+$0x0] =	vst v37  }
0x3c9: {  	s14 =	sor.u32 s13, s16;
	s17 =	sadd.s32 $0x1D080, s11;
	v24 =	vld.idx.msk [tilespmem:v24+s3+$0x0], $0xffff;
	[tilespmem:s7+$0x0] =	vst v19;
	s7 =	sor.u32 s5, s16  }
0x3ca: {  	s23 =	sor.u32 s21, s17;
	s24 =	sor.u32 s20, s17;
	s25 =	sor.u32 s19, s17;
	v19 =	vld.idx.msk [tilespmem:v29+s3+$0x0], $0xffff;
	[tilespmem:s7+$0x0] =	vst v20  }
0x3cb: {  	s7 =	sor.u32 s18, s17;
	s17 =	sor.u32 s0, s16;
	s16 =	sor.u32 s6, s16;
	[tilespmem:s25+$0x0] =	vst v23;
	v27 =	vld.idx.msk [tilespmem:v32+s3+$0x0], $0xffff  }
0x3cc: {  	v21 =	vld.idx.msk [tilespmem:v21+s3+$0x0], $0xffff;
	[tilespmem:s12+$0x0] =	vst v30  }
0x3cd: {  	[tilespmem:s8+$0x0] =	vst v28;
	v28 =	vld.idx.msk [tilespmem:v9+s3+$0x0], $0xffff;
	v9 =	vmov v38  }
0x3ce: {  	s8 =	sadd.s32 $0x1D380, s1;
	s1 =	smov.u32 s11;
	[tilespmem:s7+$0x0] =	vst v22;
	v22 =	vor.u32 $0x180, v0;
	v29 =	vld.idx.msk [tilespmem:v8+s3+$0x0], $0xffff;
	v8 =	vmov v39  }
0x3cf: {  	s11 =	sadd.s32 $0x1D100, s1;
	v25 =	vld.idx.msk [tilespmem:v25+s3+$0x0], $0xffff;
	[tilespmem:s23+$0x0] =	vst v24  }
0x3d0: {  	s7 =	sor.u32 s13, s8;
	s5 =	sor.u32 s5, s8;
	s23 =	sor.u32 s20, s11;
	v20 =	vld.idx.msk [tilespmem:v26+s3+$0x0], $0xffff;
	[tilespmem:s24+$0x0] =	vst v19  }
.Ltmp7:
0x3d1: {  	s12 =	sor.u32 s19, s11;
	s24 =	sor.u32 s21, s11;
	v23 =	vld.idx.msk [tilespmem:v31+s3+$0x0], $0xffff;
	[tilespmem:s5+$0x0] =	vst v27;
	(pc) =	sbr.rel @p2 .LBB2_17-.Ltmp7, $4  }
0x3d2: {  	s25 =	sor.u32 s18, s11;
	s11 =	sor.u32 s0, s8;
	s8 =	sor.u32 s6, s8;
	[tilespmem:s12+$0x0] =	vst v21;
	v19 =	vld.idx.msk [tilespmem:v4+s3+$0x0], $0xffff;
	v4 =	vmov v40  }
0x3d3: {  	s13 =	smov.u32 s21;
	s0 =	smov.u32 s18;
	s5 =	smov.u32 s19;
	v24 =	vld.idx.msk [tilespmem:v22+s3+$0x0], $0xffff;
	[tilespmem:s22+$0x0] =	vst v28  }
0x3d4: {  	s6 =	smov.u32 s20;
	v22 =	vld.idx.msk [tilespmem:v6+s3+$0x0], $0xffff;
	[tilespmem:s15+$0x0] =	vst v29;
	v6 =	vmov v41  }
0x3d5: {  	s4 =	sadd.s32 $0x40, s4;
	[tilespmem:s25+$0x0] =	vst v25;
	v25 =	vor.u32 $0x200, v0;
	v21 =	vld.idx.msk [tilespmem:v5+s3+$0x0], $0xffff;
	v5 =	vmov v42  }
0x3d6: {  	_ =	sdelay $0x3  }
0x3d7: {  	[tilespmem:s24+$0x0] =	vst v20;
	v17 =	vld.idx.msk [tilespmem:v17+s3+$0x0], $0xffff  }
0x3d8: {  	[tilespmem:s23+$0x0] =	vst v23;
	v18 =	vld.idx.msk [tilespmem:v18+s3+$0x0], $0xffff  }
0x3d9: {  	s4 =	sadd.s32 $0x1D180, s1;
	v16 =	vld.idx.msk [tilespmem:v16+s3+$0x0], $0xffff  }
0x3da: {  	s9 =	sor.u32 s5, s4  }
0x3db: {  	s10 =	sor.u32 s0, s4;
	[tilespmem:s9+$0x0] =	vst v24  }
0x3dc: {  	s30 =	sor.u32 s13, s4;
	v55 =	vld.idx.msk [tilespmem:v25+s3+$0x0], $0xffff;
	[tilespmem:s10+$0x0] =	vst v17  }
0x3dd: {  	v56 =	vor.u32 $0x280, v0;
	s4 =	sor.u32 s6, s4;
	[tilespmem:s30+$0x0] =	vst v18;
	v12 =	vld.idx.msk [tilespmem:v12+s3+$0x0], $0xffff  }
0x3de: {  	[tilespmem:s4+$0x0] =	vst v16;
	v11 =	vld.idx.msk [tilespmem:v11+s3+$0x0], $0xffff  }
0x3df: {  	s31 =	sadd.s32 $0x1D200, s1;
	v10 =	vld.idx.msk [tilespmem:v10+s3+$0x0], $0xffff  }
0x3e0: {  	s10 =	sor.u32 s5, s31  }
0x3e1: {  	s12 =	sor.u32 s0, s31;
	[tilespmem:s10+$0x0] =	vst v55  }
0x3e2: {  	s15 =	sor.u32 s13, s31;
	v57 =	vld.idx.msk [tilespmem:v56+s3+$0x0], $0xffff;
	[tilespmem:s12+$0x0] =	vst v12  }
0x3e3: {  	v58 =	vor.u32 $0x300, v0;
	s4 =	sor.u32 s6, s31;
	[tilespmem:s15+$0x0] =	vst v11;
	v7 =	vld.idx.msk [tilespmem:v7+s3+$0x0], $0xffff  }
0x3e4: {  	[tilespmem:s4+$0x0] =	vst v10;
	v9 =	vld.idx.msk [tilespmem:v9+s3+$0x0], $0xffff  }
0x3e5: {  	[tilespmem:s17+$0x0] =	vst v19;
	s17 =	sadd.s32 $0x1D280, s1;
	v8 =	vld.idx.msk [tilespmem:v8+s3+$0x0], $0xffff  }
0x3e6: {  	s18 =	sor.u32 s5, s17;
	[tilespmem:s14+$0x0] =	vst v22  }
0x3e7: {  	v3 =	vld.idx.msk [tilespmem:v3+s3+$0x0], $0xffff;
	s19 =	sor.u32 s0, s17;
	[tilespmem:s18+$0x0] =	vst v57  }
0x3e8: {  	s20 =	sor.u32 s13, s17;
	v59 =	vld.idx.msk [tilespmem:v58+s3+$0x0], $0xffff;
	[tilespmem:s19+$0x0] =	vst v7  }
0x3e9: {  	v60 =	vor.u32 $0x380, v0;
	s4 =	sor.u32 s6, s17;
	v4 =	vld.idx.msk [tilespmem:v4+s3+$0x0], $0xffff;
	[tilespmem:s20+$0x0] =	vst v9  }
0x3ea: {  	[tilespmem:s4+$0x0] =	vst v8;
	v6 =	vld.idx.msk [tilespmem:v6+s3+$0x0], $0xffff  }
0x3eb: {  	s21 =	sadd.s32 $0x1D300, s1;
	[tilespmem:s16+$0x0] =	vst v21;
	v5 =	vld.idx.msk [tilespmem:v5+s3+$0x0], $0xffff  }
0x3ec: {  	s22 =	sor.u32 s5, s21;
	v1 =	vld.idx.msk [tilespmem:v1+s3+$0x0], $0xffff;
	[tilespmem:s11+$0x0] =	vst v3  }
0x3ed: {  	s23 =	sor.u32 s0, s21;
	v2 =	vld.idx.msk [tilespmem:v2+s3+$0x0], $0xffff;
	[tilespmem:s22+$0x0] =	vst v59  }
0x3ee: {  	s24 =	sor.u32 s13, s21;
	v0 =	vld.idx.msk [tilespmem:v60+s3+$0x0], $0xffff;
	[tilespmem:s23+$0x0] =	vst v4  }
0x3ef: {  	s4 =	sor.u32 s6, s21;
	[tilespmem:s24+$0x0] =	vst v6;
	v61 =	vld.idx.msk [tilespmem:v15+s3+$0x0], $0xffff  }
0x3f0: {  	[tilespmem:s4+$0x0] =	vst v5;
	v62 =	vld.idx.msk [tilespmem:v14+s3+$0x0], $0xffff  }
0x3f1: {  	s25 =	sadd.s32 $0x1D380, s1;
	[tilespmem:s7+$0x0] =	vst v1;
	v63 =	vld.idx.msk [tilespmem:v13+s3+$0x0], $0xffff  }
0x3f2: {  	s26 =	sor.u32 s5, s25;
	[tilespmem:s8+$0x0] =	vst v2  }
0x3f3: {  	s28 =	sor.u32 s0, s25;
	[tilespmem:s26+$0x0] =	vst v0  }
0x3f4: {  	s29 =	sor.u32 s13, s25;
	[tilespmem:s28+$0x0] =	vst v61  }
0x3f5: {  	s30 =	sor.u32 s6, s25;
	[tilespmem:s29+$0x0] =	vst v62  }
0x3f6: {  	[tilespmem:s30+$0x0] =	vst v63  }
0x3f7: {  	s12 =	sld [smem:$0x7F1];
	_ =	sdelay $0x2  }
0x3f8: {  	s12 =	sadd.s32 $0x1, s12  }
0x3f9: {  	p2 =	sne.s32 s12, $0x10  }
.Ltmp8:
0x3fa: {  	_ = 	snop;
	(pc) =	sbr.rel @p2 .LBB2_14-.Ltmp8, $3  }
0x3fb: {  	_ =	sdelay $0x1  }
0x3fc: {  	p1 =	por !p1, !p1;
	s31 =	simm.s32 $0x1D000  }
0x3fd: {  	[hbm4b:s2+s3] =	stream.linear.scatter [tilespmem:s31], [sflag:$0x1], $0x2000, $0x38;
	[tilespmem:$0x1F000] =	vst v63  }
0x3fe: {  	s1 =	simm.s32 $0x1  }
0x3ff: {  	_ =	swait.ge [sflag:s1], $0x2000  }
0x400: {  	[sflag:s1] =	ssyncset.done $0x0  }
0x401: {  	[sflag:s1] =	ssyncadd.s32 $0xFFFFE000  }
0x402: {  	_ =	swait.ge [sflag:s1], $0x2000  }
0x403: {  	s4 =	sld [smem:$0x7FC]  }
0x404: {  	s0 =	sld [smem:$0x7FD];
	_ =	sdelay $0x1  }
0x405: {  	s4 =	sadd.s32 $0x1, s4  }
0x406: {  	p0 =	sne.s32 s4, s0  }
.Ltmp9:
0x407: {  	_ = 	snop;
	(pc) =	sbr.rel @p0 .LBB2_1-.Ltmp9, $3  }
0x408: {  	_ =	sdelay $0x1  }
0x409: {  	[sflag:s1] =	ssyncset.done $0x0  }
0x40a: {  	s2 =	simm.s32 $0xD000;
	[sflag:s1] =	ssyncadd.s32 $0xFFFFE000  }
0x40b: {  	_ =	sfence.sel $0x180000  }
0x40c: {  	[bflag:$0x0] =	sbarrier.arrive $0xFFFF  }
0x40d: {  	_ =	strace $0x90000047  }
0x40e: {  	s0 =	stileid.u32;
	[bflag:$0x2] =	sbarrier.arrive $0xFFFF  }
0x40f: {  	p0 =	sne.s32 s0, $0x0;
	s0 =	rddreg [dreg:$0x2]  }
0x410: {  	s0 =	sadd.s32 @!p0 $0x100000, s0  }
0x411: {  	[sflag:s0] =	ssyncadd.tile.s32 @!p0 $0x1;
	_ =	shalt  }
.Lfunc_end2:
_tile_overlayer_lowered:
.L_overlay_start_2:
0x412: {  	(tag) =	ssettag $0x2  }
0x413: {  	s0 =	rddreg [dreg:$0x0];
	s2 =	stileid.u32  }
0x414: {  	s1 =	rddreg [dreg:$0x1];
	p0 =	sne.s32 s2, $0x0  }
0x415: {  	s3 =	rddreg [dreg:$0x2];
	[bflag:$0x3] =	sbarrier.arrive $0xFFFF;
	s2 =	simm.s32 @!p0 $0x1C04  }
0x416: {  	[timem:s3], [sflag:s2] =	dma.local @!p0 [hbm:s0], s1  }
0x417: {  	s0 =	simm.s32 @!p0 $0x4  }
0x418: {  	_ =	swait.ge @!p0 [sflag:s0], s1  }
0x419: {  	s1 =	ssub.s32 @!p0 $0x0, s1;
	[sflag:s0] =	ssyncset.done @!p0 $0x0  }
0x41a: {  	[sflag:s0] =	ssyncadd.s32 @!p0 s1  }
0x41b: {  	[bflag:$0x3] =	sbarrier.arrive $0xFFFF  }
0x41c: {  	_ =	shalt  }

</sc_bundles>
